<compile_context>
chip_gen: v7x
topology: tpu7x:2x2x1
jax: 0.10.2.dev20260603
libtpu: 0.0.44.dev20260713+nightly
codegen_flags: <defaults>
</compile_context>

<pallas_src>
import jax
import jax.numpy as jnp
from jax import lax
from jax.experimental import pallas as pl
from jax.experimental.pallas import tpu as pltpu
from jax.experimental.pallas import tpu_sc as plsc

B = 16384
HIST = 200
D = 32
NC = 2
NS = 16
NW = NC * NS
RPW = B // NW
CHUNK = 64
NCHUNK = RPW // CHUNK
GA = 128
GB = HIST - GA
NBUF = 4


def _detile_body(in_hbm, outa_hbm, outb_hbm, va, vb, loadsems, storesem):
    wid = lax.axis_index("s") * NC + lax.axis_index("c")
    row0 = wid * RPW

    colb = pl.multiple_of(GA + row0 * 0, GA)

    def load(c, p):
        base = row0 + c * CHUNK
        pltpu.async_copy(in_hbm.at[pl.ds(base, CHUNK), pl.ds(0, GA)],
                         va.at[pl.ds(p * CHUNK, CHUNK)], loadsems.at[p])
        pltpu.async_copy(in_hbm.at[pl.ds(base, CHUNK), pl.ds(colb, GA)],
                         vb.at[pl.ds(p * CHUNK, CHUNK)], loadsems.at[p])

    def wait_load(p):
        pltpu.make_async_copy(in_hbm.at[pl.ds(0, CHUNK), pl.ds(0, GA)],
                              va.at[pl.ds(p * CHUNK, CHUNK)],
                              loadsems.at[p]).wait()
        pltpu.make_async_copy(in_hbm.at[pl.ds(0, CHUNK), pl.ds(0, GA)],
                              vb.at[pl.ds(p * CHUNK, CHUNK)],
                              loadsems.at[p]).wait()

    def store(c, p):
        base = row0 + c * CHUNK
        pltpu.async_copy(va.at[pl.ds(p * CHUNK, CHUNK)],
                         outa_hbm.at[pl.ds(base, CHUNK)], storesem)
        pltpu.async_copy(vb.at[pl.ds(p * CHUNK, CHUNK)],
                         outb_hbm.at[pl.ds(base, CHUNK)], storesem)

    def wait_store():
        pltpu.make_async_copy(va.at[pl.ds(0, CHUNK)],
                              outa_hbm.at[pl.ds(0, CHUNK)], storesem).wait()
        pltpu.make_async_copy(vb.at[pl.ds(0, CHUNK)],
                              outb_hbm.at[pl.ds(0, CHUNK)], storesem).wait()

    load(0, 0)
    for c in range(NCHUNK):
        p = c % 2
        if c >= 1:
            wait_store()
        if c + 1 < NCHUNK:
            load(c + 1, 1 - p)
        wait_load(p)
        store(c, p)
    wait_store()


def _gather_body(idxa_hbm, idxb_hbm, emb_hbm, out_hbm,
                 idxa_v, idxb_v, rows_a, rows_b, emb0_v, out_v, sems):
    wid = lax.axis_index("s") * NC + lax.axis_index("c")
    row0 = wid * RPW
    pltpu.sync_copy(emb_hbm.at[0], emb0_v)
    e0_lo = emb0_v[pl.ds(0, 16)]
    e0_hi = emb0_v[pl.ds(16, 16)]
    lane = lax.iota(jnp.int32, 16)
    tail_mask = lane >= 8
    zero_v = jnp.zeros((16,), jnp.float32)
    hist_v = jnp.full((16,), float(HIST), jnp.float32)

    def issue(r, s):
        pltpu.async_copy(emb_hbm.at[idxa_v.at[r]],
                         rows_a.at[pl.ds(s * GA, GA)], sems.at[s])
        pltpu.async_copy(emb_hbm.at[idxb_v.at[r, pl.ds(0, GB)]],
                         rows_b.at[pl.ds(s * GB, GB)], sems.at[s])

    def drain(s):
        pltpu.make_async_copy(emb_hbm.at[pl.ds(0, GA)],
                              rows_a.at[pl.ds(s * GA, GA)], sems.at[s]).wait()
        pltpu.make_async_copy(emb_hbm.at[pl.ds(0, GB)],
                              rows_b.at[pl.ds(s * GB, GB)], sems.at[s]).wait()

    def chunk_body(c, _):
        base = row0 + c * CHUNK
        pltpu.sync_copy(idxa_hbm.at[pl.ds(base, CHUNK)], idxa_v)
        pltpu.sync_copy(idxb_hbm.at[pl.ds(base, CHUNK)], idxb_v)
        for s in range(NBUF - 1):
            issue(s, s)

        def block_body(q, _):
            r0 = q * NBUF
            for s in range(NBUF):
                r = r0 + s
                nxt = r + (NBUF - 1)

                @pl.when(nxt < CHUNK)
                def _():
                    issue(nxt, (s + NBUF - 1) % NBUF)

                cnt = jnp.zeros((16,), jnp.int32)
                for k in range(8):
                    iszero = idxa_v[r, pl.ds(k * 16, 16)] == 0
                    cnt = cnt + plsc.all_reduce_population_count(iszero)
                for k in range(4):
                    iszero = idxb_v[r, pl.ds(k * 16, 16)] == 0
                    cnt = cnt + plsc.all_reduce_population_count(iszero)
                tail_zero = jnp.logical_and(idxb_v[r, pl.ds(GB - 16, 16)] == 0,
                                            tail_mask)
                cnt = cnt + plsc.all_reduce_population_count(tail_zero)
                nzv = cnt.astype(jnp.float32)

                drain(s)

                def acc_a(t, carry):
                    lo, hi = carry
                    j0 = s * GA + t * 8
                    for u in range(8):
                        lo = lo + rows_a[j0 + u, pl.ds(0, 16)]
                        hi = hi + rows_a[j0 + u, pl.ds(16, 16)]
                    return lo, hi

                lo, hi = lax.fori_loop(0, GA // 8, acc_a, (zero_v, zero_v))

                def acc_b(t, carry):
                    lo, hi = carry
                    j0 = s * GB + t * 8
                    for u in range(8):
                        lo = lo + rows_b[j0 + u, pl.ds(0, 16)]
                        hi = hi + rows_b[j0 + u, pl.ds(16, 16)]
                    return lo, hi

                lo, hi = lax.fori_loop(0, GB // 8, acc_b, (lo, hi))
                denom = (hist_v - nzv) + 1e-8
                out_v[r, pl.ds(0, 16)] = (lo - nzv * e0_lo) / denom
                out_v[r, pl.ds(16, 16)] = (hi - nzv * e0_hi) / denom
            return 0

        lax.fori_loop(0, CHUNK // NBUF, block_body, 0)
        pltpu.sync_copy(out_v, out_hbm.at[pl.ds(base, CHUNK)])
        return 0

    lax.fori_loop(0, NCHUNK, chunk_body, 0)


def kernel(inputs, embeddings):
    mesh = plsc.VectorSubcoreMesh(core_axis_name="c", subcore_axis_name="s",
                                  num_cores=NC, num_subcores=NS)
    detile = pl.kernel(
        _detile_body,
        out_type=(jax.ShapeDtypeStruct((B, GA), jnp.int32),
                  jax.ShapeDtypeStruct((B, GA), jnp.int32)),
        mesh=mesh,
        compiler_params=pltpu.CompilerParams(needs_layout_passes=False,
                                             use_tc_tiling_on_sc=True),
        scratch_types=[
            pltpu.VMEM((2 * CHUNK, GA), jnp.int32),
            pltpu.VMEM((2 * CHUNK, GA), jnp.int32),
            pltpu.SemaphoreType.DMA((2,)),
            pltpu.SemaphoreType.DMA,
        ],
    )
    gather = pl.kernel(
        _gather_body,
        out_type=jax.ShapeDtypeStruct((B, D), jnp.float32),
        mesh=mesh,
        compiler_params=pltpu.CompilerParams(needs_layout_passes=False,
                                             use_tc_tiling_on_sc=False),
        scratch_types=[
            pltpu.VMEM((CHUNK, GA), jnp.int32),
            pltpu.VMEM((CHUNK, GA), jnp.int32),
            pltpu.VMEM((NBUF * GA, D), jnp.float32),
            pltpu.VMEM((NBUF * GB, D), jnp.float32),
            pltpu.VMEM((D,), jnp.float32),
            pltpu.VMEM((CHUNK, D), jnp.float32),
            pltpu.SemaphoreType.DMA((NBUF,)),
        ],
    )
    idxa, idxb = detile(inputs)
    return gather(idxa, idxb, embeddings)

# --- scband reference (transcript-rebuilt; emitter-appended) ---
"""Pipeline reference for scband-average-embedding-inputlayer-59957743452949 (READ-ONLY COPY).

The authoritative reference and input builder live on the scoring server;
editing this copy changes nothing except your own understanding.
"""

import jax, jax.numpy as jnp
import numpy as np

VOCAB = 1000000
EMBED_DIM = 32
BATCH = 16384
HIST = 200
PAD_VALUE = 0

def setup_inputs(seed: int = 0) -> dict:
    key = jax.random.key(seed)
    k1, k2 = jax.random.split(key)
    inputs = jax.random.randint(k1, (BATCH, HIST), 0, VOCAB, dtype=jnp.int32)
    embeddings = jax.random.uniform(k2, (VOCAB, EMBED_DIM), minval=-0.1, maxval=0.1, dtype=jnp.float32)
    return {"inputs": inputs, "embeddings": embeddings}

def reference(inputs, embeddings):
    # embedding lookup
    word_embeddings = jnp.take(embeddings, inputs, axis=0)  # (B, L, D)
    # mask out pad tokens
    masks = (inputs != PAD_VALUE)
    word_embeddings = word_embeddings * masks[..., None].astype(embeddings.dtype)
    # sum over sequence
    sum_word_embeddings = jnp.sum(word_embeddings, axis=1)  # (B, D)
    # count non-pad tokens
    sentence_lengths = jnp.sum(masks.astype(embeddings.dtype), axis=1, keepdims=True)  # (B, 1)
    sentence_embeddings = sum_word_embeddings / (sentence_lengths + 1e-8)
    return sentence_embeddings

if __name__ == "__main__":
    import jax
    _d = setup_inputs()
    print(jax.jit(kernel)(*tuple(_d.values())))

</pallas_src>

<mosaic_0001>
#map = affine_map<(d0, d1) -> (0, 0)>
module attributes {stable_mosaic.version = 14 : i64} {
  func.func @_detile_body(%arg0: i32, %arg1: i32, %arg2: memref<16384x200xi32, #tpu.memory_space<hbm>>, %arg3: memref<16384x128xi32, #tpu.memory_space<hbm>>, %arg4: memref<16384x128xi32, #tpu.memory_space<hbm>>, %arg5: memref<128x128xi32, #tpu.memory_space<vmem>>, %arg6: memref<128x128xi32, #tpu.memory_space<vmem>>, %arg7: memref<2x!tpu.dma_semaphore, #tpu.memory_space<semaphore_mem>>, %arg8: memref<!tpu.dma_semaphore, #tpu.memory_space<semaphore_mem>>) attributes {dimension_semantics = [#tpu.dimension_semantics<core_parallel>, #tpu.dimension_semantics<subcore_parallel>], iteration_bounds = array<i64: 2, 16>, scalar_prefetch = 0 : i64, scratch_operands = 4 : i64, tpu.core_type = #tpu.core_type<sc_vector_subcore>, window_params = [{transform_indices = #map}, {transform_indices = #map}, {transform_indices = #map}]} {
    %mul3A = arith.constant 2 : i32
    %mul3A_0 = arith.muli %arg1, %mul3A : i32
    %add3A = arith.addi %mul3A_0, %arg0 : i32
    %mul3A_1 = arith.constant 512 : i32
    %mul3A_2 = arith.muli %add3A, %mul3A_1 : i32
    %mul3A_3 = arith.constant 0 : i32
    %mul3A_4 = arith.muli %mul3A_2, %mul3A_3 : i32
    %add3A_5 = arith.constant 128 : i32
    %add3A_6 = arith.addi %add3A_5, %mul3A_4 : i32
    %multiple_of3A = tpu.assume_multiple %add3A_6, 128 : i32
    %add3A_7 = arith.constant 0 : i32
    %add3A_8 = arith.addi %mul3A_2, %add3A_7 : i32
    %dma_start3A = arith.constant 0 : i32
    %dma_start3A_9 = arith.constant 0 : i32
    %dma_start3A_10 = arith.constant 0 : i32
    %dma_start3A_11 = tpu.memref_slice %arg5[%dma_start3A_9, %dma_start3A_10] : memref<128x128xi32, #tpu.memory_space<vmem>> -> memref<64x128xi32, #tpu.memory_space<vmem>>
    %dma_start3A_12 = arith.constant 0 : i32
    %dma_start3A_13 = tpu.memref_slice %arg2[%add3A_8, %dma_start3A_12] : memref<16384x200xi32, #tpu.memory_space<hbm>> -> memref<64x128xi32, #tpu.memory_space<hbm>>
    %dma_start3A_14 = tpu.memref_slice %arg7[%dma_start3A] : memref<2x!tpu.dma_semaphore, #tpu.memory_space<semaphore_mem>> -> memref<1x!tpu.dma_semaphore, #tpu.memory_space<semaphore_mem>>
    %dma_start3A_15 = tpu.memref_squeeze %dma_start3A_14 : memref<1x!tpu.dma_semaphore, #tpu.memory_space<semaphore_mem>> -> memref<!tpu.dma_semaphore, #tpu.memory_space<semaphore_mem>>
    %dma_start3A_16 = arith.constant 0 : i32
    %dma_start3A_17 = arith.constant 0 : i32
    %dma_start3A_18 = tpu.memref_slice %arg5[%dma_start3A_16, %dma_start3A_17] : memref<128x128xi32, #tpu.memory_space<vmem>> -> memref<64x128xi32, #tpu.memory_space<vmem>>
    %dma_start3A_19 = arith.constant 0 : i32
    %dma_start3A_20 = tpu.memref_slice %arg2[%add3A_8, %dma_start3A_19] : memref<16384x200xi32, #tpu.memory_space<hbm>> -> memref<64x128xi32, #tpu.memory_space<hbm>>
    tpu.enqueue_dma source(%dma_start3A_20 : memref<64x128xi32, #tpu.memory_space<hbm>>) target(%dma_start3A_18 : memref<64x128xi32, #tpu.memory_space<vmem>>) target_semaphore(%dma_start3A_15 : memref<!tpu.dma_semaphore, #tpu.memory_space<semaphore_mem>>)
    %dma_start3A_21 = arith.constant 0 : i32
    %dma_start3A_22 = arith.constant 0 : i32
    %dma_start3A_23 = arith.constant 0 : i32
    %dma_start3A_24 = tpu.memref_slice %arg6[%dma_start3A_22, %dma_start3A_23] : memref<128x128xi32, #tpu.memory_space<vmem>> -> memref<64x128xi32, #tpu.memory_space<vmem>>
    %dma_start3A_25 = tpu.memref_slice %arg2[%add3A_8, %multiple_of3A] : memref<16384x200xi32, #tpu.memory_space<hbm>> -> memref<64x128xi32, #tpu.memory_space<hbm>>
    %dma_start3A_26 = tpu.memref_slice %arg7[%dma_start3A_21] : memref<2x!tpu.dma_semaphore, #tpu.memory_space<semaphore_mem>> -> memref<1x!tpu.dma_semaphore, #tpu.memory_space<semaphore_mem>>
    %dma_start3A_27 = tpu.memref_squeeze %dma_start3A_26 : memref<1x!tpu.dma_semaphore, #tpu.memory_space<semaphore_mem>> -> memref<!tpu.dma_semaphore, #tpu.memory_space<semaphore_mem>>
    %dma_start3A_28 = arith.constant 0 : i32
    %dma_start3A_29 = arith.constant 0 : i32
    %dma_start3A_30 = tpu.memref_slice %arg6[%dma_start3A_28, %dma_start3A_29] : memref<128x128xi32, #tpu.memory_space<vmem>> -> memref<64x128xi32, #tpu.memory_space<vmem>>
    %dma_start3A_31 = tpu.memref_slice %arg2[%add3A_8, %multiple_of3A] : memref<16384x200xi32, #tpu.memory_space<hbm>> -> memref<64x128xi32, #tpu.memory_space<hbm>>
    tpu.enqueue_dma source(%dma_start3A_31 : memref<64x128xi32, #tpu.memory_space<hbm>>) target(%dma_start3A_30 : memref<64x128xi32, #tpu.memory_space<vmem>>) target_semaphore(%dma_start3A_27 : memref<!tpu.dma_semaphore, #tpu.memory_space<semaphore_mem>>)
    %add3A_32 = arith.constant 64 : i32
    %add3A_33 = arith.addi %mul3A_2, %add3A_32 : i32
    %dma_start3A_34 = arith.constant 1 : i32
    %dma_start3A_35 = arith.constant 64 : i32
    %dma_start3A_36 = arith.constant 0 : i32
    %dma_start3A_37 = tpu.memref_slice %arg5[%dma_start3A_35, %dma_start3A_36] : memref<128x128xi32, #tpu.memory_space<vmem>> -> memref<64x128xi32, #tpu.memory_space<vmem>>
    %dma_start3A_38 = arith.constant 0 : i32
    %dma_start3A_39 = tpu.memref_slice %arg2[%add3A_33, %dma_start3A_38] : memref<16384x200xi32, #tpu.memory_space<hbm>> -> memref<64x128xi32, #tpu.memory_space<hbm>>
    %dma_start3A_40 = tpu.memref_slice %arg7[%dma_start3A_34] : memref<2x!tpu.dma_semaphore, #tpu.memory_space<semaphore_mem>> -> memref<1x!tpu.dma_semaphore, #tpu.memory_space<semaphore_mem>>
    %dma_start3A_41 = tpu.memref_squeeze %dma_start3A_40 : memref<1x!tpu.dma_semaphore, #tpu.memory_space<semaphore_mem>> -> memref<!tpu.dma_semaphore, #tpu.memory_space<semaphore_mem>>
    %dma_start3A_42 = arith.constant 64 : i32
    %dma_start3A_43 = arith.constant 0 : i32
    %dma_start3A_44 = tpu.memref_slice %arg5[%dma_start3A_42, %dma_start3A_43] : memref<128x128xi32, #tpu.memory_space<vmem>> -> memref<64x128xi32, #tpu.memory_space<vmem>>
    %dma_start3A_45 = arith.constant 0 : i32
    %dma_start3A_46 = tpu.memref_slice %arg2[%add3A_33, %dma_start3A_45] : memref<16384x200xi32, #tpu.memory_space<hbm>> -> memref<64x128xi32, #tpu.memory_space<hbm>>
    tpu.enqueue_dma source(%dma_start3A_46 : memref<64x128xi32, #tpu.memory_space<hbm>>) target(%dma_start3A_44 : memref<64x128xi32, #tpu.memory_space<vmem>>) target_semaphore(%dma_start3A_41 : memref<!tpu.dma_semaphore, #tpu.memory_space<semaphore_mem>>)
    %dma_start3A_47 = arith.constant 1 : i32
    %dma_start3A_48 = arith.constant 64 : i32
    %dma_start3A_49 = arith.constant 0 : i32
    %dma_start3A_50 = tpu.memref_slice %arg6[%dma_start3A_48, %dma_start3A_49] : memref<128x128xi32, #tpu.memory_space<vmem>> -> memref<64x128xi32, #tpu.memory_space<vmem>>
    %dma_start3A_51 = tpu.memref_slice %arg2[%add3A_33, %multiple_of3A] : memref<16384x200xi32, #tpu.memory_space<hbm>> -> memref<64x128xi32, #tpu.memory_space<hbm>>
    %dma_start3A_52 = tpu.memref_slice %arg7[%dma_start3A_47] : memref<2x!tpu.dma_semaphore, #tpu.memory_space<semaphore_mem>> -> memref<1x!tpu.dma_semaphore, #tpu.memory_space<semaphore_mem>>
    %dma_start3A_53 = tpu.memref_squeeze %dma_start3A_52 : memref<1x!tpu.dma_semaphore, #tpu.memory_space<semaphore_mem>> -> memref<!tpu.dma_semaphore, #tpu.memory_space<semaphore_mem>>
    %dma_start3A_54 = arith.constant 64 : i32
    %dma_start3A_55 = arith.constant 0 : i32
    %dma_start3A_56 = tpu.memref_slice %arg6[%dma_start3A_54, %dma_start3A_55] : memref<128x128xi32, #tpu.memory_space<vmem>> -> memref<64x128xi32, #tpu.memory_space<vmem>>
    %dma_start3A_57 = tpu.memref_slice %arg2[%add3A_33, %multiple_of3A] : memref<16384x200xi32, #tpu.memory_space<hbm>> -> memref<64x128xi32, #tpu.memory_space<hbm>>
    tpu.enqueue_dma source(%dma_start3A_57 : memref<64x128xi32, #tpu.memory_space<hbm>>) target(%dma_start3A_56 : memref<64x128xi32, #tpu.memory_space<vmem>>) target_semaphore(%dma_start3A_53 : memref<!tpu.dma_semaphore, #tpu.memory_space<semaphore_mem>>)
    %dma_wait3A = arith.constant 0 : i32
    %dma_wait3A_58 = arith.constant 0 : i32
    %dma_wait3A_59 = arith.constant 0 : i32
    %dma_wait3A_60 = tpu.memref_slice %arg5[%dma_wait3A_58, %dma_wait3A_59] : memref<128x128xi32, #tpu.memory_space<vmem>> -> memref<64x128xi32, #tpu.memory_space<vmem>>
    %dma_wait3A_61 = arith.constant 0 : i32
    %dma_wait3A_62 = arith.constant 0 : i32
    %dma_wait3A_63 = tpu.memref_slice %arg2[%dma_wait3A_61, %dma_wait3A_62] : memref<16384x200xi32, #tpu.memory_space<hbm>> -> memref<64x128xi32, #tpu.memory_space<hbm>>
    %dma_wait3A_64 = tpu.memref_slice %arg7[%dma_wait3A] : memref<2x!tpu.dma_semaphore, #tpu.memory_space<semaphore_mem>> -> memref<1x!tpu.dma_semaphore, #tpu.memory_space<semaphore_mem>>
    %dma_wait3A_65 = tpu.memref_squeeze %dma_wait3A_64 : memref<1x!tpu.dma_semaphore, #tpu.memory_space<semaphore_mem>> -> memref<!tpu.dma_semaphore, #tpu.memory_space<semaphore_mem>>
    %dma_wait3A_66 = arith.constant 0 : i32
    %dma_wait3A_67 = arith.constant 0 : i32
    %dma_wait3A_68 = tpu.memref_slice %arg5[%dma_wait3A_66, %dma_wait3A_67] : memref<128x128xi32, #tpu.memory_space<vmem>> -> memref<64x128xi32, #tpu.memory_space<vmem>>
    %dma_wait3A_69 = arith.constant 0 : i32
    %dma_wait3A_70 = arith.constant 0 : i32
    %dma_wait3A_71 = tpu.memref_slice %arg2[%dma_wait3A_69, %dma_wait3A_70] : memref<16384x200xi32, #tpu.memory_space<hbm>> -> memref<64x128xi32, #tpu.memory_space<hbm>>
    tpu.wait_dma2 semaphore(%dma_wait3A_65 : memref<!tpu.dma_semaphore, #tpu.memory_space<semaphore_mem>>) src(%dma_wait3A_71 : memref<64x128xi32, #tpu.memory_space<hbm>>) dst(%dma_wait3A_68 : memref<64x128xi32, #tpu.memory_space<vmem>>)
    %dma_wait3A_72 = arith.constant 0 : i32
    %dma_wait3A_73 = arith.constant 0 : i32
    %dma_wait3A_74 = arith.constant 0 : i32
    %dma_wait3A_75 = tpu.memref_slice %arg6[%dma_wait3A_73, %dma_wait3A_74] : memref<128x128xi32, #tpu.memory_space<vmem>> -> memref<64x128xi32, #tpu.memory_space<vmem>>
    %dma_wait3A_76 = arith.constant 0 : i32
    %dma_wait3A_77 = arith.constant 0 : i32
    %dma_wait3A_78 = tpu.memref_slice %arg2[%dma_wait3A_76, %dma_wait3A_77] : memref<16384x200xi32, #tpu.memory_space<hbm>> -> memref<64x128xi32, #tpu.memory_space<hbm>>
    %dma_wait3A_79 = tpu.memref_slice %arg7[%dma_wait3A_72] : memref<2x!tpu.dma_semaphore, #tpu.memory_space<semaphore_mem>> -> memref<1x!tpu.dma_semaphore, #tpu.memory_space<semaphore_mem>>
    %dma_wait3A_80 = tpu.memref_squeeze %dma_wait3A_79 : memref<1x!tpu.dma_semaphore, #tpu.memory_space<semaphore_mem>> -> memref<!tpu.dma_semaphore, #tpu.memory_space<semaphore_mem>>
    %dma_wait3A_81 = arith.constant 0 : i32
    %dma_wait3A_82 = arith.constant 0 : i32
    %dma_wait3A_83 = tpu.memref_slice %arg6[%dma_wait3A_81, %dma_wait3A_82] : memref<128x128xi32, #tpu.memory_space<vmem>> -> memref<64x128xi32, #tpu.memory_space<vmem>>
    %dma_wait3A_84 = arith.constant 0 : i32
    %dma_wait3A_85 = arith.constant 0 : i32
    %dma_wait3A_86 = tpu.memref_slice %arg2[%dma_wait3A_84, %dma_wait3A_85] : memref<16384x200xi32, #tpu.memory_space<hbm>> -> memref<64x128xi32, #tpu.memory_space<hbm>>
    tpu.wait_dma2 semaphore(%dma_wait3A_80 : memref<!tpu.dma_semaphore, #tpu.memory_space<semaphore_mem>>) src(%dma_wait3A_86 : memref<64x128xi32, #tpu.memory_space<hbm>>) dst(%dma_wait3A_83 : memref<64x128xi32, #tpu.memory_space<vmem>>)
    %add3A_87 = arith.constant 0 : i32
    %add3A_88 = arith.addi %mul3A_2, %add3A_87 : i32
    %dma_start3A_89 = arith.constant 0 : i32
    %dma_start3A_90 = arith.constant 0 : i32
    %dma_start3A_91 = tpu.memref_slice %arg5[%dma_start3A_89, %dma_start3A_90] : memref<128x128xi32, #tpu.memory_space<vmem>> -> memref<64x128xi32, #tpu.memory_space<vmem>>
    %dma_start3A_92 = arith.constant 0 : i32
    %dma_start3A_93 = tpu.memref_slice %arg3[%add3A_88, %dma_start3A_92] : memref<16384x128xi32, #tpu.memory_space<hbm>> -> memref<64x128xi32, #tpu.memory_space<hbm>>
    %dma_start3A_94 = arith.constant 0 : i32
    %dma_start3A_95 = tpu.memref_slice %arg3[%add3A_88, %dma_start3A_94] : memref<16384x128xi32, #tpu.memory_space<hbm>> -> memref<64x128xi32, #tpu.memory_space<hbm>>
    %dma_start3A_96 = arith.constant 0 : i32
    %dma_start3A_97 = arith.constant 0 : i32
    %dma_start3A_98 = tpu.memref_slice %arg5[%dma_start3A_96, %dma_start3A_97] : memref<128x128xi32, #tpu.memory_space<vmem>> -> memref<64x128xi32, #tpu.memory_space<vmem>>
    tpu.enqueue_dma source(%dma_start3A_98 : memref<64x128xi32, #tpu.memory_space<vmem>>) target(%dma_start3A_95 : memref<64x128xi32, #tpu.memory_space<hbm>>) target_semaphore(%arg8 : memref<!tpu.dma_semaphore, #tpu.memory_space<semaphore_mem>>)
    %dma_start3A_99 = arith.constant 0 : i32
    %dma_start3A_100 = arith.constant 0 : i32
    %dma_start3A_101 = tpu.memref_slice %arg6[%dma_start3A_99, %dma_start3A_100] : memref<128x128xi32, #tpu.memory_space<vmem>> -> memref<64x128xi32, #tpu.memory_space<vmem>>
    %dma_start3A_102 = arith.constant 0 : i32
    %dma_start3A_103 = tpu.memref_slice %arg4[%add3A_88, %dma_start3A_102] : memref<16384x128xi32, #tpu.memory_space<hbm>> -> memref<64x128xi32, #tpu.memory_space<hbm>>
    %dma_start3A_104 = arith.constant 0 : i32
    %dma_start3A_105 = tpu.memref_slice %arg4[%add3A_88, %dma_start3A_104] : memref<16384x128xi32, #tpu.memory_space<hbm>> -> memref<64x128xi32, #tpu.memory_space<hbm>>
    %dma_start3A_106 = arith.constant 0 : i32
    %dma_start3A_107 = arith.constant 0 : i32
    %dma_start3A_108 = tpu.memref_slice %arg6[%dma_start3A_106, %dma_start3A_107] : memref<128x128xi32, #tpu.memory_space<vmem>> -> memref<64x128xi32, #tpu.memory_space<vmem>>
    tpu.enqueue_dma source(%dma_start3A_108 : memref<64x128xi32, #tpu.memory_space<vmem>>) target(%dma_start3A_105 : memref<64x128xi32, #tpu.memory_space<hbm>>) target_semaphore(%arg8 : memref<!tpu.dma_semaphore, #tpu.memory_space<semaphore_mem>>)
    %dma_wait3A_109 = arith.constant 0 : i32
    %dma_wait3A_110 = arith.constant 0 : i32
    %dma_wait3A_111 = tpu.memref_slice %arg5[%dma_wait3A_109, %dma_wait3A_110] : memref<128x128xi32, #tpu.memory_space<vmem>> -> memref<64x128xi32, #tpu.memory_space<vmem>>
    %dma_wait3A_112 = arith.constant 0 : i32
    %dma_wait3A_113 = arith.constant 0 : i32
    %dma_wait3A_114 = tpu.memref_slice %arg3[%dma_wait3A_112, %dma_wait3A_113] : memref<16384x128xi32, #tpu.memory_space<hbm>> -> memref<64x128xi32, #tpu.memory_space<hbm>>
    %dma_wait3A_115 = arith.constant 0 : i32
    %dma_wait3A_116 = arith.constant 0 : i32
    %dma_wait3A_117 = tpu.memref_slice %arg3[%dma_wait3A_115, %dma_wait3A_116] : memref<16384x128xi32, #tpu.memory_space<hbm>> -> memref<64x128xi32, #tpu.memory_space<hbm>>
    %dma_wait3A_118 = arith.constant 0 : i32
    %dma_wait3A_119 = arith.constant 0 : i32
    %dma_wait3A_120 = tpu.memref_slice %arg5[%dma_wait3A_118, %dma_wait3A_119] : memref<128x128xi32, #tpu.memory_space<vmem>> -> memref<64x128xi32, #tpu.memory_space<vmem>>
    tpu.wait_dma2 semaphore(%arg8 : memref<!tpu.dma_semaphore, #tpu.memory_space<semaphore_mem>>) src(%dma_wait3A_120 : memref<64x128xi32, #tpu.memory_space<vmem>>) dst(%dma_wait3A_117 : memref<64x128xi32, #tpu.memory_space<hbm>>)
    %dma_wait3A_121 = arith.constant 0 : i32
    %dma_wait3A_122 = arith.constant 0 : i32
    %dma_wait3A_123 = tpu.memref_slice %arg6[%dma_wait3A_121, %dma_wait3A_122] : memref<128x128xi32, #tpu.memory_space<vmem>> -> memref<64x128xi32, #tpu.memory_space<vmem>>
    %dma_wait3A_124 = arith.constant 0 : i32
    %dma_wait3A_125 = arith.constant 0 : i32
    %dma_wait3A_126 = tpu.memref_slice %arg4[%dma_wait3A_124, %dma_wait3A_125] : memref<16384x128xi32, #tpu.memory_space<hbm>> -> memref<64x128xi32, #tpu.memory_space<hbm>>
    %dma_wait3A_127 = arith.constant 0 : i32
    %dma_wait3A_128 = arith.constant 0 : i32
    %dma_wait3A_129 = tpu.memref_slice %arg4[%dma_wait3A_127, %dma_wait3A_128] : memref<16384x128xi32, #tpu.memory_space<hbm>> -> memref<64x128xi32, #tpu.memory_space<hbm>>
    %dma_wait3A_130 = arith.constant 0 : i32
    %dma_wait3A_131 = arith.constant 0 : i32
    %dma_wait3A_132 = tpu.memref_slice %arg6[%dma_wait3A_130, %dma_wait3A_131] : memref<128x128xi32, #tpu.memory_space<vmem>> -> memref<64x128xi32, #tpu.memory_space<vmem>>
    tpu.wait_dma2 semaphore(%arg8 : memref<!tpu.dma_semaphore, #tpu.memory_space<semaphore_mem>>) src(%dma_wait3A_132 : memref<64x128xi32, #tpu.memory_space<vmem>>) dst(%dma_wait3A_129 : memref<64x128xi32, #tpu.memory_space<hbm>>)
    %add3A_133 = arith.constant 128 : i32
    %add3A_134 = arith.addi %mul3A_2, %add3A_133 : i32
    %dma_start3A_135 = arith.constant 0 : i32
    %dma_start3A_136 = arith.constant 0 : i32
    %dma_start3A_137 = arith.constant 0 : i32
    %dma_start3A_138 = tpu.memref_slice %arg5[%dma_start3A_136, %dma_start3A_137] : memref<128x128xi32, #tpu.memory_space<vmem>> -> memref<64x128xi32, #tpu.memory_space<vmem>>
    %dma_start3A_139 = arith.constant 0 : i32
    %dma_start3A_140 = tpu.memref_slice %arg2[%add3A_134, %dma_start3A_139] : memref<16384x200xi32, #tpu.memory_space<hbm>> -> memref<64x128xi32, #tpu.memory_space<hbm>>
    %dma_start3A_141 = tpu.memref_slice %arg7[%dma_start3A_135] : memref<2x!tpu.dma_semaphore, #tpu.memory_space<semaphore_mem>> -> memref<1x!tpu.dma_semaphore, #tpu.memory_space<semaphore_mem>>
    %dma_start3A_142 = tpu.memref_squeeze %dma_start3A_141 : memref<1x!tpu.dma_semaphore, #tpu.memory_space<semaphore_mem>> -> memref<!tpu.dma_semaphore, #tpu.memory_space<semaphore_mem>>
    %dma_start3A_143 = arith.constant 0 : i32
    %dma_start3A_144 = arith.constant 0 : i32
    %dma_start3A_145 = tpu.memref_slice %arg5[%dma_start3A_143, %dma_start3A_144] : memref<128x128xi32, #tpu.memory_space<vmem>> -> memref<64x128xi32, #tpu.memory_space<vmem>>
    %dma_start3A_146 = arith.constant 0 : i32
    %dma_start3A_147 = tpu.memref_slice %arg2[%add3A_134, %dma_start3A_146] : memref<16384x200xi32, #tpu.memory_space<hbm>> -> memref<64x128xi32, #tpu.memory_space<hbm>>
    tpu.enqueue_dma source(%dma_start3A_147 : memref<64x128xi32, #tpu.memory_space<hbm>>) target(%dma_start3A_145 : memref<64x128xi32, #tpu.memory_space<vmem>>) target_semaphore(%dma_start3A_142 : memref<!tpu.dma_semaphore, #tpu.memory_space<semaphore_mem>>)
    %dma_start3A_148 = arith.constant 0 : i32
    %dma_start3A_149 = arith.constant 0 : i32
    %dma_start3A_150 = arith.constant 0 : i32
    %dma_start3A_151 = tpu.memref_slice %arg6[%dma_start3A_149, %dma_start3A_150] : memref<128x128xi32, #tpu.memory_space<vmem>> -> memref<64x128xi32, #tpu.memory_space<vmem>>
    %dma_start3A_152 = tpu.memref_slice %arg2[%add3A_134, %multiple_of3A] : memref<16384x200xi32, #tpu.memory_space<hbm>> -> memref<64x128xi32, #tpu.memory_space<hbm>>
    %dma_start3A_153 = tpu.memref_slice %arg7[%dma_start3A_148] : memref<2x!tpu.dma_semaphore, #tpu.memory_space<semaphore_mem>> -> memref<1x!tpu.dma_semaphore, #tpu.memory_space<semaphore_mem>>
    %dma_start3A_154 = tpu.memref_squeeze %dma_start3A_153 : memref<1x!tpu.dma_semaphore, #tpu.memory_space<semaphore_mem>> -> memref<!tpu.dma_semaphore, #tpu.memory_space<semaphore_mem>>
    %dma_start3A_155 = arith.constant 0 : i32
    %dma_start3A_156 = arith.constant 0 : i32
    %dma_start3A_157 = tpu.memref_slice %arg6[%dma_start3A_155, %dma_start3A_156] : memref<128x128xi32, #tpu.memory_space<vmem>> -> memref<64x128xi32, #tpu.memory_space<vmem>>
    %dma_start3A_158 = tpu.memref_slice %arg2[%add3A_134, %multiple_of3A] : memref<16384x200xi32, #tpu.memory_space<hbm>> -> memref<64x128xi32, #tpu.memory_space<hbm>>
    tpu.enqueue_dma source(%dma_start3A_158 : memref<64x128xi32, #tpu.memory_space<hbm>>) target(%dma_start3A_157 : memref<64x128xi32, #tpu.memory_space<vmem>>) target_semaphore(%dma_start3A_154 : memref<!tpu.dma_semaphore, #tpu.memory_space<semaphore_mem>>)
    %dma_wait3A_159 = arith.constant 1 : i32
    %dma_wait3A_160 = arith.constant 64 : i32
    %dma_wait3A_161 = arith.constant 0 : i32
    %dma_wait3A_162 = tpu.memref_slice %arg5[%dma_wait3A_160, %dma_wait3A_161] : memref<128x128xi32, #tpu.memory_space<vmem>> -> memref<64x128xi32, #tpu.memory_space<vmem>>
    %dma_wait3A_163 = arith.constant 0 : i32
    %dma_wait3A_164 = arith.constant 0 : i32
    %dma_wait3A_165 = tpu.memref_slice %arg2[%dma_wait3A_163, %dma_wait3A_164] : memref<16384x200xi32, #tpu.memory_space<hbm>> -> memref<64x128xi32, #tpu.memory_space<hbm>>
    %dma_wait3A_166 = tpu.memref_slice %arg7[%dma_wait3A_159] : memref<2x!tpu.dma_semaphore, #tpu.memory_space<semaphore_mem>> -> memref<1x!tpu.dma_semaphore, #tpu.memory_space<semaphore_mem>>
    %dma_wait3A_167 = tpu.memref_squeeze %dma_wait3A_166 : memref<1x!tpu.dma_semaphore, #tpu.memory_space<semaphore_mem>> -> memref<!tpu.dma_semaphore, #tpu.memory_space<semaphore_mem>>
    %dma_wait3A_168 = arith.constant 64 : i32
    %dma_wait3A_169 = arith.constant 0 : i32
    %dma_wait3A_170 = tpu.memref_slice %arg5[%dma_wait3A_168, %dma_wait3A_169] : memref<128x128xi32, #tpu.memory_space<vmem>> -> memref<64x128xi32, #tpu.memory_space<vmem>>
    %dma_wait3A_171 = arith.constant 0 : i32
    %dma_wait3A_172 = arith.constant 0 : i32
    %dma_wait3A_173 = tpu.memref_slice %arg2[%dma_wait3A_171, %dma_wait3A_172] : memref<16384x200xi32, #tpu.memory_space<hbm>> -> memref<64x128xi32, #tpu.memory_space<hbm>>
    tpu.wait_dma2 semaphore(%dma_wait3A_167 : memref<!tpu.dma_semaphore, #tpu.memory_space<semaphore_mem>>) src(%dma_wait3A_173 : memref<64x128xi32, #tpu.memory_space<hbm>>) dst(%dma_wait3A_170 : memref<64x128xi32, #tpu.memory_space<vmem>>)
    %dma_wait3A_174 = arith.constant 1 : i32
    %dma_wait3A_175 = arith.constant 64 : i32
    %dma_wait3A_176 = arith.constant 0 : i32
    %dma_wait3A_177 = tpu.memref_slice %arg6[%dma_wait3A_175, %dma_wait3A_176] : memref<128x128xi32, #tpu.memory_space<vmem>> -> memref<64x128xi32, #tpu.memory_space<vmem>>
    %dma_wait3A_178 = arith.constant 0 : i32
    %dma_wait3A_179 = arith.constant 0 : i32
    %dma_wait3A_180 = tpu.memref_slice %arg2[%dma_wait3A_178, %dma_wait3A_179] : memref<16384x200xi32, #tpu.memory_space<hbm>> -> memref<64x128xi32, #tpu.memory_space<hbm>>
    %dma_wait3A_181 = tpu.memref_slice %arg7[%dma_wait3A_174] : memref<2x!tpu.dma_semaphore, #tpu.memory_space<semaphore_mem>> -> memref<1x!tpu.dma_semaphore, #tpu.memory_space<semaphore_mem>>
    %dma_wait3A_182 = tpu.memref_squeeze %dma_wait3A_181 : memref<1x!tpu.dma_semaphore, #tpu.memory_space<semaphore_mem>> -> memref<!tpu.dma_semaphore, #tpu.memory_space<semaphore_mem>>
    %dma_wait3A_183 = arith.constant 64 : i32
    %dma_wait3A_184 = arith.constant 0 : i32
    %dma_wait3A_185 = tpu.memref_slice %arg6[%dma_wait3A_183, %dma_wait3A_184] : memref<128x128xi32, #tpu.memory_space<vmem>> -> memref<64x128xi32, #tpu.memory_space<vmem>>
    %dma_wait3A_186 = arith.constant 0 : i32
    %dma_wait3A_187 = arith.constant 0 : i32
    %dma_wait3A_188 = tpu.memref_slice %arg2[%dma_wait3A_186, %dma_wait3A_187] : memref<16384x200xi32, #tpu.memory_space<hbm>> -> memref<64x128xi32, #tpu.memory_space<hbm>>
    tpu.wait_dma2 semaphore(%dma_wait3A_182 : memref<!tpu.dma_semaphore, #tpu.memory_space<semaphore_mem>>) src(%dma_wait3A_188 : memref<64x128xi32, #tpu.memory_space<hbm>>) dst(%dma_wait3A_185 : memref<64x128xi32, #tpu.memory_space<vmem>>)
    %add3A_189 = arith.constant 64 : i32
    %add3A_190 = arith.addi %mul3A_2, %add3A_189 : i32
    %dma_start3A_191 = arith.constant 64 : i32
    %dma_start3A_192 = arith.constant 0 : i32
    %dma_start3A_193 = tpu.memref_slice %arg5[%dma_start3A_191, %dma_start3A_192] : memref<128x128xi32, #tpu.memory_space<vmem>> -> memref<64x128xi32, #tpu.memory_space<vmem>>
    %dma_start3A_194 = arith.constant 0 : i32
    %dma_start3A_195 = tpu.memref_slice %arg3[%add3A_190, %dma_start3A_194] : memref<16384x128xi32, #tpu.memory_space<hbm>> -> memref<64x128xi32, #tpu.memory_space<hbm>>
    %dma_start3A_196 = arith.constant 0 : i32
    %dma_start3A_197 = tpu.memref_slice %arg3[%add3A_190, %dma_start3A_196] : memref<16384x128xi32, #tpu.memory_space<hbm>> -> memref<64x128xi32, #tpu.memory_space<hbm>>
    %dma_start3A_198 = arith.constant 64 : i32
    %dma_start3A_199 = arith.constant 0 : i32
    %dma_start3A_200 = tpu.memref_slice %arg5[%dma_start3A_198, %dma_start3A_199] : memref<128x128xi32, #tpu.memory_space<vmem>> -> memref<64x128xi32, #tpu.memory_space<vmem>>
    tpu.enqueue_dma source(%dma_start3A_200 : memref<64x128xi32, #tpu.memory_space<vmem>>) target(%dma_start3A_197 : memref<64x128xi32, #tpu.memory_space<hbm>>) target_semaphore(%arg8 : memref<!tpu.dma_semaphore, #tpu.memory_space<semaphore_mem>>)
    %dma_start3A_201 = arith.constant 64 : i32
    %dma_start3A_202 = arith.constant 0 : i32
    %dma_start3A_203 = tpu.memref_slice %arg6[%dma_start3A_201, %dma_start3A_202] : memref<128x128xi32, #tpu.memory_space<vmem>> -> memref<64x128xi32, #tpu.memory_space<vmem>>
    %dma_start3A_204 = arith.constant 0 : i32
    %dma_start3A_205 = tpu.memref_slice %arg4[%add3A_190, %dma_start3A_204] : memref<16384x128xi32, #tpu.memory_space<hbm>> -> memref<64x128xi32, #tpu.memory_space<hbm>>
    %dma_start3A_206 = arith.constant 0 : i32
    %dma_start3A_207 = tpu.memref_slice %arg4[%add3A_190, %dma_start3A_206] : memref<16384x128xi32, #tpu.memory_space<hbm>> -> memref<64x128xi32, #tpu.memory_space<hbm>>
    %dma_start3A_208 = arith.constant 64 : i32
    %dma_start3A_209 = arith.constant 0 : i32
    %dma_start3A_210 = tpu.memref_slice %arg6[%dma_start3A_208, %dma_start3A_209] : memref<128x128xi32, #tpu.memory_space<vmem>> -> memref<64x128xi32, #tpu.memory_space<vmem>>
    tpu.enqueue_dma source(%dma_start3A_210 : memref<64x128xi32, #tpu.memory_space<vmem>>) target(%dma_start3A_207 : memref<64x128xi32, #tpu.memory_space<hbm>>) target_semaphore(%arg8 : memref<!tpu.dma_semaphore, #tpu.memory_space<semaphore_mem>>)
    %dma_wait3A_211 = arith.constant 0 : i32
    %dma_wait3A_212 = arith.constant 0 : i32
    %dma_wait3A_213 = tpu.memref_slice %arg5[%dma_wait3A_211, %dma_wait3A_212] : memref<128x128xi32, #tpu.memory_space<vmem>> -> memref<64x128xi32, #tpu.memory_space<vmem>>
    %dma_wait3A_214 = arith.constant 0 : i32
    %dma_wait3A_215 = arith.constant 0 : i32
    %dma_wait3A_216 = tpu.memref_slice %arg3[%dma_wait3A_214, %dma_wait3A_215] : memref<16384x128xi32, #tpu.memory_space<hbm>> -> memref<64x128xi32, #tpu.memory_space<hbm>>
    %dma_wait3A_217 = arith.constant 0 : i32
    %dma_wait3A_218 = arith.constant 0 : i32
    %dma_wait3A_219 = tpu.memref_slice %arg3[%dma_wait3A_217, %dma_wait3A_218] : memref<16384x128xi32, #tpu.memory_space<hbm>> -> memref<64x128xi32, #tpu.memory_space<hbm>>
    %dma_wait3A_220 = arith.constant 0 : i32
    %dma_wait3A_221 = arith.constant 0 : i32
    %dma_wait3A_222 = tpu.memref_slice %arg5[%dma_wait3A_220, %dma_wait3A_221] : memref<128x128xi32, #tpu.memory_space<vmem>> -> memref<64x128xi32, #tpu.memory_space<vmem>>
    tpu.wait_dma2 semaphore(%arg8 : memref<!tpu.dma_semaphore, #tpu.memory_space<semaphore_mem>>) src(%dma_wait3A_222 : memref<64x128xi32, #tpu.memory_space<vmem>>) dst(%dma_wait3A_219 : memref<64x128xi32, #tpu.memory_space<hbm>>)
    %dma_wait3A_223 = arith.constant 0 : i32
    %dma_wait3A_224 = arith.constant 0 : i32
    %dma_wait3A_225 = tpu.memref_slice %arg6[%dma_wait3A_223, %dma_wait3A_224] : memref<128x128xi32, #tpu.memory_space<vmem>> -> memref<64x128xi32, #tpu.memory_space<vmem>>
    %dma_wait3A_226 = arith.constant 0 : i32
    %dma_wait3A_227 = arith.constant 0 : i32
    %dma_wait3A_228 = tpu.memref_slice %arg4[%dma_wait3A_226, %dma_wait3A_227] : memref<16384x128xi32, #tpu.memory_space<hbm>> -> memref<64x128xi32, #tpu.memory_space<hbm>>
    %dma_wait3A_229 = arith.constant 0 : i32
    %dma_wait3A_230 = arith.constant 0 : i32
    %dma_wait3A_231 = tpu.memref_slice %arg4[%dma_wait3A_229, %dma_wait3A_230] : memref<16384x128xi32, #tpu.memory_space<hbm>> -> memref<64x128xi32, #tpu.memory_space<hbm>>
    %dma_wait3A_232 = arith.constant 0 : i32
    %dma_wait3A_233 = arith.constant 0 : i32
    %dma_wait3A_234 = tpu.memref_slice %arg6[%dma_wait3A_232, %dma_wait3A_233] : memref<128x128xi32, #tpu.memory_space<vmem>> -> memref<64x128xi32, #tpu.memory_space<vmem>>
    tpu.wait_dma2 semaphore(%arg8 : memref<!tpu.dma_semaphore, #tpu.memory_space<semaphore_mem>>) src(%dma_wait3A_234 : memref<64x128xi32, #tpu.memory_space<vmem>>) dst(%dma_wait3A_231 : memref<64x128xi32, #tpu.memory_space<hbm>>)
    %add3A_235 = arith.constant 192 : i32
    %add3A_236 = arith.addi %mul3A_2, %add3A_235 : i32
    %dma_start3A_237 = arith.constant 1 : i32
    %dma_start3A_238 = arith.constant 64 : i32
    %dma_start3A_239 = arith.constant 0 : i32
    %dma_start3A_240 = tpu.memref_slice %arg5[%dma_start3A_238, %dma_start3A_239] : memref<128x128xi32, #tpu.memory_space<vmem>> -> memref<64x128xi32, #tpu.memory_space<vmem>>
    %dma_start3A_241 = arith.constant 0 : i32
    %dma_start3A_242 = tpu.memref_slice %arg2[%add3A_236, %dma_start3A_241] : memref<16384x200xi32, #tpu.memory_space<hbm>> -> memref<64x128xi32, #tpu.memory_space<hbm>>
    %dma_start3A_243 = tpu.memref_slice %arg7[%dma_start3A_237] : memref<2x!tpu.dma_semaphore, #tpu.memory_space<semaphore_mem>> -> memref<1x!tpu.dma_semaphore, #tpu.memory_space<semaphore_mem>>
    %dma_start3A_244 = tpu.memref_squeeze %dma_start3A_243 : memref<1x!tpu.dma_semaphore, #tpu.memory_space<semaphore_mem>> -> memref<!tpu.dma_semaphore, #tpu.memory_space<semaphore_mem>>
    %dma_start3A_245 = arith.constant 64 : i32
    %dma_start3A_246 = arith.constant 0 : i32
    %dma_start3A_247 = tpu.memref_slice %arg5[%dma_start3A_245, %dma_start3A_246] : memref<128x128xi32, #tpu.memory_space<vmem>> -> memref<64x128xi32, #tpu.memory_space<vmem>>
    %dma_start3A_248 = arith.constant 0 : i32
    %dma_start3A_249 = tpu.memref_slice %arg2[%add3A_236, %dma_start3A_248] : memref<16384x200xi32, #tpu.memory_space<hbm>> -> memref<64x128xi32, #tpu.memory_space<hbm>>
    tpu.enqueue_dma source(%dma_start3A_249 : memref<64x128xi32, #tpu.memory_space<hbm>>) target(%dma_start3A_247 : memref<64x128xi32, #tpu.memory_space<vmem>>) target_semaphore(%dma_start3A_244 : memref<!tpu.dma_semaphore, #tpu.memory_space<semaphore_mem>>)
    %dma_start3A_250 = arith.constant 1 : i32
    %dma_start3A_251 = arith.constant 64 : i32
    %dma_start3A_252 = arith.constant 0 : i32
    %dma_start3A_253 = tpu.memref_slice %arg6[%dma_start3A_251, %dma_start3A_252] : memref<128x128xi32, #tpu.memory_space<vmem>> -> memref<64x128xi32, #tpu.memory_space<vmem>>
    %dma_start3A_254 = tpu.memref_slice %arg2[%add3A_236, %multiple_of3A] : memref<16384x200xi32, #tpu.memory_space<hbm>> -> memref<64x128xi32, #tpu.memory_space<hbm>>
    %dma_start3A_255 = tpu.memref_slice %arg7[%dma_start3A_250] : memref<2x!tpu.dma_semaphore, #tpu.memory_space<semaphore_mem>> -> memref<1x!tpu.dma_semaphore, #tpu.memory_space<semaphore_mem>>
    %dma_start3A_256 = tpu.memref_squeeze %dma_start3A_255 : memref<1x!tpu.dma_semaphore, #tpu.memory_space<semaphore_mem>> -> memref<!tpu.dma_semaphore, #tpu.memory_space<semaphore_mem>>
    %dma_start3A_257 = arith.constant 64 : i32
    %dma_start3A_258 = arith.constant 0 : i32
    %dma_start3A_259 = tpu.memref_slice %arg6[%dma_start3A_257, %dma_start3A_258] : memref<128x128xi32, #tpu.memory_space<vmem>> -> memref<64x128xi32, #tpu.memory_space<vmem>>
    %dma_start3A_260 = tpu.memref_slice %arg2[%add3A_236, %multiple_of3A] : memref<16384x200xi32, #tpu.memory_space<hbm>> -> memref<64x128xi32, #tpu.memory_space<hbm>>
    tpu.enqueue_dma source(%dma_start3A_260 : memref<64x128xi32, #tpu.memory_space<hbm>>) target(%dma_start3A_259 : memref<64x128xi32, #tpu.memory_space<vmem>>) target_semaphore(%dma_start3A_256 : memref<!tpu.dma_semaphore, #tpu.memory_space<semaphore_mem>>)
    %dma_wait3A_261 = arith.constant 0 : i32
    %dma_wait3A_262 = arith.constant 0 : i32
    %dma_wait3A_263 = arith.constant 0 : i32
    %dma_wait3A_264 = tpu.memref_slice %arg5[%dma_wait3A_262, %dma_wait3A_263] : memref<128x128xi32, #tpu.memory_space<vmem>> -> memref<64x128xi32, #tpu.memory_space<vmem>>
    %dma_wait3A_265 = arith.constant 0 : i32
    %dma_wait3A_266 = arith.constant 0 : i32
    %dma_wait3A_267 = tpu.memref_slice %arg2[%dma_wait3A_265, %dma_wait3A_266] : memref<16384x200xi32, #tpu.memory_space<hbm>> -> memref<64x128xi32, #tpu.memory_space<hbm>>
    %dma_wait3A_268 = tpu.memref_slice %arg7[%dma_wait3A_261] : memref<2x!tpu.dma_semaphore, #tpu.memory_space<semaphore_mem>> -> memref<1x!tpu.dma_semaphore, #tpu.memory_space<semaphore_mem>>
    %dma_wait3A_269 = tpu.memref_squeeze %dma_wait3A_268 : memref<1x!tpu.dma_semaphore, #tpu.memory_space<semaphore_mem>> -> memref<!tpu.dma_semaphore, #tpu.memory_space<semaphore_mem>>
    %dma_wait3A_270 = arith.constant 0 : i32
    %dma_wait3A_271 = arith.constant 0 : i32
    %dma_wait3A_272 = tpu.memref_slice %arg5[%dma_wait3A_270, %dma_wait3A_271] : memref<128x128xi32, #tpu.memory_space<vmem>> -> memref<64x128xi32, #tpu.memory_space<vmem>>
    %dma_wait3A_273 = arith.constant 0 : i32
    %dma_wait3A_274 = arith.constant 0 : i32
    %dma_wait3A_275 = tpu.memref_slice %arg2[%dma_wait3A_273, %dma_wait3A_274] : memref<16384x200xi32, #tpu.memory_space<hbm>> -> memref<64x128xi32, #tpu.memory_space<hbm>>
    tpu.wait_dma2 semaphore(%dma_wait3A_269 : memref<!tpu.dma_semaphore, #tpu.memory_space<semaphore_mem>>) src(%dma_wait3A_275 : memref<64x128xi32, #tpu.memory_space<hbm>>) dst(%dma_wait3A_272 : memref<64x128xi32, #tpu.memory_space<vmem>>)
    %dma_wait3A_276 = arith.constant 0 : i32
    %dma_wait3A_277 = arith.constant 0 : i32
    %dma_wait3A_278 = arith.constant 0 : i32
    %dma_wait3A_279 = tpu.memref_slice %arg6[%dma_wait3A_277, %dma_wait3A_278] : memref<128x128xi32, #tpu.memory_space<vmem>> -> memref<64x128xi32, #tpu.memory_space<vmem>>
    %dma_wait3A_280 = arith.constant 0 : i32
    %dma_wait3A_281 = arith.constant 0 : i32
    %dma_wait3A_282 = tpu.memref_slice %arg2[%dma_wait3A_280, %dma_wait3A_281] : memref<16384x200xi32, #tpu.memory_space<hbm>> -> memref<64x128xi32, #tpu.memory_space<hbm>>
    %dma_wait3A_283 = tpu.memref_slice %arg7[%dma_wait3A_276] : memref<2x!tpu.dma_semaphore, #tpu.memory_space<semaphore_mem>> -> memref<1x!tpu.dma_semaphore, #tpu.memory_space<semaphore_mem>>
    %dma_wait3A_284 = tpu.memref_squeeze %dma_wait3A_283 : memref<1x!tpu.dma_semaphore, #tpu.memory_space<semaphore_mem>> -> memref<!tpu.dma_semaphore, #tpu.memory_space<semaphore_mem>>
    %dma_wait3A_285 = arith.constant 0 : i32
    %dma_wait3A_286 = arith.constant 0 : i32
    %dma_wait3A_287 = tpu.memref_slice %arg6[%dma_wait3A_285, %dma_wait3A_286] : memref<128x128xi32, #tpu.memory_space<vmem>> -> memref<64x128xi32, #tpu.memory_space<vmem>>
    %dma_wait3A_288 = arith.constant 0 : i32
    %dma_wait3A_289 = arith.constant 0 : i32
    %dma_wait3A_290 = tpu.memref_slice %arg2[%dma_wait3A_288, %dma_wait3A_289] : memref<16384x200xi32, #tpu.memory_space<hbm>> -> memref<64x128xi32, #tpu.memory_space<hbm>>
    tpu.wait_dma2 semaphore(%dma_wait3A_284 : memref<!tpu.dma_semaphore, #tpu.memory_space<semaphore_mem>>) src(%dma_wait3A_290 : memref<64x128xi32, #tpu.memory_space<hbm>>) dst(%dma_wait3A_287 : memref<64x128xi32, #tpu.memory_space<vmem>>)
    %add3A_291 = arith.constant 128 : i32
    %add3A_292 = arith.addi %mul3A_2, %add3A_291 : i32
    %dma_start3A_293 = arith.constant 0 : i32
    %dma_start3A_294 = arith.constant 0 : i32
    %dma_start3A_295 = tpu.memref_slice %arg5[%dma_start3A_293, %dma_start3A_294] : memref<128x128xi32, #tpu.memory_space<vmem>> -> memref<64x128xi32, #tpu.memory_space<vmem>>
    %dma_start3A_296 = arith.constant 0 : i32
    %dma_start3A_297 = tpu.memref_slice %arg3[%add3A_292, %dma_start3A_296] : memref<16384x128xi32, #tpu.memory_space<hbm>> -> memref<64x128xi32, #tpu.memory_space<hbm>>
    %dma_start3A_298 = arith.constant 0 : i32
    %dma_start3A_299 = tpu.memref_slice %arg3[%add3A_292, %dma_start3A_298] : memref<16384x128xi32, #tpu.memory_space<hbm>> -> memref<64x128xi32, #tpu.memory_space<hbm>>
    %dma_start3A_300 = arith.constant 0 : i32
    %dma_start3A_301 = arith.constant 0 : i32
    %dma_start3A_302 = tpu.memref_slice %arg5[%dma_start3A_300, %dma_start3A_301] : memref<128x128xi32, #tpu.memory_space<vmem>> -> memref<64x128xi32, #tpu.memory_space<vmem>>
    tpu.enqueue_dma source(%dma_start3A_302 : memref<64x128xi32, #tpu.memory_space<vmem>>) target(%dma_start3A_299 : memref<64x128xi32, #tpu.memory_space<hbm>>) target_semaphore(%arg8 : memref<!tpu.dma_semaphore, #tpu.memory_space<semaphore_mem>>)
    %dma_start3A_303 = arith.constant 0 : i32
    %dma_start3A_304 = arith.constant 0 : i32
    %dma_start3A_305 = tpu.memref_slice %arg6[%dma_start3A_303, %dma_start3A_304] : memref<128x128xi32, #tpu.memory_space<vmem>> -> memref<64x128xi32, #tpu.memory_space<vmem>>
    %dma_start3A_306 = arith.constant 0 : i32
    %dma_start3A_307 = tpu.memref_slice %arg4[%add3A_292, %dma_start3A_306] : memref<16384x128xi32, #tpu.memory_space<hbm>> -> memref<64x128xi32, #tpu.memory_space<hbm>>
    %dma_start3A_308 = arith.constant 0 : i32
    %dma_start3A_309 = tpu.memref_slice %arg4[%add3A_292, %dma_start3A_308] : memref<16384x128xi32, #tpu.memory_space<hbm>> -> memref<64x128xi32, #tpu.memory_space<hbm>>
    %dma_start3A_310 = arith.constant 0 : i32
    %dma_start3A_311 = arith.constant 0 : i32
    %dma_start3A_312 = tpu.memref_slice %arg6[%dma_start3A_310, %dma_start3A_311] : memref<128x128xi32, #tpu.memory_space<vmem>> -> memref<64x128xi32, #tpu.memory_space<vmem>>
    tpu.enqueue_dma source(%dma_start3A_312 : memref<64x128xi32, #tpu.memory_space<vmem>>) target(%dma_start3A_309 : memref<64x128xi32, #tpu.memory_space<hbm>>) target_semaphore(%arg8 : memref<!tpu.dma_semaphore, #tpu.memory_space<semaphore_mem>>)
    %dma_wait3A_313 = arith.constant 0 : i32
    %dma_wait3A_314 = arith.constant 0 : i32
    %dma_wait3A_315 = tpu.memref_slice %arg5[%dma_wait3A_313, %dma_wait3A_314] : memref<128x128xi32, #tpu.memory_space<vmem>> -> memref<64x128xi32, #tpu.memory_space<vmem>>
    %dma_wait3A_316 = arith.constant 0 : i32
    %dma_wait3A_317 = arith.constant 0 : i32
    %dma_wait3A_318 = tpu.memref_slice %arg3[%dma_wait3A_316, %dma_wait3A_317] : memref<16384x128xi32, #tpu.memory_space<hbm>> -> memref<64x128xi32, #tpu.memory_space<hbm>>
    %dma_wait3A_319 = arith.constant 0 : i32
    %dma_wait3A_320 = arith.constant 0 : i32
    %dma_wait3A_321 = tpu.memref_slice %arg3[%dma_wait3A_319, %dma_wait3A_320] : memref<16384x128xi32, #tpu.memory_space<hbm>> -> memref<64x128xi32, #tpu.memory_space<hbm>>
    %dma_wait3A_322 = arith.constant 0 : i32
    %dma_wait3A_323 = arith.constant 0 : i32
    %dma_wait3A_324 = tpu.memref_slice %arg5[%dma_wait3A_322, %dma_wait3A_323] : memref<128x128xi32, #tpu.memory_space<vmem>> -> memref<64x128xi32, #tpu.memory_space<vmem>>
    tpu.wait_dma2 semaphore(%arg8 : memref<!tpu.dma_semaphore, #tpu.memory_space<semaphore_mem>>) src(%dma_wait3A_324 : memref<64x128xi32, #tpu.memory_space<vmem>>) dst(%dma_wait3A_321 : memref<64x128xi32, #tpu.memory_space<hbm>>)
    %dma_wait3A_325 = arith.constant 0 : i32
    %dma_wait3A_326 = arith.constant 0 : i32
    %dma_wait3A_327 = tpu.memref_slice %arg6[%dma_wait3A_325, %dma_wait3A_326] : memref<128x128xi32, #tpu.memory_space<vmem>> -> memref<64x128xi32, #tpu.memory_space<vmem>>
    %dma_wait3A_328 = arith.constant 0 : i32
    %dma_wait3A_329 = arith.constant 0 : i32
    %dma_wait3A_330 = tpu.memref_slice %arg4[%dma_wait3A_328, %dma_wait3A_329] : memref<16384x128xi32, #tpu.memory_space<hbm>> -> memref<64x128xi32, #tpu.memory_space<hbm>>
    %dma_wait3A_331 = arith.constant 0 : i32
    %dma_wait3A_332 = arith.constant 0 : i32
    %dma_wait3A_333 = tpu.memref_slice %arg4[%dma_wait3A_331, %dma_wait3A_332] : memref<16384x128xi32, #tpu.memory_space<hbm>> -> memref<64x128xi32, #tpu.memory_space<hbm>>
    %dma_wait3A_334 = arith.constant 0 : i32
    %dma_wait3A_335 = arith.constant 0 : i32
    %dma_wait3A_336 = tpu.memref_slice %arg6[%dma_wait3A_334, %dma_wait3A_335] : memref<128x128xi32, #tpu.memory_space<vmem>> -> memref<64x128xi32, #tpu.memory_space<vmem>>
    tpu.wait_dma2 semaphore(%arg8 : memref<!tpu.dma_semaphore, #tpu.memory_space<semaphore_mem>>) src(%dma_wait3A_336 : memref<64x128xi32, #tpu.memory_space<vmem>>) dst(%dma_wait3A_333 : memref<64x128xi32, #tpu.memory_space<hbm>>)
    %add3A_337 = arith.constant 256 : i32
    %add3A_338 = arith.addi %mul3A_2, %add3A_337 : i32
    %dma_start3A_339 = arith.constant 0 : i32
    %dma_start3A_340 = arith.constant 0 : i32
    %dma_start3A_341 = arith.constant 0 : i32
    %dma_start3A_342 = tpu.memref_slice %arg5[%dma_start3A_340, %dma_start3A_341] : memref<128x128xi32, #tpu.memory_space<vmem>> -> memref<64x128xi32, #tpu.memory_space<vmem>>
    %dma_start3A_343 = arith.constant 0 : i32
    %dma_start3A_344 = tpu.memref_slice %arg2[%add3A_338, %dma_start3A_343] : memref<16384x200xi32, #tpu.memory_space<hbm>> -> memref<64x128xi32, #tpu.memory_space<hbm>>
    %dma_start3A_345 = tpu.memref_slice %arg7[%dma_start3A_339] : memref<2x!tpu.dma_semaphore, #tpu.memory_space<semaphore_mem>> -> memref<1x!tpu.dma_semaphore, #tpu.memory_space<semaphore_mem>>
    %dma_start3A_346 = tpu.memref_squeeze %dma_start3A_345 : memref<1x!tpu.dma_semaphore, #tpu.memory_space<semaphore_mem>> -> memref<!tpu.dma_semaphore, #tpu.memory_space<semaphore_mem>>
    %dma_start3A_347 = arith.constant 0 : i32
    %dma_start3A_348 = arith.constant 0 : i32
    %dma_start3A_349 = tpu.memref_slice %arg5[%dma_start3A_347, %dma_start3A_348] : memref<128x128xi32, #tpu.memory_space<vmem>> -> memref<64x128xi32, #tpu.memory_space<vmem>>
    %dma_start3A_350 = arith.constant 0 : i32
    %dma_start3A_351 = tpu.memref_slice %arg2[%add3A_338, %dma_start3A_350] : memref<16384x200xi32, #tpu.memory_space<hbm>> -> memref<64x128xi32, #tpu.memory_space<hbm>>
    tpu.enqueue_dma source(%dma_start3A_351 : memref<64x128xi32, #tpu.memory_space<hbm>>) target(%dma_start3A_349 : memref<64x128xi32, #tpu.memory_space<vmem>>) target_semaphore(%dma_start3A_346 : memref<!tpu.dma_semaphore, #tpu.memory_space<semaphore_mem>>)
    %dma_start3A_352 = arith.constant 0 : i32
    %dma_start3A_353 = arith.constant 0 : i32
    %dma_start3A_354 = arith.constant 0 : i32
    %dma_start3A_355 = tpu.memref_slice %arg6[%dma_start3A_353, %dma_start3A_354] : memref<128x128xi32, #tpu.memory_space<vmem>> -> memref<64x128xi32, #tpu.memory_space<vmem>>
    %dma_start3A_356 = tpu.memref_slice %arg2[%add3A_338, %multiple_of3A] : memref<16384x200xi32, #tpu.memory_space<hbm>> -> memref<64x128xi32, #tpu.memory_space<hbm>>
    %dma_start3A_357 = tpu.memref_slice %arg7[%dma_start3A_352] : memref<2x!tpu.dma_semaphore, #tpu.memory_space<semaphore_mem>> -> memref<1x!tpu.dma_semaphore, #tpu.memory_space<semaphore_mem>>
    %dma_start3A_358 = tpu.memref_squeeze %dma_start3A_357 : memref<1x!tpu.dma_semaphore, #tpu.memory_space<semaphore_mem>> -> memref<!tpu.dma_semaphore, #tpu.memory_space<semaphore_mem>>
    %dma_start3A_359 = arith.constant 0 : i32
    %dma_start3A_360 = arith.constant 0 : i32
    %dma_start3A_361 = tpu.memref_slice %arg6[%dma_start3A_359, %dma_start3A_360] : memref<128x128xi32, #tpu.memory_space<vmem>> -> memref<64x128xi32, #tpu.memory_space<vmem>>
    %dma_start3A_362 = tpu.memref_slice %arg2[%add3A_338, %multiple_of3A] : memref<16384x200xi32, #tpu.memory_space<hbm>> -> memref<64x128xi32, #tpu.memory_space<hbm>>
    tpu.enqueue_dma source(%dma_start3A_362 : memref<64x128xi32, #tpu.memory_space<hbm>>) target(%dma_start3A_361 : memref<64x128xi32, #tpu.memory_space<vmem>>) target_semaphore(%dma_start3A_358 : memref<!tpu.dma_semaphore, #tpu.memory_space<semaphore_mem>>)
    %dma_wait3A_363 = arith.constant 1 : i32
    %dma_wait3A_364 = arith.constant 64 : i32
    %dma_wait3A_365 = arith.constant 0 : i32
    %dma_wait3A_366 = tpu.memref_slice %arg5[%dma_wait3A_364, %dma_wait3A_365] : memref<128x128xi32, #tpu.memory_space<vmem>> -> memref<64x128xi32, #tpu.memory_space<vmem>>
    %dma_wait3A_367 = arith.constant 0 : i32
    %dma_wait3A_368 = arith.constant 0 : i32
    %dma_wait3A_369 = tpu.memref_slice %arg2[%dma_wait3A_367, %dma_wait3A_368] : memref<16384x200xi32, #tpu.memory_space<hbm>> -> memref<64x128xi32, #tpu.memory_space<hbm>>
    %dma_wait3A_370 = tpu.memref_slice %arg7[%dma_wait3A_363] : memref<2x!tpu.dma_semaphore, #tpu.memory_space<semaphore_mem>> -> memref<1x!tpu.dma_semaphore, #tpu.memory_space<semaphore_mem>>
    %dma_wait3A_371 = tpu.memref_squeeze %dma_wait3A_370 : memref<1x!tpu.dma_semaphore, #tpu.memory_space<semaphore_mem>> -> memref<!tpu.dma_semaphore, #tpu.memory_space<semaphore_mem>>
    %dma_wait3A_372 = arith.constant 64 : i32
    %dma_wait3A_373 = arith.constant 0 : i32
    %dma_wait3A_374 = tpu.memref_slice %arg5[%dma_wait3A_372, %dma_wait3A_373] : memref<128x128xi32, #tpu.memory_space<vmem>> -> memref<64x128xi32, #tpu.memory_space<vmem>>
    %dma_wait3A_375 = arith.constant 0 : i32
    %dma_wait3A_376 = arith.constant 0 : i32
    %dma_wait3A_377 = tpu.memref_slice %arg2[%dma_wait3A_375, %dma_wait3A_376] : memref<16384x200xi32, #tpu.memory_space<hbm>> -> memref<64x128xi32, #tpu.memory_space<hbm>>
    tpu.wait_dma2 semaphore(%dma_wait3A_371 : memref<!tpu.dma_semaphore, #tpu.memory_space<semaphore_mem>>) src(%dma_wait3A_377 : memref<64x128xi32, #tpu.memory_space<hbm>>) dst(%dma_wait3A_374 : memref<64x128xi32, #tpu.memory_space<vmem>>)
    %dma_wait3A_378 = arith.constant 1 : i32
    %dma_wait3A_379 = arith.constant 64 : i32
    %dma_wait3A_380 = arith.constant 0 : i32
    %dma_wait3A_381 = tpu.memref_slice %arg6[%dma_wait3A_379, %dma_wait3A_380] : memref<128x128xi32, #tpu.memory_space<vmem>> -> memref<64x128xi32, #tpu.memory_space<vmem>>
    %dma_wait3A_382 = arith.constant 0 : i32
    %dma_wait3A_383 = arith.constant 0 : i32
    %dma_wait3A_384 = tpu.memref_slice %arg2[%dma_wait3A_382, %dma_wait3A_383] : memref<16384x200xi32, #tpu.memory_space<hbm>> -> memref<64x128xi32, #tpu.memory_space<hbm>>
    %dma_wait3A_385 = tpu.memref_slice %arg7[%dma_wait3A_378] : memref<2x!tpu.dma_semaphore, #tpu.memory_space<semaphore_mem>> -> memref<1x!tpu.dma_semaphore, #tpu.memory_space<semaphore_mem>>
    %dma_wait3A_386 = tpu.memref_squeeze %dma_wait3A_385 : memref<1x!tpu.dma_semaphore, #tpu.memory_space<semaphore_mem>> -> memref<!tpu.dma_semaphore, #tpu.memory_space<semaphore_mem>>
    %dma_wait3A_387 = arith.constant 64 : i32
    %dma_wait3A_388 = arith.constant 0 : i32
    %dma_wait3A_389 = tpu.memref_slice %arg6[%dma_wait3A_387, %dma_wait3A_388] : memref<128x128xi32, #tpu.memory_space<vmem>> -> memref<64x128xi32, #tpu.memory_space<vmem>>
    %dma_wait3A_390 = arith.constant 0 : i32
    %dma_wait3A_391 = arith.constant 0 : i32
    %dma_wait3A_392 = tpu.memref_slice %arg2[%dma_wait3A_390, %dma_wait3A_391] : memref<16384x200xi32, #tpu.memory_space<hbm>> -> memref<64x128xi32, #tpu.memory_space<hbm>>
    tpu.wait_dma2 semaphore(%dma_wait3A_386 : memref<!tpu.dma_semaphore, #tpu.memory_space<semaphore_mem>>) src(%dma_wait3A_392 : memref<64x128xi32, #tpu.memory_space<hbm>>) dst(%dma_wait3A_389 : memref<64x128xi32, #tpu.memory_space<vmem>>)
    %add3A_393 = arith.constant 192 : i32
    %add3A_394 = arith.addi %mul3A_2, %add3A_393 : i32
    %dma_start3A_395 = arith.constant 64 : i32
    %dma_start3A_396 = arith.constant 0 : i32
    %dma_start3A_397 = tpu.memref_slice %arg5[%dma_start3A_395, %dma_start3A_396] : memref<128x128xi32, #tpu.memory_space<vmem>> -> memref<64x128xi32, #tpu.memory_space<vmem>>
    %dma_start3A_398 = arith.constant 0 : i32
    %dma_start3A_399 = tpu.memref_slice %arg3[%add3A_394, %dma_start3A_398] : memref<16384x128xi32, #tpu.memory_space<hbm>> -> memref<64x128xi32, #tpu.memory_space<hbm>>
    %dma_start3A_400 = arith.constant 0 : i32
    %dma_start3A_401 = tpu.memref_slice %arg3[%add3A_394, %dma_start3A_400] : memref<16384x128xi32, #tpu.memory_space<hbm>> -> memref<64x128xi32, #tpu.memory_space<hbm>>
    %dma_start3A_402 = arith.constant 64 : i32
    %dma_start3A_403 = arith.constant 0 : i32
    %dma_start3A_404 = tpu.memref_slice %arg5[%dma_start3A_402, %dma_start3A_403] : memref<128x128xi32, #tpu.memory_space<vmem>> -> memref<64x128xi32, #tpu.memory_space<vmem>>
    tpu.enqueue_dma source(%dma_start3A_404 : memref<64x128xi32, #tpu.memory_space<vmem>>) target(%dma_start3A_401 : memref<64x128xi32, #tpu.memory_space<hbm>>) target_semaphore(%arg8 : memref<!tpu.dma_semaphore, #tpu.memory_space<semaphore_mem>>)
    %dma_start3A_405 = arith.constant 64 : i32
    %dma_start3A_406 = arith.constant 0 : i32
    %dma_start3A_407 = tpu.memref_slice %arg6[%dma_start3A_405, %dma_start3A_406] : memref<128x128xi32, #tpu.memory_space<vmem>> -> memref<64x128xi32, #tpu.memory_space<vmem>>
    %dma_start3A_408 = arith.constant 0 : i32
    %dma_start3A_409 = tpu.memref_slice %arg4[%add3A_394, %dma_start3A_408] : memref<16384x128xi32, #tpu.memory_space<hbm>> -> memref<64x128xi32, #tpu.memory_space<hbm>>
    %dma_start3A_410 = arith.constant 0 : i32
    %dma_start3A_411 = tpu.memref_slice %arg4[%add3A_394, %dma_start3A_410] : memref<16384x128xi32, #tpu.memory_space<hbm>> -> memref<64x128xi32, #tpu.memory_space<hbm>>
    %dma_start3A_412 = arith.constant 64 : i32
    %dma_start3A_413 = arith.constant 0 : i32
    %dma_start3A_414 = tpu.memref_slice %arg6[%dma_start3A_412, %dma_start3A_413] : memref<128x128xi32, #tpu.memory_space<vmem>> -> memref<64x128xi32, #tpu.memory_space<vmem>>
    tpu.enqueue_dma source(%dma_start3A_414 : memref<64x128xi32, #tpu.memory_space<vmem>>) target(%dma_start3A_411 : memref<64x128xi32, #tpu.memory_space<hbm>>) target_semaphore(%arg8 : memref<!tpu.dma_semaphore, #tpu.memory_space<semaphore_mem>>)
    %dma_wait3A_415 = arith.constant 0 : i32
    %dma_wait3A_416 = arith.constant 0 : i32
    %dma_wait3A_417 = tpu.memref_slice %arg5[%dma_wait3A_415, %dma_wait3A_416] : memref<128x128xi32, #tpu.memory_space<vmem>> -> memref<64x128xi32, #tpu.memory_space<vmem>>
    %dma_wait3A_418 = arith.constant 0 : i32
    %dma_wait3A_419 = arith.constant 0 : i32
    %dma_wait3A_420 = tpu.memref_slice %arg3[%dma_wait3A_418, %dma_wait3A_419] : memref<16384x128xi32, #tpu.memory_space<hbm>> -> memref<64x128xi32, #tpu.memory_space<hbm>>
    %dma_wait3A_421 = arith.constant 0 : i32
    %dma_wait3A_422 = arith.constant 0 : i32
    %dma_wait3A_423 = tpu.memref_slice %arg3[%dma_wait3A_421, %dma_wait3A_422] : memref<16384x128xi32, #tpu.memory_space<hbm>> -> memref<64x128xi32, #tpu.memory_space<hbm>>
    %dma_wait3A_424 = arith.constant 0 : i32
    %dma_wait3A_425 = arith.constant 0 : i32
    %dma_wait3A_426 = tpu.memref_slice %arg5[%dma_wait3A_424, %dma_wait3A_425] : memref<128x128xi32, #tpu.memory_space<vmem>> -> memref<64x128xi32, #tpu.memory_space<vmem>>
    tpu.wait_dma2 semaphore(%arg8 : memref<!tpu.dma_semaphore, #tpu.memory_space<semaphore_mem>>) src(%dma_wait3A_426 : memref<64x128xi32, #tpu.memory_space<vmem>>) dst(%dma_wait3A_423 : memref<64x128xi32, #tpu.memory_space<hbm>>)
    %dma_wait3A_427 = arith.constant 0 : i32
    %dma_wait3A_428 = arith.constant 0 : i32
    %dma_wait3A_429 = tpu.memref_slice %arg6[%dma_wait3A_427, %dma_wait3A_428] : memref<128x128xi32, #tpu.memory_space<vmem>> -> memref<64x128xi32, #tpu.memory_space<vmem>>
    %dma_wait3A_430 = arith.constant 0 : i32
    %dma_wait3A_431 = arith.constant 0 : i32
    %dma_wait3A_432 = tpu.memref_slice %arg4[%dma_wait3A_430, %dma_wait3A_431] : memref<16384x128xi32, #tpu.memory_space<hbm>> -> memref<64x128xi32, #tpu.memory_space<hbm>>
    %dma_wait3A_433 = arith.constant 0 : i32
    %dma_wait3A_434 = arith.constant 0 : i32
    %dma_wait3A_435 = tpu.memref_slice %arg4[%dma_wait3A_433, %dma_wait3A_434] : memref<16384x128xi32, #tpu.memory_space<hbm>> -> memref<64x128xi32, #tpu.memory_space<hbm>>
    %dma_wait3A_436 = arith.constant 0 : i32
    %dma_wait3A_437 = arith.constant 0 : i32
    %dma_wait3A_438 = tpu.memref_slice %arg6[%dma_wait3A_436, %dma_wait3A_437] : memref<128x128xi32, #tpu.memory_space<vmem>> -> memref<64x128xi32, #tpu.memory_space<vmem>>
    tpu.wait_dma2 semaphore(%arg8 : memref<!tpu.dma_semaphore, #tpu.memory_space<semaphore_mem>>) src(%dma_wait3A_438 : memref<64x128xi32, #tpu.memory_space<vmem>>) dst(%dma_wait3A_435 : memref<64x128xi32, #tpu.memory_space<hbm>>)
    %add3A_439 = arith.constant 320 : i32
    %add3A_440 = arith.addi %mul3A_2, %add3A_439 : i32
    %dma_start3A_441 = arith.constant 1 : i32
    %dma_start3A_442 = arith.constant 64 : i32
    %dma_start3A_443 = arith.constant 0 : i32
    %dma_start3A_444 = tpu.memref_slice %arg5[%dma_start3A_442, %dma_start3A_443] : memref<128x128xi32, #tpu.memory_space<vmem>> -> memref<64x128xi32, #tpu.memory_space<vmem>>
    %dma_start3A_445 = arith.constant 0 : i32
    %dma_start3A_446 = tpu.memref_slice %arg2[%add3A_440, %dma_start3A_445] : memref<16384x200xi32, #tpu.memory_space<hbm>> -> memref<64x128xi32, #tpu.memory_space<hbm>>
    %dma_start3A_447 = tpu.memref_slice %arg7[%dma_start3A_441] : memref<2x!tpu.dma_semaphore, #tpu.memory_space<semaphore_mem>> -> memref<1x!tpu.dma_semaphore, #tpu.memory_space<semaphore_mem>>
    %dma_start3A_448 = tpu.memref_squeeze %dma_start3A_447 : memref<1x!tpu.dma_semaphore, #tpu.memory_space<semaphore_mem>> -> memref<!tpu.dma_semaphore, #tpu.memory_space<semaphore_mem>>
    %dma_start3A_449 = arith.constant 64 : i32
    %dma_start3A_450 = arith.constant 0 : i32
    %dma_start3A_451 = tpu.memref_slice %arg5[%dma_start3A_449, %dma_start3A_450] : memref<128x128xi32, #tpu.memory_space<vmem>> -> memref<64x128xi32, #tpu.memory_space<vmem>>
    %dma_start3A_452 = arith.constant 0 : i32
    %dma_start3A_453 = tpu.memref_slice %arg2[%add3A_440, %dma_start3A_452] : memref<16384x200xi32, #tpu.memory_space<hbm>> -> memref<64x128xi32, #tpu.memory_space<hbm>>
    tpu.enqueue_dma source(%dma_start3A_453 : memref<64x128xi32, #tpu.memory_space<hbm>>) target(%dma_start3A_451 : memref<64x128xi32, #tpu.memory_space<vmem>>) target_semaphore(%dma_start3A_448 : memref<!tpu.dma_semaphore, #tpu.memory_space<semaphore_mem>>)
    %dma_start3A_454 = arith.constant 1 : i32
    %dma_start3A_455 = arith.constant 64 : i32
    %dma_start3A_456 = arith.constant 0 : i32
    %dma_start3A_457 = tpu.memref_slice %arg6[%dma_start3A_455, %dma_start3A_456] : memref<128x128xi32, #tpu.memory_space<vmem>> -> memref<64x128xi32, #tpu.memory_space<vmem>>
    %dma_start3A_458 = tpu.memref_slice %arg2[%add3A_440, %multiple_of3A] : memref<16384x200xi32, #tpu.memory_space<hbm>> -> memref<64x128xi32, #tpu.memory_space<hbm>>
    %dma_start3A_459 = tpu.memref_slice %arg7[%dma_start3A_454] : memref<2x!tpu.dma_semaphore, #tpu.memory_space<semaphore_mem>> -> memref<1x!tpu.dma_semaphore, #tpu.memory_space<semaphore_mem>>
    %dma_start3A_460 = tpu.memref_squeeze %dma_start3A_459 : memref<1x!tpu.dma_semaphore, #tpu.memory_space<semaphore_mem>> -> memref<!tpu.dma_semaphore, #tpu.memory_space<semaphore_mem>>
    %dma_start3A_461 = arith.constant 64 : i32
    %dma_start3A_462 = arith.constant 0 : i32
    %dma_start3A_463 = tpu.memref_slice %arg6[%dma_start3A_461, %dma_start3A_462] : memref<128x128xi32, #tpu.memory_space<vmem>> -> memref<64x128xi32, #tpu.memory_space<vmem>>
    %dma_start3A_464 = tpu.memref_slice %arg2[%add3A_440, %multiple_of3A] : memref<16384x200xi32, #tpu.memory_space<hbm>> -> memref<64x128xi32, #tpu.memory_space<hbm>>
    tpu.enqueue_dma source(%dma_start3A_464 : memref<64x128xi32, #tpu.memory_space<hbm>>) target(%dma_start3A_463 : memref<64x128xi32, #tpu.memory_space<vmem>>) target_semaphore(%dma_start3A_460 : memref<!tpu.dma_semaphore, #tpu.memory_space<semaphore_mem>>)
    %dma_wait3A_465 = arith.constant 0 : i32
    %dma_wait3A_466 = arith.constant 0 : i32
    %dma_wait3A_467 = arith.constant 0 : i32
    %dma_wait3A_468 = tpu.memref_slice %arg5[%dma_wait3A_466, %dma_wait3A_467] : memref<128x128xi32, #tpu.memory_space<vmem>> -> memref<64x128xi32, #tpu.memory_space<vmem>>
    %dma_wait3A_469 = arith.constant 0 : i32
    %dma_wait3A_470 = arith.constant 0 : i32
    %dma_wait3A_471 = tpu.memref_slice %arg2[%dma_wait3A_469, %dma_wait3A_470] : memref<16384x200xi32, #tpu.memory_space<hbm>> -> memref<64x128xi32, #tpu.memory_space<hbm>>
    %dma_wait3A_472 = tpu.memref_slice %arg7[%dma_wait3A_465] : memref<2x!tpu.dma_semaphore, #tpu.memory_space<semaphore_mem>> -> memref<1x!tpu.dma_semaphore, #tpu.memory_space<semaphore_mem>>
    %dma_wait3A_473 = tpu.memref_squeeze %dma_wait3A_472 : memref<1x!tpu.dma_semaphore, #tpu.memory_space<semaphore_mem>> -> memref<!tpu.dma_semaphore, #tpu.memory_space<semaphore_mem>>
    %dma_wait3A_474 = arith.constant 0 : i32
    %dma_wait3A_475 = arith.constant 0 : i32
    %dma_wait3A_476 = tpu.memref_slice %arg5[%dma_wait3A_474, %dma_wait3A_475] : memref<128x128xi32, #tpu.memory_space<vmem>> -> memref<64x128xi32, #tpu.memory_space<vmem>>
    %dma_wait3A_477 = arith.constant 0 : i32
    %dma_wait3A_478 = arith.constant 0 : i32
    %dma_wait3A_479 = tpu.memref_slice %arg2[%dma_wait3A_477, %dma_wait3A_478] : memref<16384x200xi32, #tpu.memory_space<hbm>> -> memref<64x128xi32, #tpu.memory_space<hbm>>
    tpu.wait_dma2 semaphore(%dma_wait3A_473 : memref<!tpu.dma_semaphore, #tpu.memory_space<semaphore_mem>>) src(%dma_wait3A_479 : memref<64x128xi32, #tpu.memory_space<hbm>>) dst(%dma_wait3A_476 : memref<64x128xi32, #tpu.memory_space<vmem>>)
    %dma_wait3A_480 = arith.constant 0 : i32
    %dma_wait3A_481 = arith.constant 0 : i32
    %dma_wait3A_482 = arith.constant 0 : i32
    %dma_wait3A_483 = tpu.memref_slice %arg6[%dma_wait3A_481, %dma_wait3A_482] : memref<128x128xi32, #tpu.memory_space<vmem>> -> memref<64x128xi32, #tpu.memory_space<vmem>>
    %dma_wait3A_484 = arith.constant 0 : i32
    %dma_wait3A_485 = arith.constant 0 : i32
    %dma_wait3A_486 = tpu.memref_slice %arg2[%dma_wait3A_484, %dma_wait3A_485] : memref<16384x200xi32, #tpu.memory_space<hbm>> -> memref<64x128xi32, #tpu.memory_space<hbm>>
    %dma_wait3A_487 = tpu.memref_slice %arg7[%dma_wait3A_480] : memref<2x!tpu.dma_semaphore, #tpu.memory_space<semaphore_mem>> -> memref<1x!tpu.dma_semaphore, #tpu.memory_space<semaphore_mem>>
    %dma_wait3A_488 = tpu.memref_squeeze %dma_wait3A_487 : memref<1x!tpu.dma_semaphore, #tpu.memory_space<semaphore_mem>> -> memref<!tpu.dma_semaphore, #tpu.memory_space<semaphore_mem>>
    %dma_wait3A_489 = arith.constant 0 : i32
    %dma_wait3A_490 = arith.constant 0 : i32
    %dma_wait3A_491 = tpu.memref_slice %arg6[%dma_wait3A_489, %dma_wait3A_490] : memref<128x128xi32, #tpu.memory_space<vmem>> -> memref<64x128xi32, #tpu.memory_space<vmem>>
    %dma_wait3A_492 = arith.constant 0 : i32
    %dma_wait3A_493 = arith.constant 0 : i32
    %dma_wait3A_494 = tpu.memref_slice %arg2[%dma_wait3A_492, %dma_wait3A_493] : memref<16384x200xi32, #tpu.memory_space<hbm>> -> memref<64x128xi32, #tpu.memory_space<hbm>>
    tpu.wait_dma2 semaphore(%dma_wait3A_488 : memref<!tpu.dma_semaphore, #tpu.memory_space<semaphore_mem>>) src(%dma_wait3A_494 : memref<64x128xi32, #tpu.memory_space<hbm>>) dst(%dma_wait3A_491 : memref<64x128xi32, #tpu.memory_space<vmem>>)
    %add3A_495 = arith.constant 256 : i32
    %add3A_496 = arith.addi %mul3A_2, %add3A_495 : i32
    %dma_start3A_497 = arith.constant 0 : i32
    %dma_start3A_498 = arith.constant 0 : i32
    %dma_start3A_499 = tpu.memref_slice %arg5[%dma_start3A_497, %dma_start3A_498] : memref<128x128xi32, #tpu.memory_space<vmem>> -> memref<64x128xi32, #tpu.memory_space<vmem>>
    %dma_start3A_500 = arith.constant 0 : i32
    %dma_start3A_501 = tpu.memref_slice %arg3[%add3A_496, %dma_start3A_500] : memref<16384x128xi32, #tpu.memory_space<hbm>> -> memref<64x128xi32, #tpu.memory_space<hbm>>
    %dma_start3A_502 = arith.constant 0 : i32
    %dma_start3A_503 = tpu.memref_slice %arg3[%add3A_496, %dma_start3A_502] : memref<16384x128xi32, #tpu.memory_space<hbm>> -> memref<64x128xi32, #tpu.memory_space<hbm>>
    %dma_start3A_504 = arith.constant 0 : i32
    %dma_start3A_505 = arith.constant 0 : i32
    %dma_start3A_506 = tpu.memref_slice %arg5[%dma_start3A_504, %dma_start3A_505] : memref<128x128xi32, #tpu.memory_space<vmem>> -> memref<64x128xi32, #tpu.memory_space<vmem>>
    tpu.enqueue_dma source(%dma_start3A_506 : memref<64x128xi32, #tpu.memory_space<vmem>>) target(%dma_start3A_503 : memref<64x128xi32, #tpu.memory_space<hbm>>) target_semaphore(%arg8 : memref<!tpu.dma_semaphore, #tpu.memory_space<semaphore_mem>>)
    %dma_start3A_507 = arith.constant 0 : i32
    %dma_start3A_508 = arith.constant 0 : i32
    %dma_start3A_509 = tpu.memref_slice %arg6[%dma_start3A_507, %dma_start3A_508] : memref<128x128xi32, #tpu.memory_space<vmem>> -> memref<64x128xi32, #tpu.memory_space<vmem>>
    %dma_start3A_510 = arith.constant 0 : i32
    %dma_start3A_511 = tpu.memref_slice %arg4[%add3A_496, %dma_start3A_510] : memref<16384x128xi32, #tpu.memory_space<hbm>> -> memref<64x128xi32, #tpu.memory_space<hbm>>
    %dma_start3A_512 = arith.constant 0 : i32
    %dma_start3A_513 = tpu.memref_slice %arg4[%add3A_496, %dma_start3A_512] : memref<16384x128xi32, #tpu.memory_space<hbm>> -> memref<64x128xi32, #tpu.memory_space<hbm>>
    %dma_start3A_514 = arith.constant 0 : i32
    %dma_start3A_515 = arith.constant 0 : i32
    %dma_start3A_516 = tpu.memref_slice %arg6[%dma_start3A_514, %dma_start3A_515] : memref<128x128xi32, #tpu.memory_space<vmem>> -> memref<64x128xi32, #tpu.memory_space<vmem>>
    tpu.enqueue_dma source(%dma_start3A_516 : memref<64x128xi32, #tpu.memory_space<vmem>>) target(%dma_start3A_513 : memref<64x128xi32, #tpu.memory_space<hbm>>) target_semaphore(%arg8 : memref<!tpu.dma_semaphore, #tpu.memory_space<semaphore_mem>>)
    %dma_wait3A_517 = arith.constant 0 : i32
    %dma_wait3A_518 = arith.constant 0 : i32
    %dma_wait3A_519 = tpu.memref_slice %arg5[%dma_wait3A_517, %dma_wait3A_518] : memref<128x128xi32, #tpu.memory_space<vmem>> -> memref<64x128xi32, #tpu.memory_space<vmem>>
    %dma_wait3A_520 = arith.constant 0 : i32
    %dma_wait3A_521 = arith.constant 0 : i32
    %dma_wait3A_522 = tpu.memref_slice %arg3[%dma_wait3A_520, %dma_wait3A_521] : memref<16384x128xi32, #tpu.memory_space<hbm>> -> memref<64x128xi32, #tpu.memory_space<hbm>>
    %dma_wait3A_523 = arith.constant 0 : i32
    %dma_wait3A_524 = arith.constant 0 : i32
    %dma_wait3A_525 = tpu.memref_slice %arg3[%dma_wait3A_523, %dma_wait3A_524] : memref<16384x128xi32, #tpu.memory_space<hbm>> -> memref<64x128xi32, #tpu.memory_space<hbm>>
    %dma_wait3A_526 = arith.constant 0 : i32
    %dma_wait3A_527 = arith.constant 0 : i32
    %dma_wait3A_528 = tpu.memref_slice %arg5[%dma_wait3A_526, %dma_wait3A_527] : memref<128x128xi32, #tpu.memory_space<vmem>> -> memref<64x128xi32, #tpu.memory_space<vmem>>
    tpu.wait_dma2 semaphore(%arg8 : memref<!tpu.dma_semaphore, #tpu.memory_space<semaphore_mem>>) src(%dma_wait3A_528 : memref<64x128xi32, #tpu.memory_space<vmem>>) dst(%dma_wait3A_525 : memref<64x128xi32, #tpu.memory_space<hbm>>)
    %dma_wait3A_529 = arith.constant 0 : i32
    %dma_wait3A_530 = arith.constant 0 : i32
    %dma_wait3A_531 = tpu.memref_slice %arg6[%dma_wait3A_529, %dma_wait3A_530] : memref<128x128xi32, #tpu.memory_space<vmem>> -> memref<64x128xi32, #tpu.memory_space<vmem>>
    %dma_wait3A_532 = arith.constant 0 : i32
    %dma_wait3A_533 = arith.constant 0 : i32
    %dma_wait3A_534 = tpu.memref_slice %arg4[%dma_wait3A_532, %dma_wait3A_533] : memref<16384x128xi32, #tpu.memory_space<hbm>> -> memref<64x128xi32, #tpu.memory_space<hbm>>
    %dma_wait3A_535 = arith.constant 0 : i32
    %dma_wait3A_536 = arith.constant 0 : i32
    %dma_wait3A_537 = tpu.memref_slice %arg4[%dma_wait3A_535, %dma_wait3A_536] : memref<16384x128xi32, #tpu.memory_space<hbm>> -> memref<64x128xi32, #tpu.memory_space<hbm>>
    %dma_wait3A_538 = arith.constant 0 : i32
    %dma_wait3A_539 = arith.constant 0 : i32
    %dma_wait3A_540 = tpu.memref_slice %arg6[%dma_wait3A_538, %dma_wait3A_539] : memref<128x128xi32, #tpu.memory_space<vmem>> -> memref<64x128xi32, #tpu.memory_space<vmem>>
    tpu.wait_dma2 semaphore(%arg8 : memref<!tpu.dma_semaphore, #tpu.memory_space<semaphore_mem>>) src(%dma_wait3A_540 : memref<64x128xi32, #tpu.memory_space<vmem>>) dst(%dma_wait3A_537 : memref<64x128xi32, #tpu.memory_space<hbm>>)
    %add3A_541 = arith.constant 384 : i32
    %add3A_542 = arith.addi %mul3A_2, %add3A_541 : i32
    %dma_start3A_543 = arith.constant 0 : i32
    %dma_start3A_544 = arith.constant 0 : i32
    %dma_start3A_545 = arith.constant 0 : i32
    %dma_start3A_546 = tpu.memref_slice %arg5[%dma_start3A_544, %dma_start3A_545] : memref<128x128xi32, #tpu.memory_space<vmem>> -> memref<64x128xi32, #tpu.memory_space<vmem>>
    %dma_start3A_547 = arith.constant 0 : i32
    %dma_start3A_548 = tpu.memref_slice %arg2[%add3A_542, %dma_start3A_547] : memref<16384x200xi32, #tpu.memory_space<hbm>> -> memref<64x128xi32, #tpu.memory_space<hbm>>
    %dma_start3A_549 = tpu.memref_slice %arg7[%dma_start3A_543] : memref<2x!tpu.dma_semaphore, #tpu.memory_space<semaphore_mem>> -> memref<1x!tpu.dma_semaphore, #tpu.memory_space<semaphore_mem>>
    %dma_start3A_550 = tpu.memref_squeeze %dma_start3A_549 : memref<1x!tpu.dma_semaphore, #tpu.memory_space<semaphore_mem>> -> memref<!tpu.dma_semaphore, #tpu.memory_space<semaphore_mem>>
    %dma_start3A_551 = arith.constant 0 : i32
    %dma_start3A_552 = arith.constant 0 : i32
    %dma_start3A_553 = tpu.memref_slice %arg5[%dma_start3A_551, %dma_start3A_552] : memref<128x128xi32, #tpu.memory_space<vmem>> -> memref<64x128xi32, #tpu.memory_space<vmem>>
    %dma_start3A_554 = arith.constant 0 : i32
    %dma_start3A_555 = tpu.memref_slice %arg2[%add3A_542, %dma_start3A_554] : memref<16384x200xi32, #tpu.memory_space<hbm>> -> memref<64x128xi32, #tpu.memory_space<hbm>>
    tpu.enqueue_dma source(%dma_start3A_555 : memref<64x128xi32, #tpu.memory_space<hbm>>) target(%dma_start3A_553 : memref<64x128xi32, #tpu.memory_space<vmem>>) target_semaphore(%dma_start3A_550 : memref<!tpu.dma_semaphore, #tpu.memory_space<semaphore_mem>>)
    %dma_start3A_556 = arith.constant 0 : i32
    %dma_start3A_557 = arith.constant 0 : i32
    %dma_start3A_558 = arith.constant 0 : i32
    %dma_start3A_559 = tpu.memref_slice %arg6[%dma_start3A_557, %dma_start3A_558] : memref<128x128xi32, #tpu.memory_space<vmem>> -> memref<64x128xi32, #tpu.memory_space<vmem>>
    %dma_start3A_560 = tpu.memref_slice %arg2[%add3A_542, %multiple_of3A] : memref<16384x200xi32, #tpu.memory_space<hbm>> -> memref<64x128xi32, #tpu.memory_space<hbm>>
    %dma_start3A_561 = tpu.memref_slice %arg7[%dma_start3A_556] : memref<2x!tpu.dma_semaphore, #tpu.memory_space<semaphore_mem>> -> memref<1x!tpu.dma_semaphore, #tpu.memory_space<semaphore_mem>>
    %dma_start3A_562 = tpu.memref_squeeze %dma_start3A_561 : memref<1x!tpu.dma_semaphore, #tpu.memory_space<semaphore_mem>> -> memref<!tpu.dma_semaphore, #tpu.memory_space<semaphore_mem>>
    %dma_start3A_563 = arith.constant 0 : i32
    %dma_start3A_564 = arith.constant 0 : i32
    %dma_start3A_565 = tpu.memref_slice %arg6[%dma_start3A_563, %dma_start3A_564] : memref<128x128xi32, #tpu.memory_space<vmem>> -> memref<64x128xi32, #tpu.memory_space<vmem>>
    %dma_start3A_566 = tpu.memref_slice %arg2[%add3A_542, %multiple_of3A] : memref<16384x200xi32, #tpu.memory_space<hbm>> -> memref<64x128xi32, #tpu.memory_space<hbm>>
    tpu.enqueue_dma source(%dma_start3A_566 : memref<64x128xi32, #tpu.memory_space<hbm>>) target(%dma_start3A_565 : memref<64x128xi32, #tpu.memory_space<vmem>>) target_semaphore(%dma_start3A_562 : memref<!tpu.dma_semaphore, #tpu.memory_space<semaphore_mem>>)
    %dma_wait3A_567 = arith.constant 1 : i32
    %dma_wait3A_568 = arith.constant 64 : i32
    %dma_wait3A_569 = arith.constant 0 : i32
    %dma_wait3A_570 = tpu.memref_slice %arg5[%dma_wait3A_568, %dma_wait3A_569] : memref<128x128xi32, #tpu.memory_space<vmem>> -> memref<64x128xi32, #tpu.memory_space<vmem>>
    %dma_wait3A_571 = arith.constant 0 : i32
    %dma_wait3A_572 = arith.constant 0 : i32
    %dma_wait3A_573 = tpu.memref_slice %arg2[%dma_wait3A_571, %dma_wait3A_572] : memref<16384x200xi32, #tpu.memory_space<hbm>> -> memref<64x128xi32, #tpu.memory_space<hbm>>
    %dma_wait3A_574 = tpu.memref_slice %arg7[%dma_wait3A_567] : memref<2x!tpu.dma_semaphore, #tpu.memory_space<semaphore_mem>> -> memref<1x!tpu.dma_semaphore, #tpu.memory_space<semaphore_mem>>
    %dma_wait3A_575 = tpu.memref_squeeze %dma_wait3A_574 : memref<1x!tpu.dma_semaphore, #tpu.memory_space<semaphore_mem>> -> memref<!tpu.dma_semaphore, #tpu.memory_space<semaphore_mem>>
    %dma_wait3A_576 = arith.constant 64 : i32
    %dma_wait3A_577 = arith.constant 0 : i32
    %dma_wait3A_578 = tpu.memref_slice %arg5[%dma_wait3A_576, %dma_wait3A_577] : memref<128x128xi32, #tpu.memory_space<vmem>> -> memref<64x128xi32, #tpu.memory_space<vmem>>
    %dma_wait3A_579 = arith.constant 0 : i32
    %dma_wait3A_580 = arith.constant 0 : i32
    %dma_wait3A_581 = tpu.memref_slice %arg2[%dma_wait3A_579, %dma_wait3A_580] : memref<16384x200xi32, #tpu.memory_space<hbm>> -> memref<64x128xi32, #tpu.memory_space<hbm>>
    tpu.wait_dma2 semaphore(%dma_wait3A_575 : memref<!tpu.dma_semaphore, #tpu.memory_space<semaphore_mem>>) src(%dma_wait3A_581 : memref<64x128xi32, #tpu.memory_space<hbm>>) dst(%dma_wait3A_578 : memref<64x128xi32, #tpu.memory_space<vmem>>)
    %dma_wait3A_582 = arith.constant 1 : i32
    %dma_wait3A_583 = arith.constant 64 : i32
    %dma_wait3A_584 = arith.constant 0 : i32
    %dma_wait3A_585 = tpu.memref_slice %arg6[%dma_wait3A_583, %dma_wait3A_584] : memref<128x128xi32, #tpu.memory_space<vmem>> -> memref<64x128xi32, #tpu.memory_space<vmem>>
    %dma_wait3A_586 = arith.constant 0 : i32
    %dma_wait3A_587 = arith.constant 0 : i32
    %dma_wait3A_588 = tpu.memref_slice %arg2[%dma_wait3A_586, %dma_wait3A_587] : memref<16384x200xi32, #tpu.memory_space<hbm>> -> memref<64x128xi32, #tpu.memory_space<hbm>>
    %dma_wait3A_589 = tpu.memref_slice %arg7[%dma_wait3A_582] : memref<2x!tpu.dma_semaphore, #tpu.memory_space<semaphore_mem>> -> memref<1x!tpu.dma_semaphore, #tpu.memory_space<semaphore_mem>>
    %dma_wait3A_590 = tpu.memref_squeeze %dma_wait3A_589 : memref<1x!tpu.dma_semaphore, #tpu.memory_space<semaphore_mem>> -> memref<!tpu.dma_semaphore, #tpu.memory_space<semaphore_mem>>
    %dma_wait3A_591 = arith.constant 64 : i32
    %dma_wait3A_592 = arith.constant 0 : i32
    %dma_wait3A_593 = tpu.memref_slice %arg6[%dma_wait3A_591, %dma_wait3A_592] : memref<128x128xi32, #tpu.memory_space<vmem>> -> memref<64x128xi32, #tpu.memory_space<vmem>>
    %dma_wait3A_594 = arith.constant 0 : i32
    %dma_wait3A_595 = arith.constant 0 : i32
    %dma_wait3A_596 = tpu.memref_slice %arg2[%dma_wait3A_594, %dma_wait3A_595] : memref<16384x200xi32, #tpu.memory_space<hbm>> -> memref<64x128xi32, #tpu.memory_space<hbm>>
    tpu.wait_dma2 semaphore(%dma_wait3A_590 : memref<!tpu.dma_semaphore, #tpu.memory_space<semaphore_mem>>) src(%dma_wait3A_596 : memref<64x128xi32, #tpu.memory_space<hbm>>) dst(%dma_wait3A_593 : memref<64x128xi32, #tpu.memory_space<vmem>>)
    %add3A_597 = arith.constant 320 : i32
    %add3A_598 = arith.addi %mul3A_2, %add3A_597 : i32
    %dma_start3A_599 = arith.constant 64 : i32
    %dma_start3A_600 = arith.constant 0 : i32
    %dma_start3A_601 = tpu.memref_slice %arg5[%dma_start3A_599, %dma_start3A_600] : memref<128x128xi32, #tpu.memory_space<vmem>> -> memref<64x128xi32, #tpu.memory_space<vmem>>
    %dma_start3A_602 = arith.constant 0 : i32
    %dma_start3A_603 = tpu.memref_slice %arg3[%add3A_598, %dma_start3A_602] : memref<16384x128xi32, #tpu.memory_space<hbm>> -> memref<64x128xi32, #tpu.memory_space<hbm>>
    %dma_start3A_604 = arith.constant 0 : i32
    %dma_start3A_605 = tpu.memref_slice %arg3[%add3A_598, %dma_start3A_604] : memref<16384x128xi32, #tpu.memory_space<hbm>> -> memref<64x128xi32, #tpu.memory_space<hbm>>
    %dma_start3A_606 = arith.constant 64 : i32
    %dma_start3A_607 = arith.constant 0 : i32
    %dma_start3A_608 = tpu.memref_slice %arg5[%dma_start3A_606, %dma_start3A_607] : memref<128x128xi32, #tpu.memory_space<vmem>> -> memref<64x128xi32, #tpu.memory_space<vmem>>
    tpu.enqueue_dma source(%dma_start3A_608 : memref<64x128xi32, #tpu.memory_space<vmem>>) target(%dma_start3A_605 : memref<64x128xi32, #tpu.memory_space<hbm>>) target_semaphore(%arg8 : memref<!tpu.dma_semaphore, #tpu.memory_space<semaphore_mem>>)
    %dma_start3A_609 = arith.constant 64 : i32
    %dma_start3A_610 = arith.constant 0 : i32
    %dma_start3A_611 = tpu.memref_slice %arg6[%dma_start3A_609, %dma_start3A_610] : memref<128x128xi32, #tpu.memory_space<vmem>> -> memref<64x128xi32, #tpu.memory_space<vmem>>
    %dma_start3A_612 = arith.constant 0 : i32
    %dma_start3A_613 = tpu.memref_slice %arg4[%add3A_598, %dma_start3A_612] : memref<16384x128xi32, #tpu.memory_space<hbm>> -> memref<64x128xi32, #tpu.memory_space<hbm>>
    %dma_start3A_614 = arith.constant 0 : i32
    %dma_start3A_615 = tpu.memref_slice %arg4[%add3A_598, %dma_start3A_614] : memref<16384x128xi32, #tpu.memory_space<hbm>> -> memref<64x128xi32, #tpu.memory_space<hbm>>
    %dma_start3A_616 = arith.constant 64 : i32
    %dma_start3A_617 = arith.constant 0 : i32
    %dma_start3A_618 = tpu.memref_slice %arg6[%dma_start3A_616, %dma_start3A_617] : memref<128x128xi32, #tpu.memory_space<vmem>> -> memref<64x128xi32, #tpu.memory_space<vmem>>
    tpu.enqueue_dma source(%dma_start3A_618 : memref<64x128xi32, #tpu.memory_space<vmem>>) target(%dma_start3A_615 : memref<64x128xi32, #tpu.memory_space<hbm>>) target_semaphore(%arg8 : memref<!tpu.dma_semaphore, #tpu.memory_space<semaphore_mem>>)
    %dma_wait3A_619 = arith.constant 0 : i32
    %dma_wait3A_620 = arith.constant 0 : i32
    %dma_wait3A_621 = tpu.memref_slice %arg5[%dma_wait3A_619, %dma_wait3A_620] : memref<128x128xi32, #tpu.memory_space<vmem>> -> memref<64x128xi32, #tpu.memory_space<vmem>>
    %dma_wait3A_622 = arith.constant 0 : i32
    %dma_wait3A_623 = arith.constant 0 : i32
    %dma_wait3A_624 = tpu.memref_slice %arg3[%dma_wait3A_622, %dma_wait3A_623] : memref<16384x128xi32, #tpu.memory_space<hbm>> -> memref<64x128xi32, #tpu.memory_space<hbm>>
    %dma_wait3A_625 = arith.constant 0 : i32
    %dma_wait3A_626 = arith.constant 0 : i32
    %dma_wait3A_627 = tpu.memref_slice %arg3[%dma_wait3A_625, %dma_wait3A_626] : memref<16384x128xi32, #tpu.memory_space<hbm>> -> memref<64x128xi32, #tpu.memory_space<hbm>>
    %dma_wait3A_628 = arith.constant 0 : i32
    %dma_wait3A_629 = arith.constant 0 : i32
    %dma_wait3A_630 = tpu.memref_slice %arg5[%dma_wait3A_628, %dma_wait3A_629] : memref<128x128xi32, #tpu.memory_space<vmem>> -> memref<64x128xi32, #tpu.memory_space<vmem>>
    tpu.wait_dma2 semaphore(%arg8 : memref<!tpu.dma_semaphore, #tpu.memory_space<semaphore_mem>>) src(%dma_wait3A_630 : memref<64x128xi32, #tpu.memory_space<vmem>>) dst(%dma_wait3A_627 : memref<64x128xi32, #tpu.memory_space<hbm>>)
    %dma_wait3A_631 = arith.constant 0 : i32
    %dma_wait3A_632 = arith.constant 0 : i32
    %dma_wait3A_633 = tpu.memref_slice %arg6[%dma_wait3A_631, %dma_wait3A_632] : memref<128x128xi32, #tpu.memory_space<vmem>> -> memref<64x128xi32, #tpu.memory_space<vmem>>
    %dma_wait3A_634 = arith.constant 0 : i32
    %dma_wait3A_635 = arith.constant 0 : i32
    %dma_wait3A_636 = tpu.memref_slice %arg4[%dma_wait3A_634, %dma_wait3A_635] : memref<16384x128xi32, #tpu.memory_space<hbm>> -> memref<64x128xi32, #tpu.memory_space<hbm>>
    %dma_wait3A_637 = arith.constant 0 : i32
    %dma_wait3A_638 = arith.constant 0 : i32
    %dma_wait3A_639 = tpu.memref_slice %arg4[%dma_wait3A_637, %dma_wait3A_638] : memref<16384x128xi32, #tpu.memory_space<hbm>> -> memref<64x128xi32, #tpu.memory_space<hbm>>
    %dma_wait3A_640 = arith.constant 0 : i32
    %dma_wait3A_641 = arith.constant 0 : i32
    %dma_wait3A_642 = tpu.memref_slice %arg6[%dma_wait3A_640, %dma_wait3A_641] : memref<128x128xi32, #tpu.memory_space<vmem>> -> memref<64x128xi32, #tpu.memory_space<vmem>>
    tpu.wait_dma2 semaphore(%arg8 : memref<!tpu.dma_semaphore, #tpu.memory_space<semaphore_mem>>) src(%dma_wait3A_642 : memref<64x128xi32, #tpu.memory_space<vmem>>) dst(%dma_wait3A_639 : memref<64x128xi32, #tpu.memory_space<hbm>>)
    %add3A_643 = arith.constant 448 : i32
    %add3A_644 = arith.addi %mul3A_2, %add3A_643 : i32
    %dma_start3A_645 = arith.constant 1 : i32
    %dma_start3A_646 = arith.constant 64 : i32
    %dma_start3A_647 = arith.constant 0 : i32
    %dma_start3A_648 = tpu.memref_slice %arg5[%dma_start3A_646, %dma_start3A_647] : memref<128x128xi32, #tpu.memory_space<vmem>> -> memref<64x128xi32, #tpu.memory_space<vmem>>
    %dma_start3A_649 = arith.constant 0 : i32
    %dma_start3A_650 = tpu.memref_slice %arg2[%add3A_644, %dma_start3A_649] : memref<16384x200xi32, #tpu.memory_space<hbm>> -> memref<64x128xi32, #tpu.memory_space<hbm>>
    %dma_start3A_651 = tpu.memref_slice %arg7[%dma_start3A_645] : memref<2x!tpu.dma_semaphore, #tpu.memory_space<semaphore_mem>> -> memref<1x!tpu.dma_semaphore, #tpu.memory_space<semaphore_mem>>
    %dma_start3A_652 = tpu.memref_squeeze %dma_start3A_651 : memref<1x!tpu.dma_semaphore, #tpu.memory_space<semaphore_mem>> -> memref<!tpu.dma_semaphore, #tpu.memory_space<semaphore_mem>>
    %dma_start3A_653 = arith.constant 64 : i32
    %dma_start3A_654 = arith.constant 0 : i32
    %dma_start3A_655 = tpu.memref_slice %arg5[%dma_start3A_653, %dma_start3A_654] : memref<128x128xi32, #tpu.memory_space<vmem>> -> memref<64x128xi32, #tpu.memory_space<vmem>>
    %dma_start3A_656 = arith.constant 0 : i32
    %dma_start3A_657 = tpu.memref_slice %arg2[%add3A_644, %dma_start3A_656] : memref<16384x200xi32, #tpu.memory_space<hbm>> -> memref<64x128xi32, #tpu.memory_space<hbm>>
    tpu.enqueue_dma source(%dma_start3A_657 : memref<64x128xi32, #tpu.memory_space<hbm>>) target(%dma_start3A_655 : memref<64x128xi32, #tpu.memory_space<vmem>>) target_semaphore(%dma_start3A_652 : memref<!tpu.dma_semaphore, #tpu.memory_space<semaphore_mem>>)
    %dma_start3A_658 = arith.constant 1 : i32
    %dma_start3A_659 = arith.constant 64 : i32
    %dma_start3A_660 = arith.constant 0 : i32
    %dma_start3A_661 = tpu.memref_slice %arg6[%dma_start3A_659, %dma_start3A_660] : memref<128x128xi32, #tpu.memory_space<vmem>> -> memref<64x128xi32, #tpu.memory_space<vmem>>
    %dma_start3A_662 = tpu.memref_slice %arg2[%add3A_644, %multiple_of3A] : memref<16384x200xi32, #tpu.memory_space<hbm>> -> memref<64x128xi32, #tpu.memory_space<hbm>>
    %dma_start3A_663 = tpu.memref_slice %arg7[%dma_start3A_658] : memref<2x!tpu.dma_semaphore, #tpu.memory_space<semaphore_mem>> -> memref<1x!tpu.dma_semaphore, #tpu.memory_space<semaphore_mem>>
    %dma_start3A_664 = tpu.memref_squeeze %dma_start3A_663 : memref<1x!tpu.dma_semaphore, #tpu.memory_space<semaphore_mem>> -> memref<!tpu.dma_semaphore, #tpu.memory_space<semaphore_mem>>
    %dma_start3A_665 = arith.constant 64 : i32
    %dma_start3A_666 = arith.constant 0 : i32
    %dma_start3A_667 = tpu.memref_slice %arg6[%dma_start3A_665, %dma_start3A_666] : memref<128x128xi32, #tpu.memory_space<vmem>> -> memref<64x128xi32, #tpu.memory_space<vmem>>
    %dma_start3A_668 = tpu.memref_slice %arg2[%add3A_644, %multiple_of3A] : memref<16384x200xi32, #tpu.memory_space<hbm>> -> memref<64x128xi32, #tpu.memory_space<hbm>>
    tpu.enqueue_dma source(%dma_start3A_668 : memref<64x128xi32, #tpu.memory_space<hbm>>) target(%dma_start3A_667 : memref<64x128xi32, #tpu.memory_space<vmem>>) target_semaphore(%dma_start3A_664 : memref<!tpu.dma_semaphore, #tpu.memory_space<semaphore_mem>>)
    %dma_wait3A_669 = arith.constant 0 : i32
    %dma_wait3A_670 = arith.constant 0 : i32
    %dma_wait3A_671 = arith.constant 0 : i32
    %dma_wait3A_672 = tpu.memref_slice %arg5[%dma_wait3A_670, %dma_wait3A_671] : memref<128x128xi32, #tpu.memory_space<vmem>> -> memref<64x128xi32, #tpu.memory_space<vmem>>
    %dma_wait3A_673 = arith.constant 0 : i32
    %dma_wait3A_674 = arith.constant 0 : i32
    %dma_wait3A_675 = tpu.memref_slice %arg2[%dma_wait3A_673, %dma_wait3A_674] : memref<16384x200xi32, #tpu.memory_space<hbm>> -> memref<64x128xi32, #tpu.memory_space<hbm>>
    %dma_wait3A_676 = tpu.memref_slice %arg7[%dma_wait3A_669] : memref<2x!tpu.dma_semaphore, #tpu.memory_space<semaphore_mem>> -> memref<1x!tpu.dma_semaphore, #tpu.memory_space<semaphore_mem>>
    %dma_wait3A_677 = tpu.memref_squeeze %dma_wait3A_676 : memref<1x!tpu.dma_semaphore, #tpu.memory_space<semaphore_mem>> -> memref<!tpu.dma_semaphore, #tpu.memory_space<semaphore_mem>>
    %dma_wait3A_678 = arith.constant 0 : i32
    %dma_wait3A_679 = arith.constant 0 : i32
    %dma_wait3A_680 = tpu.memref_slice %arg5[%dma_wait3A_678, %dma_wait3A_679] : memref<128x128xi32, #tpu.memory_space<vmem>> -> memref<64x128xi32, #tpu.memory_space<vmem>>
    %dma_wait3A_681 = arith.constant 0 : i32
    %dma_wait3A_682 = arith.constant 0 : i32
    %dma_wait3A_683 = tpu.memref_slice %arg2[%dma_wait3A_681, %dma_wait3A_682] : memref<16384x200xi32, #tpu.memory_space<hbm>> -> memref<64x128xi32, #tpu.memory_space<hbm>>
    tpu.wait_dma2 semaphore(%dma_wait3A_677 : memref<!tpu.dma_semaphore, #tpu.memory_space<semaphore_mem>>) src(%dma_wait3A_683 : memref<64x128xi32, #tpu.memory_space<hbm>>) dst(%dma_wait3A_680 : memref<64x128xi32, #tpu.memory_space<vmem>>)
    %dma_wait3A_684 = arith.constant 0 : i32
    %dma_wait3A_685 = arith.constant 0 : i32
    %dma_wait3A_686 = arith.constant 0 : i32
    %dma_wait3A_687 = tpu.memref_slice %arg6[%dma_wait3A_685, %dma_wait3A_686] : memref<128x128xi32, #tpu.memory_space<vmem>> -> memref<64x128xi32, #tpu.memory_space<vmem>>
    %dma_wait3A_688 = arith.constant 0 : i32
    %dma_wait3A_689 = arith.constant 0 : i32
    %dma_wait3A_690 = tpu.memref_slice %arg2[%dma_wait3A_688, %dma_wait3A_689] : memref<16384x200xi32, #tpu.memory_space<hbm>> -> memref<64x128xi32, #tpu.memory_space<hbm>>
    %dma_wait3A_691 = tpu.memref_slice %arg7[%dma_wait3A_684] : memref<2x!tpu.dma_semaphore, #tpu.memory_space<semaphore_mem>> -> memref<1x!tpu.dma_semaphore, #tpu.memory_space<semaphore_mem>>
    %dma_wait3A_692 = tpu.memref_squeeze %dma_wait3A_691 : memref<1x!tpu.dma_semaphore, #tpu.memory_space<semaphore_mem>> -> memref<!tpu.dma_semaphore, #tpu.memory_space<semaphore_mem>>
    %dma_wait3A_693 = arith.constant 0 : i32
    %dma_wait3A_694 = arith.constant 0 : i32
    %dma_wait3A_695 = tpu.memref_slice %arg6[%dma_wait3A_693, %dma_wait3A_694] : memref<128x128xi32, #tpu.memory_space<vmem>> -> memref<64x128xi32, #tpu.memory_space<vmem>>
    %dma_wait3A_696 = arith.constant 0 : i32
    %dma_wait3A_697 = arith.constant 0 : i32
    %dma_wait3A_698 = tpu.memref_slice %arg2[%dma_wait3A_696, %dma_wait3A_697] : memref<16384x200xi32, #tpu.memory_space<hbm>> -> memref<64x128xi32, #tpu.memory_space<hbm>>
    tpu.wait_dma2 semaphore(%dma_wait3A_692 : memref<!tpu.dma_semaphore, #tpu.memory_space<semaphore_mem>>) src(%dma_wait3A_698 : memref<64x128xi32, #tpu.memory_space<hbm>>) dst(%dma_wait3A_695 : memref<64x128xi32, #tpu.memory_space<vmem>>)
    %add3A_699 = arith.constant 384 : i32
    %add3A_700 = arith.addi %mul3A_2, %add3A_699 : i32
    %dma_start3A_701 = arith.constant 0 : i32
    %dma_start3A_702 = arith.constant 0 : i32
    %dma_start3A_703 = tpu.memref_slice %arg5[%dma_start3A_701, %dma_start3A_702] : memref<128x128xi32, #tpu.memory_space<vmem>> -> memref<64x128xi32, #tpu.memory_space<vmem>>
    %dma_start3A_704 = arith.constant 0 : i32
    %dma_start3A_705 = tpu.memref_slice %arg3[%add3A_700, %dma_start3A_704] : memref<16384x128xi32, #tpu.memory_space<hbm>> -> memref<64x128xi32, #tpu.memory_space<hbm>>
    %dma_start3A_706 = arith.constant 0 : i32
    %dma_start3A_707 = tpu.memref_slice %arg3[%add3A_700, %dma_start3A_706] : memref<16384x128xi32, #tpu.memory_space<hbm>> -> memref<64x128xi32, #tpu.memory_space<hbm>>
    %dma_start3A_708 = arith.constant 0 : i32
    %dma_start3A_709 = arith.constant 0 : i32
    %dma_start3A_710 = tpu.memref_slice %arg5[%dma_start3A_708, %dma_start3A_709] : memref<128x128xi32, #tpu.memory_space<vmem>> -> memref<64x128xi32, #tpu.memory_space<vmem>>
    tpu.enqueue_dma source(%dma_start3A_710 : memref<64x128xi32, #tpu.memory_space<vmem>>) target(%dma_start3A_707 : memref<64x128xi32, #tpu.memory_space<hbm>>) target_semaphore(%arg8 : memref<!tpu.dma_semaphore, #tpu.memory_space<semaphore_mem>>)
    %dma_start3A_711 = arith.constant 0 : i32
    %dma_start3A_712 = arith.constant 0 : i32
    %dma_start3A_713 = tpu.memref_slice %arg6[%dma_start3A_711, %dma_start3A_712] : memref<128x128xi32, #tpu.memory_space<vmem>> -> memref<64x128xi32, #tpu.memory_space<vmem>>
    %dma_start3A_714 = arith.constant 0 : i32
    %dma_start3A_715 = tpu.memref_slice %arg4[%add3A_700, %dma_start3A_714] : memref<16384x128xi32, #tpu.memory_space<hbm>> -> memref<64x128xi32, #tpu.memory_space<hbm>>
    %dma_start3A_716 = arith.constant 0 : i32
    %dma_start3A_717 = tpu.memref_slice %arg4[%add3A_700, %dma_start3A_716] : memref<16384x128xi32, #tpu.memory_space<hbm>> -> memref<64x128xi32, #tpu.memory_space<hbm>>
    %dma_start3A_718 = arith.constant 0 : i32
    %dma_start3A_719 = arith.constant 0 : i32
    %dma_start3A_720 = tpu.memref_slice %arg6[%dma_start3A_718, %dma_start3A_719] : memref<128x128xi32, #tpu.memory_space<vmem>> -> memref<64x128xi32, #tpu.memory_space<vmem>>
    tpu.enqueue_dma source(%dma_start3A_720 : memref<64x128xi32, #tpu.memory_space<vmem>>) target(%dma_start3A_717 : memref<64x128xi32, #tpu.memory_space<hbm>>) target_semaphore(%arg8 : memref<!tpu.dma_semaphore, #tpu.memory_space<semaphore_mem>>)
    %dma_wait3A_721 = arith.constant 0 : i32
    %dma_wait3A_722 = arith.constant 0 : i32
    %dma_wait3A_723 = tpu.memref_slice %arg5[%dma_wait3A_721, %dma_wait3A_722] : memref<128x128xi32, #tpu.memory_space<vmem>> -> memref<64x128xi32, #tpu.memory_space<vmem>>
    %dma_wait3A_724 = arith.constant 0 : i32
    %dma_wait3A_725 = arith.constant 0 : i32
    %dma_wait3A_726 = tpu.memref_slice %arg3[%dma_wait3A_724, %dma_wait3A_725] : memref<16384x128xi32, #tpu.memory_space<hbm>> -> memref<64x128xi32, #tpu.memory_space<hbm>>
    %dma_wait3A_727 = arith.constant 0 : i32
    %dma_wait3A_728 = arith.constant 0 : i32
    %dma_wait3A_729 = tpu.memref_slice %arg3[%dma_wait3A_727, %dma_wait3A_728] : memref<16384x128xi32, #tpu.memory_space<hbm>> -> memref<64x128xi32, #tpu.memory_space<hbm>>
    %dma_wait3A_730 = arith.constant 0 : i32
    %dma_wait3A_731 = arith.constant 0 : i32
    %dma_wait3A_732 = tpu.memref_slice %arg5[%dma_wait3A_730, %dma_wait3A_731] : memref<128x128xi32, #tpu.memory_space<vmem>> -> memref<64x128xi32, #tpu.memory_space<vmem>>
    tpu.wait_dma2 semaphore(%arg8 : memref<!tpu.dma_semaphore, #tpu.memory_space<semaphore_mem>>) src(%dma_wait3A_732 : memref<64x128xi32, #tpu.memory_space<vmem>>) dst(%dma_wait3A_729 : memref<64x128xi32, #tpu.memory_space<hbm>>)
    %dma_wait3A_733 = arith.constant 0 : i32
    %dma_wait3A_734 = arith.constant 0 : i32
    %dma_wait3A_735 = tpu.memref_slice %arg6[%dma_wait3A_733, %dma_wait3A_734] : memref<128x128xi32, #tpu.memory_space<vmem>> -> memref<64x128xi32, #tpu.memory_space<vmem>>
    %dma_wait3A_736 = arith.constant 0 : i32
    %dma_wait3A_737 = arith.constant 0 : i32
    %dma_wait3A_738 = tpu.memref_slice %arg4[%dma_wait3A_736, %dma_wait3A_737] : memref<16384x128xi32, #tpu.memory_space<hbm>> -> memref<64x128xi32, #tpu.memory_space<hbm>>
    %dma_wait3A_739 = arith.constant 0 : i32
    %dma_wait3A_740 = arith.constant 0 : i32
    %dma_wait3A_741 = tpu.memref_slice %arg4[%dma_wait3A_739, %dma_wait3A_740] : memref<16384x128xi32, #tpu.memory_space<hbm>> -> memref<64x128xi32, #tpu.memory_space<hbm>>
    %dma_wait3A_742 = arith.constant 0 : i32
    %dma_wait3A_743 = arith.constant 0 : i32
    %dma_wait3A_744 = tpu.memref_slice %arg6[%dma_wait3A_742, %dma_wait3A_743] : memref<128x128xi32, #tpu.memory_space<vmem>> -> memref<64x128xi32, #tpu.memory_space<vmem>>
    tpu.wait_dma2 semaphore(%arg8 : memref<!tpu.dma_semaphore, #tpu.memory_space<semaphore_mem>>) src(%dma_wait3A_744 : memref<64x128xi32, #tpu.memory_space<vmem>>) dst(%dma_wait3A_741 : memref<64x128xi32, #tpu.memory_space<hbm>>)
    %dma_wait3A_745 = arith.constant 1 : i32
    %dma_wait3A_746 = arith.constant 64 : i32
    %dma_wait3A_747 = arith.constant 0 : i32
    %dma_wait3A_748 = tpu.memref_slice %arg5[%dma_wait3A_746, %dma_wait3A_747] : memref<128x128xi32, #tpu.memory_space<vmem>> -> memref<64x128xi32, #tpu.memory_space<vmem>>
    %dma_wait3A_749 = arith.constant 0 : i32
    %dma_wait3A_750 = arith.constant 0 : i32
    %dma_wait3A_751 = tpu.memref_slice %arg2[%dma_wait3A_749, %dma_wait3A_750] : memref<16384x200xi32, #tpu.memory_space<hbm>> -> memref<64x128xi32, #tpu.memory_space<hbm>>
    %dma_wait3A_752 = tpu.memref_slice %arg7[%dma_wait3A_745] : memref<2x!tpu.dma_semaphore, #tpu.memory_space<semaphore_mem>> -> memref<1x!tpu.dma_semaphore, #tpu.memory_space<semaphore_mem>>
    %dma_wait3A_753 = tpu.memref_squeeze %dma_wait3A_752 : memref<1x!tpu.dma_semaphore, #tpu.memory_space<semaphore_mem>> -> memref<!tpu.dma_semaphore, #tpu.memory_space<semaphore_mem>>
    %dma_wait3A_754 = arith.constant 64 : i32
    %dma_wait3A_755 = arith.constant 0 : i32
    %dma_wait3A_756 = tpu.memref_slice %arg5[%dma_wait3A_754, %dma_wait3A_755] : memref<128x128xi32, #tpu.memory_space<vmem>> -> memref<64x128xi32, #tpu.memory_space<vmem>>
    %dma_wait3A_757 = arith.constant 0 : i32
    %dma_wait3A_758 = arith.constant 0 : i32
    %dma_wait3A_759 = tpu.memref_slice %arg2[%dma_wait3A_757, %dma_wait3A_758] : memref<16384x200xi32, #tpu.memory_space<hbm>> -> memref<64x128xi32, #tpu.memory_space<hbm>>
    tpu.wait_dma2 semaphore(%dma_wait3A_753 : memref<!tpu.dma_semaphore, #tpu.memory_space<semaphore_mem>>) src(%dma_wait3A_759 : memref<64x128xi32, #tpu.memory_space<hbm>>) dst(%dma_wait3A_756 : memref<64x128xi32, #tpu.memory_space<vmem>>)
    %dma_wait3A_760 = arith.constant 1 : i32
    %dma_wait3A_761 = arith.constant 64 : i32
    %dma_wait3A_762 = arith.constant 0 : i32
    %dma_wait3A_763 = tpu.memref_slice %arg6[%dma_wait3A_761, %dma_wait3A_762] : memref<128x128xi32, #tpu.memory_space<vmem>> -> memref<64x128xi32, #tpu.memory_space<vmem>>
    %dma_wait3A_764 = arith.constant 0 : i32
    %dma_wait3A_765 = arith.constant 0 : i32
    %dma_wait3A_766 = tpu.memref_slice %arg2[%dma_wait3A_764, %dma_wait3A_765] : memref<16384x200xi32, #tpu.memory_space<hbm>> -> memref<64x128xi32, #tpu.memory_space<hbm>>
    %dma_wait3A_767 = tpu.memref_slice %arg7[%dma_wait3A_760] : memref<2x!tpu.dma_semaphore, #tpu.memory_space<semaphore_mem>> -> memref<1x!tpu.dma_semaphore, #tpu.memory_space<semaphore_mem>>
    %dma_wait3A_768 = tpu.memref_squeeze %dma_wait3A_767 : memref<1x!tpu.dma_semaphore, #tpu.memory_space<semaphore_mem>> -> memref<!tpu.dma_semaphore, #tpu.memory_space<semaphore_mem>>
    %dma_wait3A_769 = arith.constant 64 : i32
    %dma_wait3A_770 = arith.constant 0 : i32
    %dma_wait3A_771 = tpu.memref_slice %arg6[%dma_wait3A_769, %dma_wait3A_770] : memref<128x128xi32, #tpu.memory_space<vmem>> -> memref<64x128xi32, #tpu.memory_space<vmem>>
    %dma_wait3A_772 = arith.constant 0 : i32
    %dma_wait3A_773 = arith.constant 0 : i32
    %dma_wait3A_774 = tpu.memref_slice %arg2[%dma_wait3A_772, %dma_wait3A_773] : memref<16384x200xi32, #tpu.memory_space<hbm>> -> memref<64x128xi32, #tpu.memory_space<hbm>>
    tpu.wait_dma2 semaphore(%dma_wait3A_768 : memref<!tpu.dma_semaphore, #tpu.memory_space<semaphore_mem>>) src(%dma_wait3A_774 : memref<64x128xi32, #tpu.memory_space<hbm>>) dst(%dma_wait3A_771 : memref<64x128xi32, #tpu.memory_space<vmem>>)
    %add3A_775 = arith.constant 448 : i32
    %add3A_776 = arith.addi %mul3A_2, %add3A_775 : i32
    %dma_start3A_777 = arith.constant 64 : i32
    %dma_start3A_778 = arith.constant 0 : i32
    %dma_start3A_779 = tpu.memref_slice %arg5[%dma_start3A_777, %dma_start3A_778] : memref<128x128xi32, #tpu.memory_space<vmem>> -> memref<64x128xi32, #tpu.memory_space<vmem>>
    %dma_start3A_780 = arith.constant 0 : i32
    %dma_start3A_781 = tpu.memref_slice %arg3[%add3A_776, %dma_start3A_780] : memref<16384x128xi32, #tpu.memory_space<hbm>> -> memref<64x128xi32, #tpu.memory_space<hbm>>
    %dma_start3A_782 = arith.constant 0 : i32
    %dma_start3A_783 = tpu.memref_slice %arg3[%add3A_776, %dma_start3A_782] : memref<16384x128xi32, #tpu.memory_space<hbm>> -> memref<64x128xi32, #tpu.memory_space<hbm>>
    %dma_start3A_784 = arith.constant 64 : i32
    %dma_start3A_785 = arith.constant 0 : i32
    %dma_start3A_786 = tpu.memref_slice %arg5[%dma_start3A_784, %dma_start3A_785] : memref<128x128xi32, #tpu.memory_space<vmem>> -> memref<64x128xi32, #tpu.memory_space<vmem>>
    tpu.enqueue_dma source(%dma_start3A_786 : memref<64x128xi32, #tpu.memory_space<vmem>>) target(%dma_start3A_783 : memref<64x128xi32, #tpu.memory_space<hbm>>) target_semaphore(%arg8 : memref<!tpu.dma_semaphore, #tpu.memory_space<semaphore_mem>>)
    %dma_start3A_787 = arith.constant 64 : i32
    %dma_start3A_788 = arith.constant 0 : i32
    %dma_start3A_789 = tpu.memref_slice %arg6[%dma_start3A_787, %dma_start3A_788] : memref<128x128xi32, #tpu.memory_space<vmem>> -> memref<64x128xi32, #tpu.memory_space<vmem>>
    %dma_start3A_790 = arith.constant 0 : i32
    %dma_start3A_791 = tpu.memref_slice %arg4[%add3A_776, %dma_start3A_790] : memref<16384x128xi32, #tpu.memory_space<hbm>> -> memref<64x128xi32, #tpu.memory_space<hbm>>
    %dma_start3A_792 = arith.constant 0 : i32
    %dma_start3A_793 = tpu.memref_slice %arg4[%add3A_776, %dma_start3A_792] : memref<16384x128xi32, #tpu.memory_space<hbm>> -> memref<64x128xi32, #tpu.memory_space<hbm>>
    %dma_start3A_794 = arith.constant 64 : i32
    %dma_start3A_795 = arith.constant 0 : i32
    %dma_start3A_796 = tpu.memref_slice %arg6[%dma_start3A_794, %dma_start3A_795] : memref<128x128xi32, #tpu.memory_space<vmem>> -> memref<64x128xi32, #tpu.memory_space<vmem>>
    tpu.enqueue_dma source(%dma_start3A_796 : memref<64x128xi32, #tpu.memory_space<vmem>>) target(%dma_start3A_793 : memref<64x128xi32, #tpu.memory_space<hbm>>) target_semaphore(%arg8 : memref<!tpu.dma_semaphore, #tpu.memory_space<semaphore_mem>>)
    %dma_wait3A_797 = arith.constant 0 : i32
    %dma_wait3A_798 = arith.constant 0 : i32
    %dma_wait3A_799 = tpu.memref_slice %arg5[%dma_wait3A_797, %dma_wait3A_798] : memref<128x128xi32, #tpu.memory_space<vmem>> -> memref<64x128xi32, #tpu.memory_space<vmem>>
    %dma_wait3A_800 = arith.constant 0 : i32
    %dma_wait3A_801 = arith.constant 0 : i32
    %dma_wait3A_802 = tpu.memref_slice %arg3[%dma_wait3A_800, %dma_wait3A_801] : memref<16384x128xi32, #tpu.memory_space<hbm>> -> memref<64x128xi32, #tpu.memory_space<hbm>>
    %dma_wait3A_803 = arith.constant 0 : i32
    %dma_wait3A_804 = arith.constant 0 : i32
    %dma_wait3A_805 = tpu.memref_slice %arg3[%dma_wait3A_803, %dma_wait3A_804] : memref<16384x128xi32, #tpu.memory_space<hbm>> -> memref<64x128xi32, #tpu.memory_space<hbm>>
    %dma_wait3A_806 = arith.constant 0 : i32
    %dma_wait3A_807 = arith.constant 0 : i32
    %dma_wait3A_808 = tpu.memref_slice %arg5[%dma_wait3A_806, %dma_wait3A_807] : memref<128x128xi32, #tpu.memory_space<vmem>> -> memref<64x128xi32, #tpu.memory_space<vmem>>
    tpu.wait_dma2 semaphore(%arg8 : memref<!tpu.dma_semaphore, #tpu.memory_space<semaphore_mem>>) src(%dma_wait3A_808 : memref<64x128xi32, #tpu.memory_space<vmem>>) dst(%dma_wait3A_805 : memref<64x128xi32, #tpu.memory_space<hbm>>)
    %dma_wait3A_809 = arith.constant 0 : i32
    %dma_wait3A_810 = arith.constant 0 : i32
    %dma_wait3A_811 = tpu.memref_slice %arg6[%dma_wait3A_809, %dma_wait3A_810] : memref<128x128xi32, #tpu.memory_space<vmem>> -> memref<64x128xi32, #tpu.memory_space<vmem>>
    %dma_wait3A_812 = arith.constant 0 : i32
    %dma_wait3A_813 = arith.constant 0 : i32
    %dma_wait3A_814 = tpu.memref_slice %arg4[%dma_wait3A_812, %dma_wait3A_813] : memref<16384x128xi32, #tpu.memory_space<hbm>> -> memref<64x128xi32, #tpu.memory_space<hbm>>
    %dma_wait3A_815 = arith.constant 0 : i32
    %dma_wait3A_816 = arith.constant 0 : i32
    %dma_wait3A_817 = tpu.memref_slice %arg4[%dma_wait3A_815, %dma_wait3A_816] : memref<16384x128xi32, #tpu.memory_space<hbm>> -> memref<64x128xi32, #tpu.memory_space<hbm>>
    %dma_wait3A_818 = arith.constant 0 : i32
    %dma_wait3A_819 = arith.constant 0 : i32
    %dma_wait3A_820 = tpu.memref_slice %arg6[%dma_wait3A_818, %dma_wait3A_819] : memref<128x128xi32, #tpu.memory_space<vmem>> -> memref<64x128xi32, #tpu.memory_space<vmem>>
    tpu.wait_dma2 semaphore(%arg8 : memref<!tpu.dma_semaphore, #tpu.memory_space<semaphore_mem>>) src(%dma_wait3A_820 : memref<64x128xi32, #tpu.memory_space<vmem>>) dst(%dma_wait3A_817 : memref<64x128xi32, #tpu.memory_space<hbm>>)
    return
  }
}

#map = affine_map<(d0, d1) -> (0, 0)>
module attributes {stable_mosaic.version = 14 : i64} {
  func.func @_gather_body(%arg0: i32, %arg1: i32, %arg2: memref<16384x128xi32, #tpu.memory_space<hbm>>, %arg3: memref<16384x128xi32, #tpu.memory_space<hbm>>, %arg4: memref<1000000x32xf32, #tpu.memory_space<hbm>>, %arg5: memref<16384x32xf32, #tpu.memory_space<hbm>>, %arg6: memref<64x128xi32, #tpu.memory_space<vmem>>, %arg7: memref<64x128xi32, #tpu.memory_space<vmem>>, %arg8: memref<512x32xf32, #tpu.memory_space<vmem>>, %arg9: memref<288x32xf32, #tpu.memory_space<vmem>>, %arg10: memref<32xf32, #tpu.memory_space<vmem>>, %arg11: memref<64x32xf32, #tpu.memory_space<vmem>>, %arg12: memref<4x!tpu.dma_semaphore, #tpu.memory_space<semaphore_mem>>) attributes {dimension_semantics = [#tpu.dimension_semantics<core_parallel>, #tpu.dimension_semantics<subcore_parallel>], iteration_bounds = array<i64: 2, 16>, scalar_prefetch = 0 : i64, scratch_operands = 7 : i64, tpu.core_type = #tpu.core_type<sc_vector_subcore>, window_params = [{transform_indices = #map}, {transform_indices = #map}, {transform_indices = #map}, {transform_indices = #map}]} {
    %mul3A = arith.constant 2 : i32
    %mul3A_0 = arith.muli %arg1, %mul3A : i32
    %add3A = arith.addi %mul3A_0, %arg0 : i32
    %mul3A_1 = arith.constant 512 : i32
    %mul3A_2 = arith.muli %add3A, %mul3A_1 : i32
    %run_scoped3A = arith.constant 0 : i32
    "tpu.region"() ({
      %run_scoped3A_17 = tpu.sem_alloc : memref<!tpu.dma_semaphore, #tpu.memory_space<semaphore_mem>>
      %dma_start3A = arith.constant 0 : i32
      %dma_start3A_18 = tpu.memref_slice %arg4[%run_scoped3A, %dma_start3A] : memref<1000000x32xf32, #tpu.memory_space<hbm>> -> memref<1x32xf32, #tpu.memory_space<hbm>>
      %dma_start3A_19 = tpu.memref_squeeze %dma_start3A_18 : memref<1x32xf32, #tpu.memory_space<hbm>> -> memref<32xf32, #tpu.memory_space<hbm>>
      %dma_start3A_20 = arith.constant 0 : i32
      %dma_start3A_21 = tpu.memref_slice %arg4[%run_scoped3A, %dma_start3A_20] : memref<1000000x32xf32, #tpu.memory_space<hbm>> -> memref<1x32xf32, #tpu.memory_space<hbm>>
      %dma_start3A_22 = tpu.memref_squeeze %dma_start3A_21 : memref<1x32xf32, #tpu.memory_space<hbm>> -> memref<32xf32, #tpu.memory_space<hbm>>
      tpu.enqueue_dma source(%dma_start3A_22 : memref<32xf32, #tpu.memory_space<hbm>>) target(%arg10 : memref<32xf32, #tpu.memory_space<vmem>>) target_semaphore(%run_scoped3A_17 : memref<!tpu.dma_semaphore, #tpu.memory_space<semaphore_mem>>)
      %dma_wait3A = arith.constant 0 : i32
      %dma_wait3A_23 = tpu.memref_slice %arg4[%run_scoped3A, %dma_wait3A] : memref<1000000x32xf32, #tpu.memory_space<hbm>> -> memref<1x32xf32, #tpu.memory_space<hbm>>
      %dma_wait3A_24 = tpu.memref_squeeze %dma_wait3A_23 : memref<1x32xf32, #tpu.memory_space<hbm>> -> memref<32xf32, #tpu.memory_space<hbm>>
      %dma_wait3A_25 = arith.constant 0 : i32
      %dma_wait3A_26 = tpu.memref_slice %arg4[%run_scoped3A, %dma_wait3A_25] : memref<1000000x32xf32, #tpu.memory_space<hbm>> -> memref<1x32xf32, #tpu.memory_space<hbm>>
      %dma_wait3A_27 = tpu.memref_squeeze %dma_wait3A_26 : memref<1x32xf32, #tpu.memory_space<hbm>> -> memref<32xf32, #tpu.memory_space<hbm>>
      tpu.wait_dma2 semaphore(%run_scoped3A_17 : memref<!tpu.dma_semaphore, #tpu.memory_space<semaphore_mem>>) src(%dma_wait3A_27 : memref<32xf32, #tpu.memory_space<hbm>>) dst(%arg10 : memref<32xf32, #tpu.memory_space<vmem>>)
      tpu.yield
    }) : () -> ()
    %get3A = arith.constant 0 : index
    %get3A_3 = tpu.vector_load %arg10[%get3A] {strides = array<i32>} : memref<32xf32, #tpu.memory_space<vmem>>, vector<16xf32>,
    %get3A_4 = arith.constant 16 : index
    %get3A_5 = tpu.vector_load %arg10[%get3A_4] {strides = array<i32>} : memref<32xf32, #tpu.memory_space<vmem>>, vector<16xf32>,
    %iota3A = tpu.iota {dimensions = array<i32: 0>} : vector<16xi32>
    %ge3A = arith.constant 8 : i32
    %ge3A_6 = vector.broadcast %ge3A : i32 to vector<16xi32>
    %ge3A_7 = arith.cmpi sge, %iota3A, %ge3A_6 : vector<16xi32>
    %broadcast_in_dim3A = arith.constant 0.000000e+00 : f32
    %broadcast_in_dim3A_8 = vector.broadcast %broadcast_in_dim3A : f32 to vector<16xf32>
    %broadcast_in_dim3A_9 = arith.constant 2.000000e+02 : f32
    %broadcast_in_dim3A_10 = vector.broadcast %broadcast_in_dim3A_9 : f32 to vector<16xf32>
    %scan3A = arith.constant 0 : i32
    %scan3A_11 = arith.constant 0 : i32
    %scan3A_12 = arith.constant 8 : i32
    %scan3A_13 = arith.addi %scan3A_11, %scan3A_12 : i32
    %scan3A_14 = arith.constant 1 : i32
    %scan3A_15 = scf.for %scan3A_17 = %scan3A_11 to %scan3A_13 step %scan3A_14 iter_args(%scan3A_18 = %scan3A) -> (i32)  : i32 {
      %mul3A_19 = arith.constant 64 : i32
      %mul3A_20 = arith.muli %scan3A_17, %mul3A_19 : i32
      %add3A_21 = arith.addi %mul3A_2, %mul3A_20 : i32
      "tpu.region"() ({
        %run_scoped3A_107 = tpu.sem_alloc : memref<!tpu.dma_semaphore, #tpu.memory_space<semaphore_mem>>
        %dma_start3A_108 = arith.constant 0 : i32
        %dma_start3A_109 = tpu.memref_slice %arg2[%add3A_21, %dma_start3A_108] : memref<16384x128xi32, #tpu.memory_space<hbm>> -> memref<64x128xi32, #tpu.memory_space<hbm>>
        %dma_start3A_110 = arith.constant 0 : i32
        %dma_start3A_111 = tpu.memref_slice %arg2[%add3A_21, %dma_start3A_110] : memref<16384x128xi32, #tpu.memory_space<hbm>> -> memref<64x128xi32, #tpu.memory_space<hbm>>
        tpu.enqueue_dma source(%dma_start3A_111 : memref<64x128xi32, #tpu.memory_space<hbm>>) target(%arg6 : memref<64x128xi32, #tpu.memory_space<vmem>>) target_semaphore(%run_scoped3A_107 : memref<!tpu.dma_semaphore, #tpu.memory_space<semaphore_mem>>)
        %dma_wait3A = arith.constant 0 : i32
        %dma_wait3A_112 = tpu.memref_slice %arg2[%add3A_21, %dma_wait3A] : memref<16384x128xi32, #tpu.memory_space<hbm>> -> memref<64x128xi32, #tpu.memory_space<hbm>>
        %dma_wait3A_113 = arith.constant 0 : i32
        %dma_wait3A_114 = tpu.memref_slice %arg2[%add3A_21, %dma_wait3A_113] : memref<16384x128xi32, #tpu.memory_space<hbm>> -> memref<64x128xi32, #tpu.memory_space<hbm>>
        tpu.wait_dma2 semaphore(%run_scoped3A_107 : memref<!tpu.dma_semaphore, #tpu.memory_space<semaphore_mem>>) src(%dma_wait3A_114 : memref<64x128xi32, #tpu.memory_space<hbm>>) dst(%arg6 : memref<64x128xi32, #tpu.memory_space<vmem>>)
        tpu.yield
      }) : () -> ()
      "tpu.region"() ({
        %run_scoped3A_107 = tpu.sem_alloc : memref<!tpu.dma_semaphore, #tpu.memory_space<semaphore_mem>>
        %dma_start3A_108 = arith.constant 0 : i32
        %dma_start3A_109 = tpu.memref_slice %arg3[%add3A_21, %dma_start3A_108] : memref<16384x128xi32, #tpu.memory_space<hbm>> -> memref<64x128xi32, #tpu.memory_space<hbm>>
        %dma_start3A_110 = arith.constant 0 : i32
        %dma_start3A_111 = tpu.memref_slice %arg3[%add3A_21, %dma_start3A_110] : memref<16384x128xi32, #tpu.memory_space<hbm>> -> memref<64x128xi32, #tpu.memory_space<hbm>>
        tpu.enqueue_dma source(%dma_start3A_111 : memref<64x128xi32, #tpu.memory_space<hbm>>) target(%arg7 : memref<64x128xi32, #tpu.memory_space<vmem>>) target_semaphore(%run_scoped3A_107 : memref<!tpu.dma_semaphore, #tpu.memory_space<semaphore_mem>>)
        %dma_wait3A = arith.constant 0 : i32
        %dma_wait3A_112 = tpu.memref_slice %arg3[%add3A_21, %dma_wait3A] : memref<16384x128xi32, #tpu.memory_space<hbm>> -> memref<64x128xi32, #tpu.memory_space<hbm>>
        %dma_wait3A_113 = arith.constant 0 : i32
        %dma_wait3A_114 = tpu.memref_slice %arg3[%add3A_21, %dma_wait3A_113] : memref<16384x128xi32, #tpu.memory_space<hbm>> -> memref<64x128xi32, #tpu.memory_space<hbm>>
        tpu.wait_dma2 semaphore(%run_scoped3A_107 : memref<!tpu.dma_semaphore, #tpu.memory_space<semaphore_mem>>) src(%dma_wait3A_114 : memref<64x128xi32, #tpu.memory_space<hbm>>) dst(%arg7 : memref<64x128xi32, #tpu.memory_space<vmem>>)
        tpu.yield
      }) : () -> ()
      %dma_start3A = arith.constant 0 : i32
      %dma_start3A_22 = arith.constant 0 : i32
      %dma_start3A_23 = arith.constant 0 : i32
      %dma_start3A_24 = arith.constant 0 : i32
      %dma_start3A_25 = tpu.memref_slice %arg8[%dma_start3A_23, %dma_start3A_24] : memref<512x32xf32, #tpu.memory_space<vmem>> -> memref<128x32xf32, #tpu.memory_space<vmem>>
      %dma_start3A_26 = arith.constant 0 : i32
      %dma_start3A_27 = tpu.memref_slice %arg6[%dma_start3A, %dma_start3A_26] : memref<64x128xi32, #tpu.memory_space<vmem>> -> memref<1x128xi32, #tpu.memory_space<vmem>>
      %dma_start3A_28 = tpu.memref_squeeze %dma_start3A_27 : memref<1x128xi32, #tpu.memory_space<vmem>> -> memref<128xi32, #tpu.memory_space<vmem>>
      %dma_start3A_29 = arith.constant 0 : i32
      %dma_start3A_30 = arith.constant 0 : i32
      %dma_start3A_31 = tpu.memref_slice %arg4[%dma_start3A_29, %dma_start3A_30] : memref<1000000x32xf32, #tpu.memory_space<hbm>> -> memref<1000000x32xf32, #tpu.memory_space<hbm>>
      %dma_start3A_32 = tpu.memref_slice %arg12[%dma_start3A_22] : memref<4x!tpu.dma_semaphore, #tpu.memory_space<semaphore_mem>> -> memref<1x!tpu.dma_semaphore, #tpu.memory_space<semaphore_mem>>
      %dma_start3A_33 = tpu.memref_squeeze %dma_start3A_32 : memref<1x!tpu.dma_semaphore, #tpu.memory_space<semaphore_mem>> -> memref<!tpu.dma_semaphore, #tpu.memory_space<semaphore_mem>>
      tpu.enqueue_indirect_dma source(%dma_start3A_31 : memref<1000000x32xf32, #tpu.memory_space<hbm>>) target(%dma_start3A_25 : memref<128x32xf32, #tpu.memory_space<vmem>>) offsets(%dma_start3A_28 : memref<128xi32, #tpu.memory_space<vmem>>) semaphore(%dma_start3A_33 : memref<!tpu.dma_semaphore, #tpu.memory_space<semaphore_mem>>)
      %dma_start3A_34 = arith.constant 0 : i32
      %dma_start3A_35 = arith.constant 0 : i32
      %dma_start3A_36 = arith.constant 0 : i32
      %dma_start3A_37 = arith.constant 0 : i32
      %dma_start3A_38 = tpu.memref_slice %arg9[%dma_start3A_36, %dma_start3A_37] : memref<288x32xf32, #tpu.memory_space<vmem>> -> memref<72x32xf32, #tpu.memory_space<vmem>>
      %dma_start3A_39 = arith.constant 0 : i32
      %dma_start3A_40 = tpu.memref_slice %arg7[%dma_start3A_34, %dma_start3A_39] : memref<64x128xi32, #tpu.memory_space<vmem>> -> memref<1x72xi32, #tpu.memory_space<vmem>>
      %dma_start3A_41 = tpu.memref_squeeze %dma_start3A_40 : memref<1x72xi32, #tpu.memory_space<vmem>> -> memref<72xi32, #tpu.memory_space<vmem>>
      %dma_start3A_42 = arith.constant 0 : i32
      %dma_start3A_43 = arith.constant 0 : i32
      %dma_start3A_44 = tpu.memref_slice %arg4[%dma_start3A_42, %dma_start3A_43] : memref<1000000x32xf32, #tpu.memory_space<hbm>> -> memref<1000000x32xf32, #tpu.memory_space<hbm>>
      %dma_start3A_45 = tpu.memref_slice %arg12[%dma_start3A_35] : memref<4x!tpu.dma_semaphore, #tpu.memory_space<semaphore_mem>> -> memref<1x!tpu.dma_semaphore, #tpu.memory_space<semaphore_mem>>
      %dma_start3A_46 = tpu.memref_squeeze %dma_start3A_45 : memref<1x!tpu.dma_semaphore, #tpu.memory_space<semaphore_mem>> -> memref<!tpu.dma_semaphore, #tpu.memory_space<semaphore_mem>>
      tpu.enqueue_indirect_dma source(%dma_start3A_44 : memref<1000000x32xf32, #tpu.memory_space<hbm>>) target(%dma_start3A_38 : memref<72x32xf32, #tpu.memory_space<vmem>>) offsets(%dma_start3A_41 : memref<72xi32, #tpu.memory_space<vmem>>) semaphore(%dma_start3A_46 : memref<!tpu.dma_semaphore, #tpu.memory_space<semaphore_mem>>)
      %dma_start3A_47 = arith.constant 1 : i32
      %dma_start3A_48 = arith.constant 1 : i32
      %dma_start3A_49 = arith.constant 128 : i32
      %dma_start3A_50 = arith.constant 0 : i32
      %dma_start3A_51 = tpu.memref_slice %arg8[%dma_start3A_49, %dma_start3A_50] : memref<512x32xf32, #tpu.memory_space<vmem>> -> memref<128x32xf32, #tpu.memory_space<vmem>>
      %dma_start3A_52 = arith.constant 0 : i32
      %dma_start3A_53 = tpu.memref_slice %arg6[%dma_start3A_47, %dma_start3A_52] : memref<64x128xi32, #tpu.memory_space<vmem>> -> memref<1x128xi32, #tpu.memory_space<vmem>>
      %dma_start3A_54 = tpu.memref_squeeze %dma_start3A_53 : memref<1x128xi32, #tpu.memory_space<vmem>> -> memref<128xi32, #tpu.memory_space<vmem>>
      %dma_start3A_55 = arith.constant 0 : i32
      %dma_start3A_56 = arith.constant 0 : i32
      %dma_start3A_57 = tpu.memref_slice %arg4[%dma_start3A_55, %dma_start3A_56] : memref<1000000x32xf32, #tpu.memory_space<hbm>> -> memref<1000000x32xf32, #tpu.memory_space<hbm>>
      %dma_start3A_58 = tpu.memref_slice %arg12[%dma_start3A_48] : memref<4x!tpu.dma_semaphore, #tpu.memory_space<semaphore_mem>> -> memref<1x!tpu.dma_semaphore, #tpu.memory_space<semaphore_mem>>
      %dma_start3A_59 = tpu.memref_squeeze %dma_start3A_58 : memref<1x!tpu.dma_semaphore, #tpu.memory_space<semaphore_mem>> -> memref<!tpu.dma_semaphore, #tpu.memory_space<semaphore_mem>>
      tpu.enqueue_indirect_dma source(%dma_start3A_57 : memref<1000000x32xf32, #tpu.memory_space<hbm>>) target(%dma_start3A_51 : memref<128x32xf32, #tpu.memory_space<vmem>>) offsets(%dma_start3A_54 : memref<128xi32, #tpu.memory_space<vmem>>) semaphore(%dma_start3A_59 : memref<!tpu.dma_semaphore, #tpu.memory_space<semaphore_mem>>)
      %dma_start3A_60 = arith.constant 1 : i32
      %dma_start3A_61 = arith.constant 1 : i32
      %dma_start3A_62 = arith.constant 72 : i32
      %dma_start3A_63 = arith.constant 0 : i32
      %dma_start3A_64 = tpu.memref_slice %arg9[%dma_start3A_62, %dma_start3A_63] : memref<288x32xf32, #tpu.memory_space<vmem>> -> memref<72x32xf32, #tpu.memory_space<vmem>>
      %dma_start3A_65 = arith.constant 0 : i32
      %dma_start3A_66 = tpu.memref_slice %arg7[%dma_start3A_60, %dma_start3A_65] : memref<64x128xi32, #tpu.memory_space<vmem>> -> memref<1x72xi32, #tpu.memory_space<vmem>>
      %dma_start3A_67 = tpu.memref_squeeze %dma_start3A_66 : memref<1x72xi32, #tpu.memory_space<vmem>> -> memref<72xi32, #tpu.memory_space<vmem>>
      %dma_start3A_68 = arith.constant 0 : i32
      %dma_start3A_69 = arith.constant 0 : i32
      %dma_start3A_70 = tpu.memref_slice %arg4[%dma_start3A_68, %dma_start3A_69] : memref<1000000x32xf32, #tpu.memory_space<hbm>> -> memref<1000000x32xf32, #tpu.memory_space<hbm>>
      %dma_start3A_71 = tpu.memref_slice %arg12[%dma_start3A_61] : memref<4x!tpu.dma_semaphore, #tpu.memory_space<semaphore_mem>> -> memref<1x!tpu.dma_semaphore, #tpu.memory_space<semaphore_mem>>
      %dma_start3A_72 = tpu.memref_squeeze %dma_start3A_71 : memref<1x!tpu.dma_semaphore, #tpu.memory_space<semaphore_mem>> -> memref<!tpu.dma_semaphore, #tpu.memory_space<semaphore_mem>>
      tpu.enqueue_indirect_dma source(%dma_start3A_70 : memref<1000000x32xf32, #tpu.memory_space<hbm>>) target(%dma_start3A_64 : memref<72x32xf32, #tpu.memory_space<vmem>>) offsets(%dma_start3A_67 : memref<72xi32, #tpu.memory_space<vmem>>) semaphore(%dma_start3A_72 : memref<!tpu.dma_semaphore, #tpu.memory_space<semaphore_mem>>)
      %dma_start3A_73 = arith.constant 2 : i32
      %dma_start3A_74 = arith.constant 2 : i32
      %dma_start3A_75 = arith.constant 256 : i32
      %dma_start3A_76 = arith.constant 0 : i32
      %dma_start3A_77 = tpu.memref_slice %arg8[%dma_start3A_75, %dma_start3A_76] : memref<512x32xf32, #tpu.memory_space<vmem>> -> memref<128x32xf32, #tpu.memory_space<vmem>>
      %dma_start3A_78 = arith.constant 0 : i32
      %dma_start3A_79 = tpu.memref_slice %arg6[%dma_start3A_73, %dma_start3A_78] : memref<64x128xi32, #tpu.memory_space<vmem>> -> memref<1x128xi32, #tpu.memory_space<vmem>>
      %dma_start3A_80 = tpu.memref_squeeze %dma_start3A_79 : memref<1x128xi32, #tpu.memory_space<vmem>> -> memref<128xi32, #tpu.memory_space<vmem>>
      %dma_start3A_81 = arith.constant 0 : i32
      %dma_start3A_82 = arith.constant 0 : i32
      %dma_start3A_83 = tpu.memref_slice %arg4[%dma_start3A_81, %dma_start3A_82] : memref<1000000x32xf32, #tpu.memory_space<hbm>> -> memref<1000000x32xf32, #tpu.memory_space<hbm>>
      %dma_start3A_84 = tpu.memref_slice %arg12[%dma_start3A_74] : memref<4x!tpu.dma_semaphore, #tpu.memory_space<semaphore_mem>> -> memref<1x!tpu.dma_semaphore, #tpu.memory_space<semaphore_mem>>
      %dma_start3A_85 = tpu.memref_squeeze %dma_start3A_84 : memref<1x!tpu.dma_semaphore, #tpu.memory_space<semaphore_mem>> -> memref<!tpu.dma_semaphore, #tpu.memory_space<semaphore_mem>>
      tpu.enqueue_indirect_dma source(%dma_start3A_83 : memref<1000000x32xf32, #tpu.memory_space<hbm>>) target(%dma_start3A_77 : memref<128x32xf32, #tpu.memory_space<vmem>>) offsets(%dma_start3A_80 : memref<128xi32, #tpu.memory_space<vmem>>) semaphore(%dma_start3A_85 : memref<!tpu.dma_semaphore, #tpu.memory_space<semaphore_mem>>)
      %dma_start3A_86 = arith.constant 2 : i32
      %dma_start3A_87 = arith.constant 2 : i32
      %dma_start3A_88 = arith.constant 144 : i32
      %dma_start3A_89 = arith.constant 0 : i32
      %dma_start3A_90 = tpu.memref_slice %arg9[%dma_start3A_88, %dma_start3A_89] : memref<288x32xf32, #tpu.memory_space<vmem>> -> memref<72x32xf32, #tpu.memory_space<vmem>>
      %dma_start3A_91 = arith.constant 0 : i32
      %dma_start3A_92 = tpu.memref_slice %arg7[%dma_start3A_86, %dma_start3A_91] : memref<64x128xi32, #tpu.memory_space<vmem>> -> memref<1x72xi32, #tpu.memory_space<vmem>>
      %dma_start3A_93 = tpu.memref_squeeze %dma_start3A_92 : memref<1x72xi32, #tpu.memory_space<vmem>> -> memref<72xi32, #tpu.memory_space<vmem>>
      %dma_start3A_94 = arith.constant 0 : i32
      %dma_start3A_95 = arith.constant 0 : i32
      %dma_start3A_96 = tpu.memref_slice %arg4[%dma_start3A_94, %dma_start3A_95] : memref<1000000x32xf32, #tpu.memory_space<hbm>> -> memref<1000000x32xf32, #tpu.memory_space<hbm>>
      %dma_start3A_97 = tpu.memref_slice %arg12[%dma_start3A_87] : memref<4x!tpu.dma_semaphore, #tpu.memory_space<semaphore_mem>> -> memref<1x!tpu.dma_semaphore, #tpu.memory_space<semaphore_mem>>
      %dma_start3A_98 = tpu.memref_squeeze %dma_start3A_97 : memref<1x!tpu.dma_semaphore, #tpu.memory_space<semaphore_mem>> -> memref<!tpu.dma_semaphore, #tpu.memory_space<semaphore_mem>>
      tpu.enqueue_indirect_dma source(%dma_start3A_96 : memref<1000000x32xf32, #tpu.memory_space<hbm>>) target(%dma_start3A_90 : memref<72x32xf32, #tpu.memory_space<vmem>>) offsets(%dma_start3A_93 : memref<72xi32, #tpu.memory_space<vmem>>) semaphore(%dma_start3A_98 : memref<!tpu.dma_semaphore, #tpu.memory_space<semaphore_mem>>)
      %scan3A_99 = arith.constant 0 : i32
      %scan3A_100 = arith.constant 0 : i32
      %scan3A_101 = arith.constant 16 : i32
      %scan3A_102 = arith.addi %scan3A_100, %scan3A_101 : i32
      %scan3A_103 = arith.constant 1 : i32
      %scan3A_104 = scf.for %scan3A_107 = %scan3A_100 to %scan3A_102 step %scan3A_103 iter_args(%scan3A_108 = %scan3A_99) -> (i32)  : i32 {
        %mul3A_109 = arith.constant 4 : i32
        %mul3A_110 = arith.muli %scan3A_107, %mul3A_109 : i32
        %add3A_111 = arith.constant 0 : i32
        %add3A_112 = arith.addi %mul3A_110, %add3A_111 : i32
        %add3A_113 = arith.constant 3 : i32
        %add3A_114 = arith.addi %add3A_112, %add3A_113 : i32
        %lt3A = arith.constant 64 : i32
        %lt3A_115 = arith.cmpi slt, %add3A_114, %lt3A : i32
        %convert_element_type3A = arith.extui %lt3A_115 : i1 to i32
        %cond3A = arith.constant 0 : i32
        %cond3A_116 = arith.cmpi ne, %convert_element_type3A, %cond3A : i32
        scf.if %cond3A_116 {
          %dma_start3A_802 = arith.constant 3 : i32
          %dma_start3A_803 = arith.constant 384 : i32
          %dma_start3A_804 = arith.constant 0 : i32
          %dma_start3A_805 = tpu.memref_slice %arg8[%dma_start3A_803, %dma_start3A_804] : memref<512x32xf32, #tpu.memory_space<vmem>> -> memref<128x32xf32, #tpu.memory_space<vmem>>
          %dma_start3A_806 = arith.constant 0 : i32
          %dma_start3A_807 = tpu.memref_slice %arg6[%add3A_114, %dma_start3A_806] : memref<64x128xi32, #tpu.memory_space<vmem>> -> memref<1x128xi32, #tpu.memory_space<vmem>>
          %dma_start3A_808 = tpu.memref_squeeze %dma_start3A_807 : memref<1x128xi32, #tpu.memory_space<vmem>> -> memref<128xi32, #tpu.memory_space<vmem>>
          %dma_start3A_809 = arith.constant 0 : i32
          %dma_start3A_810 = arith.constant 0 : i32
          %dma_start3A_811 = tpu.memref_slice %arg4[%dma_start3A_809, %dma_start3A_810] : memref<1000000x32xf32, #tpu.memory_space<hbm>> -> memref<1000000x32xf32, #tpu.memory_space<hbm>>
          %dma_start3A_812 = tpu.memref_slice %arg12[%dma_start3A_802] : memref<4x!tpu.dma_semaphore, #tpu.memory_space<semaphore_mem>> -> memref<1x!tpu.dma_semaphore, #tpu.memory_space<semaphore_mem>>
          %dma_start3A_813 = tpu.memref_squeeze %dma_start3A_812 : memref<1x!tpu.dma_semaphore, #tpu.memory_space<semaphore_mem>> -> memref<!tpu.dma_semaphore, #tpu.memory_space<semaphore_mem>>
          tpu.enqueue_indirect_dma source(%dma_start3A_811 : memref<1000000x32xf32, #tpu.memory_space<hbm>>) target(%dma_start3A_805 : memref<128x32xf32, #tpu.memory_space<vmem>>) offsets(%dma_start3A_808 : memref<128xi32, #tpu.memory_space<vmem>>) semaphore(%dma_start3A_813 : memref<!tpu.dma_semaphore, #tpu.memory_space<semaphore_mem>>)
          %dma_start3A_814 = arith.constant 3 : i32
          %dma_start3A_815 = arith.constant 216 : i32
          %dma_start3A_816 = arith.constant 0 : i32
          %dma_start3A_817 = tpu.memref_slice %arg9[%dma_start3A_815, %dma_start3A_816] : memref<288x32xf32, #tpu.memory_space<vmem>> -> memref<72x32xf32, #tpu.memory_space<vmem>>
          %dma_start3A_818 = arith.constant 0 : i32
          %dma_start3A_819 = tpu.memref_slice %arg7[%add3A_114, %dma_start3A_818] : memref<64x128xi32, #tpu.memory_space<vmem>> -> memref<1x72xi32, #tpu.memory_space<vmem>>
          %dma_start3A_820 = tpu.memref_squeeze %dma_start3A_819 : memref<1x72xi32, #tpu.memory_space<vmem>> -> memref<72xi32, #tpu.memory_space<vmem>>
          %dma_start3A_821 = arith.constant 0 : i32
          %dma_start3A_822 = arith.constant 0 : i32
          %dma_start3A_823 = tpu.memref_slice %arg4[%dma_start3A_821, %dma_start3A_822] : memref<1000000x32xf32, #tpu.memory_space<hbm>> -> memref<1000000x32xf32, #tpu.memory_space<hbm>>
          %dma_start3A_824 = tpu.memref_slice %arg12[%dma_start3A_814] : memref<4x!tpu.dma_semaphore, #tpu.memory_space<semaphore_mem>> -> memref<1x!tpu.dma_semaphore, #tpu.memory_space<semaphore_mem>>
          %dma_start3A_825 = tpu.memref_squeeze %dma_start3A_824 : memref<1x!tpu.dma_semaphore, #tpu.memory_space<semaphore_mem>> -> memref<!tpu.dma_semaphore, #tpu.memory_space<semaphore_mem>>
          tpu.enqueue_indirect_dma source(%dma_start3A_823 : memref<1000000x32xf32, #tpu.memory_space<hbm>>) target(%dma_start3A_817 : memref<72x32xf32, #tpu.memory_space<vmem>>) offsets(%dma_start3A_820 : memref<72xi32, #tpu.memory_space<vmem>>) semaphore(%dma_start3A_825 : memref<!tpu.dma_semaphore, #tpu.memory_space<semaphore_mem>>)
        } else {
        }
        %broadcast_in_dim3A_117 = arith.constant 0 : i32
        %broadcast_in_dim3A_118 = vector.broadcast %broadcast_in_dim3A_117 : i32 to vector<16xi32>
        %get3A_119 = arith.index_cast %add3A_112 : i32 to index
        %get3A_120 = arith.constant 0 : index
        %get3A_121 = tpu.vector_load %arg6[%get3A_119, %get3A_120] {strides = array<i32>} : memref<64x128xi32, #tpu.memory_space<vmem>>, vector<16xi32>,
        %eq3A = arith.constant 0 : i32
        %eq3A_122 = vector.broadcast %eq3A : i32 to vector<16xi32>
        %eq3A_123 = arith.cmpi eq, %get3A_121, %eq3A_122 : vector<16xi32>
        %all_reduce_population_count3A = tpu.all_reduce %eq3A_123 {dim = 0 : i64, kind = #tpu.reduction_kind<sum>} : vector<16xi1> -> vector<16xi32>
        %add3A_124 = arith.addi %broadcast_in_dim3A_118, %all_reduce_population_count3A : vector<16xi32>
        %get3A_125 = arith.index_cast %add3A_112 : i32 to index
        %get3A_126 = arith.constant 16 : index
        %get3A_127 = tpu.vector_load %arg6[%get3A_125, %get3A_126] {strides = array<i32>} : memref<64x128xi32, #tpu.memory_space<vmem>>, vector<16xi32>,
        %eq3A_128 = arith.constant 0 : i32
        %eq3A_129 = vector.broadcast %eq3A_128 : i32 to vector<16xi32>
        %eq3A_130 = arith.cmpi eq, %get3A_127, %eq3A_129 : vector<16xi32>
        %all_reduce_population_count3A_131 = tpu.all_reduce %eq3A_130 {dim = 0 : i64, kind = #tpu.reduction_kind<sum>} : vector<16xi1> -> vector<16xi32>
        %add3A_132 = arith.addi %add3A_124, %all_reduce_population_count3A_131 : vector<16xi32>
        %get3A_133 = arith.index_cast %add3A_112 : i32 to index
        %get3A_134 = arith.constant 32 : index
        %get3A_135 = tpu.vector_load %arg6[%get3A_133, %get3A_134] {strides = array<i32>} : memref<64x128xi32, #tpu.memory_space<vmem>>, vector<16xi32>,
        %eq3A_136 = arith.constant 0 : i32
        %eq3A_137 = vector.broadcast %eq3A_136 : i32 to vector<16xi32>
        %eq3A_138 = arith.cmpi eq, %get3A_135, %eq3A_137 : vector<16xi32>
        %all_reduce_population_count3A_139 = tpu.all_reduce %eq3A_138 {dim = 0 : i64, kind = #tpu.reduction_kind<sum>} : vector<16xi1> -> vector<16xi32>
        %add3A_140 = arith.addi %add3A_132, %all_reduce_population_count3A_139 : vector<16xi32>
        %get3A_141 = arith.index_cast %add3A_112 : i32 to index
        %get3A_142 = arith.constant 48 : index
        %get3A_143 = tpu.vector_load %arg6[%get3A_141, %get3A_142] {strides = array<i32>} : memref<64x128xi32, #tpu.memory_space<vmem>>, vector<16xi32>,
        %eq3A_144 = arith.constant 0 : i32
        %eq3A_145 = vector.broadcast %eq3A_144 : i32 to vector<16xi32>
        %eq3A_146 = arith.cmpi eq, %get3A_143, %eq3A_145 : vector<16xi32>
        %all_reduce_population_count3A_147 = tpu.all_reduce %eq3A_146 {dim = 0 : i64, kind = #tpu.reduction_kind<sum>} : vector<16xi1> -> vector<16xi32>
        %add3A_148 = arith.addi %add3A_140, %all_reduce_population_count3A_147 : vector<16xi32>
        %get3A_149 = arith.index_cast %add3A_112 : i32 to index
        %get3A_150 = arith.constant 64 : index
        %get3A_151 = tpu.vector_load %arg6[%get3A_149, %get3A_150] {strides = array<i32>} : memref<64x128xi32, #tpu.memory_space<vmem>>, vector<16xi32>,
        %eq3A_152 = arith.constant 0 : i32
        %eq3A_153 = vector.broadcast %eq3A_152 : i32 to vector<16xi32>
        %eq3A_154 = arith.cmpi eq, %get3A_151, %eq3A_153 : vector<16xi32>
        %all_reduce_population_count3A_155 = tpu.all_reduce %eq3A_154 {dim = 0 : i64, kind = #tpu.reduction_kind<sum>} : vector<16xi1> -> vector<16xi32>
        %add3A_156 = arith.addi %add3A_148, %all_reduce_population_count3A_155 : vector<16xi32>
        %get3A_157 = arith.index_cast %add3A_112 : i32 to index
        %get3A_158 = arith.constant 80 : index
        %get3A_159 = tpu.vector_load %arg6[%get3A_157, %get3A_158] {strides = array<i32>} : memref<64x128xi32, #tpu.memory_space<vmem>>, vector<16xi32>,
        %eq3A_160 = arith.constant 0 : i32
        %eq3A_161 = vector.broadcast %eq3A_160 : i32 to vector<16xi32>
        %eq3A_162 = arith.cmpi eq, %get3A_159, %eq3A_161 : vector<16xi32>
        %all_reduce_population_count3A_163 = tpu.all_reduce %eq3A_162 {dim = 0 : i64, kind = #tpu.reduction_kind<sum>} : vector<16xi1> -> vector<16xi32>
        %add3A_164 = arith.addi %add3A_156, %all_reduce_population_count3A_163 : vector<16xi32>
        %get3A_165 = arith.index_cast %add3A_112 : i32 to index
        %get3A_166 = arith.constant 96 : index
        %get3A_167 = tpu.vector_load %arg6[%get3A_165, %get3A_166] {strides = array<i32>} : memref<64x128xi32, #tpu.memory_space<vmem>>, vector<16xi32>,
        %eq3A_168 = arith.constant 0 : i32
        %eq3A_169 = vector.broadcast %eq3A_168 : i32 to vector<16xi32>
        %eq3A_170 = arith.cmpi eq, %get3A_167, %eq3A_169 : vector<16xi32>
        %all_reduce_population_count3A_171 = tpu.all_reduce %eq3A_170 {dim = 0 : i64, kind = #tpu.reduction_kind<sum>} : vector<16xi1> -> vector<16xi32>
        %add3A_172 = arith.addi %add3A_164, %all_reduce_population_count3A_171 : vector<16xi32>
        %get3A_173 = arith.index_cast %add3A_112 : i32 to index
        %get3A_174 = arith.constant 112 : index
        %get3A_175 = tpu.vector_load %arg6[%get3A_173, %get3A_174] {strides = array<i32>} : memref<64x128xi32, #tpu.memory_space<vmem>>, vector<16xi32>,
        %eq3A_176 = arith.constant 0 : i32
        %eq3A_177 = vector.broadcast %eq3A_176 : i32 to vector<16xi32>
        %eq3A_178 = arith.cmpi eq, %get3A_175, %eq3A_177 : vector<16xi32>
        %all_reduce_population_count3A_179 = tpu.all_reduce %eq3A_178 {dim = 0 : i64, kind = #tpu.reduction_kind<sum>} : vector<16xi1> -> vector<16xi32>
        %add3A_180 = arith.addi %add3A_172, %all_reduce_population_count3A_179 : vector<16xi32>
        %get3A_181 = arith.index_cast %add3A_112 : i32 to index
        %get3A_182 = arith.constant 0 : index
        %get3A_183 = tpu.vector_load %arg7[%get3A_181, %get3A_182] {strides = array<i32>} : memref<64x128xi32, #tpu.memory_space<vmem>>, vector<16xi32>,
        %eq3A_184 = arith.constant 0 : i32
        %eq3A_185 = vector.broadcast %eq3A_184 : i32 to vector<16xi32>
        %eq3A_186 = arith.cmpi eq, %get3A_183, %eq3A_185 : vector<16xi32>
        %all_reduce_population_count3A_187 = tpu.all_reduce %eq3A_186 {dim = 0 : i64, kind = #tpu.reduction_kind<sum>} : vector<16xi1> -> vector<16xi32>
        %add3A_188 = arith.addi %add3A_180, %all_reduce_population_count3A_187 : vector<16xi32>
        %get3A_189 = arith.index_cast %add3A_112 : i32 to index
        %get3A_190 = arith.constant 16 : index
        %get3A_191 = tpu.vector_load %arg7[%get3A_189, %get3A_190] {strides = array<i32>} : memref<64x128xi32, #tpu.memory_space<vmem>>, vector<16xi32>,
        %eq3A_192 = arith.constant 0 : i32
        %eq3A_193 = vector.broadcast %eq3A_192 : i32 to vector<16xi32>
        %eq3A_194 = arith.cmpi eq, %get3A_191, %eq3A_193 : vector<16xi32>
        %all_reduce_population_count3A_195 = tpu.all_reduce %eq3A_194 {dim = 0 : i64, kind = #tpu.reduction_kind<sum>} : vector<16xi1> -> vector<16xi32>
        %add3A_196 = arith.addi %add3A_188, %all_reduce_population_count3A_195 : vector<16xi32>
        %get3A_197 = arith.index_cast %add3A_112 : i32 to index
        %get3A_198 = arith.constant 32 : index
        %get3A_199 = tpu.vector_load %arg7[%get3A_197, %get3A_198] {strides = array<i32>} : memref<64x128xi32, #tpu.memory_space<vmem>>, vector<16xi32>,
        %eq3A_200 = arith.constant 0 : i32
        %eq3A_201 = vector.broadcast %eq3A_200 : i32 to vector<16xi32>
        %eq3A_202 = arith.cmpi eq, %get3A_199, %eq3A_201 : vector<16xi32>
        %all_reduce_population_count3A_203 = tpu.all_reduce %eq3A_202 {dim = 0 : i64, kind = #tpu.reduction_kind<sum>} : vector<16xi1> -> vector<16xi32>
        %add3A_204 = arith.addi %add3A_196, %all_reduce_population_count3A_203 : vector<16xi32>
        %get3A_205 = arith.index_cast %add3A_112 : i32 to index
        %get3A_206 = arith.constant 48 : index
        %get3A_207 = tpu.vector_load %arg7[%get3A_205, %get3A_206] {strides = array<i32>} : memref<64x128xi32, #tpu.memory_space<vmem>>, vector<16xi32>,
        %eq3A_208 = arith.constant 0 : i32
        %eq3A_209 = vector.broadcast %eq3A_208 : i32 to vector<16xi32>
        %eq3A_210 = arith.cmpi eq, %get3A_207, %eq3A_209 : vector<16xi32>
        %all_reduce_population_count3A_211 = tpu.all_reduce %eq3A_210 {dim = 0 : i64, kind = #tpu.reduction_kind<sum>} : vector<16xi1> -> vector<16xi32>
        %add3A_212 = arith.addi %add3A_204, %all_reduce_population_count3A_211 : vector<16xi32>
        %get3A_213 = arith.index_cast %add3A_112 : i32 to index
        %get3A_214 = arith.constant 56 : index
        %get3A_215 = tpu.vector_load %arg7[%get3A_213, %get3A_214] {strides = array<i32>} : memref<64x128xi32, #tpu.memory_space<vmem>>, vector<16xi32>,
        %eq3A_216 = arith.constant 0 : i32
        %eq3A_217 = vector.broadcast %eq3A_216 : i32 to vector<16xi32>
        %eq3A_218 = arith.cmpi eq, %get3A_215, %eq3A_217 : vector<16xi32>
        %and3A = arith.andi %eq3A_218, %ge3A_7 : vector<16xi1>
        %all_reduce_population_count3A_219 = tpu.all_reduce %and3A {dim = 0 : i64, kind = #tpu.reduction_kind<sum>} : vector<16xi1> -> vector<16xi32>
        %add3A_220 = arith.addi %add3A_212, %all_reduce_population_count3A_219 : vector<16xi32>
        %convert_element_type3A_221 = arith.sitofp %add3A_220 : vector<16xi32> to vector<16xf32>
        %dma_wait3A = arith.constant 0 : i32
        %dma_wait3A_222 = arith.constant 0 : i32
        %dma_wait3A_223 = arith.constant 0 : i32
        %dma_wait3A_224 = tpu.memref_slice %arg8[%dma_wait3A_222, %dma_wait3A_223] : memref<512x32xf32, #tpu.memory_space<vmem>> -> memref<128x32xf32, #tpu.memory_space<vmem>>
        %dma_wait3A_225 = arith.constant 0 : i32
        %dma_wait3A_226 = arith.constant 0 : i32
        %dma_wait3A_227 = tpu.memref_slice %arg4[%dma_wait3A_225, %dma_wait3A_226] : memref<1000000x32xf32, #tpu.memory_space<hbm>> -> memref<128x32xf32, #tpu.memory_space<hbm>>
        %dma_wait3A_228 = tpu.memref_slice %arg12[%dma_wait3A] : memref<4x!tpu.dma_semaphore, #tpu.memory_space<semaphore_mem>> -> memref<1x!tpu.dma_semaphore, #tpu.memory_space<semaphore_mem>>
        %dma_wait3A_229 = tpu.memref_squeeze %dma_wait3A_228 : memref<1x!tpu.dma_semaphore, #tpu.memory_space<semaphore_mem>> -> memref<!tpu.dma_semaphore, #tpu.memory_space<semaphore_mem>>
        %dma_wait3A_230 = arith.constant 0 : i32
        %dma_wait3A_231 = arith.constant 0 : i32
        %dma_wait3A_232 = tpu.memref_slice %arg8[%dma_wait3A_230, %dma_wait3A_231] : memref<512x32xf32, #tpu.memory_space<vmem>> -> memref<128x32xf32, #tpu.memory_space<vmem>>
        %dma_wait3A_233 = arith.constant 0 : i32
        %dma_wait3A_234 = arith.constant 0 : i32
        %dma_wait3A_235 = tpu.memref_slice %arg4[%dma_wait3A_233, %dma_wait3A_234] : memref<1000000x32xf32, #tpu.memory_space<hbm>> -> memref<128x32xf32, #tpu.memory_space<hbm>>
        tpu.wait_dma2 semaphore(%dma_wait3A_229 : memref<!tpu.dma_semaphore, #tpu.memory_space<semaphore_mem>>) src(%dma_wait3A_235 : memref<128x32xf32, #tpu.memory_space<hbm>>) dst(%dma_wait3A_232 : memref<128x32xf32, #tpu.memory_space<vmem>>)
        %dma_wait3A_236 = arith.constant 0 : i32
        %dma_wait3A_237 = arith.constant 0 : i32
        %dma_wait3A_238 = arith.constant 0 : i32
        %dma_wait3A_239 = tpu.memref_slice %arg9[%dma_wait3A_237, %dma_wait3A_238] : memref<288x32xf32, #tpu.memory_space<vmem>> -> memref<72x32xf32, #tpu.memory_space<vmem>>
        %dma_wait3A_240 = arith.constant 0 : i32
        %dma_wait3A_241 = arith.constant 0 : i32
        %dma_wait3A_242 = tpu.memref_slice %arg4[%dma_wait3A_240, %dma_wait3A_241] : memref<1000000x32xf32, #tpu.memory_space<hbm>> -> memref<72x32xf32, #tpu.memory_space<hbm>>
        %dma_wait3A_243 = tpu.memref_slice %arg12[%dma_wait3A_236] : memref<4x!tpu.dma_semaphore, #tpu.memory_space<semaphore_mem>> -> memref<1x!tpu.dma_semaphore, #tpu.memory_space<semaphore_mem>>
        %dma_wait3A_244 = tpu.memref_squeeze %dma_wait3A_243 : memref<1x!tpu.dma_semaphore, #tpu.memory_space<semaphore_mem>> -> memref<!tpu.dma_semaphore, #tpu.memory_space<semaphore_mem>>
        %dma_wait3A_245 = arith.constant 0 : i32
        %dma_wait3A_246 = arith.constant 0 : i32
        %dma_wait3A_247 = tpu.memref_slice %arg9[%dma_wait3A_245, %dma_wait3A_246] : memref<288x32xf32, #tpu.memory_space<vmem>> -> memref<72x32xf32, #tpu.memory_space<vmem>>
        %dma_wait3A_248 = arith.constant 0 : i32
        %dma_wait3A_249 = arith.constant 0 : i32
        %dma_wait3A_250 = tpu.memref_slice %arg4[%dma_wait3A_248, %dma_wait3A_249] : memref<1000000x32xf32, #tpu.memory_space<hbm>> -> memref<72x32xf32, #tpu.memory_space<hbm>>
        tpu.wait_dma2 semaphore(%dma_wait3A_244 : memref<!tpu.dma_semaphore, #tpu.memory_space<semaphore_mem>>) src(%dma_wait3A_250 : memref<72x32xf32, #tpu.memory_space<hbm>>) dst(%dma_wait3A_247 : memref<72x32xf32, #tpu.memory_space<vmem>>)
        %scan3A_251 = arith.constant 0 : i32
        %scan3A_252 = arith.constant 16 : i32
        %scan3A_253 = arith.addi %scan3A_251, %scan3A_252 : i32
        %scan3A_254 = arith.constant 1 : i32
        %scan3A_255:2 = scf.for %scan3A_802 = %scan3A_251 to %scan3A_253 step %scan3A_254 iter_args(%scan3A_803 = %broadcast_in_dim3A_8, %scan3A_804 = %broadcast_in_dim3A_8) -> (vector<16xf32>, vector<16xf32>)  : i32 {
          %mul3A_805 = arith.constant 8 : i32
          %mul3A_806 = arith.muli %scan3A_802, %mul3A_805 : i32
          %add3A_807 = arith.constant 0 : i32
          %add3A_808 = arith.addi %add3A_807, %mul3A_806 : i32
          %add3A_809 = arith.constant 0 : i32
          %add3A_810 = arith.addi %add3A_808, %add3A_809 : i32
          %get3A_811 = arith.index_cast %add3A_810 : i32 to index
          %get3A_812 = arith.constant 0 : index
          %get3A_813 = tpu.vector_load %arg8[%get3A_811, %get3A_812] {strides = array<i32>} : memref<512x32xf32, #tpu.memory_space<vmem>>, vector<16xf32>,
          %add3A_814 = arith.addf %scan3A_803, %get3A_813 : vector<16xf32>
          %add3A_815 = arith.constant 0 : i32
          %add3A_816 = arith.addi %add3A_808, %add3A_815 : i32
          %get3A_817 = arith.index_cast %add3A_816 : i32 to index
          %get3A_818 = arith.constant 16 : index
          %get3A_819 = tpu.vector_load %arg8[%get3A_817, %get3A_818] {strides = array<i32>} : memref<512x32xf32, #tpu.memory_space<vmem>>, vector<16xf32>,
          %add3A_820 = arith.addf %scan3A_804, %get3A_819 : vector<16xf32>
          %add3A_821 = arith.constant 1 : i32
          %add3A_822 = arith.addi %add3A_808, %add3A_821 : i32
          %get3A_823 = arith.index_cast %add3A_822 : i32 to index
          %get3A_824 = arith.constant 0 : index
          %get3A_825 = tpu.vector_load %arg8[%get3A_823, %get3A_824] {strides = array<i32>} : memref<512x32xf32, #tpu.memory_space<vmem>>, vector<16xf32>,
          %add3A_826 = arith.addf %add3A_814, %get3A_825 : vector<16xf32>
          %add3A_827 = arith.constant 1 : i32
          %add3A_828 = arith.addi %add3A_808, %add3A_827 : i32
          %get3A_829 = arith.index_cast %add3A_828 : i32 to index
          %get3A_830 = arith.constant 16 : index
          %get3A_831 = tpu.vector_load %arg8[%get3A_829, %get3A_830] {strides = array<i32>} : memref<512x32xf32, #tpu.memory_space<vmem>>, vector<16xf32>,
          %add3A_832 = arith.addf %add3A_820, %get3A_831 : vector<16xf32>
          %add3A_833 = arith.constant 2 : i32
          %add3A_834 = arith.addi %add3A_808, %add3A_833 : i32
          %get3A_835 = arith.index_cast %add3A_834 : i32 to index
          %get3A_836 = arith.constant 0 : index
          %get3A_837 = tpu.vector_load %arg8[%get3A_835, %get3A_836] {strides = array<i32>} : memref<512x32xf32, #tpu.memory_space<vmem>>, vector<16xf32>,
          %add3A_838 = arith.addf %add3A_826, %get3A_837 : vector<16xf32>
          %add3A_839 = arith.constant 2 : i32
          %add3A_840 = arith.addi %add3A_808, %add3A_839 : i32
          %get3A_841 = arith.index_cast %add3A_840 : i32 to index
          %get3A_842 = arith.constant 16 : index
          %get3A_843 = tpu.vector_load %arg8[%get3A_841, %get3A_842] {strides = array<i32>} : memref<512x32xf32, #tpu.memory_space<vmem>>, vector<16xf32>,
          %add3A_844 = arith.addf %add3A_832, %get3A_843 : vector<16xf32>
          %add3A_845 = arith.constant 3 : i32
          %add3A_846 = arith.addi %add3A_808, %add3A_845 : i32
          %get3A_847 = arith.index_cast %add3A_846 : i32 to index
          %get3A_848 = arith.constant 0 : index
          %get3A_849 = tpu.vector_load %arg8[%get3A_847, %get3A_848] {strides = array<i32>} : memref<512x32xf32, #tpu.memory_space<vmem>>, vector<16xf32>,
          %add3A_850 = arith.addf %add3A_838, %get3A_849 : vector<16xf32>
          %add3A_851 = arith.constant 3 : i32
          %add3A_852 = arith.addi %add3A_808, %add3A_851 : i32
          %get3A_853 = arith.index_cast %add3A_852 : i32 to index
          %get3A_854 = arith.constant 16 : index
          %get3A_855 = tpu.vector_load %arg8[%get3A_853, %get3A_854] {strides = array<i32>} : memref<512x32xf32, #tpu.memory_space<vmem>>, vector<16xf32>,
          %add3A_856 = arith.addf %add3A_844, %get3A_855 : vector<16xf32>
          %add3A_857 = arith.constant 4 : i32
          %add3A_858 = arith.addi %add3A_808, %add3A_857 : i32
          %get3A_859 = arith.index_cast %add3A_858 : i32 to index
          %get3A_860 = arith.constant 0 : index
          %get3A_861 = tpu.vector_load %arg8[%get3A_859, %get3A_860] {strides = array<i32>} : memref<512x32xf32, #tpu.memory_space<vmem>>, vector<16xf32>,
          %add3A_862 = arith.addf %add3A_850, %get3A_861 : vector<16xf32>
          %add3A_863 = arith.constant 4 : i32
          %add3A_864 = arith.addi %add3A_808, %add3A_863 : i32
          %get3A_865 = arith.index_cast %add3A_864 : i32 to index
          %get3A_866 = arith.constant 16 : index
          %get3A_867 = tpu.vector_load %arg8[%get3A_865, %get3A_866] {strides = array<i32>} : memref<512x32xf32, #tpu.memory_space<vmem>>, vector<16xf32>,
          %add3A_868 = arith.addf %add3A_856, %get3A_867 : vector<16xf32>
          %add3A_869 = arith.constant 5 : i32
          %add3A_870 = arith.addi %add3A_808, %add3A_869 : i32
          %get3A_871 = arith.index_cast %add3A_870 : i32 to index
          %get3A_872 = arith.constant 0 : index
          %get3A_873 = tpu.vector_load %arg8[%get3A_871, %get3A_872] {strides = array<i32>} : memref<512x32xf32, #tpu.memory_space<vmem>>, vector<16xf32>,
          %add3A_874 = arith.addf %add3A_862, %get3A_873 : vector<16xf32>
          %add3A_875 = arith.constant 5 : i32
          %add3A_876 = arith.addi %add3A_808, %add3A_875 : i32
          %get3A_877 = arith.index_cast %add3A_876 : i32 to index
          %get3A_878 = arith.constant 16 : index
          %get3A_879 = tpu.vector_load %arg8[%get3A_877, %get3A_878] {strides = array<i32>} : memref<512x32xf32, #tpu.memory_space<vmem>>, vector<16xf32>,
          %add3A_880 = arith.addf %add3A_868, %get3A_879 : vector<16xf32>
          %add3A_881 = arith.constant 6 : i32
          %add3A_882 = arith.addi %add3A_808, %add3A_881 : i32
          %get3A_883 = arith.index_cast %add3A_882 : i32 to index
          %get3A_884 = arith.constant 0 : index
          %get3A_885 = tpu.vector_load %arg8[%get3A_883, %get3A_884] {strides = array<i32>} : memref<512x32xf32, #tpu.memory_space<vmem>>, vector<16xf32>,
          %add3A_886 = arith.addf %add3A_874, %get3A_885 : vector<16xf32>
          %add3A_887 = arith.constant 6 : i32
          %add3A_888 = arith.addi %add3A_808, %add3A_887 : i32
          %get3A_889 = arith.index_cast %add3A_888 : i32 to index
          %get3A_890 = arith.constant 16 : index
          %get3A_891 = tpu.vector_load %arg8[%get3A_889, %get3A_890] {strides = array<i32>} : memref<512x32xf32, #tpu.memory_space<vmem>>, vector<16xf32>,
          %add3A_892 = arith.addf %add3A_880, %get3A_891 : vector<16xf32>
          %add3A_893 = arith.constant 7 : i32
          %add3A_894 = arith.addi %add3A_808, %add3A_893 : i32
          %get3A_895 = arith.index_cast %add3A_894 : i32 to index
          %get3A_896 = arith.constant 0 : index
          %get3A_897 = tpu.vector_load %arg8[%get3A_895, %get3A_896] {strides = array<i32>} : memref<512x32xf32, #tpu.memory_space<vmem>>, vector<16xf32>,
          %add3A_898 = arith.addf %add3A_886, %get3A_897 : vector<16xf32>
          %add3A_899 = arith.constant 7 : i32
          %add3A_900 = arith.addi %add3A_808, %add3A_899 : i32
          %get3A_901 = arith.index_cast %add3A_900 : i32 to index
          %get3A_902 = arith.constant 16 : index
          %get3A_903 = tpu.vector_load %arg8[%get3A_901, %get3A_902] {strides = array<i32>} : memref<512x32xf32, #tpu.memory_space<vmem>>, vector<16xf32>,
          %add3A_904 = arith.addf %add3A_892, %get3A_903 : vector<16xf32>
          scf.yield %add3A_898, %add3A_904 : vector<16xf32>, vector<16xf32>
        }
        %scan3A_256 = arith.constant 16 : i32
        %scan3A_257 = arith.constant 0 : i32
        %scan3A_258 = arith.constant 9 : i32
        %scan3A_259 = arith.addi %scan3A_257, %scan3A_258 : i32
        %scan3A_260 = arith.constant 1 : i32
        %scan3A_261:2 = scf.for %scan3A_802 = %scan3A_257 to %scan3A_259 step %scan3A_260 iter_args(%scan3A_803 = %scan3A_255#0, %scan3A_804 = %scan3A_255#1) -> (vector<16xf32>, vector<16xf32>)  : i32 {
          %mul3A_805 = arith.constant 8 : i32
          %mul3A_806 = arith.muli %scan3A_802, %mul3A_805 : i32
          %add3A_807 = arith.constant 0 : i32
          %add3A_808 = arith.addi %add3A_807, %mul3A_806 : i32
          %add3A_809 = arith.constant 0 : i32
          %add3A_810 = arith.addi %add3A_808, %add3A_809 : i32
          %get3A_811 = arith.index_cast %add3A_810 : i32 to index
          %get3A_812 = arith.constant 0 : index
          %get3A_813 = tpu.vector_load %arg9[%get3A_811, %get3A_812] {strides = array<i32>} : memref<288x32xf32, #tpu.memory_space<vmem>>, vector<16xf32>,
          %add3A_814 = arith.addf %scan3A_803, %get3A_813 : vector<16xf32>
          %add3A_815 = arith.constant 0 : i32
          %add3A_816 = arith.addi %add3A_808, %add3A_815 : i32
          %get3A_817 = arith.index_cast %add3A_816 : i32 to index
          %get3A_818 = arith.constant 16 : index
          %get3A_819 = tpu.vector_load %arg9[%get3A_817, %get3A_818] {strides = array<i32>} : memref<288x32xf32, #tpu.memory_space<vmem>>, vector<16xf32>,
          %add3A_820 = arith.addf %scan3A_804, %get3A_819 : vector<16xf32>
          %add3A_821 = arith.constant 1 : i32
          %add3A_822 = arith.addi %add3A_808, %add3A_821 : i32
          %get3A_823 = arith.index_cast %add3A_822 : i32 to index
          %get3A_824 = arith.constant 0 : index
          %get3A_825 = tpu.vector_load %arg9[%get3A_823, %get3A_824] {strides = array<i32>} : memref<288x32xf32, #tpu.memory_space<vmem>>, vector<16xf32>,
          %add3A_826 = arith.addf %add3A_814, %get3A_825 : vector<16xf32>
          %add3A_827 = arith.constant 1 : i32
          %add3A_828 = arith.addi %add3A_808, %add3A_827 : i32
          %get3A_829 = arith.index_cast %add3A_828 : i32 to index
          %get3A_830 = arith.constant 16 : index
          %get3A_831 = tpu.vector_load %arg9[%get3A_829, %get3A_830] {strides = array<i32>} : memref<288x32xf32, #tpu.memory_space<vmem>>, vector<16xf32>,
          %add3A_832 = arith.addf %add3A_820, %get3A_831 : vector<16xf32>
          %add3A_833 = arith.constant 2 : i32
          %add3A_834 = arith.addi %add3A_808, %add3A_833 : i32
          %get3A_835 = arith.index_cast %add3A_834 : i32 to index
          %get3A_836 = arith.constant 0 : index
          %get3A_837 = tpu.vector_load %arg9[%get3A_835, %get3A_836] {strides = array<i32>} : memref<288x32xf32, #tpu.memory_space<vmem>>, vector<16xf32>,
          %add3A_838 = arith.addf %add3A_826, %get3A_837 : vector<16xf32>
          %add3A_839 = arith.constant 2 : i32
          %add3A_840 = arith.addi %add3A_808, %add3A_839 : i32
          %get3A_841 = arith.index_cast %add3A_840 : i32 to index
          %get3A_842 = arith.constant 16 : index
          %get3A_843 = tpu.vector_load %arg9[%get3A_841, %get3A_842] {strides = array<i32>} : memref<288x32xf32, #tpu.memory_space<vmem>>, vector<16xf32>,
          %add3A_844 = arith.addf %add3A_832, %get3A_843 : vector<16xf32>
          %add3A_845 = arith.constant 3 : i32
          %add3A_846 = arith.addi %add3A_808, %add3A_845 : i32
          %get3A_847 = arith.index_cast %add3A_846 : i32 to index
          %get3A_848 = arith.constant 0 : index
          %get3A_849 = tpu.vector_load %arg9[%get3A_847, %get3A_848] {strides = array<i32>} : memref<288x32xf32, #tpu.memory_space<vmem>>, vector<16xf32>,
          %add3A_850 = arith.addf %add3A_838, %get3A_849 : vector<16xf32>
          %add3A_851 = arith.constant 3 : i32
          %add3A_852 = arith.addi %add3A_808, %add3A_851 : i32
          %get3A_853 = arith.index_cast %add3A_852 : i32 to index
          %get3A_854 = arith.constant 16 : index
          %get3A_855 = tpu.vector_load %arg9[%get3A_853, %get3A_854] {strides = array<i32>} : memref<288x32xf32, #tpu.memory_space<vmem>>, vector<16xf32>,
          %add3A_856 = arith.addf %add3A_844, %get3A_855 : vector<16xf32>
          %add3A_857 = arith.constant 4 : i32
          %add3A_858 = arith.addi %add3A_808, %add3A_857 : i32
          %get3A_859 = arith.index_cast %add3A_858 : i32 to index
          %get3A_860 = arith.constant 0 : index
          %get3A_861 = tpu.vector_load %arg9[%get3A_859, %get3A_860] {strides = array<i32>} : memref<288x32xf32, #tpu.memory_space<vmem>>, vector<16xf32>,
          %add3A_862 = arith.addf %add3A_850, %get3A_861 : vector<16xf32>
          %add3A_863 = arith.constant 4 : i32
          %add3A_864 = arith.addi %add3A_808, %add3A_863 : i32
          %get3A_865 = arith.index_cast %add3A_864 : i32 to index
          %get3A_866 = arith.constant 16 : index
          %get3A_867 = tpu.vector_load %arg9[%get3A_865, %get3A_866] {strides = array<i32>} : memref<288x32xf32, #tpu.memory_space<vmem>>, vector<16xf32>,
          %add3A_868 = arith.addf %add3A_856, %get3A_867 : vector<16xf32>
          %add3A_869 = arith.constant 5 : i32
          %add3A_870 = arith.addi %add3A_808, %add3A_869 : i32
          %get3A_871 = arith.index_cast %add3A_870 : i32 to index
          %get3A_872 = arith.constant 0 : index
          %get3A_873 = tpu.vector_load %arg9[%get3A_871, %get3A_872] {strides = array<i32>} : memref<288x32xf32, #tpu.memory_space<vmem>>, vector<16xf32>,
          %add3A_874 = arith.addf %add3A_862, %get3A_873 : vector<16xf32>
          %add3A_875 = arith.constant 5 : i32
          %add3A_876 = arith.addi %add3A_808, %add3A_875 : i32
          %get3A_877 = arith.index_cast %add3A_876 : i32 to index
          %get3A_878 = arith.constant 16 : index
          %get3A_879 = tpu.vector_load %arg9[%get3A_877, %get3A_878] {strides = array<i32>} : memref<288x32xf32, #tpu.memory_space<vmem>>, vector<16xf32>,
          %add3A_880 = arith.addf %add3A_868, %get3A_879 : vector<16xf32>
          %add3A_881 = arith.constant 6 : i32
          %add3A_882 = arith.addi %add3A_808, %add3A_881 : i32
          %get3A_883 = arith.index_cast %add3A_882 : i32 to index
          %get3A_884 = arith.constant 0 : index
          %get3A_885 = tpu.vector_load %arg9[%get3A_883, %get3A_884] {strides = array<i32>} : memref<288x32xf32, #tpu.memory_space<vmem>>, vector<16xf32>,
          %add3A_886 = arith.addf %add3A_874, %get3A_885 : vector<16xf32>
          %add3A_887 = arith.constant 6 : i32
          %add3A_888 = arith.addi %add3A_808, %add3A_887 : i32
          %get3A_889 = arith.index_cast %add3A_888 : i32 to index
          %get3A_890 = arith.constant 16 : index
          %get3A_891 = tpu.vector_load %arg9[%get3A_889, %get3A_890] {strides = array<i32>} : memref<288x32xf32, #tpu.memory_space<vmem>>, vector<16xf32>,
          %add3A_892 = arith.addf %add3A_880, %get3A_891 : vector<16xf32>
          %add3A_893 = arith.constant 7 : i32
          %add3A_894 = arith.addi %add3A_808, %add3A_893 : i32
          %get3A_895 = arith.index_cast %add3A_894 : i32 to index
          %get3A_896 = arith.constant 0 : index
          %get3A_897 = tpu.vector_load %arg9[%get3A_895, %get3A_896] {strides = array<i32>} : memref<288x32xf32, #tpu.memory_space<vmem>>, vector<16xf32>,
          %add3A_898 = arith.addf %add3A_886, %get3A_897 : vector<16xf32>
          %add3A_899 = arith.constant 7 : i32
          %add3A_900 = arith.addi %add3A_808, %add3A_899 : i32
          %get3A_901 = arith.index_cast %add3A_900 : i32 to index
          %get3A_902 = arith.constant 16 : index
          %get3A_903 = tpu.vector_load %arg9[%get3A_901, %get3A_902] {strides = array<i32>} : memref<288x32xf32, #tpu.memory_space<vmem>>, vector<16xf32>,
          %add3A_904 = arith.addf %add3A_892, %get3A_903 : vector<16xf32>
          scf.yield %add3A_898, %add3A_904 : vector<16xf32>, vector<16xf32>
        }
        %scan3A_262 = arith.constant 9 : i32
        %sub3A = arith.subf %broadcast_in_dim3A_10, %convert_element_type3A_221 : vector<16xf32>
        %add3A_263 = arith.constant 9.99999993E-9 : f32
        %add3A_264 = vector.broadcast %add3A_263 : f32 to vector<16xf32>
        %add3A_265 = arith.addf %sub3A, %add3A_264 : vector<16xf32>
        %mul3A_266 = arith.mulf %convert_element_type3A_221, %get3A_3 : vector<16xf32>
        %sub3A_267 = arith.subf %scan3A_261#0, %mul3A_266 : vector<16xf32>
        %div3A = arith.divf %sub3A_267, %add3A_265 : vector<16xf32>
        %swap3A = arith.index_cast %add3A_112 : i32 to index
        %swap3A_268 = arith.constant 0 : index
        %swap3A_269 = tpu.vector_load %arg11[%swap3A, %swap3A_268] {strides = array<i32>} : memref<64x32xf32, #tpu.memory_space<vmem>>, vector<16xf32>,
        tpu.vector_store %arg11[%swap3A, %swap3A_268], %div3A {strides = array<i32>} : memref<64x32xf32, #tpu.memory_space<vmem>>, vector<16xf32>,
        %mul3A_270 = arith.mulf %convert_element_type3A_221, %get3A_5 : vector<16xf32>
        %sub3A_271 = arith.subf %scan3A_261#1, %mul3A_270 : vector<16xf32>
        %div3A_272 = arith.divf %sub3A_271, %add3A_265 : vector<16xf32>
        %swap3A_273 = arith.index_cast %add3A_112 : i32 to index
        %swap3A_274 = arith.constant 16 : index
        %swap3A_275 = tpu.vector_load %arg11[%swap3A_273, %swap3A_274] {strides = array<i32>} : memref<64x32xf32, #tpu.memory_space<vmem>>, vector<16xf32>,
        tpu.vector_store %arg11[%swap3A_273, %swap3A_274], %div3A_272 {strides = array<i32>} : memref<64x32xf32, #tpu.memory_space<vmem>>, vector<16xf32>,
        %add3A_276 = arith.constant 1 : i32
        %add3A_277 = arith.addi %mul3A_110, %add3A_276 : i32
        %add3A_278 = arith.constant 3 : i32
        %add3A_279 = arith.addi %add3A_277, %add3A_278 : i32
        %lt3A_280 = arith.constant 64 : i32
        %lt3A_281 = arith.cmpi slt, %add3A_279, %lt3A_280 : i32
        %convert_element_type3A_282 = arith.extui %lt3A_281 : i1 to i32
        %cond3A_283 = arith.constant 0 : i32
        %cond3A_284 = arith.cmpi ne, %convert_element_type3A_282, %cond3A_283 : i32
        scf.if %cond3A_284 {
          %dma_start3A_802 = arith.constant 0 : i32
          %dma_start3A_803 = arith.constant 0 : i32
          %dma_start3A_804 = arith.constant 0 : i32
          %dma_start3A_805 = tpu.memref_slice %arg8[%dma_start3A_803, %dma_start3A_804] : memref<512x32xf32, #tpu.memory_space<vmem>> -> memref<128x32xf32, #tpu.memory_space<vmem>>
          %dma_start3A_806 = arith.constant 0 : i32
          %dma_start3A_807 = tpu.memref_slice %arg6[%add3A_279, %dma_start3A_806] : memref<64x128xi32, #tpu.memory_space<vmem>> -> memref<1x128xi32, #tpu.memory_space<vmem>>
          %dma_start3A_808 = tpu.memref_squeeze %dma_start3A_807 : memref<1x128xi32, #tpu.memory_space<vmem>> -> memref<128xi32, #tpu.memory_space<vmem>>
          %dma_start3A_809 = arith.constant 0 : i32
          %dma_start3A_810 = arith.constant 0 : i32
          %dma_start3A_811 = tpu.memref_slice %arg4[%dma_start3A_809, %dma_start3A_810] : memref<1000000x32xf32, #tpu.memory_space<hbm>> -> memref<1000000x32xf32, #tpu.memory_space<hbm>>
          %dma_start3A_812 = tpu.memref_slice %arg12[%dma_start3A_802] : memref<4x!tpu.dma_semaphore, #tpu.memory_space<semaphore_mem>> -> memref<1x!tpu.dma_semaphore, #tpu.memory_space<semaphore_mem>>
          %dma_start3A_813 = tpu.memref_squeeze %dma_start3A_812 : memref<1x!tpu.dma_semaphore, #tpu.memory_space<semaphore_mem>> -> memref<!tpu.dma_semaphore, #tpu.memory_space<semaphore_mem>>
          tpu.enqueue_indirect_dma source(%dma_start3A_811 : memref<1000000x32xf32, #tpu.memory_space<hbm>>) target(%dma_start3A_805 : memref<128x32xf32, #tpu.memory_space<vmem>>) offsets(%dma_start3A_808 : memref<128xi32, #tpu.memory_space<vmem>>) semaphore(%dma_start3A_813 : memref<!tpu.dma_semaphore, #tpu.memory_space<semaphore_mem>>)
          %dma_start3A_814 = arith.constant 0 : i32
          %dma_start3A_815 = arith.constant 0 : i32
          %dma_start3A_816 = arith.constant 0 : i32
          %dma_start3A_817 = tpu.memref_slice %arg9[%dma_start3A_815, %dma_start3A_816] : memref<288x32xf32, #tpu.memory_space<vmem>> -> memref<72x32xf32, #tpu.memory_space<vmem>>
          %dma_start3A_818 = arith.constant 0 : i32
          %dma_start3A_819 = tpu.memref_slice %arg7[%add3A_279, %dma_start3A_818] : memref<64x128xi32, #tpu.memory_space<vmem>> -> memref<1x72xi32, #tpu.memory_space<vmem>>
          %dma_start3A_820 = tpu.memref_squeeze %dma_start3A_819 : memref<1x72xi32, #tpu.memory_space<vmem>> -> memref<72xi32, #tpu.memory_space<vmem>>
          %dma_start3A_821 = arith.constant 0 : i32
          %dma_start3A_822 = arith.constant 0 : i32
          %dma_start3A_823 = tpu.memref_slice %arg4[%dma_start3A_821, %dma_start3A_822] : memref<1000000x32xf32, #tpu.memory_space<hbm>> -> memref<1000000x32xf32, #tpu.memory_space<hbm>>
          %dma_start3A_824 = tpu.memref_slice %arg12[%dma_start3A_814] : memref<4x!tpu.dma_semaphore, #tpu.memory_space<semaphore_mem>> -> memref<1x!tpu.dma_semaphore, #tpu.memory_space<semaphore_mem>>
          %dma_start3A_825 = tpu.memref_squeeze %dma_start3A_824 : memref<1x!tpu.dma_semaphore, #tpu.memory_space<semaphore_mem>> -> memref<!tpu.dma_semaphore, #tpu.memory_space<semaphore_mem>>
          tpu.enqueue_indirect_dma source(%dma_start3A_823 : memref<1000000x32xf32, #tpu.memory_space<hbm>>) target(%dma_start3A_817 : memref<72x32xf32, #tpu.memory_space<vmem>>) offsets(%dma_start3A_820 : memref<72xi32, #tpu.memory_space<vmem>>) semaphore(%dma_start3A_825 : memref<!tpu.dma_semaphore, #tpu.memory_space<semaphore_mem>>)
        } else {
        }
        %broadcast_in_dim3A_285 = arith.constant 0 : i32
        %broadcast_in_dim3A_286 = vector.broadcast %broadcast_in_dim3A_285 : i32 to vector<16xi32>
        %get3A_287 = arith.index_cast %add3A_277 : i32 to index
        %get3A_288 = arith.constant 0 : index
        %get3A_289 = tpu.vector_load %arg6[%get3A_287, %get3A_288] {strides = array<i32>} : memref<64x128xi32, #tpu.memory_space<vmem>>, vector<16xi32>,
        %eq3A_290 = arith.constant 0 : i32
        %eq3A_291 = vector.broadcast %eq3A_290 : i32 to vector<16xi32>
        %eq3A_292 = arith.cmpi eq, %get3A_289, %eq3A_291 : vector<16xi32>
        %all_reduce_population_count3A_293 = tpu.all_reduce %eq3A_292 {dim = 0 : i64, kind = #tpu.reduction_kind<sum>} : vector<16xi1> -> vector<16xi32>
        %add3A_294 = arith.addi %broadcast_in_dim3A_286, %all_reduce_population_count3A_293 : vector<16xi32>
        %get3A_295 = arith.index_cast %add3A_277 : i32 to index
        %get3A_296 = arith.constant 16 : index
        %get3A_297 = tpu.vector_load %arg6[%get3A_295, %get3A_296] {strides = array<i32>} : memref<64x128xi32, #tpu.memory_space<vmem>>, vector<16xi32>,
        %eq3A_298 = arith.constant 0 : i32
        %eq3A_299 = vector.broadcast %eq3A_298 : i32 to vector<16xi32>
        %eq3A_300 = arith.cmpi eq, %get3A_297, %eq3A_299 : vector<16xi32>
        %all_reduce_population_count3A_301 = tpu.all_reduce %eq3A_300 {dim = 0 : i64, kind = #tpu.reduction_kind<sum>} : vector<16xi1> -> vector<16xi32>
        %add3A_302 = arith.addi %add3A_294, %all_reduce_population_count3A_301 : vector<16xi32>
        %get3A_303 = arith.index_cast %add3A_277 : i32 to index
        %get3A_304 = arith.constant 32 : index
        %get3A_305 = tpu.vector_load %arg6[%get3A_303, %get3A_304] {strides = array<i32>} : memref<64x128xi32, #tpu.memory_space<vmem>>, vector<16xi32>,
        %eq3A_306 = arith.constant 0 : i32
        %eq3A_307 = vector.broadcast %eq3A_306 : i32 to vector<16xi32>
        %eq3A_308 = arith.cmpi eq, %get3A_305, %eq3A_307 : vector<16xi32>
        %all_reduce_population_count3A_309 = tpu.all_reduce %eq3A_308 {dim = 0 : i64, kind = #tpu.reduction_kind<sum>} : vector<16xi1> -> vector<16xi32>
        %add3A_310 = arith.addi %add3A_302, %all_reduce_population_count3A_309 : vector<16xi32>
        %get3A_311 = arith.index_cast %add3A_277 : i32 to index
        %get3A_312 = arith.constant 48 : index
        %get3A_313 = tpu.vector_load %arg6[%get3A_311, %get3A_312] {strides = array<i32>} : memref<64x128xi32, #tpu.memory_space<vmem>>, vector<16xi32>,
        %eq3A_314 = arith.constant 0 : i32
        %eq3A_315 = vector.broadcast %eq3A_314 : i32 to vector<16xi32>
        %eq3A_316 = arith.cmpi eq, %get3A_313, %eq3A_315 : vector<16xi32>
        %all_reduce_population_count3A_317 = tpu.all_reduce %eq3A_316 {dim = 0 : i64, kind = #tpu.reduction_kind<sum>} : vector<16xi1> -> vector<16xi32>
        %add3A_318 = arith.addi %add3A_310, %all_reduce_population_count3A_317 : vector<16xi32>
        %get3A_319 = arith.index_cast %add3A_277 : i32 to index
        %get3A_320 = arith.constant 64 : index
        %get3A_321 = tpu.vector_load %arg6[%get3A_319, %get3A_320] {strides = array<i32>} : memref<64x128xi32, #tpu.memory_space<vmem>>, vector<16xi32>,
        %eq3A_322 = arith.constant 0 : i32
        %eq3A_323 = vector.broadcast %eq3A_322 : i32 to vector<16xi32>
        %eq3A_324 = arith.cmpi eq, %get3A_321, %eq3A_323 : vector<16xi32>
        %all_reduce_population_count3A_325 = tpu.all_reduce %eq3A_324 {dim = 0 : i64, kind = #tpu.reduction_kind<sum>} : vector<16xi1> -> vector<16xi32>
        %add3A_326 = arith.addi %add3A_318, %all_reduce_population_count3A_325 : vector<16xi32>
        %get3A_327 = arith.index_cast %add3A_277 : i32 to index
        %get3A_328 = arith.constant 80 : index
        %get3A_329 = tpu.vector_load %arg6[%get3A_327, %get3A_328] {strides = array<i32>} : memref<64x128xi32, #tpu.memory_space<vmem>>, vector<16xi32>,
        %eq3A_330 = arith.constant 0 : i32
        %eq3A_331 = vector.broadcast %eq3A_330 : i32 to vector<16xi32>
        %eq3A_332 = arith.cmpi eq, %get3A_329, %eq3A_331 : vector<16xi32>
        %all_reduce_population_count3A_333 = tpu.all_reduce %eq3A_332 {dim = 0 : i64, kind = #tpu.reduction_kind<sum>} : vector<16xi1> -> vector<16xi32>
        %add3A_334 = arith.addi %add3A_326, %all_reduce_population_count3A_333 : vector<16xi32>
        %get3A_335 = arith.index_cast %add3A_277 : i32 to index
        %get3A_336 = arith.constant 96 : index
        %get3A_337 = tpu.vector_load %arg6[%get3A_335, %get3A_336] {strides = array<i32>} : memref<64x128xi32, #tpu.memory_space<vmem>>, vector<16xi32>,
        %eq3A_338 = arith.constant 0 : i32
        %eq3A_339 = vector.broadcast %eq3A_338 : i32 to vector<16xi32>
        %eq3A_340 = arith.cmpi eq, %get3A_337, %eq3A_339 : vector<16xi32>
        %all_reduce_population_count3A_341 = tpu.all_reduce %eq3A_340 {dim = 0 : i64, kind = #tpu.reduction_kind<sum>} : vector<16xi1> -> vector<16xi32>
        %add3A_342 = arith.addi %add3A_334, %all_reduce_population_count3A_341 : vector<16xi32>
        %get3A_343 = arith.index_cast %add3A_277 : i32 to index
        %get3A_344 = arith.constant 112 : index
        %get3A_345 = tpu.vector_load %arg6[%get3A_343, %get3A_344] {strides = array<i32>} : memref<64x128xi32, #tpu.memory_space<vmem>>, vector<16xi32>,
        %eq3A_346 = arith.constant 0 : i32
        %eq3A_347 = vector.broadcast %eq3A_346 : i32 to vector<16xi32>
        %eq3A_348 = arith.cmpi eq, %get3A_345, %eq3A_347 : vector<16xi32>
        %all_reduce_population_count3A_349 = tpu.all_reduce %eq3A_348 {dim = 0 : i64, kind = #tpu.reduction_kind<sum>} : vector<16xi1> -> vector<16xi32>
        %add3A_350 = arith.addi %add3A_342, %all_reduce_population_count3A_349 : vector<16xi32>
        %get3A_351 = arith.index_cast %add3A_277 : i32 to index
        %get3A_352 = arith.constant 0 : index
        %get3A_353 = tpu.vector_load %arg7[%get3A_351, %get3A_352] {strides = array<i32>} : memref<64x128xi32, #tpu.memory_space<vmem>>, vector<16xi32>,
        %eq3A_354 = arith.constant 0 : i32
        %eq3A_355 = vector.broadcast %eq3A_354 : i32 to vector<16xi32>
        %eq3A_356 = arith.cmpi eq, %get3A_353, %eq3A_355 : vector<16xi32>
        %all_reduce_population_count3A_357 = tpu.all_reduce %eq3A_356 {dim = 0 : i64, kind = #tpu.reduction_kind<sum>} : vector<16xi1> -> vector<16xi32>
        %add3A_358 = arith.addi %add3A_350, %all_reduce_population_count3A_357 : vector<16xi32>
        %get3A_359 = arith.index_cast %add3A_277 : i32 to index
        %get3A_360 = arith.constant 16 : index
        %get3A_361 = tpu.vector_load %arg7[%get3A_359, %get3A_360] {strides = array<i32>} : memref<64x128xi32, #tpu.memory_space<vmem>>, vector<16xi32>,
        %eq3A_362 = arith.constant 0 : i32
        %eq3A_363 = vector.broadcast %eq3A_362 : i32 to vector<16xi32>
        %eq3A_364 = arith.cmpi eq, %get3A_361, %eq3A_363 : vector<16xi32>
        %all_reduce_population_count3A_365 = tpu.all_reduce %eq3A_364 {dim = 0 : i64, kind = #tpu.reduction_kind<sum>} : vector<16xi1> -> vector<16xi32>
        %add3A_366 = arith.addi %add3A_358, %all_reduce_population_count3A_365 : vector<16xi32>
        %get3A_367 = arith.index_cast %add3A_277 : i32 to index
        %get3A_368 = arith.constant 32 : index
        %get3A_369 = tpu.vector_load %arg7[%get3A_367, %get3A_368] {strides = array<i32>} : memref<64x128xi32, #tpu.memory_space<vmem>>, vector<16xi32>,
        %eq3A_370 = arith.constant 0 : i32
        %eq3A_371 = vector.broadcast %eq3A_370 : i32 to vector<16xi32>
        %eq3A_372 = arith.cmpi eq, %get3A_369, %eq3A_371 : vector<16xi32>
        %all_reduce_population_count3A_373 = tpu.all_reduce %eq3A_372 {dim = 0 : i64, kind = #tpu.reduction_kind<sum>} : vector<16xi1> -> vector<16xi32>
        %add3A_374 = arith.addi %add3A_366, %all_reduce_population_count3A_373 : vector<16xi32>
        %get3A_375 = arith.index_cast %add3A_277 : i32 to index
        %get3A_376 = arith.constant 48 : index
        %get3A_377 = tpu.vector_load %arg7[%get3A_375, %get3A_376] {strides = array<i32>} : memref<64x128xi32, #tpu.memory_space<vmem>>, vector<16xi32>,
        %eq3A_378 = arith.constant 0 : i32
        %eq3A_379 = vector.broadcast %eq3A_378 : i32 to vector<16xi32>
        %eq3A_380 = arith.cmpi eq, %get3A_377, %eq3A_379 : vector<16xi32>
        %all_reduce_population_count3A_381 = tpu.all_reduce %eq3A_380 {dim = 0 : i64, kind = #tpu.reduction_kind<sum>} : vector<16xi1> -> vector<16xi32>
        %add3A_382 = arith.addi %add3A_374, %all_reduce_population_count3A_381 : vector<16xi32>
        %get3A_383 = arith.index_cast %add3A_277 : i32 to index
        %get3A_384 = arith.constant 56 : index
        %get3A_385 = tpu.vector_load %arg7[%get3A_383, %get3A_384] {strides = array<i32>} : memref<64x128xi32, #tpu.memory_space<vmem>>, vector<16xi32>,
        %eq3A_386 = arith.constant 0 : i32
        %eq3A_387 = vector.broadcast %eq3A_386 : i32 to vector<16xi32>
        %eq3A_388 = arith.cmpi eq, %get3A_385, %eq3A_387 : vector<16xi32>
        %and3A_389 = arith.andi %eq3A_388, %ge3A_7 : vector<16xi1>
        %all_reduce_population_count3A_390 = tpu.all_reduce %and3A_389 {dim = 0 : i64, kind = #tpu.reduction_kind<sum>} : vector<16xi1> -> vector<16xi32>
        %add3A_391 = arith.addi %add3A_382, %all_reduce_population_count3A_390 : vector<16xi32>
        %convert_element_type3A_392 = arith.sitofp %add3A_391 : vector<16xi32> to vector<16xf32>
        %dma_wait3A_393 = arith.constant 1 : i32
        %dma_wait3A_394 = arith.constant 128 : i32
        %dma_wait3A_395 = arith.constant 0 : i32
        %dma_wait3A_396 = tpu.memref_slice %arg8[%dma_wait3A_394, %dma_wait3A_395] : memref<512x32xf32, #tpu.memory_space<vmem>> -> memref<128x32xf32, #tpu.memory_space<vmem>>
        %dma_wait3A_397 = arith.constant 0 : i32
        %dma_wait3A_398 = arith.constant 0 : i32
        %dma_wait3A_399 = tpu.memref_slice %arg4[%dma_wait3A_397, %dma_wait3A_398] : memref<1000000x32xf32, #tpu.memory_space<hbm>> -> memref<128x32xf32, #tpu.memory_space<hbm>>
        %dma_wait3A_400 = tpu.memref_slice %arg12[%dma_wait3A_393] : memref<4x!tpu.dma_semaphore, #tpu.memory_space<semaphore_mem>> -> memref<1x!tpu.dma_semaphore, #tpu.memory_space<semaphore_mem>>
        %dma_wait3A_401 = tpu.memref_squeeze %dma_wait3A_400 : memref<1x!tpu.dma_semaphore, #tpu.memory_space<semaphore_mem>> -> memref<!tpu.dma_semaphore, #tpu.memory_space<semaphore_mem>>
        %dma_wait3A_402 = arith.constant 128 : i32
        %dma_wait3A_403 = arith.constant 0 : i32
        %dma_wait3A_404 = tpu.memref_slice %arg8[%dma_wait3A_402, %dma_wait3A_403] : memref<512x32xf32, #tpu.memory_space<vmem>> -> memref<128x32xf32, #tpu.memory_space<vmem>>
        %dma_wait3A_405 = arith.constant 0 : i32
        %dma_wait3A_406 = arith.constant 0 : i32
        %dma_wait3A_407 = tpu.memref_slice %arg4[%dma_wait3A_405, %dma_wait3A_406] : memref<1000000x32xf32, #tpu.memory_space<hbm>> -> memref<128x32xf32, #tpu.memory_space<hbm>>
        tpu.wait_dma2 semaphore(%dma_wait3A_401 : memref<!tpu.dma_semaphore, #tpu.memory_space<semaphore_mem>>) src(%dma_wait3A_407 : memref<128x32xf32, #tpu.memory_space<hbm>>) dst(%dma_wait3A_404 : memref<128x32xf32, #tpu.memory_space<vmem>>)
        %dma_wait3A_408 = arith.constant 1 : i32
        %dma_wait3A_409 = arith.constant 72 : i32
        %dma_wait3A_410 = arith.constant 0 : i32
        %dma_wait3A_411 = tpu.memref_slice %arg9[%dma_wait3A_409, %dma_wait3A_410] : memref<288x32xf32, #tpu.memory_space<vmem>> -> memref<72x32xf32, #tpu.memory_space<vmem>>
        %dma_wait3A_412 = arith.constant 0 : i32
        %dma_wait3A_413 = arith.constant 0 : i32
        %dma_wait3A_414 = tpu.memref_slice %arg4[%dma_wait3A_412, %dma_wait3A_413] : memref<1000000x32xf32, #tpu.memory_space<hbm>> -> memref<72x32xf32, #tpu.memory_space<hbm>>
        %dma_wait3A_415 = tpu.memref_slice %arg12[%dma_wait3A_408] : memref<4x!tpu.dma_semaphore, #tpu.memory_space<semaphore_mem>> -> memref<1x!tpu.dma_semaphore, #tpu.memory_space<semaphore_mem>>
        %dma_wait3A_416 = tpu.memref_squeeze %dma_wait3A_415 : memref<1x!tpu.dma_semaphore, #tpu.memory_space<semaphore_mem>> -> memref<!tpu.dma_semaphore, #tpu.memory_space<semaphore_mem>>
        %dma_wait3A_417 = arith.constant 72 : i32
        %dma_wait3A_418 = arith.constant 0 : i32
        %dma_wait3A_419 = tpu.memref_slice %arg9[%dma_wait3A_417, %dma_wait3A_418] : memref<288x32xf32, #tpu.memory_space<vmem>> -> memref<72x32xf32, #tpu.memory_space<vmem>>
        %dma_wait3A_420 = arith.constant 0 : i32
        %dma_wait3A_421 = arith.constant 0 : i32
        %dma_wait3A_422 = tpu.memref_slice %arg4[%dma_wait3A_420, %dma_wait3A_421] : memref<1000000x32xf32, #tpu.memory_space<hbm>> -> memref<72x32xf32, #tpu.memory_space<hbm>>
        tpu.wait_dma2 semaphore(%dma_wait3A_416 : memref<!tpu.dma_semaphore, #tpu.memory_space<semaphore_mem>>) src(%dma_wait3A_422 : memref<72x32xf32, #tpu.memory_space<hbm>>) dst(%dma_wait3A_419 : memref<72x32xf32, #tpu.memory_space<vmem>>)
        %scan3A_423 = arith.constant 0 : i32
        %scan3A_424 = arith.constant 16 : i32
        %scan3A_425 = arith.addi %scan3A_423, %scan3A_424 : i32
        %scan3A_426 = arith.constant 1 : i32
        %scan3A_427:2 = scf.for %scan3A_802 = %scan3A_423 to %scan3A_425 step %scan3A_426 iter_args(%scan3A_803 = %broadcast_in_dim3A_8, %scan3A_804 = %broadcast_in_dim3A_8) -> (vector<16xf32>, vector<16xf32>)  : i32 {
          %mul3A_805 = arith.constant 8 : i32
          %mul3A_806 = arith.muli %scan3A_802, %mul3A_805 : i32
          %add3A_807 = arith.constant 128 : i32
          %add3A_808 = arith.addi %add3A_807, %mul3A_806 : i32
          %add3A_809 = arith.constant 0 : i32
          %add3A_810 = arith.addi %add3A_808, %add3A_809 : i32
          %get3A_811 = arith.index_cast %add3A_810 : i32 to index
          %get3A_812 = arith.constant 0 : index
          %get3A_813 = tpu.vector_load %arg8[%get3A_811, %get3A_812] {strides = array<i32>} : memref<512x32xf32, #tpu.memory_space<vmem>>, vector<16xf32>,
          %add3A_814 = arith.addf %scan3A_803, %get3A_813 : vector<16xf32>
          %add3A_815 = arith.constant 0 : i32
          %add3A_816 = arith.addi %add3A_808, %add3A_815 : i32
          %get3A_817 = arith.index_cast %add3A_816 : i32 to index
          %get3A_818 = arith.constant 16 : index
          %get3A_819 = tpu.vector_load %arg8[%get3A_817, %get3A_818] {strides = array<i32>} : memref<512x32xf32, #tpu.memory_space<vmem>>, vector<16xf32>,
          %add3A_820 = arith.addf %scan3A_804, %get3A_819 : vector<16xf32>
          %add3A_821 = arith.constant 1 : i32
          %add3A_822 = arith.addi %add3A_808, %add3A_821 : i32
          %get3A_823 = arith.index_cast %add3A_822 : i32 to index
          %get3A_824 = arith.constant 0 : index
          %get3A_825 = tpu.vector_load %arg8[%get3A_823, %get3A_824] {strides = array<i32>} : memref<512x32xf32, #tpu.memory_space<vmem>>, vector<16xf32>,
          %add3A_826 = arith.addf %add3A_814, %get3A_825 : vector<16xf32>
          %add3A_827 = arith.constant 1 : i32
          %add3A_828 = arith.addi %add3A_808, %add3A_827 : i32
          %get3A_829 = arith.index_cast %add3A_828 : i32 to index
          %get3A_830 = arith.constant 16 : index
          %get3A_831 = tpu.vector_load %arg8[%get3A_829, %get3A_830] {strides = array<i32>} : memref<512x32xf32, #tpu.memory_space<vmem>>, vector<16xf32>,
          %add3A_832 = arith.addf %add3A_820, %get3A_831 : vector<16xf32>
          %add3A_833 = arith.constant 2 : i32
          %add3A_834 = arith.addi %add3A_808, %add3A_833 : i32
          %get3A_835 = arith.index_cast %add3A_834 : i32 to index
          %get3A_836 = arith.constant 0 : index
          %get3A_837 = tpu.vector_load %arg8[%get3A_835, %get3A_836] {strides = array<i32>} : memref<512x32xf32, #tpu.memory_space<vmem>>, vector<16xf32>,
          %add3A_838 = arith.addf %add3A_826, %get3A_837 : vector<16xf32>
          %add3A_839 = arith.constant 2 : i32
          %add3A_840 = arith.addi %add3A_808, %add3A_839 : i32
          %get3A_841 = arith.index_cast %add3A_840 : i32 to index
          %get3A_842 = arith.constant 16 : index
          %get3A_843 = tpu.vector_load %arg8[%get3A_841, %get3A_842] {strides = array<i32>} : memref<512x32xf32, #tpu.memory_space<vmem>>, vector<16xf32>,
          %add3A_844 = arith.addf %add3A_832, %get3A_843 : vector<16xf32>
          %add3A_845 = arith.constant 3 : i32
          %add3A_846 = arith.addi %add3A_808, %add3A_845 : i32
          %get3A_847 = arith.index_cast %add3A_846 : i32 to index
          %get3A_848 = arith.constant 0 : index
          %get3A_849 = tpu.vector_load %arg8[%get3A_847, %get3A_848] {strides = array<i32>} : memref<512x32xf32, #tpu.memory_space<vmem>>, vector<16xf32>,
          %add3A_850 = arith.addf %add3A_838, %get3A_849 : vector<16xf32>
          %add3A_851 = arith.constant 3 : i32
          %add3A_852 = arith.addi %add3A_808, %add3A_851 : i32
          %get3A_853 = arith.index_cast %add3A_852 : i32 to index
          %get3A_854 = arith.constant 16 : index
          %get3A_855 = tpu.vector_load %arg8[%get3A_853, %get3A_854] {strides = array<i32>} : memref<512x32xf32, #tpu.memory_space<vmem>>, vector<16xf32>,
          %add3A_856 = arith.addf %add3A_844, %get3A_855 : vector<16xf32>
          %add3A_857 = arith.constant 4 : i32
          %add3A_858 = arith.addi %add3A_808, %add3A_857 : i32
          %get3A_859 = arith.index_cast %add3A_858 : i32 to index
          %get3A_860 = arith.constant 0 : index
          %get3A_861 = tpu.vector_load %arg8[%get3A_859, %get3A_860] {strides = array<i32>} : memref<512x32xf32, #tpu.memory_space<vmem>>, vector<16xf32>,
          %add3A_862 = arith.addf %add3A_850, %get3A_861 : vector<16xf32>
          %add3A_863 = arith.constant 4 : i32
          %add3A_864 = arith.addi %add3A_808, %add3A_863 : i32
          %get3A_865 = arith.index_cast %add3A_864 : i32 to index
          %get3A_866 = arith.constant 16 : index
          %get3A_867 = tpu.vector_load %arg8[%get3A_865, %get3A_866] {strides = array<i32>} : memref<512x32xf32, #tpu.memory_space<vmem>>, vector<16xf32>,
          %add3A_868 = arith.addf %add3A_856, %get3A_867 : vector<16xf32>
          %add3A_869 = arith.constant 5 : i32
          %add3A_870 = arith.addi %add3A_808, %add3A_869 : i32
          %get3A_871 = arith.index_cast %add3A_870 : i32 to index
          %get3A_872 = arith.constant 0 : index
          %get3A_873 = tpu.vector_load %arg8[%get3A_871, %get3A_872] {strides = array<i32>} : memref<512x32xf32, #tpu.memory_space<vmem>>, vector<16xf32>,
          %add3A_874 = arith.addf %add3A_862, %get3A_873 : vector<16xf32>
          %add3A_875 = arith.constant 5 : i32
          %add3A_876 = arith.addi %add3A_808, %add3A_875 : i32
          %get3A_877 = arith.index_cast %add3A_876 : i32 to index
          %get3A_878 = arith.constant 16 : index
          %get3A_879 = tpu.vector_load %arg8[%get3A_877, %get3A_878] {strides = array<i32>} : memref<512x32xf32, #tpu.memory_space<vmem>>, vector<16xf32>,
          %add3A_880 = arith.addf %add3A_868, %get3A_879 : vector<16xf32>
          %add3A_881 = arith.constant 6 : i32
          %add3A_882 = arith.addi %add3A_808, %add3A_881 : i32
          %get3A_883 = arith.index_cast %add3A_882 : i32 to index
          %get3A_884 = arith.constant 0 : index
          %get3A_885 = tpu.vector_load %arg8[%get3A_883, %get3A_884] {strides = array<i32>} : memref<512x32xf32, #tpu.memory_space<vmem>>, vector<16xf32>,
          %add3A_886 = arith.addf %add3A_874, %get3A_885 : vector<16xf32>
          %add3A_887 = arith.constant 6 : i32
          %add3A_888 = arith.addi %add3A_808, %add3A_887 : i32
          %get3A_889 = arith.index_cast %add3A_888 : i32 to index
          %get3A_890 = arith.constant 16 : index
          %get3A_891 = tpu.vector_load %arg8[%get3A_889, %get3A_890] {strides = array<i32>} : memref<512x32xf32, #tpu.memory_space<vmem>>, vector<16xf32>,
          %add3A_892 = arith.addf %add3A_880, %get3A_891 : vector<16xf32>
          %add3A_893 = arith.constant 7 : i32
          %add3A_894 = arith.addi %add3A_808, %add3A_893 : i32
          %get3A_895 = arith.index_cast %add3A_894 : i32 to index
          %get3A_896 = arith.constant 0 : index
          %get3A_897 = tpu.vector_load %arg8[%get3A_895, %get3A_896] {strides = array<i32>} : memref<512x32xf32, #tpu.memory_space<vmem>>, vector<16xf32>,
          %add3A_898 = arith.addf %add3A_886, %get3A_897 : vector<16xf32>
          %add3A_899 = arith.constant 7 : i32
          %add3A_900 = arith.addi %add3A_808, %add3A_899 : i32
          %get3A_901 = arith.index_cast %add3A_900 : i32 to index
          %get3A_902 = arith.constant 16 : index
          %get3A_903 = tpu.vector_load %arg8[%get3A_901, %get3A_902] {strides = array<i32>} : memref<512x32xf32, #tpu.memory_space<vmem>>, vector<16xf32>,
          %add3A_904 = arith.addf %add3A_892, %get3A_903 : vector<16xf32>
          scf.yield %add3A_898, %add3A_904 : vector<16xf32>, vector<16xf32>
        }
        %scan3A_428 = arith.constant 16 : i32
        %scan3A_429 = arith.constant 0 : i32
        %scan3A_430 = arith.constant 9 : i32
        %scan3A_431 = arith.addi %scan3A_429, %scan3A_430 : i32
        %scan3A_432 = arith.constant 1 : i32
        %scan3A_433:2 = scf.for %scan3A_802 = %scan3A_429 to %scan3A_431 step %scan3A_432 iter_args(%scan3A_803 = %scan3A_427#0, %scan3A_804 = %scan3A_427#1) -> (vector<16xf32>, vector<16xf32>)  : i32 {
          %mul3A_805 = arith.constant 8 : i32
          %mul3A_806 = arith.muli %scan3A_802, %mul3A_805 : i32
          %add3A_807 = arith.constant 72 : i32
          %add3A_808 = arith.addi %add3A_807, %mul3A_806 : i32
          %add3A_809 = arith.constant 0 : i32
          %add3A_810 = arith.addi %add3A_808, %add3A_809 : i32
          %get3A_811 = arith.index_cast %add3A_810 : i32 to index
          %get3A_812 = arith.constant 0 : index
          %get3A_813 = tpu.vector_load %arg9[%get3A_811, %get3A_812] {strides = array<i32>} : memref<288x32xf32, #tpu.memory_space<vmem>>, vector<16xf32>,
          %add3A_814 = arith.addf %scan3A_803, %get3A_813 : vector<16xf32>
          %add3A_815 = arith.constant 0 : i32
          %add3A_816 = arith.addi %add3A_808, %add3A_815 : i32
          %get3A_817 = arith.index_cast %add3A_816 : i32 to index
          %get3A_818 = arith.constant 16 : index
          %get3A_819 = tpu.vector_load %arg9[%get3A_817, %get3A_818] {strides = array<i32>} : memref<288x32xf32, #tpu.memory_space<vmem>>, vector<16xf32>,
          %add3A_820 = arith.addf %scan3A_804, %get3A_819 : vector<16xf32>
          %add3A_821 = arith.constant 1 : i32
          %add3A_822 = arith.addi %add3A_808, %add3A_821 : i32
          %get3A_823 = arith.index_cast %add3A_822 : i32 to index
          %get3A_824 = arith.constant 0 : index
          %get3A_825 = tpu.vector_load %arg9[%get3A_823, %get3A_824] {strides = array<i32>} : memref<288x32xf32, #tpu.memory_space<vmem>>, vector<16xf32>,
          %add3A_826 = arith.addf %add3A_814, %get3A_825 : vector<16xf32>
          %add3A_827 = arith.constant 1 : i32
          %add3A_828 = arith.addi %add3A_808, %add3A_827 : i32
          %get3A_829 = arith.index_cast %add3A_828 : i32 to index
          %get3A_830 = arith.constant 16 : index
          %get3A_831 = tpu.vector_load %arg9[%get3A_829, %get3A_830] {strides = array<i32>} : memref<288x32xf32, #tpu.memory_space<vmem>>, vector<16xf32>,
          %add3A_832 = arith.addf %add3A_820, %get3A_831 : vector<16xf32>
          %add3A_833 = arith.constant 2 : i32
          %add3A_834 = arith.addi %add3A_808, %add3A_833 : i32
          %get3A_835 = arith.index_cast %add3A_834 : i32 to index
          %get3A_836 = arith.constant 0 : index
          %get3A_837 = tpu.vector_load %arg9[%get3A_835, %get3A_836] {strides = array<i32>} : memref<288x32xf32, #tpu.memory_space<vmem>>, vector<16xf32>,
          %add3A_838 = arith.addf %add3A_826, %get3A_837 : vector<16xf32>
          %add3A_839 = arith.constant 2 : i32
          %add3A_840 = arith.addi %add3A_808, %add3A_839 : i32
          %get3A_841 = arith.index_cast %add3A_840 : i32 to index
          %get3A_842 = arith.constant 16 : index
          %get3A_843 = tpu.vector_load %arg9[%get3A_841, %get3A_842] {strides = array<i32>} : memref<288x32xf32, #tpu.memory_space<vmem>>, vector<16xf32>,
          %add3A_844 = arith.addf %add3A_832, %get3A_843 : vector<16xf32>
          %add3A_845 = arith.constant 3 : i32
          %add3A_846 = arith.addi %add3A_808, %add3A_845 : i32
          %get3A_847 = arith.index_cast %add3A_846 : i32 to index
          %get3A_848 = arith.constant 0 : index
          %get3A_849 = tpu.vector_load %arg9[%get3A_847, %get3A_848] {strides = array<i32>} : memref<288x32xf32, #tpu.memory_space<vmem>>, vector<16xf32>,
          %add3A_850 = arith.addf %add3A_838, %get3A_849 : vector<16xf32>
          %add3A_851 = arith.constant 3 : i32
          %add3A_852 = arith.addi %add3A_808, %add3A_851 : i32
          %get3A_853 = arith.index_cast %add3A_852 : i32 to index
          %get3A_854 = arith.constant 16 : index
          %get3A_855 = tpu.vector_load %arg9[%get3A_853, %get3A_854] {strides = array<i32>} : memref<288x32xf32, #tpu.memory_space<vmem>>, vector<16xf32>,
          %add3A_856 = arith.addf %add3A_844, %get3A_855 : vector<16xf32>
          %add3A_857 = arith.constant 4 : i32
          %add3A_858 = arith.addi %add3A_808, %add3A_857 : i32
          %get3A_859 = arith.index_cast %add3A_858 : i32 to index
          %get3A_860 = arith.constant 0 : index
          %get3A_861 = tpu.vector_load %arg9[%get3A_859, %get3A_860] {strides = array<i32>} : memref<288x32xf32, #tpu.memory_space<vmem>>, vector<16xf32>,
          %add3A_862 = arith.addf %add3A_850, %get3A_861 : vector<16xf32>
          %add3A_863 = arith.constant 4 : i32
          %add3A_864 = arith.addi %add3A_808, %add3A_863 : i32
          %get3A_865 = arith.index_cast %add3A_864 : i32 to index
          %get3A_866 = arith.constant 16 : index
          %get3A_867 = tpu.vector_load %arg9[%get3A_865, %get3A_866] {strides = array<i32>} : memref<288x32xf32, #tpu.memory_space<vmem>>, vector<16xf32>,
          %add3A_868 = arith.addf %add3A_856, %get3A_867 : vector<16xf32>
          %add3A_869 = arith.constant 5 : i32
          %add3A_870 = arith.addi %add3A_808, %add3A_869 : i32
          %get3A_871 = arith.index_cast %add3A_870 : i32 to index
          %get3A_872 = arith.constant 0 : index
          %get3A_873 = tpu.vector_load %arg9[%get3A_871, %get3A_872] {strides = array<i32>} : memref<288x32xf32, #tpu.memory_space<vmem>>, vector<16xf32>,
          %add3A_874 = arith.addf %add3A_862, %get3A_873 : vector<16xf32>
          %add3A_875 = arith.constant 5 : i32
          %add3A_876 = arith.addi %add3A_808, %add3A_875 : i32
          %get3A_877 = arith.index_cast %add3A_876 : i32 to index
          %get3A_878 = arith.constant 16 : index
          %get3A_879 = tpu.vector_load %arg9[%get3A_877, %get3A_878] {strides = array<i32>} : memref<288x32xf32, #tpu.memory_space<vmem>>, vector<16xf32>,
          %add3A_880 = arith.addf %add3A_868, %get3A_879 : vector<16xf32>
          %add3A_881 = arith.constant 6 : i32
          %add3A_882 = arith.addi %add3A_808, %add3A_881 : i32
          %get3A_883 = arith.index_cast %add3A_882 : i32 to index
          %get3A_884 = arith.constant 0 : index
          %get3A_885 = tpu.vector_load %arg9[%get3A_883, %get3A_884] {strides = array<i32>} : memref<288x32xf32, #tpu.memory_space<vmem>>, vector<16xf32>,
          %add3A_886 = arith.addf %add3A_874, %get3A_885 : vector<16xf32>
          %add3A_887 = arith.constant 6 : i32
          %add3A_888 = arith.addi %add3A_808, %add3A_887 : i32
          %get3A_889 = arith.index_cast %add3A_888 : i32 to index
          %get3A_890 = arith.constant 16 : index
          %get3A_891 = tpu.vector_load %arg9[%get3A_889, %get3A_890] {strides = array<i32>} : memref<288x32xf32, #tpu.memory_space<vmem>>, vector<16xf32>,
          %add3A_892 = arith.addf %add3A_880, %get3A_891 : vector<16xf32>
          %add3A_893 = arith.constant 7 : i32
          %add3A_894 = arith.addi %add3A_808, %add3A_893 : i32
          %get3A_895 = arith.index_cast %add3A_894 : i32 to index
          %get3A_896 = arith.constant 0 : index
          %get3A_897 = tpu.vector_load %arg9[%get3A_895, %get3A_896] {strides = array<i32>} : memref<288x32xf32, #tpu.memory_space<vmem>>, vector<16xf32>,
          %add3A_898 = arith.addf %add3A_886, %get3A_897 : vector<16xf32>
          %add3A_899 = arith.constant 7 : i32
          %add3A_900 = arith.addi %add3A_808, %add3A_899 : i32
          %get3A_901 = arith.index_cast %add3A_900 : i32 to index
          %get3A_902 = arith.constant 16 : index
          %get3A_903 = tpu.vector_load %arg9[%get3A_901, %get3A_902] {strides = array<i32>} : memref<288x32xf32, #tpu.memory_space<vmem>>, vector<16xf32>,
          %add3A_904 = arith.addf %add3A_892, %get3A_903 : vector<16xf32>
          scf.yield %add3A_898, %add3A_904 : vector<16xf32>, vector<16xf32>
        }
        %scan3A_434 = arith.constant 9 : i32
        %sub3A_435 = arith.subf %broadcast_in_dim3A_10, %convert_element_type3A_392 : vector<16xf32>
        %add3A_436 = arith.constant 9.99999993E-9 : f32
        %add3A_437 = vector.broadcast %add3A_436 : f32 to vector<16xf32>
        %add3A_438 = arith.addf %sub3A_435, %add3A_437 : vector<16xf32>
        %mul3A_439 = arith.mulf %convert_element_type3A_392, %get3A_3 : vector<16xf32>
        %sub3A_440 = arith.subf %scan3A_433#0, %mul3A_439 : vector<16xf32>
        %div3A_441 = arith.divf %sub3A_440, %add3A_438 : vector<16xf32>
        %swap3A_442 = arith.index_cast %add3A_277 : i32 to index
        %swap3A_443 = arith.constant 0 : index
        %swap3A_444 = tpu.vector_load %arg11[%swap3A_442, %swap3A_443] {strides = array<i32>} : memref<64x32xf32, #tpu.memory_space<vmem>>, vector<16xf32>,
        tpu.vector_store %arg11[%swap3A_442, %swap3A_443], %div3A_441 {strides = array<i32>} : memref<64x32xf32, #tpu.memory_space<vmem>>, vector<16xf32>,
        %mul3A_445 = arith.mulf %convert_element_type3A_392, %get3A_5 : vector<16xf32>
        %sub3A_446 = arith.subf %scan3A_433#1, %mul3A_445 : vector<16xf32>
        %div3A_447 = arith.divf %sub3A_446, %add3A_438 : vector<16xf32>
        %swap3A_448 = arith.index_cast %add3A_277 : i32 to index
        %swap3A_449 = arith.constant 16 : index
        %swap3A_450 = tpu.vector_load %arg11[%swap3A_448, %swap3A_449] {strides = array<i32>} : memref<64x32xf32, #tpu.memory_space<vmem>>, vector<16xf32>,
        tpu.vector_store %arg11[%swap3A_448, %swap3A_449], %div3A_447 {strides = array<i32>} : memref<64x32xf32, #tpu.memory_space<vmem>>, vector<16xf32>,
        %add3A_451 = arith.constant 2 : i32
        %add3A_452 = arith.addi %mul3A_110, %add3A_451 : i32
        %add3A_453 = arith.constant 3 : i32
        %add3A_454 = arith.addi %add3A_452, %add3A_453 : i32
        %lt3A_455 = arith.constant 64 : i32
        %lt3A_456 = arith.cmpi slt, %add3A_454, %lt3A_455 : i32
        %convert_element_type3A_457 = arith.extui %lt3A_456 : i1 to i32
        %cond3A_458 = arith.constant 0 : i32
        %cond3A_459 = arith.cmpi ne, %convert_element_type3A_457, %cond3A_458 : i32
        scf.if %cond3A_459 {
          %dma_start3A_802 = arith.constant 1 : i32
          %dma_start3A_803 = arith.constant 128 : i32
          %dma_start3A_804 = arith.constant 0 : i32
          %dma_start3A_805 = tpu.memref_slice %arg8[%dma_start3A_803, %dma_start3A_804] : memref<512x32xf32, #tpu.memory_space<vmem>> -> memref<128x32xf32, #tpu.memory_space<vmem>>
          %dma_start3A_806 = arith.constant 0 : i32
          %dma_start3A_807 = tpu.memref_slice %arg6[%add3A_454, %dma_start3A_806] : memref<64x128xi32, #tpu.memory_space<vmem>> -> memref<1x128xi32, #tpu.memory_space<vmem>>
          %dma_start3A_808 = tpu.memref_squeeze %dma_start3A_807 : memref<1x128xi32, #tpu.memory_space<vmem>> -> memref<128xi32, #tpu.memory_space<vmem>>
          %dma_start3A_809 = arith.constant 0 : i32
          %dma_start3A_810 = arith.constant 0 : i32
          %dma_start3A_811 = tpu.memref_slice %arg4[%dma_start3A_809, %dma_start3A_810] : memref<1000000x32xf32, #tpu.memory_space<hbm>> -> memref<1000000x32xf32, #tpu.memory_space<hbm>>
          %dma_start3A_812 = tpu.memref_slice %arg12[%dma_start3A_802] : memref<4x!tpu.dma_semaphore, #tpu.memory_space<semaphore_mem>> -> memref<1x!tpu.dma_semaphore, #tpu.memory_space<semaphore_mem>>
          %dma_start3A_813 = tpu.memref_squeeze %dma_start3A_812 : memref<1x!tpu.dma_semaphore, #tpu.memory_space<semaphore_mem>> -> memref<!tpu.dma_semaphore, #tpu.memory_space<semaphore_mem>>
          tpu.enqueue_indirect_dma source(%dma_start3A_811 : memref<1000000x32xf32, #tpu.memory_space<hbm>>) target(%dma_start3A_805 : memref<128x32xf32, #tpu.memory_space<vmem>>) offsets(%dma_start3A_808 : memref<128xi32, #tpu.memory_space<vmem>>) semaphore(%dma_start3A_813 : memref<!tpu.dma_semaphore, #tpu.memory_space<semaphore_mem>>)
          %dma_start3A_814 = arith.constant 1 : i32
          %dma_start3A_815 = arith.constant 72 : i32
          %dma_start3A_816 = arith.constant 0 : i32
          %dma_start3A_817 = tpu.memref_slice %arg9[%dma_start3A_815, %dma_start3A_816] : memref<288x32xf32, #tpu.memory_space<vmem>> -> memref<72x32xf32, #tpu.memory_space<vmem>>
          %dma_start3A_818 = arith.constant 0 : i32
          %dma_start3A_819 = tpu.memref_slice %arg7[%add3A_454, %dma_start3A_818] : memref<64x128xi32, #tpu.memory_space<vmem>> -> memref<1x72xi32, #tpu.memory_space<vmem>>
          %dma_start3A_820 = tpu.memref_squeeze %dma_start3A_819 : memref<1x72xi32, #tpu.memory_space<vmem>> -> memref<72xi32, #tpu.memory_space<vmem>>
          %dma_start3A_821 = arith.constant 0 : i32
          %dma_start3A_822 = arith.constant 0 : i32
          %dma_start3A_823 = tpu.memref_slice %arg4[%dma_start3A_821, %dma_start3A_822] : memref<1000000x32xf32, #tpu.memory_space<hbm>> -> memref<1000000x32xf32, #tpu.memory_space<hbm>>
          %dma_start3A_824 = tpu.memref_slice %arg12[%dma_start3A_814] : memref<4x!tpu.dma_semaphore, #tpu.memory_space<semaphore_mem>> -> memref<1x!tpu.dma_semaphore, #tpu.memory_space<semaphore_mem>>
          %dma_start3A_825 = tpu.memref_squeeze %dma_start3A_824 : memref<1x!tpu.dma_semaphore, #tpu.memory_space<semaphore_mem>> -> memref<!tpu.dma_semaphore, #tpu.memory_space<semaphore_mem>>
          tpu.enqueue_indirect_dma source(%dma_start3A_823 : memref<1000000x32xf32, #tpu.memory_space<hbm>>) target(%dma_start3A_817 : memref<72x32xf32, #tpu.memory_space<vmem>>) offsets(%dma_start3A_820 : memref<72xi32, #tpu.memory_space<vmem>>) semaphore(%dma_start3A_825 : memref<!tpu.dma_semaphore, #tpu.memory_space<semaphore_mem>>)
        } else {
        }
        %broadcast_in_dim3A_460 = arith.constant 0 : i32
        %broadcast_in_dim3A_461 = vector.broadcast %broadcast_in_dim3A_460 : i32 to vector<16xi32>
        %get3A_462 = arith.index_cast %add3A_452 : i32 to index
        %get3A_463 = arith.constant 0 : index
        %get3A_464 = tpu.vector_load %arg6[%get3A_462, %get3A_463] {strides = array<i32>} : memref<64x128xi32, #tpu.memory_space<vmem>>, vector<16xi32>,
        %eq3A_465 = arith.constant 0 : i32
        %eq3A_466 = vector.broadcast %eq3A_465 : i32 to vector<16xi32>
        %eq3A_467 = arith.cmpi eq, %get3A_464, %eq3A_466 : vector<16xi32>
        %all_reduce_population_count3A_468 = tpu.all_reduce %eq3A_467 {dim = 0 : i64, kind = #tpu.reduction_kind<sum>} : vector<16xi1> -> vector<16xi32>
        %add3A_469 = arith.addi %broadcast_in_dim3A_461, %all_reduce_population_count3A_468 : vector<16xi32>
        %get3A_470 = arith.index_cast %add3A_452 : i32 to index
        %get3A_471 = arith.constant 16 : index
        %get3A_472 = tpu.vector_load %arg6[%get3A_470, %get3A_471] {strides = array<i32>} : memref<64x128xi32, #tpu.memory_space<vmem>>, vector<16xi32>,
        %eq3A_473 = arith.constant 0 : i32
        %eq3A_474 = vector.broadcast %eq3A_473 : i32 to vector<16xi32>
        %eq3A_475 = arith.cmpi eq, %get3A_472, %eq3A_474 : vector<16xi32>
        %all_reduce_population_count3A_476 = tpu.all_reduce %eq3A_475 {dim = 0 : i64, kind = #tpu.reduction_kind<sum>} : vector<16xi1> -> vector<16xi32>
        %add3A_477 = arith.addi %add3A_469, %all_reduce_population_count3A_476 : vector<16xi32>
        %get3A_478 = arith.index_cast %add3A_452 : i32 to index
        %get3A_479 = arith.constant 32 : index
        %get3A_480 = tpu.vector_load %arg6[%get3A_478, %get3A_479] {strides = array<i32>} : memref<64x128xi32, #tpu.memory_space<vmem>>, vector<16xi32>,
        %eq3A_481 = arith.constant 0 : i32
        %eq3A_482 = vector.broadcast %eq3A_481 : i32 to vector<16xi32>
        %eq3A_483 = arith.cmpi eq, %get3A_480, %eq3A_482 : vector<16xi32>
        %all_reduce_population_count3A_484 = tpu.all_reduce %eq3A_483 {dim = 0 : i64, kind = #tpu.reduction_kind<sum>} : vector<16xi1> -> vector<16xi32>
        %add3A_485 = arith.addi %add3A_477, %all_reduce_population_count3A_484 : vector<16xi32>
        %get3A_486 = arith.index_cast %add3A_452 : i32 to index
        %get3A_487 = arith.constant 48 : index
        %get3A_488 = tpu.vector_load %arg6[%get3A_486, %get3A_487] {strides = array<i32>} : memref<64x128xi32, #tpu.memory_space<vmem>>, vector<16xi32>,
        %eq3A_489 = arith.constant 0 : i32
        %eq3A_490 = vector.broadcast %eq3A_489 : i32 to vector<16xi32>
        %eq3A_491 = arith.cmpi eq, %get3A_488, %eq3A_490 : vector<16xi32>
        %all_reduce_population_count3A_492 = tpu.all_reduce %eq3A_491 {dim = 0 : i64, kind = #tpu.reduction_kind<sum>} : vector<16xi1> -> vector<16xi32>
        %add3A_493 = arith.addi %add3A_485, %all_reduce_population_count3A_492 : vector<16xi32>
        %get3A_494 = arith.index_cast %add3A_452 : i32 to index
        %get3A_495 = arith.constant 64 : index
        %get3A_496 = tpu.vector_load %arg6[%get3A_494, %get3A_495] {strides = array<i32>} : memref<64x128xi32, #tpu.memory_space<vmem>>, vector<16xi32>,
        %eq3A_497 = arith.constant 0 : i32
        %eq3A_498 = vector.broadcast %eq3A_497 : i32 to vector<16xi32>
        %eq3A_499 = arith.cmpi eq, %get3A_496, %eq3A_498 : vector<16xi32>
        %all_reduce_population_count3A_500 = tpu.all_reduce %eq3A_499 {dim = 0 : i64, kind = #tpu.reduction_kind<sum>} : vector<16xi1> -> vector<16xi32>
        %add3A_501 = arith.addi %add3A_493, %all_reduce_population_count3A_500 : vector<16xi32>
        %get3A_502 = arith.index_cast %add3A_452 : i32 to index
        %get3A_503 = arith.constant 80 : index
        %get3A_504 = tpu.vector_load %arg6[%get3A_502, %get3A_503] {strides = array<i32>} : memref<64x128xi32, #tpu.memory_space<vmem>>, vector<16xi32>,
        %eq3A_505 = arith.constant 0 : i32
        %eq3A_506 = vector.broadcast %eq3A_505 : i32 to vector<16xi32>
        %eq3A_507 = arith.cmpi eq, %get3A_504, %eq3A_506 : vector<16xi32>
        %all_reduce_population_count3A_508 = tpu.all_reduce %eq3A_507 {dim = 0 : i64, kind = #tpu.reduction_kind<sum>} : vector<16xi1> -> vector<16xi32>
        %add3A_509 = arith.addi %add3A_501, %all_reduce_population_count3A_508 : vector<16xi32>
        %get3A_510 = arith.index_cast %add3A_452 : i32 to index
        %get3A_511 = arith.constant 96 : index
        %get3A_512 = tpu.vector_load %arg6[%get3A_510, %get3A_511] {strides = array<i32>} : memref<64x128xi32, #tpu.memory_space<vmem>>, vector<16xi32>,
        %eq3A_513 = arith.constant 0 : i32
        %eq3A_514 = vector.broadcast %eq3A_513 : i32 to vector<16xi32>
        %eq3A_515 = arith.cmpi eq, %get3A_512, %eq3A_514 : vector<16xi32>
        %all_reduce_population_count3A_516 = tpu.all_reduce %eq3A_515 {dim = 0 : i64, kind = #tpu.reduction_kind<sum>} : vector<16xi1> -> vector<16xi32>
        %add3A_517 = arith.addi %add3A_509, %all_reduce_population_count3A_516 : vector<16xi32>
        %get3A_518 = arith.index_cast %add3A_452 : i32 to index
        %get3A_519 = arith.constant 112 : index
        %get3A_520 = tpu.vector_load %arg6[%get3A_518, %get3A_519] {strides = array<i32>} : memref<64x128xi32, #tpu.memory_space<vmem>>, vector<16xi32>,
        %eq3A_521 = arith.constant 0 : i32
        %eq3A_522 = vector.broadcast %eq3A_521 : i32 to vector<16xi32>
        %eq3A_523 = arith.cmpi eq, %get3A_520, %eq3A_522 : vector<16xi32>
        %all_reduce_population_count3A_524 = tpu.all_reduce %eq3A_523 {dim = 0 : i64, kind = #tpu.reduction_kind<sum>} : vector<16xi1> -> vector<16xi32>
        %add3A_525 = arith.addi %add3A_517, %all_reduce_population_count3A_524 : vector<16xi32>
        %get3A_526 = arith.index_cast %add3A_452 : i32 to index
        %get3A_527 = arith.constant 0 : index
        %get3A_528 = tpu.vector_load %arg7[%get3A_526, %get3A_527] {strides = array<i32>} : memref<64x128xi32, #tpu.memory_space<vmem>>, vector<16xi32>,
        %eq3A_529 = arith.constant 0 : i32
        %eq3A_530 = vector.broadcast %eq3A_529 : i32 to vector<16xi32>
        %eq3A_531 = arith.cmpi eq, %get3A_528, %eq3A_530 : vector<16xi32>
        %all_reduce_population_count3A_532 = tpu.all_reduce %eq3A_531 {dim = 0 : i64, kind = #tpu.reduction_kind<sum>} : vector<16xi1> -> vector<16xi32>
        %add3A_533 = arith.addi %add3A_525, %all_reduce_population_count3A_532 : vector<16xi32>
        %get3A_534 = arith.index_cast %add3A_452 : i32 to index
        %get3A_535 = arith.constant 16 : index
        %get3A_536 = tpu.vector_load %arg7[%get3A_534, %get3A_535] {strides = array<i32>} : memref<64x128xi32, #tpu.memory_space<vmem>>, vector<16xi32>,
        %eq3A_537 = arith.constant 0 : i32
        %eq3A_538 = vector.broadcast %eq3A_537 : i32 to vector<16xi32>
        %eq3A_539 = arith.cmpi eq, %get3A_536, %eq3A_538 : vector<16xi32>
        %all_reduce_population_count3A_540 = tpu.all_reduce %eq3A_539 {dim = 0 : i64, kind = #tpu.reduction_kind<sum>} : vector<16xi1> -> vector<16xi32>
        %add3A_541 = arith.addi %add3A_533, %all_reduce_population_count3A_540 : vector<16xi32>
        %get3A_542 = arith.index_cast %add3A_452 : i32 to index
        %get3A_543 = arith.constant 32 : index
        %get3A_544 = tpu.vector_load %arg7[%get3A_542, %get3A_543] {strides = array<i32>} : memref<64x128xi32, #tpu.memory_space<vmem>>, vector<16xi32>,
        %eq3A_545 = arith.constant 0 : i32
        %eq3A_546 = vector.broadcast %eq3A_545 : i32 to vector<16xi32>
        %eq3A_547 = arith.cmpi eq, %get3A_544, %eq3A_546 : vector<16xi32>
        %all_reduce_population_count3A_548 = tpu.all_reduce %eq3A_547 {dim = 0 : i64, kind = #tpu.reduction_kind<sum>} : vector<16xi1> -> vector<16xi32>
        %add3A_549 = arith.addi %add3A_541, %all_reduce_population_count3A_548 : vector<16xi32>
        %get3A_550 = arith.index_cast %add3A_452 : i32 to index
        %get3A_551 = arith.constant 48 : index
        %get3A_552 = tpu.vector_load %arg7[%get3A_550, %get3A_551] {strides = array<i32>} : memref<64x128xi32, #tpu.memory_space<vmem>>, vector<16xi32>,
        %eq3A_553 = arith.constant 0 : i32
        %eq3A_554 = vector.broadcast %eq3A_553 : i32 to vector<16xi32>
        %eq3A_555 = arith.cmpi eq, %get3A_552, %eq3A_554 : vector<16xi32>
        %all_reduce_population_count3A_556 = tpu.all_reduce %eq3A_555 {dim = 0 : i64, kind = #tpu.reduction_kind<sum>} : vector<16xi1> -> vector<16xi32>
        %add3A_557 = arith.addi %add3A_549, %all_reduce_population_count3A_556 : vector<16xi32>
        %get3A_558 = arith.index_cast %add3A_452 : i32 to index
        %get3A_559 = arith.constant 56 : index
        %get3A_560 = tpu.vector_load %arg7[%get3A_558, %get3A_559] {strides = array<i32>} : memref<64x128xi32, #tpu.memory_space<vmem>>, vector<16xi32>,
        %eq3A_561 = arith.constant 0 : i32
        %eq3A_562 = vector.broadcast %eq3A_561 : i32 to vector<16xi32>
        %eq3A_563 = arith.cmpi eq, %get3A_560, %eq3A_562 : vector<16xi32>
        %and3A_564 = arith.andi %eq3A_563, %ge3A_7 : vector<16xi1>
        %all_reduce_population_count3A_565 = tpu.all_reduce %and3A_564 {dim = 0 : i64, kind = #tpu.reduction_kind<sum>} : vector<16xi1> -> vector<16xi32>
        %add3A_566 = arith.addi %add3A_557, %all_reduce_population_count3A_565 : vector<16xi32>
        %convert_element_type3A_567 = arith.sitofp %add3A_566 : vector<16xi32> to vector<16xf32>
        %dma_wait3A_568 = arith.constant 2 : i32
        %dma_wait3A_569 = arith.constant 256 : i32
        %dma_wait3A_570 = arith.constant 0 : i32
        %dma_wait3A_571 = tpu.memref_slice %arg8[%dma_wait3A_569, %dma_wait3A_570] : memref<512x32xf32, #tpu.memory_space<vmem>> -> memref<128x32xf32, #tpu.memory_space<vmem>>
        %dma_wait3A_572 = arith.constant 0 : i32
        %dma_wait3A_573 = arith.constant 0 : i32
        %dma_wait3A_574 = tpu.memref_slice %arg4[%dma_wait3A_572, %dma_wait3A_573] : memref<1000000x32xf32, #tpu.memory_space<hbm>> -> memref<128x32xf32, #tpu.memory_space<hbm>>
        %dma_wait3A_575 = tpu.memref_slice %arg12[%dma_wait3A_568] : memref<4x!tpu.dma_semaphore, #tpu.memory_space<semaphore_mem>> -> memref<1x!tpu.dma_semaphore, #tpu.memory_space<semaphore_mem>>
        %dma_wait3A_576 = tpu.memref_squeeze %dma_wait3A_575 : memref<1x!tpu.dma_semaphore, #tpu.memory_space<semaphore_mem>> -> memref<!tpu.dma_semaphore, #tpu.memory_space<semaphore_mem>>
        %dma_wait3A_577 = arith.constant 256 : i32
        %dma_wait3A_578 = arith.constant 0 : i32
        %dma_wait3A_579 = tpu.memref_slice %arg8[%dma_wait3A_577, %dma_wait3A_578] : memref<512x32xf32, #tpu.memory_space<vmem>> -> memref<128x32xf32, #tpu.memory_space<vmem>>
        %dma_wait3A_580 = arith.constant 0 : i32
        %dma_wait3A_581 = arith.constant 0 : i32
        %dma_wait3A_582 = tpu.memref_slice %arg4[%dma_wait3A_580, %dma_wait3A_581] : memref<1000000x32xf32, #tpu.memory_space<hbm>> -> memref<128x32xf32, #tpu.memory_space<hbm>>
        tpu.wait_dma2 semaphore(%dma_wait3A_576 : memref<!tpu.dma_semaphore, #tpu.memory_space<semaphore_mem>>) src(%dma_wait3A_582 : memref<128x32xf32, #tpu.memory_space<hbm>>) dst(%dma_wait3A_579 : memref<128x32xf32, #tpu.memory_space<vmem>>)
        %dma_wait3A_583 = arith.constant 2 : i32
        %dma_wait3A_584 = arith.constant 144 : i32
        %dma_wait3A_585 = arith.constant 0 : i32
        %dma_wait3A_586 = tpu.memref_slice %arg9[%dma_wait3A_584, %dma_wait3A_585] : memref<288x32xf32, #tpu.memory_space<vmem>> -> memref<72x32xf32, #tpu.memory_space<vmem>>
        %dma_wait3A_587 = arith.constant 0 : i32
        %dma_wait3A_588 = arith.constant 0 : i32
        %dma_wait3A_589 = tpu.memref_slice %arg4[%dma_wait3A_587, %dma_wait3A_588] : memref<1000000x32xf32, #tpu.memory_space<hbm>> -> memref<72x32xf32, #tpu.memory_space<hbm>>
        %dma_wait3A_590 = tpu.memref_slice %arg12[%dma_wait3A_583] : memref<4x!tpu.dma_semaphore, #tpu.memory_space<semaphore_mem>> -> memref<1x!tpu.dma_semaphore, #tpu.memory_space<semaphore_mem>>
        %dma_wait3A_591 = tpu.memref_squeeze %dma_wait3A_590 : memref<1x!tpu.dma_semaphore, #tpu.memory_space<semaphore_mem>> -> memref<!tpu.dma_semaphore, #tpu.memory_space<semaphore_mem>>
        %dma_wait3A_592 = arith.constant 144 : i32
        %dma_wait3A_593 = arith.constant 0 : i32
        %dma_wait3A_594 = tpu.memref_slice %arg9[%dma_wait3A_592, %dma_wait3A_593] : memref<288x32xf32, #tpu.memory_space<vmem>> -> memref<72x32xf32, #tpu.memory_space<vmem>>
        %dma_wait3A_595 = arith.constant 0 : i32
        %dma_wait3A_596 = arith.constant 0 : i32
        %dma_wait3A_597 = tpu.memref_slice %arg4[%dma_wait3A_595, %dma_wait3A_596] : memref<1000000x32xf32, #tpu.memory_space<hbm>> -> memref<72x32xf32, #tpu.memory_space<hbm>>
        tpu.wait_dma2 semaphore(%dma_wait3A_591 : memref<!tpu.dma_semaphore, #tpu.memory_space<semaphore_mem>>) src(%dma_wait3A_597 : memref<72x32xf32, #tpu.memory_space<hbm>>) dst(%dma_wait3A_594 : memref<72x32xf32, #tpu.memory_space<vmem>>)
        %scan3A_598 = arith.constant 0 : i32
        %scan3A_599 = arith.constant 16 : i32
        %scan3A_600 = arith.addi %scan3A_598, %scan3A_599 : i32
        %scan3A_601 = arith.constant 1 : i32
        %scan3A_602:2 = scf.for %scan3A_802 = %scan3A_598 to %scan3A_600 step %scan3A_601 iter_args(%scan3A_803 = %broadcast_in_dim3A_8, %scan3A_804 = %broadcast_in_dim3A_8) -> (vector<16xf32>, vector<16xf32>)  : i32 {
          %mul3A_805 = arith.constant 8 : i32
          %mul3A_806 = arith.muli %scan3A_802, %mul3A_805 : i32
          %add3A_807 = arith.constant 256 : i32
          %add3A_808 = arith.addi %add3A_807, %mul3A_806 : i32
          %add3A_809 = arith.constant 0 : i32
          %add3A_810 = arith.addi %add3A_808, %add3A_809 : i32
          %get3A_811 = arith.index_cast %add3A_810 : i32 to index
          %get3A_812 = arith.constant 0 : index
          %get3A_813 = tpu.vector_load %arg8[%get3A_811, %get3A_812] {strides = array<i32>} : memref<512x32xf32, #tpu.memory_space<vmem>>, vector<16xf32>,
          %add3A_814 = arith.addf %scan3A_803, %get3A_813 : vector<16xf32>
          %add3A_815 = arith.constant 0 : i32
          %add3A_816 = arith.addi %add3A_808, %add3A_815 : i32
          %get3A_817 = arith.index_cast %add3A_816 : i32 to index
          %get3A_818 = arith.constant 16 : index
          %get3A_819 = tpu.vector_load %arg8[%get3A_817, %get3A_818] {strides = array<i32>} : memref<512x32xf32, #tpu.memory_space<vmem>>, vector<16xf32>,
          %add3A_820 = arith.addf %scan3A_804, %get3A_819 : vector<16xf32>
          %add3A_821 = arith.constant 1 : i32
          %add3A_822 = arith.addi %add3A_808, %add3A_821 : i32
          %get3A_823 = arith.index_cast %add3A_822 : i32 to index
          %get3A_824 = arith.constant 0 : index
          %get3A_825 = tpu.vector_load %arg8[%get3A_823, %get3A_824] {strides = array<i32>} : memref<512x32xf32, #tpu.memory_space<vmem>>, vector<16xf32>,
          %add3A_826 = arith.addf %add3A_814, %get3A_825 : vector<16xf32>
          %add3A_827 = arith.constant 1 : i32
          %add3A_828 = arith.addi %add3A_808, %add3A_827 : i32
          %get3A_829 = arith.index_cast %add3A_828 : i32 to index
          %get3A_830 = arith.constant 16 : index
          %get3A_831 = tpu.vector_load %arg8[%get3A_829, %get3A_830] {strides = array<i32>} : memref<512x32xf32, #tpu.memory_space<vmem>>, vector<16xf32>,
          %add3A_832 = arith.addf %add3A_820, %get3A_831 : vector<16xf32>
          %add3A_833 = arith.constant 2 : i32
          %add3A_834 = arith.addi %add3A_808, %add3A_833 : i32
          %get3A_835 = arith.index_cast %add3A_834 : i32 to index
          %get3A_836 = arith.constant 0 : index
          %get3A_837 = tpu.vector_load %arg8[%get3A_835, %get3A_836] {strides = array<i32>} : memref<512x32xf32, #tpu.memory_space<vmem>>, vector<16xf32>,
          %add3A_838 = arith.addf %add3A_826, %get3A_837 : vector<16xf32>
          %add3A_839 = arith.constant 2 : i32
          %add3A_840 = arith.addi %add3A_808, %add3A_839 : i32
          %get3A_841 = arith.index_cast %add3A_840 : i32 to index
          %get3A_842 = arith.constant 16 : index
          %get3A_843 = tpu.vector_load %arg8[%get3A_841, %get3A_842] {strides = array<i32>} : memref<512x32xf32, #tpu.memory_space<vmem>>, vector<16xf32>,
          %add3A_844 = arith.addf %add3A_832, %get3A_843 : vector<16xf32>
          %add3A_845 = arith.constant 3 : i32
          %add3A_846 = arith.addi %add3A_808, %add3A_845 : i32
          %get3A_847 = arith.index_cast %add3A_846 : i32 to index
          %get3A_848 = arith.constant 0 : index
          %get3A_849 = tpu.vector_load %arg8[%get3A_847, %get3A_848] {strides = array<i32>} : memref<512x32xf32, #tpu.memory_space<vmem>>, vector<16xf32>,
          %add3A_850 = arith.addf %add3A_838, %get3A_849 : vector<16xf32>
          %add3A_851 = arith.constant 3 : i32
          %add3A_852 = arith.addi %add3A_808, %add3A_851 : i32
          %get3A_853 = arith.index_cast %add3A_852 : i32 to index
          %get3A_854 = arith.constant 16 : index
          %get3A_855 = tpu.vector_load %arg8[%get3A_853, %get3A_854] {strides = array<i32>} : memref<512x32xf32, #tpu.memory_space<vmem>>, vector<16xf32>,
          %add3A_856 = arith.addf %add3A_844, %get3A_855 : vector<16xf32>
          %add3A_857 = arith.constant 4 : i32
          %add3A_858 = arith.addi %add3A_808, %add3A_857 : i32
          %get3A_859 = arith.index_cast %add3A_858 : i32 to index
          %get3A_860 = arith.constant 0 : index
          %get3A_861 = tpu.vector_load %arg8[%get3A_859, %get3A_860] {strides = array<i32>} : memref<512x32xf32, #tpu.memory_space<vmem>>, vector<16xf32>,
          %add3A_862 = arith.addf %add3A_850, %get3A_861 : vector<16xf32>
          %add3A_863 = arith.constant 4 : i32
          %add3A_864 = arith.addi %add3A_808, %add3A_863 : i32
          %get3A_865 = arith.index_cast %add3A_864 : i32 to index
          %get3A_866 = arith.constant 16 : index
          %get3A_867 = tpu.vector_load %arg8[%get3A_865, %get3A_866] {strides = array<i32>} : memref<512x32xf32, #tpu.memory_space<vmem>>, vector<16xf32>,
          %add3A_868 = arith.addf %add3A_856, %get3A_867 : vector<16xf32>
          %add3A_869 = arith.constant 5 : i32
          %add3A_870 = arith.addi %add3A_808, %add3A_869 : i32
          %get3A_871 = arith.index_cast %add3A_870 : i32 to index
          %get3A_872 = arith.constant 0 : index
          %get3A_873 = tpu.vector_load %arg8[%get3A_871, %get3A_872] {strides = array<i32>} : memref<512x32xf32, #tpu.memory_space<vmem>>, vector<16xf32>,
          %add3A_874 = arith.addf %add3A_862, %get3A_873 : vector<16xf32>
          %add3A_875 = arith.constant 5 : i32
          %add3A_876 = arith.addi %add3A_808, %add3A_875 : i32
          %get3A_877 = arith.index_cast %add3A_876 : i32 to index
          %get3A_878 = arith.constant 16 : index
          %get3A_879 = tpu.vector_load %arg8[%get3A_877, %get3A_878] {strides = array<i32>} : memref<512x32xf32, #tpu.memory_space<vmem>>, vector<16xf32>,
          %add3A_880 = arith.addf %add3A_868, %get3A_879 : vector<16xf32>
          %add3A_881 = arith.constant 6 : i32
          %add3A_882 = arith.addi %add3A_808, %add3A_881 : i32
          %get3A_883 = arith.index_cast %add3A_882 : i32 to index
          %get3A_884 = arith.constant 0 : index
          %get3A_885 = tpu.vector_load %arg8[%get3A_883, %get3A_884] {strides = array<i32>} : memref<512x32xf32, #tpu.memory_space<vmem>>, vector<16xf32>,
          %add3A_886 = arith.addf %add3A_874, %get3A_885 : vector<16xf32>
          %add3A_887 = arith.constant 6 : i32
          %add3A_888 = arith.addi %add3A_808, %add3A_887 : i32
          %get3A_889 = arith.index_cast %add3A_888 : i32 to index
          %get3A_890 = arith.constant 16 : index
          %get3A_891 = tpu.vector_load %arg8[%get3A_889, %get3A_890] {strides = array<i32>} : memref<512x32xf32, #tpu.memory_space<vmem>>, vector<16xf32>,
          %add3A_892 = arith.addf %add3A_880, %get3A_891 : vector<16xf32>
          %add3A_893 = arith.constant 7 : i32
          %add3A_894 = arith.addi %add3A_808, %add3A_893 : i32
          %get3A_895 = arith.index_cast %add3A_894 : i32 to index
          %get3A_896 = arith.constant 0 : index
          %get3A_897 = tpu.vector_load %arg8[%get3A_895, %get3A_896] {strides = array<i32>} : memref<512x32xf32, #tpu.memory_space<vmem>>, vector<16xf32>,
          %add3A_898 = arith.addf %add3A_886, %get3A_897 : vector<16xf32>
          %add3A_899 = arith.constant 7 : i32
          %add3A_900 = arith.addi %add3A_808, %add3A_899 : i32
          %get3A_901 = arith.index_cast %add3A_900 : i32 to index
          %get3A_902 = arith.constant 16 : index
          %get3A_903 = tpu.vector_load %arg8[%get3A_901, %get3A_902] {strides = array<i32>} : memref<512x32xf32, #tpu.memory_space<vmem>>, vector<16xf32>,
          %add3A_904 = arith.addf %add3A_892, %get3A_903 : vector<16xf32>
          scf.yield %add3A_898, %add3A_904 : vector<16xf32>, vector<16xf32>
        }
        %scan3A_603 = arith.constant 16 : i32
        %scan3A_604 = arith.constant 0 : i32
        %scan3A_605 = arith.constant 9 : i32
        %scan3A_606 = arith.addi %scan3A_604, %scan3A_605 : i32
        %scan3A_607 = arith.constant 1 : i32
        %scan3A_608:2 = scf.for %scan3A_802 = %scan3A_604 to %scan3A_606 step %scan3A_607 iter_args(%scan3A_803 = %scan3A_602#0, %scan3A_804 = %scan3A_602#1) -> (vector<16xf32>, vector<16xf32>)  : i32 {
          %mul3A_805 = arith.constant 8 : i32
          %mul3A_806 = arith.muli %scan3A_802, %mul3A_805 : i32
          %add3A_807 = arith.constant 144 : i32
          %add3A_808 = arith.addi %add3A_807, %mul3A_806 : i32
          %add3A_809 = arith.constant 0 : i32
          %add3A_810 = arith.addi %add3A_808, %add3A_809 : i32
          %get3A_811 = arith.index_cast %add3A_810 : i32 to index
          %get3A_812 = arith.constant 0 : index
          %get3A_813 = tpu.vector_load %arg9[%get3A_811, %get3A_812] {strides = array<i32>} : memref<288x32xf32, #tpu.memory_space<vmem>>, vector<16xf32>,
          %add3A_814 = arith.addf %scan3A_803, %get3A_813 : vector<16xf32>
          %add3A_815 = arith.constant 0 : i32
          %add3A_816 = arith.addi %add3A_808, %add3A_815 : i32
          %get3A_817 = arith.index_cast %add3A_816 : i32 to index
          %get3A_818 = arith.constant 16 : index
          %get3A_819 = tpu.vector_load %arg9[%get3A_817, %get3A_818] {strides = array<i32>} : memref<288x32xf32, #tpu.memory_space<vmem>>, vector<16xf32>,
          %add3A_820 = arith.addf %scan3A_804, %get3A_819 : vector<16xf32>
          %add3A_821 = arith.constant 1 : i32
          %add3A_822 = arith.addi %add3A_808, %add3A_821 : i32
          %get3A_823 = arith.index_cast %add3A_822 : i32 to index
          %get3A_824 = arith.constant 0 : index
          %get3A_825 = tpu.vector_load %arg9[%get3A_823, %get3A_824] {strides = array<i32>} : memref<288x32xf32, #tpu.memory_space<vmem>>, vector<16xf32>,
          %add3A_826 = arith.addf %add3A_814, %get3A_825 : vector<16xf32>
          %add3A_827 = arith.constant 1 : i32
          %add3A_828 = arith.addi %add3A_808, %add3A_827 : i32
          %get3A_829 = arith.index_cast %add3A_828 : i32 to index
          %get3A_830 = arith.constant 16 : index
          %get3A_831 = tpu.vector_load %arg9[%get3A_829, %get3A_830] {strides = array<i32>} : memref<288x32xf32, #tpu.memory_space<vmem>>, vector<16xf32>,
          %add3A_832 = arith.addf %add3A_820, %get3A_831 : vector<16xf32>
          %add3A_833 = arith.constant 2 : i32
          %add3A_834 = arith.addi %add3A_808, %add3A_833 : i32
          %get3A_835 = arith.index_cast %add3A_834 : i32 to index
          %get3A_836 = arith.constant 0 : index
          %get3A_837 = tpu.vector_load %arg9[%get3A_835, %get3A_836] {strides = array<i32>} : memref<288x32xf32, #tpu.memory_space<vmem>>, vector<16xf32>,
          %add3A_838 = arith.addf %add3A_826, %get3A_837 : vector<16xf32>
          %add3A_839 = arith.constant 2 : i32
          %add3A_840 = arith.addi %add3A_808, %add3A_839 : i32
          %get3A_841 = arith.index_cast %add3A_840 : i32 to index
          %get3A_842 = arith.constant 16 : index
          %get3A_843 = tpu.vector_load %arg9[%get3A_841, %get3A_842] {strides = array<i32>} : memref<288x32xf32, #tpu.memory_space<vmem>>, vector<16xf32>,
          %add3A_844 = arith.addf %add3A_832, %get3A_843 : vector<16xf32>
          %add3A_845 = arith.constant 3 : i32
          %add3A_846 = arith.addi %add3A_808, %add3A_845 : i32
          %get3A_847 = arith.index_cast %add3A_846 : i32 to index
          %get3A_848 = arith.constant 0 : index
          %get3A_849 = tpu.vector_load %arg9[%get3A_847, %get3A_848] {strides = array<i32>} : memref<288x32xf32, #tpu.memory_space<vmem>>, vector<16xf32>,
          %add3A_850 = arith.addf %add3A_838, %get3A_849 : vector<16xf32>
          %add3A_851 = arith.constant 3 : i32
          %add3A_852 = arith.addi %add3A_808, %add3A_851 : i32
          %get3A_853 = arith.index_cast %add3A_852 : i32 to index
          %get3A_854 = arith.constant 16 : index
          %get3A_855 = tpu.vector_load %arg9[%get3A_853, %get3A_854] {strides = array<i32>} : memref<288x32xf32, #tpu.memory_space<vmem>>, vector<16xf32>,
          %add3A_856 = arith.addf %add3A_844, %get3A_855 : vector<16xf32>
          %add3A_857 = arith.constant 4 : i32
          %add3A_858 = arith.addi %add3A_808, %add3A_857 : i32
          %get3A_859 = arith.index_cast %add3A_858 : i32 to index
          %get3A_860 = arith.constant 0 : index
          %get3A_861 = tpu.vector_load %arg9[%get3A_859, %get3A_860] {strides = array<i32>} : memref<288x32xf32, #tpu.memory_space<vmem>>, vector<16xf32>,
          %add3A_862 = arith.addf %add3A_850, %get3A_861 : vector<16xf32>
          %add3A_863 = arith.constant 4 : i32
          %add3A_864 = arith.addi %add3A_808, %add3A_863 : i32
          %get3A_865 = arith.index_cast %add3A_864 : i32 to index
          %get3A_866 = arith.constant 16 : index
          %get3A_867 = tpu.vector_load %arg9[%get3A_865, %get3A_866] {strides = array<i32>} : memref<288x32xf32, #tpu.memory_space<vmem>>, vector<16xf32>,
          %add3A_868 = arith.addf %add3A_856, %get3A_867 : vector<16xf32>
          %add3A_869 = arith.constant 5 : i32
          %add3A_870 = arith.addi %add3A_808, %add3A_869 : i32
          %get3A_871 = arith.index_cast %add3A_870 : i32 to index
          %get3A_872 = arith.constant 0 : index
          %get3A_873 = tpu.vector_load %arg9[%get3A_871, %get3A_872] {strides = array<i32>} : memref<288x32xf32, #tpu.memory_space<vmem>>, vector<16xf32>,
          %add3A_874 = arith.addf %add3A_862, %get3A_873 : vector<16xf32>
          %add3A_875 = arith.constant 5 : i32
          %add3A_876 = arith.addi %add3A_808, %add3A_875 : i32
          %get3A_877 = arith.index_cast %add3A_876 : i32 to index
          %get3A_878 = arith.constant 16 : index
          %get3A_879 = tpu.vector_load %arg9[%get3A_877, %get3A_878] {strides = array<i32>} : memref<288x32xf32, #tpu.memory_space<vmem>>, vector<16xf32>,
          %add3A_880 = arith.addf %add3A_868, %get3A_879 : vector<16xf32>
          %add3A_881 = arith.constant 6 : i32
          %add3A_882 = arith.addi %add3A_808, %add3A_881 : i32
          %get3A_883 = arith.index_cast %add3A_882 : i32 to index
          %get3A_884 = arith.constant 0 : index
          %get3A_885 = tpu.vector_load %arg9[%get3A_883, %get3A_884] {strides = array<i32>} : memref<288x32xf32, #tpu.memory_space<vmem>>, vector<16xf32>,
          %add3A_886 = arith.addf %add3A_874, %get3A_885 : vector<16xf32>
          %add3A_887 = arith.constant 6 : i32
          %add3A_888 = arith.addi %add3A_808, %add3A_887 : i32
          %get3A_889 = arith.index_cast %add3A_888 : i32 to index
          %get3A_890 = arith.constant 16 : index
          %get3A_891 = tpu.vector_load %arg9[%get3A_889, %get3A_890] {strides = array<i32>} : memref<288x32xf32, #tpu.memory_space<vmem>>, vector<16xf32>,
          %add3A_892 = arith.addf %add3A_880, %get3A_891 : vector<16xf32>
          %add3A_893 = arith.constant 7 : i32
          %add3A_894 = arith.addi %add3A_808, %add3A_893 : i32
          %get3A_895 = arith.index_cast %add3A_894 : i32 to index
          %get3A_896 = arith.constant 0 : index
          %get3A_897 = tpu.vector_load %arg9[%get3A_895, %get3A_896] {strides = array<i32>} : memref<288x32xf32, #tpu.memory_space<vmem>>, vector<16xf32>,
          %add3A_898 = arith.addf %add3A_886, %get3A_897 : vector<16xf32>
          %add3A_899 = arith.constant 7 : i32
          %add3A_900 = arith.addi %add3A_808, %add3A_899 : i32
          %get3A_901 = arith.index_cast %add3A_900 : i32 to index
          %get3A_902 = arith.constant 16 : index
          %get3A_903 = tpu.vector_load %arg9[%get3A_901, %get3A_902] {strides = array<i32>} : memref<288x32xf32, #tpu.memory_space<vmem>>, vector<16xf32>,
          %add3A_904 = arith.addf %add3A_892, %get3A_903 : vector<16xf32>
          scf.yield %add3A_898, %add3A_904 : vector<16xf32>, vector<16xf32>
        }
        %scan3A_609 = arith.constant 9 : i32
        %sub3A_610 = arith.subf %broadcast_in_dim3A_10, %convert_element_type3A_567 : vector<16xf32>
        %add3A_611 = arith.constant 9.99999993E-9 : f32
        %add3A_612 = vector.broadcast %add3A_611 : f32 to vector<16xf32>
        %add3A_613 = arith.addf %sub3A_610, %add3A_612 : vector<16xf32>
        %mul3A_614 = arith.mulf %convert_element_type3A_567, %get3A_3 : vector<16xf32>
        %sub3A_615 = arith.subf %scan3A_608#0, %mul3A_614 : vector<16xf32>
        %div3A_616 = arith.divf %sub3A_615, %add3A_613 : vector<16xf32>
        %swap3A_617 = arith.index_cast %add3A_452 : i32 to index
        %swap3A_618 = arith.constant 0 : index
        %swap3A_619 = tpu.vector_load %arg11[%swap3A_617, %swap3A_618] {strides = array<i32>} : memref<64x32xf32, #tpu.memory_space<vmem>>, vector<16xf32>,
        tpu.vector_store %arg11[%swap3A_617, %swap3A_618], %div3A_616 {strides = array<i32>} : memref<64x32xf32, #tpu.memory_space<vmem>>, vector<16xf32>,
        %mul3A_620 = arith.mulf %convert_element_type3A_567, %get3A_5 : vector<16xf32>
        %sub3A_621 = arith.subf %scan3A_608#1, %mul3A_620 : vector<16xf32>
        %div3A_622 = arith.divf %sub3A_621, %add3A_613 : vector<16xf32>
        %swap3A_623 = arith.index_cast %add3A_452 : i32 to index
        %swap3A_624 = arith.constant 16 : index
        %swap3A_625 = tpu.vector_load %arg11[%swap3A_623, %swap3A_624] {strides = array<i32>} : memref<64x32xf32, #tpu.memory_space<vmem>>, vector<16xf32>,
        tpu.vector_store %arg11[%swap3A_623, %swap3A_624], %div3A_622 {strides = array<i32>} : memref<64x32xf32, #tpu.memory_space<vmem>>, vector<16xf32>,
        %add3A_626 = arith.constant 3 : i32
        %add3A_627 = arith.addi %mul3A_110, %add3A_626 : i32
        %add3A_628 = arith.constant 3 : i32
        %add3A_629 = arith.addi %add3A_627, %add3A_628 : i32
        %lt3A_630 = arith.constant 64 : i32
        %lt3A_631 = arith.cmpi slt, %add3A_629, %lt3A_630 : i32
        %convert_element_type3A_632 = arith.extui %lt3A_631 : i1 to i32
        %cond3A_633 = arith.constant 0 : i32
        %cond3A_634 = arith.cmpi ne, %convert_element_type3A_632, %cond3A_633 : i32
        scf.if %cond3A_634 {
          %dma_start3A_802 = arith.constant 2 : i32
          %dma_start3A_803 = arith.constant 256 : i32
          %dma_start3A_804 = arith.constant 0 : i32
          %dma_start3A_805 = tpu.memref_slice %arg8[%dma_start3A_803, %dma_start3A_804] : memref<512x32xf32, #tpu.memory_space<vmem>> -> memref<128x32xf32, #tpu.memory_space<vmem>>
          %dma_start3A_806 = arith.constant 0 : i32
          %dma_start3A_807 = tpu.memref_slice %arg6[%add3A_629, %dma_start3A_806] : memref<64x128xi32, #tpu.memory_space<vmem>> -> memref<1x128xi32, #tpu.memory_space<vmem>>
          %dma_start3A_808 = tpu.memref_squeeze %dma_start3A_807 : memref<1x128xi32, #tpu.memory_space<vmem>> -> memref<128xi32, #tpu.memory_space<vmem>>
          %dma_start3A_809 = arith.constant 0 : i32
          %dma_start3A_810 = arith.constant 0 : i32
          %dma_start3A_811 = tpu.memref_slice %arg4[%dma_start3A_809, %dma_start3A_810] : memref<1000000x32xf32, #tpu.memory_space<hbm>> -> memref<1000000x32xf32, #tpu.memory_space<hbm>>
          %dma_start3A_812 = tpu.memref_slice %arg12[%dma_start3A_802] : memref<4x!tpu.dma_semaphore, #tpu.memory_space<semaphore_mem>> -> memref<1x!tpu.dma_semaphore, #tpu.memory_space<semaphore_mem>>
          %dma_start3A_813 = tpu.memref_squeeze %dma_start3A_812 : memref<1x!tpu.dma_semaphore, #tpu.memory_space<semaphore_mem>> -> memref<!tpu.dma_semaphore, #tpu.memory_space<semaphore_mem>>
          tpu.enqueue_indirect_dma source(%dma_start3A_811 : memref<1000000x32xf32, #tpu.memory_space<hbm>>) target(%dma_start3A_805 : memref<128x32xf32, #tpu.memory_space<vmem>>) offsets(%dma_start3A_808 : memref<128xi32, #tpu.memory_space<vmem>>) semaphore(%dma_start3A_813 : memref<!tpu.dma_semaphore, #tpu.memory_space<semaphore_mem>>)
          %dma_start3A_814 = arith.constant 2 : i32
          %dma_start3A_815 = arith.constant 144 : i32
          %dma_start3A_816 = arith.constant 0 : i32
          %dma_start3A_817 = tpu.memref_slice %arg9[%dma_start3A_815, %dma_start3A_816] : memref<288x32xf32, #tpu.memory_space<vmem>> -> memref<72x32xf32, #tpu.memory_space<vmem>>
          %dma_start3A_818 = arith.constant 0 : i32
          %dma_start3A_819 = tpu.memref_slice %arg7[%add3A_629, %dma_start3A_818] : memref<64x128xi32, #tpu.memory_space<vmem>> -> memref<1x72xi32, #tpu.memory_space<vmem>>
          %dma_start3A_820 = tpu.memref_squeeze %dma_start3A_819 : memref<1x72xi32, #tpu.memory_space<vmem>> -> memref<72xi32, #tpu.memory_space<vmem>>
          %dma_start3A_821 = arith.constant 0 : i32
          %dma_start3A_822 = arith.constant 0 : i32
          %dma_start3A_823 = tpu.memref_slice %arg4[%dma_start3A_821, %dma_start3A_822] : memref<1000000x32xf32, #tpu.memory_space<hbm>> -> memref<1000000x32xf32, #tpu.memory_space<hbm>>
          %dma_start3A_824 = tpu.memref_slice %arg12[%dma_start3A_814] : memref<4x!tpu.dma_semaphore, #tpu.memory_space<semaphore_mem>> -> memref<1x!tpu.dma_semaphore, #tpu.memory_space<semaphore_mem>>
          %dma_start3A_825 = tpu.memref_squeeze %dma_start3A_824 : memref<1x!tpu.dma_semaphore, #tpu.memory_space<semaphore_mem>> -> memref<!tpu.dma_semaphore, #tpu.memory_space<semaphore_mem>>
          tpu.enqueue_indirect_dma source(%dma_start3A_823 : memref<1000000x32xf32, #tpu.memory_space<hbm>>) target(%dma_start3A_817 : memref<72x32xf32, #tpu.memory_space<vmem>>) offsets(%dma_start3A_820 : memref<72xi32, #tpu.memory_space<vmem>>) semaphore(%dma_start3A_825 : memref<!tpu.dma_semaphore, #tpu.memory_space<semaphore_mem>>)
        } else {
        }
        %broadcast_in_dim3A_635 = arith.constant 0 : i32
        %broadcast_in_dim3A_636 = vector.broadcast %broadcast_in_dim3A_635 : i32 to vector<16xi32>
        %get3A_637 = arith.index_cast %add3A_627 : i32 to index
        %get3A_638 = arith.constant 0 : index
        %get3A_639 = tpu.vector_load %arg6[%get3A_637, %get3A_638] {strides = array<i32>} : memref<64x128xi32, #tpu.memory_space<vmem>>, vector<16xi32>,
        %eq3A_640 = arith.constant 0 : i32
        %eq3A_641 = vector.broadcast %eq3A_640 : i32 to vector<16xi32>
        %eq3A_642 = arith.cmpi eq, %get3A_639, %eq3A_641 : vector<16xi32>
        %all_reduce_population_count3A_643 = tpu.all_reduce %eq3A_642 {dim = 0 : i64, kind = #tpu.reduction_kind<sum>} : vector<16xi1> -> vector<16xi32>
        %add3A_644 = arith.addi %broadcast_in_dim3A_636, %all_reduce_population_count3A_643 : vector<16xi32>
        %get3A_645 = arith.index_cast %add3A_627 : i32 to index
        %get3A_646 = arith.constant 16 : index
        %get3A_647 = tpu.vector_load %arg6[%get3A_645, %get3A_646] {strides = array<i32>} : memref<64x128xi32, #tpu.memory_space<vmem>>, vector<16xi32>,
        %eq3A_648 = arith.constant 0 : i32
        %eq3A_649 = vector.broadcast %eq3A_648 : i32 to vector<16xi32>
        %eq3A_650 = arith.cmpi eq, %get3A_647, %eq3A_649 : vector<16xi32>
        %all_reduce_population_count3A_651 = tpu.all_reduce %eq3A_650 {dim = 0 : i64, kind = #tpu.reduction_kind<sum>} : vector<16xi1> -> vector<16xi32>
        %add3A_652 = arith.addi %add3A_644, %all_reduce_population_count3A_651 : vector<16xi32>
        %get3A_653 = arith.index_cast %add3A_627 : i32 to index
        %get3A_654 = arith.constant 32 : index
        %get3A_655 = tpu.vector_load %arg6[%get3A_653, %get3A_654] {strides = array<i32>} : memref<64x128xi32, #tpu.memory_space<vmem>>, vector<16xi32>,
        %eq3A_656 = arith.constant 0 : i32
        %eq3A_657 = vector.broadcast %eq3A_656 : i32 to vector<16xi32>
        %eq3A_658 = arith.cmpi eq, %get3A_655, %eq3A_657 : vector<16xi32>
        %all_reduce_population_count3A_659 = tpu.all_reduce %eq3A_658 {dim = 0 : i64, kind = #tpu.reduction_kind<sum>} : vector<16xi1> -> vector<16xi32>
        %add3A_660 = arith.addi %add3A_652, %all_reduce_population_count3A_659 : vector<16xi32>
        %get3A_661 = arith.index_cast %add3A_627 : i32 to index
        %get3A_662 = arith.constant 48 : index
        %get3A_663 = tpu.vector_load %arg6[%get3A_661, %get3A_662] {strides = array<i32>} : memref<64x128xi32, #tpu.memory_space<vmem>>, vector<16xi32>,
        %eq3A_664 = arith.constant 0 : i32
        %eq3A_665 = vector.broadcast %eq3A_664 : i32 to vector<16xi32>
        %eq3A_666 = arith.cmpi eq, %get3A_663, %eq3A_665 : vector<16xi32>
        %all_reduce_population_count3A_667 = tpu.all_reduce %eq3A_666 {dim = 0 : i64, kind = #tpu.reduction_kind<sum>} : vector<16xi1> -> vector<16xi32>
        %add3A_668 = arith.addi %add3A_660, %all_reduce_population_count3A_667 : vector<16xi32>
        %get3A_669 = arith.index_cast %add3A_627 : i32 to index
        %get3A_670 = arith.constant 64 : index
        %get3A_671 = tpu.vector_load %arg6[%get3A_669, %get3A_670] {strides = array<i32>} : memref<64x128xi32, #tpu.memory_space<vmem>>, vector<16xi32>,
        %eq3A_672 = arith.constant 0 : i32
        %eq3A_673 = vector.broadcast %eq3A_672 : i32 to vector<16xi32>
        %eq3A_674 = arith.cmpi eq, %get3A_671, %eq3A_673 : vector<16xi32>
        %all_reduce_population_count3A_675 = tpu.all_reduce %eq3A_674 {dim = 0 : i64, kind = #tpu.reduction_kind<sum>} : vector<16xi1> -> vector<16xi32>
        %add3A_676 = arith.addi %add3A_668, %all_reduce_population_count3A_675 : vector<16xi32>
        %get3A_677 = arith.index_cast %add3A_627 : i32 to index
        %get3A_678 = arith.constant 80 : index
        %get3A_679 = tpu.vector_load %arg6[%get3A_677, %get3A_678] {strides = array<i32>} : memref<64x128xi32, #tpu.memory_space<vmem>>, vector<16xi32>,
        %eq3A_680 = arith.constant 0 : i32
        %eq3A_681 = vector.broadcast %eq3A_680 : i32 to vector<16xi32>
        %eq3A_682 = arith.cmpi eq, %get3A_679, %eq3A_681 : vector<16xi32>
        %all_reduce_population_count3A_683 = tpu.all_reduce %eq3A_682 {dim = 0 : i64, kind = #tpu.reduction_kind<sum>} : vector<16xi1> -> vector<16xi32>
        %add3A_684 = arith.addi %add3A_676, %all_reduce_population_count3A_683 : vector<16xi32>
        %get3A_685 = arith.index_cast %add3A_627 : i32 to index
        %get3A_686 = arith.constant 96 : index
        %get3A_687 = tpu.vector_load %arg6[%get3A_685, %get3A_686] {strides = array<i32>} : memref<64x128xi32, #tpu.memory_space<vmem>>, vector<16xi32>,
        %eq3A_688 = arith.constant 0 : i32
        %eq3A_689 = vector.broadcast %eq3A_688 : i32 to vector<16xi32>
        %eq3A_690 = arith.cmpi eq, %get3A_687, %eq3A_689 : vector<16xi32>
        %all_reduce_population_count3A_691 = tpu.all_reduce %eq3A_690 {dim = 0 : i64, kind = #tpu.reduction_kind<sum>} : vector<16xi1> -> vector<16xi32>
        %add3A_692 = arith.addi %add3A_684, %all_reduce_population_count3A_691 : vector<16xi32>
        %get3A_693 = arith.index_cast %add3A_627 : i32 to index
        %get3A_694 = arith.constant 112 : index
        %get3A_695 = tpu.vector_load %arg6[%get3A_693, %get3A_694] {strides = array<i32>} : memref<64x128xi32, #tpu.memory_space<vmem>>, vector<16xi32>,
        %eq3A_696 = arith.constant 0 : i32
        %eq3A_697 = vector.broadcast %eq3A_696 : i32 to vector<16xi32>
        %eq3A_698 = arith.cmpi eq, %get3A_695, %eq3A_697 : vector<16xi32>
        %all_reduce_population_count3A_699 = tpu.all_reduce %eq3A_698 {dim = 0 : i64, kind = #tpu.reduction_kind<sum>} : vector<16xi1> -> vector<16xi32>
        %add3A_700 = arith.addi %add3A_692, %all_reduce_population_count3A_699 : vector<16xi32>
        %get3A_701 = arith.index_cast %add3A_627 : i32 to index
        %get3A_702 = arith.constant 0 : index
        %get3A_703 = tpu.vector_load %arg7[%get3A_701, %get3A_702] {strides = array<i32>} : memref<64x128xi32, #tpu.memory_space<vmem>>, vector<16xi32>,
        %eq3A_704 = arith.constant 0 : i32
        %eq3A_705 = vector.broadcast %eq3A_704 : i32 to vector<16xi32>
        %eq3A_706 = arith.cmpi eq, %get3A_703, %eq3A_705 : vector<16xi32>
        %all_reduce_population_count3A_707 = tpu.all_reduce %eq3A_706 {dim = 0 : i64, kind = #tpu.reduction_kind<sum>} : vector<16xi1> -> vector<16xi32>
        %add3A_708 = arith.addi %add3A_700, %all_reduce_population_count3A_707 : vector<16xi32>
        %get3A_709 = arith.index_cast %add3A_627 : i32 to index
        %get3A_710 = arith.constant 16 : index
        %get3A_711 = tpu.vector_load %arg7[%get3A_709, %get3A_710] {strides = array<i32>} : memref<64x128xi32, #tpu.memory_space<vmem>>, vector<16xi32>,
        %eq3A_712 = arith.constant 0 : i32
        %eq3A_713 = vector.broadcast %eq3A_712 : i32 to vector<16xi32>
        %eq3A_714 = arith.cmpi eq, %get3A_711, %eq3A_713 : vector<16xi32>
        %all_reduce_population_count3A_715 = tpu.all_reduce %eq3A_714 {dim = 0 : i64, kind = #tpu.reduction_kind<sum>} : vector<16xi1> -> vector<16xi32>
        %add3A_716 = arith.addi %add3A_708, %all_reduce_population_count3A_715 : vector<16xi32>
        %get3A_717 = arith.index_cast %add3A_627 : i32 to index
        %get3A_718 = arith.constant 32 : index
        %get3A_719 = tpu.vector_load %arg7[%get3A_717, %get3A_718] {strides = array<i32>} : memref<64x128xi32, #tpu.memory_space<vmem>>, vector<16xi32>,
        %eq3A_720 = arith.constant 0 : i32
        %eq3A_721 = vector.broadcast %eq3A_720 : i32 to vector<16xi32>
        %eq3A_722 = arith.cmpi eq, %get3A_719, %eq3A_721 : vector<16xi32>
        %all_reduce_population_count3A_723 = tpu.all_reduce %eq3A_722 {dim = 0 : i64, kind = #tpu.reduction_kind<sum>} : vector<16xi1> -> vector<16xi32>
        %add3A_724 = arith.addi %add3A_716, %all_reduce_population_count3A_723 : vector<16xi32>
        %get3A_725 = arith.index_cast %add3A_627 : i32 to index
        %get3A_726 = arith.constant 48 : index
        %get3A_727 = tpu.vector_load %arg7[%get3A_725, %get3A_726] {strides = array<i32>} : memref<64x128xi32, #tpu.memory_space<vmem>>, vector<16xi32>,
        %eq3A_728 = arith.constant 0 : i32
        %eq3A_729 = vector.broadcast %eq3A_728 : i32 to vector<16xi32>
        %eq3A_730 = arith.cmpi eq, %get3A_727, %eq3A_729 : vector<16xi32>
        %all_reduce_population_count3A_731 = tpu.all_reduce %eq3A_730 {dim = 0 : i64, kind = #tpu.reduction_kind<sum>} : vector<16xi1> -> vector<16xi32>
        %add3A_732 = arith.addi %add3A_724, %all_reduce_population_count3A_731 : vector<16xi32>
        %get3A_733 = arith.index_cast %add3A_627 : i32 to index
        %get3A_734 = arith.constant 56 : index
        %get3A_735 = tpu.vector_load %arg7[%get3A_733, %get3A_734] {strides = array<i32>} : memref<64x128xi32, #tpu.memory_space<vmem>>, vector<16xi32>,
        %eq3A_736 = arith.constant 0 : i32
        %eq3A_737 = vector.broadcast %eq3A_736 : i32 to vector<16xi32>
        %eq3A_738 = arith.cmpi eq, %get3A_735, %eq3A_737 : vector<16xi32>
        %and3A_739 = arith.andi %eq3A_738, %ge3A_7 : vector<16xi1>
        %all_reduce_population_count3A_740 = tpu.all_reduce %and3A_739 {dim = 0 : i64, kind = #tpu.reduction_kind<sum>} : vector<16xi1> -> vector<16xi32>
        %add3A_741 = arith.addi %add3A_732, %all_reduce_population_count3A_740 : vector<16xi32>
        %convert_element_type3A_742 = arith.sitofp %add3A_741 : vector<16xi32> to vector<16xf32>
        %dma_wait3A_743 = arith.constant 3 : i32
        %dma_wait3A_744 = arith.constant 384 : i32
        %dma_wait3A_745 = arith.constant 0 : i32
        %dma_wait3A_746 = tpu.memref_slice %arg8[%dma_wait3A_744, %dma_wait3A_745] : memref<512x32xf32, #tpu.memory_space<vmem>> -> memref<128x32xf32, #tpu.memory_space<vmem>>
        %dma_wait3A_747 = arith.constant 0 : i32
        %dma_wait3A_748 = arith.constant 0 : i32
        %dma_wait3A_749 = tpu.memref_slice %arg4[%dma_wait3A_747, %dma_wait3A_748] : memref<1000000x32xf32, #tpu.memory_space<hbm>> -> memref<128x32xf32, #tpu.memory_space<hbm>>
        %dma_wait3A_750 = tpu.memref_slice %arg12[%dma_wait3A_743] : memref<4x!tpu.dma_semaphore, #tpu.memory_space<semaphore_mem>> -> memref<1x!tpu.dma_semaphore, #tpu.memory_space<semaphore_mem>>
        %dma_wait3A_751 = tpu.memref_squeeze %dma_wait3A_750 : memref<1x!tpu.dma_semaphore, #tpu.memory_space<semaphore_mem>> -> memref<!tpu.dma_semaphore, #tpu.memory_space<semaphore_mem>>
        %dma_wait3A_752 = arith.constant 384 : i32
        %dma_wait3A_753 = arith.constant 0 : i32
        %dma_wait3A_754 = tpu.memref_slice %arg8[%dma_wait3A_752, %dma_wait3A_753] : memref<512x32xf32, #tpu.memory_space<vmem>> -> memref<128x32xf32, #tpu.memory_space<vmem>>
        %dma_wait3A_755 = arith.constant 0 : i32
        %dma_wait3A_756 = arith.constant 0 : i32
        %dma_wait3A_757 = tpu.memref_slice %arg4[%dma_wait3A_755, %dma_wait3A_756] : memref<1000000x32xf32, #tpu.memory_space<hbm>> -> memref<128x32xf32, #tpu.memory_space<hbm>>
        tpu.wait_dma2 semaphore(%dma_wait3A_751 : memref<!tpu.dma_semaphore, #tpu.memory_space<semaphore_mem>>) src(%dma_wait3A_757 : memref<128x32xf32, #tpu.memory_space<hbm>>) dst(%dma_wait3A_754 : memref<128x32xf32, #tpu.memory_space<vmem>>)
        %dma_wait3A_758 = arith.constant 3 : i32
        %dma_wait3A_759 = arith.constant 216 : i32
        %dma_wait3A_760 = arith.constant 0 : i32
        %dma_wait3A_761 = tpu.memref_slice %arg9[%dma_wait3A_759, %dma_wait3A_760] : memref<288x32xf32, #tpu.memory_space<vmem>> -> memref<72x32xf32, #tpu.memory_space<vmem>>
        %dma_wait3A_762 = arith.constant 0 : i32
        %dma_wait3A_763 = arith.constant 0 : i32
        %dma_wait3A_764 = tpu.memref_slice %arg4[%dma_wait3A_762, %dma_wait3A_763] : memref<1000000x32xf32, #tpu.memory_space<hbm>> -> memref<72x32xf32, #tpu.memory_space<hbm>>
        %dma_wait3A_765 = tpu.memref_slice %arg12[%dma_wait3A_758] : memref<4x!tpu.dma_semaphore, #tpu.memory_space<semaphore_mem>> -> memref<1x!tpu.dma_semaphore, #tpu.memory_space<semaphore_mem>>
        %dma_wait3A_766 = tpu.memref_squeeze %dma_wait3A_765 : memref<1x!tpu.dma_semaphore, #tpu.memory_space<semaphore_mem>> -> memref<!tpu.dma_semaphore, #tpu.memory_space<semaphore_mem>>
        %dma_wait3A_767 = arith.constant 216 : i32
        %dma_wait3A_768 = arith.constant 0 : i32
        %dma_wait3A_769 = tpu.memref_slice %arg9[%dma_wait3A_767, %dma_wait3A_768] : memref<288x32xf32, #tpu.memory_space<vmem>> -> memref<72x32xf32, #tpu.memory_space<vmem>>
        %dma_wait3A_770 = arith.constant 0 : i32
        %dma_wait3A_771 = arith.constant 0 : i32
        %dma_wait3A_772 = tpu.memref_slice %arg4[%dma_wait3A_770, %dma_wait3A_771] : memref<1000000x32xf32, #tpu.memory_space<hbm>> -> memref<72x32xf32, #tpu.memory_space<hbm>>
        tpu.wait_dma2 semaphore(%dma_wait3A_766 : memref<!tpu.dma_semaphore, #tpu.memory_space<semaphore_mem>>) src(%dma_wait3A_772 : memref<72x32xf32, #tpu.memory_space<hbm>>) dst(%dma_wait3A_769 : memref<72x32xf32, #tpu.memory_space<vmem>>)
        %scan3A_773 = arith.constant 0 : i32
        %scan3A_774 = arith.constant 16 : i32
        %scan3A_775 = arith.addi %scan3A_773, %scan3A_774 : i32
        %scan3A_776 = arith.constant 1 : i32
        %scan3A_777:2 = scf.for %scan3A_802 = %scan3A_773 to %scan3A_775 step %scan3A_776 iter_args(%scan3A_803 = %broadcast_in_dim3A_8, %scan3A_804 = %broadcast_in_dim3A_8) -> (vector<16xf32>, vector<16xf32>)  : i32 {
          %mul3A_805 = arith.constant 8 : i32
          %mul3A_806 = arith.muli %scan3A_802, %mul3A_805 : i32
          %add3A_807 = arith.constant 384 : i32
          %add3A_808 = arith.addi %add3A_807, %mul3A_806 : i32
          %add3A_809 = arith.constant 0 : i32
          %add3A_810 = arith.addi %add3A_808, %add3A_809 : i32
          %get3A_811 = arith.index_cast %add3A_810 : i32 to index
          %get3A_812 = arith.constant 0 : index
          %get3A_813 = tpu.vector_load %arg8[%get3A_811, %get3A_812] {strides = array<i32>} : memref<512x32xf32, #tpu.memory_space<vmem>>, vector<16xf32>,
          %add3A_814 = arith.addf %scan3A_803, %get3A_813 : vector<16xf32>
          %add3A_815 = arith.constant 0 : i32
          %add3A_816 = arith.addi %add3A_808, %add3A_815 : i32
          %get3A_817 = arith.index_cast %add3A_816 : i32 to index
          %get3A_818 = arith.constant 16 : index
          %get3A_819 = tpu.vector_load %arg8[%get3A_817, %get3A_818] {strides = array<i32>} : memref<512x32xf32, #tpu.memory_space<vmem>>, vector<16xf32>,
          %add3A_820 = arith.addf %scan3A_804, %get3A_819 : vector<16xf32>
          %add3A_821 = arith.constant 1 : i32
          %add3A_822 = arith.addi %add3A_808, %add3A_821 : i32
          %get3A_823 = arith.index_cast %add3A_822 : i32 to index
          %get3A_824 = arith.constant 0 : index
          %get3A_825 = tpu.vector_load %arg8[%get3A_823, %get3A_824] {strides = array<i32>} : memref<512x32xf32, #tpu.memory_space<vmem>>, vector<16xf32>,
          %add3A_826 = arith.addf %add3A_814, %get3A_825 : vector<16xf32>
          %add3A_827 = arith.constant 1 : i32
          %add3A_828 = arith.addi %add3A_808, %add3A_827 : i32
          %get3A_829 = arith.index_cast %add3A_828 : i32 to index
          %get3A_830 = arith.constant 16 : index
          %get3A_831 = tpu.vector_load %arg8[%get3A_829, %get3A_830] {strides = array<i32>} : memref<512x32xf32, #tpu.memory_space<vmem>>, vector<16xf32>,
          %add3A_832 = arith.addf %add3A_820, %get3A_831 : vector<16xf32>
          %add3A_833 = arith.constant 2 : i32
          %add3A_834 = arith.addi %add3A_808, %add3A_833 : i32
          %get3A_835 = arith.index_cast %add3A_834 : i32 to index
          %get3A_836 = arith.constant 0 : index
          %get3A_837 = tpu.vector_load %arg8[%get3A_835, %get3A_836] {strides = array<i32>} : memref<512x32xf32, #tpu.memory_space<vmem>>, vector<16xf32>,
          %add3A_838 = arith.addf %add3A_826, %get3A_837 : vector<16xf32>
          %add3A_839 = arith.constant 2 : i32
          %add3A_840 = arith.addi %add3A_808, %add3A_839 : i32
          %get3A_841 = arith.index_cast %add3A_840 : i32 to index
          %get3A_842 = arith.constant 16 : index
          %get3A_843 = tpu.vector_load %arg8[%get3A_841, %get3A_842] {strides = array<i32>} : memref<512x32xf32, #tpu.memory_space<vmem>>, vector<16xf32>,
          %add3A_844 = arith.addf %add3A_832, %get3A_843 : vector<16xf32>
          %add3A_845 = arith.constant 3 : i32
          %add3A_846 = arith.addi %add3A_808, %add3A_845 : i32
          %get3A_847 = arith.index_cast %add3A_846 : i32 to index
          %get3A_848 = arith.constant 0 : index
          %get3A_849 = tpu.vector_load %arg8[%get3A_847, %get3A_848] {strides = array<i32>} : memref<512x32xf32, #tpu.memory_space<vmem>>, vector<16xf32>,
          %add3A_850 = arith.addf %add3A_838, %get3A_849 : vector<16xf32>
          %add3A_851 = arith.constant 3 : i32
          %add3A_852 = arith.addi %add3A_808, %add3A_851 : i32
          %get3A_853 = arith.index_cast %add3A_852 : i32 to index
          %get3A_854 = arith.constant 16 : index
          %get3A_855 = tpu.vector_load %arg8[%get3A_853, %get3A_854] {strides = array<i32>} : memref<512x32xf32, #tpu.memory_space<vmem>>, vector<16xf32>,
          %add3A_856 = arith.addf %add3A_844, %get3A_855 : vector<16xf32>
          %add3A_857 = arith.constant 4 : i32
          %add3A_858 = arith.addi %add3A_808, %add3A_857 : i32
          %get3A_859 = arith.index_cast %add3A_858 : i32 to index
          %get3A_860 = arith.constant 0 : index
          %get3A_861 = tpu.vector_load %arg8[%get3A_859, %get3A_860] {strides = array<i32>} : memref<512x32xf32, #tpu.memory_space<vmem>>, vector<16xf32>,
          %add3A_862 = arith.addf %add3A_850, %get3A_861 : vector<16xf32>
          %add3A_863 = arith.constant 4 : i32
          %add3A_864 = arith.addi %add3A_808, %add3A_863 : i32
          %get3A_865 = arith.index_cast %add3A_864 : i32 to index
          %get3A_866 = arith.constant 16 : index
          %get3A_867 = tpu.vector_load %arg8[%get3A_865, %get3A_866] {strides = array<i32>} : memref<512x32xf32, #tpu.memory_space<vmem>>, vector<16xf32>,
          %add3A_868 = arith.addf %add3A_856, %get3A_867 : vector<16xf32>
          %add3A_869 = arith.constant 5 : i32
          %add3A_870 = arith.addi %add3A_808, %add3A_869 : i32
          %get3A_871 = arith.index_cast %add3A_870 : i32 to index
          %get3A_872 = arith.constant 0 : index
          %get3A_873 = tpu.vector_load %arg8[%get3A_871, %get3A_872] {strides = array<i32>} : memref<512x32xf32, #tpu.memory_space<vmem>>, vector<16xf32>,
          %add3A_874 = arith.addf %add3A_862, %get3A_873 : vector<16xf32>
          %add3A_875 = arith.constant 5 : i32
          %add3A_876 = arith.addi %add3A_808, %add3A_875 : i32
          %get3A_877 = arith.index_cast %add3A_876 : i32 to index
          %get3A_878 = arith.constant 16 : index
          %get3A_879 = tpu.vector_load %arg8[%get3A_877, %get3A_878] {strides = array<i32>} : memref<512x32xf32, #tpu.memory_space<vmem>>, vector<16xf32>,
          %add3A_880 = arith.addf %add3A_868, %get3A_879 : vector<16xf32>
          %add3A_881 = arith.constant 6 : i32
          %add3A_882 = arith.addi %add3A_808, %add3A_881 : i32
          %get3A_883 = arith.index_cast %add3A_882 : i32 to index
          %get3A_884 = arith.constant 0 : index
          %get3A_885 = tpu.vector_load %arg8[%get3A_883, %get3A_884] {strides = array<i32>} : memref<512x32xf32, #tpu.memory_space<vmem>>, vector<16xf32>,
          %add3A_886 = arith.addf %add3A_874, %get3A_885 : vector<16xf32>
          %add3A_887 = arith.constant 6 : i32
          %add3A_888 = arith.addi %add3A_808, %add3A_887 : i32
          %get3A_889 = arith.index_cast %add3A_888 : i32 to index
          %get3A_890 = arith.constant 16 : index
          %get3A_891 = tpu.vector_load %arg8[%get3A_889, %get3A_890] {strides = array<i32>} : memref<512x32xf32, #tpu.memory_space<vmem>>, vector<16xf32>,
          %add3A_892 = arith.addf %add3A_880, %get3A_891 : vector<16xf32>
          %add3A_893 = arith.constant 7 : i32
          %add3A_894 = arith.addi %add3A_808, %add3A_893 : i32
          %get3A_895 = arith.index_cast %add3A_894 : i32 to index
          %get3A_896 = arith.constant 0 : index
          %get3A_897 = tpu.vector_load %arg8[%get3A_895, %get3A_896] {strides = array<i32>} : memref<512x32xf32, #tpu.memory_space<vmem>>, vector<16xf32>,
          %add3A_898 = arith.addf %add3A_886, %get3A_897 : vector<16xf32>
          %add3A_899 = arith.constant 7 : i32
          %add3A_900 = arith.addi %add3A_808, %add3A_899 : i32
          %get3A_901 = arith.index_cast %add3A_900 : i32 to index
          %get3A_902 = arith.constant 16 : index
          %get3A_903 = tpu.vector_load %arg8[%get3A_901, %get3A_902] {strides = array<i32>} : memref<512x32xf32, #tpu.memory_space<vmem>>, vector<16xf32>,
          %add3A_904 = arith.addf %add3A_892, %get3A_903 : vector<16xf32>
          scf.yield %add3A_898, %add3A_904 : vector<16xf32>, vector<16xf32>
        }
        %scan3A_778 = arith.constant 16 : i32
        %scan3A_779 = arith.constant 0 : i32
        %scan3A_780 = arith.constant 9 : i32
        %scan3A_781 = arith.addi %scan3A_779, %scan3A_780 : i32
        %scan3A_782 = arith.constant 1 : i32
        %scan3A_783:2 = scf.for %scan3A_802 = %scan3A_779 to %scan3A_781 step %scan3A_782 iter_args(%scan3A_803 = %scan3A_777#0, %scan3A_804 = %scan3A_777#1) -> (vector<16xf32>, vector<16xf32>)  : i32 {
          %mul3A_805 = arith.constant 8 : i32
          %mul3A_806 = arith.muli %scan3A_802, %mul3A_805 : i32
          %add3A_807 = arith.constant 216 : i32
          %add3A_808 = arith.addi %add3A_807, %mul3A_806 : i32
          %add3A_809 = arith.constant 0 : i32
          %add3A_810 = arith.addi %add3A_808, %add3A_809 : i32
          %get3A_811 = arith.index_cast %add3A_810 : i32 to index
          %get3A_812 = arith.constant 0 : index
          %get3A_813 = tpu.vector_load %arg9[%get3A_811, %get3A_812] {strides = array<i32>} : memref<288x32xf32, #tpu.memory_space<vmem>>, vector<16xf32>,
          %add3A_814 = arith.addf %scan3A_803, %get3A_813 : vector<16xf32>
          %add3A_815 = arith.constant 0 : i32
          %add3A_816 = arith.addi %add3A_808, %add3A_815 : i32
          %get3A_817 = arith.index_cast %add3A_816 : i32 to index
          %get3A_818 = arith.constant 16 : index
          %get3A_819 = tpu.vector_load %arg9[%get3A_817, %get3A_818] {strides = array<i32>} : memref<288x32xf32, #tpu.memory_space<vmem>>, vector<16xf32>,
          %add3A_820 = arith.addf %scan3A_804, %get3A_819 : vector<16xf32>
          %add3A_821 = arith.constant 1 : i32
          %add3A_822 = arith.addi %add3A_808, %add3A_821 : i32
          %get3A_823 = arith.index_cast %add3A_822 : i32 to index
          %get3A_824 = arith.constant 0 : index
          %get3A_825 = tpu.vector_load %arg9[%get3A_823, %get3A_824] {strides = array<i32>} : memref<288x32xf32, #tpu.memory_space<vmem>>, vector<16xf32>,
          %add3A_826 = arith.addf %add3A_814, %get3A_825 : vector<16xf32>
          %add3A_827 = arith.constant 1 : i32
          %add3A_828 = arith.addi %add3A_808, %add3A_827 : i32
          %get3A_829 = arith.index_cast %add3A_828 : i32 to index
          %get3A_830 = arith.constant 16 : index
          %get3A_831 = tpu.vector_load %arg9[%get3A_829, %get3A_830] {strides = array<i32>} : memref<288x32xf32, #tpu.memory_space<vmem>>, vector<16xf32>,
          %add3A_832 = arith.addf %add3A_820, %get3A_831 : vector<16xf32>
          %add3A_833 = arith.constant 2 : i32
          %add3A_834 = arith.addi %add3A_808, %add3A_833 : i32
          %get3A_835 = arith.index_cast %add3A_834 : i32 to index
          %get3A_836 = arith.constant 0 : index
          %get3A_837 = tpu.vector_load %arg9[%get3A_835, %get3A_836] {strides = array<i32>} : memref<288x32xf32, #tpu.memory_space<vmem>>, vector<16xf32>,
          %add3A_838 = arith.addf %add3A_826, %get3A_837 : vector<16xf32>
          %add3A_839 = arith.constant 2 : i32
          %add3A_840 = arith.addi %add3A_808, %add3A_839 : i32
          %get3A_841 = arith.index_cast %add3A_840 : i32 to index
          %get3A_842 = arith.constant 16 : index
          %get3A_843 = tpu.vector_load %arg9[%get3A_841, %get3A_842] {strides = array<i32>} : memref<288x32xf32, #tpu.memory_space<vmem>>, vector<16xf32>,
          %add3A_844 = arith.addf %add3A_832, %get3A_843 : vector<16xf32>
          %add3A_845 = arith.constant 3 : i32
          %add3A_846 = arith.addi %add3A_808, %add3A_845 : i32
          %get3A_847 = arith.index_cast %add3A_846 : i32 to index
          %get3A_848 = arith.constant 0 : index
          %get3A_849 = tpu.vector_load %arg9[%get3A_847, %get3A_848] {strides = array<i32>} : memref<288x32xf32, #tpu.memory_space<vmem>>, vector<16xf32>,
          %add3A_850 = arith.addf %add3A_838, %get3A_849 : vector<16xf32>
          %add3A_851 = arith.constant 3 : i32
          %add3A_852 = arith.addi %add3A_808, %add3A_851 : i32
          %get3A_853 = arith.index_cast %add3A_852 : i32 to index
          %get3A_854 = arith.constant 16 : index
          %get3A_855 = tpu.vector_load %arg9[%get3A_853, %get3A_854] {strides = array<i32>} : memref<288x32xf32, #tpu.memory_space<vmem>>, vector<16xf32>,
          %add3A_856 = arith.addf %add3A_844, %get3A_855 : vector<16xf32>
          %add3A_857 = arith.constant 4 : i32
          %add3A_858 = arith.addi %add3A_808, %add3A_857 : i32
          %get3A_859 = arith.index_cast %add3A_858 : i32 to index
          %get3A_860 = arith.constant 0 : index
          %get3A_861 = tpu.vector_load %arg9[%get3A_859, %get3A_860] {strides = array<i32>} : memref<288x32xf32, #tpu.memory_space<vmem>>, vector<16xf32>,
          %add3A_862 = arith.addf %add3A_850, %get3A_861 : vector<16xf32>
          %add3A_863 = arith.constant 4 : i32
          %add3A_864 = arith.addi %add3A_808, %add3A_863 : i32
          %get3A_865 = arith.index_cast %add3A_864 : i32 to index
          %get3A_866 = arith.constant 16 : index
          %get3A_867 = tpu.vector_load %arg9[%get3A_865, %get3A_866] {strides = array<i32>} : memref<288x32xf32, #tpu.memory_space<vmem>>, vector<16xf32>,
          %add3A_868 = arith.addf %add3A_856, %get3A_867 : vector<16xf32>
          %add3A_869 = arith.constant 5 : i32
          %add3A_870 = arith.addi %add3A_808, %add3A_869 : i32
          %get3A_871 = arith.index_cast %add3A_870 : i32 to index
          %get3A_872 = arith.constant 0 : index
          %get3A_873 = tpu.vector_load %arg9[%get3A_871, %get3A_872] {strides = array<i32>} : memref<288x32xf32, #tpu.memory_space<vmem>>, vector<16xf32>,
          %add3A_874 = arith.addf %add3A_862, %get3A_873 : vector<16xf32>
          %add3A_875 = arith.constant 5 : i32
          %add3A_876 = arith.addi %add3A_808, %add3A_875 : i32
          %get3A_877 = arith.index_cast %add3A_876 : i32 to index
          %get3A_878 = arith.constant 16 : index
          %get3A_879 = tpu.vector_load %arg9[%get3A_877, %get3A_878] {strides = array<i32>} : memref<288x32xf32, #tpu.memory_space<vmem>>, vector<16xf32>,
          %add3A_880 = arith.addf %add3A_868, %get3A_879 : vector<16xf32>
          %add3A_881 = arith.constant 6 : i32
          %add3A_882 = arith.addi %add3A_808, %add3A_881 : i32
          %get3A_883 = arith.index_cast %add3A_882 : i32 to index
          %get3A_884 = arith.constant 0 : index
          %get3A_885 = tpu.vector_load %arg9[%get3A_883, %get3A_884] {strides = array<i32>} : memref<288x32xf32, #tpu.memory_space<vmem>>, vector<16xf32>,
          %add3A_886 = arith.addf %add3A_874, %get3A_885 : vector<16xf32>
          %add3A_887 = arith.constant 6 : i32
          %add3A_888 = arith.addi %add3A_808, %add3A_887 : i32
          %get3A_889 = arith.index_cast %add3A_888 : i32 to index
          %get3A_890 = arith.constant 16 : index
          %get3A_891 = tpu.vector_load %arg9[%get3A_889, %get3A_890] {strides = array<i32>} : memref<288x32xf32, #tpu.memory_space<vmem>>, vector<16xf32>,
          %add3A_892 = arith.addf %add3A_880, %get3A_891 : vector<16xf32>
          %add3A_893 = arith.constant 7 : i32
          %add3A_894 = arith.addi %add3A_808, %add3A_893 : i32
          %get3A_895 = arith.index_cast %add3A_894 : i32 to index
          %get3A_896 = arith.constant 0 : index
          %get3A_897 = tpu.vector_load %arg9[%get3A_895, %get3A_896] {strides = array<i32>} : memref<288x32xf32, #tpu.memory_space<vmem>>, vector<16xf32>,
          %add3A_898 = arith.addf %add3A_886, %get3A_897 : vector<16xf32>
          %add3A_899 = arith.constant 7 : i32
          %add3A_900 = arith.addi %add3A_808, %add3A_899 : i32
          %get3A_901 = arith.index_cast %add3A_900 : i32 to index
          %get3A_902 = arith.constant 16 : index
          %get3A_903 = tpu.vector_load %arg9[%get3A_901, %get3A_902] {strides = array<i32>} : memref<288x32xf32, #tpu.memory_space<vmem>>, vector<16xf32>,
          %add3A_904 = arith.addf %add3A_892, %get3A_903 : vector<16xf32>
          scf.yield %add3A_898, %add3A_904 : vector<16xf32>, vector<16xf32>
        }
        %scan3A_784 = arith.constant 9 : i32
        %sub3A_785 = arith.subf %broadcast_in_dim3A_10, %convert_element_type3A_742 : vector<16xf32>
        %add3A_786 = arith.constant 9.99999993E-9 : f32
        %add3A_787 = vector.broadcast %add3A_786 : f32 to vector<16xf32>
        %add3A_788 = arith.addf %sub3A_785, %add3A_787 : vector<16xf32>
        %mul3A_789 = arith.mulf %convert_element_type3A_742, %get3A_3 : vector<16xf32>
        %sub3A_790 = arith.subf %scan3A_783#0, %mul3A_789 : vector<16xf32>
        %div3A_791 = arith.divf %sub3A_790, %add3A_788 : vector<16xf32>
        %swap3A_792 = arith.index_cast %add3A_627 : i32 to index
        %swap3A_793 = arith.constant 0 : index
        %swap3A_794 = tpu.vector_load %arg11[%swap3A_792, %swap3A_793] {strides = array<i32>} : memref<64x32xf32, #tpu.memory_space<vmem>>, vector<16xf32>,
        tpu.vector_store %arg11[%swap3A_792, %swap3A_793], %div3A_791 {strides = array<i32>} : memref<64x32xf32, #tpu.memory_space<vmem>>, vector<16xf32>,
        %mul3A_795 = arith.mulf %convert_element_type3A_742, %get3A_5 : vector<16xf32>
        %sub3A_796 = arith.subf %scan3A_783#1, %mul3A_795 : vector<16xf32>
        %div3A_797 = arith.divf %sub3A_796, %add3A_788 : vector<16xf32>
        %swap3A_798 = arith.index_cast %add3A_627 : i32 to index
        %swap3A_799 = arith.constant 16 : index
        %swap3A_800 = tpu.vector_load %arg11[%swap3A_798, %swap3A_799] {strides = array<i32>} : memref<64x32xf32, #tpu.memory_space<vmem>>, vector<16xf32>,
        tpu.vector_store %arg11[%swap3A_798, %swap3A_799], %div3A_797 {strides = array<i32>} : memref<64x32xf32, #tpu.memory_space<vmem>>, vector<16xf32>,
        %scan3A_801 = arith.constant 0 : i32
        scf.yield %scan3A_801 : i32
      }
      %scan3A_105 = arith.constant 16 : i32
      "tpu.region"() ({
        %run_scoped3A_107 = tpu.sem_alloc : memref<!tpu.dma_semaphore, #tpu.memory_space<semaphore_mem>>
        %dma_start3A_108 = arith.constant 0 : i32
        %dma_start3A_109 = tpu.memref_slice %arg5[%add3A_21, %dma_start3A_108] : memref<16384x32xf32, #tpu.memory_space<hbm>> -> memref<64x32xf32, #tpu.memory_space<hbm>>
        %dma_start3A_110 = arith.constant 0 : i32
        %dma_start3A_111 = tpu.memref_slice %arg5[%add3A_21, %dma_start3A_110] : memref<16384x32xf32, #tpu.memory_space<hbm>> -> memref<64x32xf32, #tpu.memory_space<hbm>>
        tpu.enqueue_dma source(%arg11 : memref<64x32xf32, #tpu.memory_space<vmem>>) target(%dma_start3A_111 : memref<64x32xf32, #tpu.memory_space<hbm>>) target_semaphore(%run_scoped3A_107 : memref<!tpu.dma_semaphore, #tpu.memory_space<semaphore_mem>>)
        %dma_wait3A = arith.constant 0 : i32
        %dma_wait3A_112 = tpu.memref_slice %arg5[%add3A_21, %dma_wait3A] : memref<16384x32xf32, #tpu.memory_space<hbm>> -> memref<64x32xf32, #tpu.memory_space<hbm>>
        %dma_wait3A_113 = arith.constant 0 : i32
        %dma_wait3A_114 = tpu.memref_slice %arg5[%add3A_21, %dma_wait3A_113] : memref<16384x32xf32, #tpu.memory_space<hbm>> -> memref<64x32xf32, #tpu.memory_space<hbm>>
        tpu.wait_dma2 semaphore(%run_scoped3A_107 : memref<!tpu.dma_semaphore, #tpu.memory_space<semaphore_mem>>) src(%arg11 : memref<64x32xf32, #tpu.memory_space<vmem>>) dst(%dma_wait3A_114 : memref<64x32xf32, #tpu.memory_space<hbm>>)
        tpu.yield
      }) : () -> ()
      %scan3A_106 = arith.constant 0 : i32
      scf.yield %scan3A_106 : i32
    }
    %scan3A_16 = arith.constant 8 : i32
    return
  }
}

</mosaic_0001>

<sc_bundles>
// kernel: kernel.4.cloned.1.call-start
scs
__scs_entry_jumppad:
0x0: {  	(pc) =	sbr.rel $0x88, $3  }
0x1: {  	(tag) =	ssettag $0x0;
	lr =	simm.s32 $0x1  }
0x2: {  	[smem:$0x3F9F] =	sst lr;
	_ =	strace $0xD0000000  }
0x3: {  	_ = 	snop  }
0x4: {  	_ = 	snop  }
0x5: {  	_ = 	snop  }
0x6: {  	_ = 	snop  }
0x7: {  	_ = 	snop  }
__scs_overlays_trampoline_lowered:
0x8: {  	[smem:$0x3FAE] =	sst s0  }
0x9: {  	[smem:$0x3FAF] =	sst s1  }
0xa: {  	[smem:$0x3FB0] =	sst s2  }
0xb: {  	[smem:$0x3FB1] =	sst s3  }
0xc: {  	[smem:$0x3FB2] =	sst s4  }
0xd: {  	[smem:$0x3FB3] =	sst s5  }
0xe: {  	[smem:$0x3FB4] =	sst s6  }
0xf: {  	[smem:$0x3FB5] =	sst s7  }
0x10: {  	[smem:$0x3FB6] =	sst s8  }
0x11: {  	[smem:$0x3FB7] =	sst s9;
	s0 =	simm.s32 @!p0 $0x0  }
0x12: {  	s1 =	sld [smem:$0x3F9D];
	s0 =	simm.s32 @p0 $0x1  }
0x13: {  	[smem:$0x3FB8] =	sst s0;
	s0 =	simm.s32 @!p1 $0x0  }
0x14: {  	s2 =	sld [smem:$0x3F9C];
	s0 =	simm.s32 @p1 $0x1  }
0x15: {  	[smem:$0x3FB9] =	sst s0;
	s0 =	simm.s32 @!p2 $0x0  }
0x16: {  	s3 =	sld [smem:$0x3FDB];
	s0 =	simm.s32 @p2 $0x1  }
0x17: {  	s4 =	simm.s32 $0x1BF5;
	[smem:$0x3FBB] =	sst s0  }
0x18: {  	s0 =	sld [smem:$0x3F9E];
	_ =	swait.ge [sflag:s4], $0x0  }
0x19: {  	s7 =	sld [smem:$0x3F9F]  }
0x1a: {  	s8 =	sadd.s32 $0xFFFFE003, lr  }
0x1b: {  	s9 =	sadd.s32 $0xFFFFFEF7, lr;
	s5 =	simm.s32 $0xFFFFFFFF;
	p2 =	slt.u32 s8, $0xFFFFF086  }
0x1c: {  	p1 =	slt.u32 s9, $0xF7A;
	s5 =	simm.s32 @!p2 $0x0  }
0x1d: {  	s5 =	simm.s32 @p1 $0x1;
	p0 =	seq.s32 s7, s2  }
0x1e: {  	s7 =	smul.u32 @!p0 $0xF7A, s2;
	p2 =	seq.s32 @!p0 s5, $0x0  }
0x1f: {  	s9 =	smul.u32 $0xF7A, s1;
	s8 =	simm.s32 @!p0 $0x1BF5;
	p2 =	por !p2, p0  }
0x20: {  	[sflag:s8] =	ssyncset.s32 @!p0 $0xFFFFF086;
	s6 =	sadd.s32 @!p0 s3, s7;
	s7 =	simm.s32 @!p0 $0x108  }
0x21: {  	s3 =	sadd.s32 s3, s9;
	s6 =	sadd.s32 @!p0 $0x88, s6;
	s7 =	simm.s32 @p2 $0x1082  }
0x22: {  	[simem:s7], [sflag:s8] =	dma.local @!p0 [hbm:s6], $0xF7A  }
0x23: {  	s9 =	sor.u32 $0xD0000000, s2;
	s6 =	simm.s32 $0x108;
	_ =	swait.ge @!p0 [sflag:s8], $0x0  }
0x24: {  	s3 =	sadd.s32 $0x88, s3;
	s6 =	simm.s32 @!p1 $0x1082;
	[sflag:s4] =	ssyncset.s32 $0xFFFFF086  }
0x25: {  	[simem:s6], [sflag:s4] =	dma.local [hbm:s3], $0xF7A  }
0x26: {  	[smem:$0x3F9F] =	sst s1;
	(tag) =	ssettag s2;
	_ =	strace s9  }
0x27: {  	s1 =	sld [smem:$0x3FAF]  }
0x28: {  	s2 =	sld [smem:$0x3FB0]  }
0x29: {  	s4 =	sld [smem:$0x3FB2]  }
0x2a: {  	p0 =	seq.s32 s5, $0x0;
	s5 =	sld [smem:$0x3FB3]  }
0x2b: {  	s6 =	sld [smem:$0x3FB4]  }
0x2c: {  	s7 =	sld [smem:$0x3FB5]  }
0x2d: {  	s3 =	simm.s32 $0x108;
	s8 =	sld [smem:$0x3FB6]  }
0x2e: {  	s3 =	simm.s32 @!p0 $0x1082;
	s9 =	sld [smem:$0x3FB7]  }
0x2f: {  	lr =	sadd.s32 s0, s3;
	s0 =	sld [smem:$0x3FAE]  }
0x30: {  	s3 =	sld [smem:$0x3FB1]  }
0x31: {  	[smem:$0x3FBA] =	sst s10  }
0x32: {  	s10 =	sld [smem:$0x3FB8];
	_ =	sdelay $0x3  }
0x33: {  	p0 =	seq.s32 s10, $0x1;
	s10 =	sld [smem:$0x3FBA];
	_ =	sdelay $0x3  }
0x34: {  	[smem:$0x3FBA] =	sst s10  }
0x35: {  	s10 =	sld [smem:$0x3FB9];
	_ =	sdelay $0x3  }
0x36: {  	p1 =	seq.s32 s10, $0x1;
	s10 =	sld [smem:$0x3FBA];
	_ =	sdelay $0x3  }
0x37: {  	[smem:$0x3FBA] =	sst s10  }
0x38: {  	s10 =	sld [smem:$0x3FBB]  }
0x39: {  	_ = 	snop;
	(pc) =	sbr.ind lr, $3  }
0x3a: {  	_ = 	snop  }
0x3b: {  	_ = 	snop  }
0x3c: {  	p2 =	seq.s32 s10, $0x1;
	s10 =	sld [smem:$0x3FBA]  }
0x3d: {  	_ =	shalt  }
0x3e: {  	_ =	shalt  }
0x3f: {  	_ =	shalt  }
0x40: {  	_ =	shalt  }
0x41: {  	_ =	shalt  }
0x42: {  	_ =	shalt  }
0x43: {  	_ =	shalt  }
0x44: {  	_ =	shalt  }
0x45: {  	_ =	shalt  }
0x46: {  	_ =	shalt  }
0x47: {  	_ =	shalt  }
0x48: {  	_ =	shalt  }
0x49: {  	_ =	shalt  }
0x4a: {  	_ =	shalt  }
0x4b: {  	_ =	shalt  }
0x4c: {  	_ =	shalt  }
0x4d: {  	_ =	shalt  }
0x4e: {  	_ =	shalt  }
0x4f: {  	_ =	shalt  }
0x50: {  	_ =	shalt  }
0x51: {  	_ =	shalt  }
0x52: {  	_ =	shalt  }
0x53: {  	_ =	shalt  }
0x54: {  	_ =	shalt  }
0x55: {  	_ =	shalt  }
0x56: {  	_ =	shalt  }
0x57: {  	_ =	shalt  }
0x58: {  	_ =	shalt  }
0x59: {  	_ =	shalt  }
0x5a: {  	_ =	shalt  }
0x5b: {  	_ =	shalt  }
0x5c: {  	_ =	shalt  }
0x5d: {  	_ =	shalt  }
0x5e: {  	_ =	shalt  }
0x5f: {  	_ =	shalt  }
0x60: {  	_ =	shalt  }
0x61: {  	_ =	shalt  }
0x62: {  	_ =	shalt  }
0x63: {  	_ =	shalt  }
0x64: {  	_ =	shalt  }
0x65: {  	_ =	shalt  }
0x66: {  	_ =	shalt  }
0x67: {  	_ =	shalt  }
0x68: {  	_ =	shalt  }
0x69: {  	_ =	shalt  }
0x6a: {  	_ =	shalt  }
0x6b: {  	_ =	shalt  }
0x6c: {  	_ =	shalt  }
0x6d: {  	_ =	shalt  }
0x6e: {  	_ =	shalt  }
0x6f: {  	_ =	shalt  }
0x70: {  	_ =	shalt  }
0x71: {  	_ =	shalt  }
0x72: {  	_ =	shalt  }
0x73: {  	_ =	shalt  }
0x74: {  	_ =	shalt  }
0x75: {  	_ =	shalt  }
0x76: {  	_ =	shalt  }
0x77: {  	_ =	shalt  }
0x78: {  	_ =	shalt  }
0x79: {  	_ =	shalt  }
0x7a: {  	_ =	shalt  }
0x7b: {  	_ =	shalt  }
0x7c: {  	_ =	shalt  }
0x7d: {  	_ =	shalt  }
0x7e: {  	_ =	shalt  }
0x7f: {  	_ =	shalt  }
0x80: {  	_ =	shalt  }
0x81: {  	_ =	shalt  }
0x82: {  	_ =	shalt  }
0x83: {  	_ =	shalt  }
0x84: {  	_ =	shalt  }
0x85: {  	_ =	shalt  }
0x86: {  	_ =	shalt  }
0x87: {  	_ =	shalt  }
.Lfunc_end0:
.L_simem_size_0:
called_computation_lowered:
.L_overlay_start_0:
0x88: {  	s2 =	sld [smem:$0x3FD9]  }
0x89: {  	s3 =	sld [smem:$0x3FFE];
	_ =	sdelay $0x1  }
0x8a: {  	s1 =	srdreg.scid  }
0x8b: {  	s0 =	sand.u32 $0x1, s1  }
0x8c: {  	s16 =	sshll.u32 s0, $0xA;
	s2 =	sadd.s32 s3, s2  }
0x8d: {  	s2 =	sadd.s32 s2, s16  }
0x8e: {  	[smem:$0x3FC6] =	sst s2  }
0x8f: {  	_ = 	snop  }
0x90: {  	(tm) =	ssettm $0x1  }
0x91: {  	s17 =	sld [smem:$0x3FFB];
	_ =	sdelay $0x3  }
0x92: {  	_ =	strace s17  }
0x93: {  	s2 =	sld [smem:$0x3FFC];
	_ =	sdelay $0x3  }
0x94: {  	_ =	strace s2  }
0x95: {  	s2 =	sld [smem:$0x3FFD];
	_ =	sdelay $0x3  }
0x96: {  	_ =	strace s2  }
0x97: {  	_ =	strace $0x8FFFFFFF  }
0x98: {  	s18 =	sld [smem:$0x3FDB];
	_ =	sdelay $0x1  }
0x99: {  	s19 =	simm.s32 $_scs_section_size  }
0x9a: {  	s4 =	simm.s32 $_size__tile_overlayer_lowered;
	s5 =	simm.s32 $_tile_overlayer_lowered  }
0x9b: {  	s22 =	simm.s32 $0x1BFF;
	s21 =	sshll.u32 s5, $0x1;
	s2 =	sadd.s32 s19, s18  }
0x9c: {  	s6 =	simm.s32 $0x0;
	s20 =	sshll.u32 s4, $0x1;
	s4 =	sadd.s32 s21, s2  }
0x9d: {  	[timem:s6], [sflag:s22] =	dma.local [hbm:s4], s20  }
0x9e: {  	_ =	swait.ge [sflag:s22], s20  }
0x9f: {  	s3 =	ssub.s32 $0x0, s20;
	[sflag:s22] =	ssyncset.done $0x0  }
0xa0: {  	[sflag:s22] =	ssyncadd.s32 s3;
	_ =	sdelay $0x1  }
0xa1: {  	s23 =	simm.s32 $0x1B8B  }
0xa2: {  	_ =	swait.ge [sflag:s23], $0x1  }
0xa3: {  	[sflag:s23] =	ssyncset.done $0x0  }
0xa4: {  	s25 =	simm.s32 $0x1B8E;
	s24 =	sld [smem:$0x3FFE];
	[sflag:s23] =	ssyncadd.s32 $0xFFFFFFFF  }
0xa5: {  	s26 =	simm.s32 $execute0_lowered;
	[smem:$0x3FD2] =	sst s25  }
0xa6: {  	s4 =	sshll.u32 s26, $0x1;
	_ =	strace $0x80000046;
	[dreg:$0x1] =	wrdreg $0xFFFFFFFF  }
0xa7: {  	s28 =	simm.s32 $_size_execute0_lowered;
	s2 =	sadd.s32 s2, s4;
	[dreg:$0x0] =	wrdreg $0x0  }
0xa8: {  	s4 =	sshll.u32 s28, $0x1;
	[dreg:$0x2] =	wrdreg s2  }
0xa9: {  	[dreg:$0x3] =	wrdreg s4  }
0xaa: {  	[dreg:$0x4] =	wrdreg $0xC0  }
0xab: {  	_ =	task [dreg:s6], $0x5FFFF  }
0xac: {  	[dreg:$0x1] =	wrdreg $0xFFFFFFFF  }
0xad: {  	[dreg:$0x0] =	wrdreg $0x60  }
0xae: {  	[dreg:$0x2] =	wrdreg s24  }
0xaf: {  	[dreg:$0x3] =	wrdreg $0x9  }
0xb0: {  	_ =	task.clear_ibuf [dreg:s6], $0x4FFFF;
	_ =	strace $0x90000046  }
0xb1: {  	s29 =	simm.s32 $0x9;
	_ =	strace $0x80000048  }
0xb2: {  	_ =	swait.ge [sflag:s29], $0x1  }
0xb3: {  	[sflag:s29] =	ssyncadd.s32 $0xFFFFFFFF  }
0xb4: {  	_ =	strace $0x90000048  }
0xb5: {  	_ =	sfence  }
0xb6: {  	s30 =	sld [smem:$0x0];
	_ =	sdelay $0x2  }
0xb7: {  	s31 =	sshll.u32 s1, $0xD;
	s1 =	sshrl.u32 s1, $0x2  }
0xb8: {  	s3 =	sand.u32 $0x4000, s31;
	s1 =	sadd.s32 s1, s30  }
0xb9: {  	s0 =	sor.u32 s3, s0;
	s1 =	sshll.u32 s1, $0x11  }
0xba: {  	s0 =	sor.u32 s1, s0  }
0xbb: {  	s0 =	sadd.s32 $0x8F2B, s0  }
0xbc: {  	[sflag:s0] =	ssyncadd.remote.s32 $0x1  }
0xbd: {  	_ =	sfence.sel $0xFFFF  }
0xbe: {  	[dreg:$0x0] =	wrdreg $0xFFFFFFFF;
	(pc) =	sbr.abs _section_cstart, $3  }
0xbf: {  	[dreg:$0x1] =	wrdreg $0xFFFFFFFF  }
0xc0: {  	_ =	task.clear_ibuf [dreg:s6], $0x2FFFF;
	_ =	strace $0x9FFFFFFF  }
0xc1: {  	(tm) =	ssettm $0x7FFFFFFF  }
tec
execute0_lowered:
.L_overlay_start_1:
0x0: {  	(tag) =	ssettag $0x1  }
0x1: {  	s1 =	rddreg [dreg:$0x0];
	s0 =	srdreg.scid;
	s2 =	simm.s32 $0x0  }
0x2: {  	s3 =	stileid.u32;
	p0 =	por $0x0, $0x0;
	s6 =	sand.u32 $0x1, s0  }
0x3: {  	[smem:$0x7FF] =	sst s2;
	s25 =	sshll.u32 s3, $0xA;
	s3 =	sadd.s32 $0xC00, s1  }
0x4: {  	s0 =	sadd.s32 $0x80C00, s1;
	s5 =	sadd.s32 $0xC80, s1;
	s4 =	sshll.u32 s6, $0x9  }
0x5: {  	_ =	strace $0x80000047;
	s6 =	ssub.s32 $0x2, s6;
	s7 =	sor.u32 s4, s25  }
0x6: {  	s25 =	sshrl.u32 s6, $0x1;
	s4 =	sshll.u32 s7, $0x5;
	s8 =	sshrl.u32 s7, $0x3  }
0x7: {  	s7 =	sshll.u32 s7, $0x4;
	s6 =	ssub.s32 s6, s25;
	s9 =	sadd.s32 s3, s4  }
0x8: {  	s10 =	sor.u32 $0x8, s8;
	s26 =	sadd.s32 s4, s5;
	s4 =	sadd.s32 $0xC0C00, s1  }
0x9: {  	s14 =	sadd.s32 s0, s7;
	s15 =	sor.u32 $0x10, s8;
	[dreg:$0x2] =	wrdreg s9  }
0xa: {  	s22 =	sor.u32 $0x18, s8;
	s11 =	sshll.u32 s10, $0x8;
	[dreg:$0x3] =	wrdreg s26  }
0xb: {  	[dreg:$0x6] =	wrdreg s14;
	s16 =	sadd.s32 s4, s7;
	s17 =	sshll.u32 s15, $0x8  }
0xc: {  	s20 =	sshll.u32 s10, $0x7;
	s24 =	sshll.u32 s22, $0x8;
	[dreg:$0x7] =	wrdreg s16  }
0xd: {  	s9 =	sshll.u32 s15, $0x7;
	s12 =	sadd.s32 s3, s11;
	s1 =	rddreg [dreg:$0x2]  }
0xe: {  	s14 =	sor.u32 $0x28, s8;
	s13 =	sadd.s32 s11, s5;
	[dreg:$0x4] =	wrdreg s12  }
0xf: {  	s10 =	sor.u32 $0x38, s8;
	s18 =	sadd.s32 s3, s17;
	[dreg:$0x5] =	wrdreg s13  }
0x10: {  	s19 =	sadd.s32 s17, s5;
	s21 =	sadd.s32 s0, s20;
	[dreg:$0x8] =	wrdreg s18  }
0x11: {  	s23 =	sadd.s32 s4, s20;
	s26 =	sadd.s32 s3, s24;
	[dreg:$0x9] =	wrdreg s19  }
0x12: {  	s7 =	sadd.s32 s24, s5;
	s11 =	sor.u32 $0x20, s8;
	[dreg:$0xa] =	wrdreg s21  }
0x13: {  	s30 =	sadd.s32 s0, s9;
	s31 =	sadd.s32 s4, s9;
	[dreg:$0xb] =	wrdreg s23  }
0x14: {  	s15 =	sshll.u32 s14, $0x8;
	s16 =	sor.u32 $0x30, s8;
	[dreg:$0xc] =	wrdreg s26  }
0x15: {  	[dreg:$0xd] =	wrdreg s7;
	s12 =	sshll.u32 s11, $0x8;
	s13 =	sshll.u32 s22, $0x7  }
0x16: {  	s23 =	sadd.s32 s3, s15;
	s24 =	sadd.s32 s15, s5;
	s19 =	sshll.u32 s11, $0x7  }
0x17: {  	s20 =	sshll.u32 s16, $0x8;
	s7 =	sshll.u32 s14, $0x7;
	s15 =	sshll.u32 s10, $0x8  }
0x18: {  	s16 =	sshll.u32 s16, $0x7;
	s28 =	sadd.s32 s3, s12;
	s29 =	sadd.s32 s12, s5  }
0x19: {  	s25 =	sadd.s32 s0, s13;
	s26 =	sadd.s32 s4, s13;
	s21 =	sadd.s32 s0, s19  }
0x1a: {  	s22 =	sadd.s32 s4, s19;
	s17 =	sadd.s32 s3, s20;
	s18 =	sadd.s32 s20, s5  }
0x1b: {  	s13 =	sadd.s32 s0, s7;
	s14 =	sadd.s32 s4, s7;
	s20 =	smax.u32 s6, $0x1  }
0x1c: {  	s11 =	sadd.s32 s3, s15;
	s12 =	sadd.s32 s15, s5;
	p1 =	sne.s32 s20, $0x1  }
.Ltmp0:
0x1d: {  	s8 =	sadd.s32 s0, s16;
	s9 =	sadd.s32 s4, s16;
	(pc) =	sbr.rel @!p1 .LBB2_3-.Ltmp0, $4  }
0x1e: {  	s19 =	sshll.u32 s10, $0x7;
	s16 =	simm.s32 $0x400;
	s10 =	simm.s32 $0x4000  }
0x1f: {  	s6 =	simm.s32 $0x2000;
	s7 =	simm.s32 $0x6000;
	s5 =	simm.s32 $0x3  }
0x20: {  	s15 =	simm.s32 $0x2;
	s3 =	sadd.s32 s0, s19;
	s4 =	sadd.s32 s4, s19  }
0x21: {  	s19 =	simm.s32 $0x800;
	s0 =	sadd.s32 $0xFFFFFFFF, s20;
	s20 =	simm.s32 $0x1  }
0x22: {  	[dreg:$0xe] =	wrdreg s0  }
0x23: {  	[tilespmem:s2], [sflag:$0x1] =	stream.strided.gather [hbm4b:s1+s16], $0x2000, s19, s16, $0x38;
	[tilespmem:$0x8000] =	vst v63  }
0x24: {  	s0 =	rddreg [dreg:$0x3]  }
0x25: {  	[tilespmem:s10], [sflag:$0x1] =	stream.strided.gather [hbm4b:s0+s16], $0x2000, s19, s16, $0x38;
	[tilespmem:$0x8000] =	vst v63  }
0x26: {  	s1 =	rddreg [dreg:$0x4]  }
0x27: {  	[tilespmem:s6], [sflag:$0x2] =	stream.strided.gather [hbm4b:s1+s16], $0x2000, s19, s16, $0x38;
	[tilespmem:$0x8000] =	vst v63  }
0x28: {  	s0 =	rddreg [dreg:$0x5]  }
0x29: {  	[tilespmem:s7], [sflag:$0x2] =	stream.strided.gather [hbm4b:s0+s16], $0x2000, s19, s16, $0x38;
	[tilespmem:$0x8000] =	vst v63  }
0x2a: {  	_ =	swait.ge [sflag:s20], $0x2000  }
0x2b: {  	[sflag:s20] =	ssyncset.done $0x0  }
0x2c: {  	[sflag:s20] =	ssyncadd.s32 $0xFFFFE000  }
0x2d: {  	_ =	swait.ge [sflag:s20], $0x2000  }
0x2e: {  	[sflag:s20] =	ssyncset.done $0x0  }
0x2f: {  	s0 =	rddreg [dreg:$0x6];
	[sflag:s20] =	ssyncadd.s32 $0xFFFFE000  }
0x30: {  	[hbm4b:s0+s2] =	stream.linear.scatter [tilespmem:s2], [sflag:$0x3], $0x2000, $0x38;
	[tilespmem:$0x8000] =	vst v63  }
0x31: {  	s1 =	rddreg [dreg:$0x7]  }
0x32: {  	[hbm4b:s1+s2] =	stream.linear.scatter [tilespmem:s10], [sflag:$0x3], $0x2000, $0x38;
	[tilespmem:$0x8000] =	vst v63  }
0x33: {  	_ =	swait.ge [sflag:s5], $0x2000  }
0x34: {  	[sflag:s5] =	ssyncset.done $0x0  }
0x35: {  	[sflag:s5] =	ssyncadd.s32 $0xFFFFE000  }
0x36: {  	_ =	swait.ge [sflag:s5], $0x2000  }
0x37: {  	[sflag:s5] =	ssyncset.done $0x0  }
0x38: {  	s0 =	rddreg [dreg:$0x8];
	[sflag:s5] =	ssyncadd.s32 $0xFFFFE000  }
0x39: {  	[tilespmem:s2], [sflag:$0x1] =	stream.strided.gather [hbm4b:s0+s16], $0x2000, s19, s16, $0x38;
	[tilespmem:$0x8000] =	vst v63  }
0x3a: {  	s1 =	rddreg [dreg:$0x9]  }
0x3b: {  	[tilespmem:s10], [sflag:$0x1] =	stream.strided.gather [hbm4b:s1+s16], $0x2000, s19, s16, $0x38;
	[tilespmem:$0x8000] =	vst v63  }
0x3c: {  	_ =	swait.ge [sflag:s15], $0x2000  }
0x3d: {  	[sflag:s15] =	ssyncset.done $0x0  }
0x3e: {  	[sflag:s15] =	ssyncadd.s32 $0xFFFFE000  }
0x3f: {  	_ =	swait.ge [sflag:s15], $0x2000  }
0x40: {  	[sflag:s15] =	ssyncset.done $0x0  }
0x41: {  	s0 =	rddreg [dreg:$0xa];
	[sflag:s15] =	ssyncadd.s32 $0xFFFFE000  }
0x42: {  	[hbm4b:s0+s2] =	stream.linear.scatter [tilespmem:s6], [sflag:$0x3], $0x2000, $0x38;
	[tilespmem:$0x8000] =	vst v63  }
0x43: {  	s1 =	rddreg [dreg:$0xb]  }
0x44: {  	[hbm4b:s1+s2] =	stream.linear.scatter [tilespmem:s7], [sflag:$0x3], $0x2000, $0x38;
	[tilespmem:$0x8000] =	vst v63  }
0x45: {  	_ =	swait.ge [sflag:s5], $0x2000  }
0x46: {  	[sflag:s5] =	ssyncset.done $0x0  }
0x47: {  	[sflag:s5] =	ssyncadd.s32 $0xFFFFE000  }
0x48: {  	_ =	swait.ge [sflag:s5], $0x2000  }
0x49: {  	[sflag:s5] =	ssyncset.done $0x0  }
0x4a: {  	s0 =	rddreg [dreg:$0xc];
	[sflag:s5] =	ssyncadd.s32 $0xFFFFE000  }
0x4b: {  	[tilespmem:s6], [sflag:$0x2] =	stream.strided.gather [hbm4b:s0+s16], $0x2000, s19, s16, $0x38;
	[tilespmem:$0x8000] =	vst v63  }
0x4c: {  	s1 =	rddreg [dreg:$0xd]  }
0x4d: {  	[tilespmem:s7], [sflag:$0x2] =	stream.strided.gather [hbm4b:s1+s16], $0x2000, s19, s16, $0x38;
	[tilespmem:$0x8000] =	vst v63  }
0x4e: {  	_ =	swait.ge [sflag:s20], $0x2000  }
0x4f: {  	[sflag:s20] =	ssyncset.done $0x0  }
0x50: {  	[sflag:s20] =	ssyncadd.s32 $0xFFFFE000  }
0x51: {  	_ =	swait.ge [sflag:s20], $0x2000  }
0x52: {  	[sflag:s20] =	ssyncset.done $0x0  }
0x53: {  	[sflag:s20] =	ssyncadd.s32 $0xFFFFE000  }
0x54: {  	[hbm4b:s30+s2] =	stream.linear.scatter [tilespmem:s2], [sflag:$0x3], $0x2000, $0x38;
	[tilespmem:$0x8000] =	vst v63  }
0x55: {  	_ = 	snop  }
0x56: {  	[hbm4b:s31+s2] =	stream.linear.scatter [tilespmem:s10], [sflag:$0x3], $0x2000, $0x38;
	[tilespmem:$0x8000] =	vst v63  }
0x57: {  	_ =	swait.ge [sflag:s5], $0x2000  }
0x58: {  	[sflag:s5] =	ssyncset.done $0x0  }
0x59: {  	[sflag:s5] =	ssyncadd.s32 $0xFFFFE000  }
0x5a: {  	_ =	swait.ge [sflag:s5], $0x2000  }
0x5b: {  	[sflag:s5] =	ssyncset.done $0x0  }
0x5c: {  	[sflag:s5] =	ssyncadd.s32 $0xFFFFE000  }
0x5d: {  	[tilespmem:s2], [sflag:$0x1] =	stream.strided.gather [hbm4b:s28+s16], $0x2000, s19, s16, $0x38;
	[tilespmem:$0x8000] =	vst v63  }
0x5e: {  	_ = 	snop  }
0x5f: {  	[tilespmem:s10], [sflag:$0x1] =	stream.strided.gather [hbm4b:s29+s16], $0x2000, s19, s16, $0x38;
	[tilespmem:$0x8000] =	vst v63  }
0x60: {  	_ =	swait.ge [sflag:s15], $0x2000  }
0x61: {  	[sflag:s15] =	ssyncset.done $0x0  }
0x62: {  	[sflag:s15] =	ssyncadd.s32 $0xFFFFE000  }
0x63: {  	_ =	swait.ge [sflag:s15], $0x2000  }
0x64: {  	[sflag:s15] =	ssyncset.done $0x0  }
0x65: {  	[sflag:s15] =	ssyncadd.s32 $0xFFFFE000  }
0x66: {  	[hbm4b:s25+s2] =	stream.linear.scatter [tilespmem:s6], [sflag:$0x3], $0x2000, $0x38;
	[tilespmem:$0x8000] =	vst v63  }
0x67: {  	_ = 	snop  }
0x68: {  	[hbm4b:s26+s2] =	stream.linear.scatter [tilespmem:s7], [sflag:$0x3], $0x2000, $0x38;
	[tilespmem:$0x8000] =	vst v63  }
0x69: {  	_ =	swait.ge [sflag:s5], $0x2000  }
0x6a: {  	[sflag:s5] =	ssyncset.done $0x0  }
0x6b: {  	[sflag:s5] =	ssyncadd.s32 $0xFFFFE000  }
0x6c: {  	_ =	swait.ge [sflag:s5], $0x2000  }
0x6d: {  	[sflag:s5] =	ssyncset.done $0x0  }
0x6e: {  	[sflag:s5] =	ssyncadd.s32 $0xFFFFE000  }
0x6f: {  	[tilespmem:s6], [sflag:$0x2] =	stream.strided.gather [hbm4b:s23+s16], $0x2000, s19, s16, $0x38;
	[tilespmem:$0x8000] =	vst v63  }
0x70: {  	_ = 	snop  }
0x71: {  	[tilespmem:s7], [sflag:$0x2] =	stream.strided.gather [hbm4b:s24+s16], $0x2000, s19, s16, $0x38;
	[tilespmem:$0x8000] =	vst v63  }
0x72: {  	_ =	swait.ge [sflag:s20], $0x2000  }
0x73: {  	[sflag:s20] =	ssyncset.done $0x0  }
0x74: {  	[sflag:s20] =	ssyncadd.s32 $0xFFFFE000  }
0x75: {  	_ =	swait.ge [sflag:s20], $0x2000  }
0x76: {  	[sflag:s20] =	ssyncset.done $0x0  }
0x77: {  	[sflag:s20] =	ssyncadd.s32 $0xFFFFE000  }
0x78: {  	[hbm4b:s21+s2] =	stream.linear.scatter [tilespmem:s2], [sflag:$0x3], $0x2000, $0x38;
	[tilespmem:$0x8000] =	vst v63  }
0x79: {  	_ = 	snop  }
0x7a: {  	[hbm4b:s22+s2] =	stream.linear.scatter [tilespmem:s10], [sflag:$0x3], $0x2000, $0x38;
	[tilespmem:$0x8000] =	vst v63  }
0x7b: {  	_ =	swait.ge [sflag:s5], $0x2000  }
0x7c: {  	[sflag:s5] =	ssyncset.done $0x0  }
0x7d: {  	[sflag:s5] =	ssyncadd.s32 $0xFFFFE000  }
0x7e: {  	_ =	swait.ge [sflag:s5], $0x2000  }
0x7f: {  	[sflag:s5] =	ssyncset.done $0x0  }
0x80: {  	[sflag:s5] =	ssyncadd.s32 $0xFFFFE000  }
0x81: {  	[tilespmem:s2], [sflag:$0x1] =	stream.strided.gather [hbm4b:s17+s16], $0x2000, s19, s16, $0x38;
	[tilespmem:$0x8000] =	vst v63  }
0x82: {  	_ = 	snop  }
0x83: {  	[tilespmem:s10], [sflag:$0x1] =	stream.strided.gather [hbm4b:s18+s16], $0x2000, s19, s16, $0x38;
	[tilespmem:$0x8000] =	vst v63  }
0x84: {  	_ =	swait.ge [sflag:s15], $0x2000  }
0x85: {  	[sflag:s15] =	ssyncset.done $0x0  }
0x86: {  	[sflag:s15] =	ssyncadd.s32 $0xFFFFE000  }
0x87: {  	_ =	swait.ge [sflag:s15], $0x2000  }
0x88: {  	[sflag:s15] =	ssyncset.done $0x0  }
0x89: {  	[sflag:s15] =	ssyncadd.s32 $0xFFFFE000  }
0x8a: {  	[hbm4b:s13+s2] =	stream.linear.scatter [tilespmem:s6], [sflag:$0x3], $0x2000, $0x38;
	[tilespmem:$0x8000] =	vst v63  }
0x8b: {  	_ = 	snop  }
0x8c: {  	[hbm4b:s14+s2] =	stream.linear.scatter [tilespmem:s7], [sflag:$0x3], $0x2000, $0x38;
	[tilespmem:$0x8000] =	vst v63  }
0x8d: {  	_ =	swait.ge [sflag:s5], $0x2000  }
0x8e: {  	[sflag:s5] =	ssyncset.done $0x0  }
0x8f: {  	[sflag:s5] =	ssyncadd.s32 $0xFFFFE000  }
0x90: {  	_ =	swait.ge [sflag:s5], $0x2000  }
0x91: {  	[sflag:s5] =	ssyncset.done $0x0  }
0x92: {  	[sflag:s5] =	ssyncadd.s32 $0xFFFFE000  }
0x93: {  	[tilespmem:s6], [sflag:$0x2] =	stream.strided.gather [hbm4b:s11+s16], $0x2000, s19, s16, $0x38;
	[tilespmem:$0x8000] =	vst v63  }
0x94: {  	_ = 	snop  }
0x95: {  	[tilespmem:s7], [sflag:$0x2] =	stream.strided.gather [hbm4b:s12+s16], $0x2000, s19, s16, $0x38;
	[tilespmem:$0x8000] =	vst v63  }
0x96: {  	_ =	swait.ge [sflag:s20], $0x2000  }
0x97: {  	[sflag:s20] =	ssyncset.done $0x0  }
0x98: {  	[sflag:s20] =	ssyncadd.s32 $0xFFFFE000  }
0x99: {  	_ =	swait.ge [sflag:s20], $0x2000  }
0x9a: {  	[sflag:s20] =	ssyncset.done $0x0  }
0x9b: {  	[sflag:s20] =	ssyncadd.s32 $0xFFFFE000  }
0x9c: {  	[hbm4b:s8+s2] =	stream.linear.scatter [tilespmem:s2], [sflag:$0x3], $0x2000, $0x38;
	[tilespmem:$0x8000] =	vst v63  }
0x9d: {  	_ = 	snop  }
0x9e: {  	[hbm4b:s9+s2] =	stream.linear.scatter [tilespmem:s10], [sflag:$0x3], $0x2000, $0x38;
	[tilespmem:$0x8000] =	vst v63  }
0x9f: {  	_ =	swait.ge [sflag:s5], $0x2000  }
0xa0: {  	[sflag:s5] =	ssyncset.done $0x0  }
0xa1: {  	[sflag:s5] =	ssyncadd.s32 $0xFFFFE000  }
0xa2: {  	_ =	swait.ge [sflag:s5], $0x2000  }
0xa3: {  	[sflag:s5] =	ssyncset.done $0x0  }
0xa4: {  	[sflag:s5] =	ssyncadd.s32 $0xFFFFE000  }
0xa5: {  	_ =	swait.ge [sflag:s15], $0x2000  }
0xa6: {  	[sflag:s15] =	ssyncset.done $0x0  }
0xa7: {  	[sflag:s15] =	ssyncadd.s32 $0xFFFFE000  }
0xa8: {  	_ =	swait.ge [sflag:s15], $0x2000  }
0xa9: {  	[sflag:s15] =	ssyncset.done $0x0  }
0xaa: {  	[sflag:s15] =	ssyncadd.s32 $0xFFFFE000  }
0xab: {  	[hbm4b:s3+s2] =	stream.linear.scatter [tilespmem:s6], [sflag:$0x3], $0x2000, $0x38;
	[tilespmem:$0x8000] =	vst v63  }
0xac: {  	_ = 	snop  }
0xad: {  	[hbm4b:s4+s2] =	stream.linear.scatter [tilespmem:s7], [sflag:$0x3], $0x2000, $0x38;
	[tilespmem:$0x8000] =	vst v63  }
0xae: {  	_ =	swait.ge [sflag:s5], $0x2000  }
0xaf: {  	s1 =	rddreg [dreg:$0xe]  }
0xb0: {  	p1 =	sne.s32 s1, $0x1  }
.Ltmp1:
0xb1: {  	_ = 	snop;
	(pc) =	sbr.rel @!p1 .LBB2_3-.Ltmp1, $4  }
0xb2: {  	[sflag:s5] =	ssyncset.done $0x0  }
0xb3: {  	[sflag:s5] =	ssyncadd.s32 $0xFFFFE000  }
0xb4: {  	p0 =	por $0x1, $0x1;
	_ =	swait.ge [sflag:s5], $0x2000  }
0xb5: {  	s0 =	sadd.s32 $0xFFFFFFFF, s1;
	s1 =	rddreg [dreg:$0x2];
	[sflag:s5] =	ssyncset.done $0x0  }
.LBB2_2:
0xb6: {  	[sflag:s5] =	ssyncadd.s32 $0xFFFFE000;
	s10 =	simm.s32 $0x0  }
0xb7: {  	s2 =	simm.s32 $0x800;
	s19 =	simm.s32 $0x400;
	s16 =	simm.s32 $0x4000  }
0xb8: {  	s6 =	smov.u32 s31;
	s31 =	smov.u32 s30;
	s30 =	smov.u32 s29  }
0xb9: {  	s29 =	smov.u32 s28;
	s28 =	smov.u32 s26;
	s26 =	smov.u32 s25  }
0xba: {  	s25 =	smov.u32 s24;
	s24 =	smov.u32 s23;
	s23 =	smov.u32 s22  }
0xbb: {  	s22 =	smov.u32 s21;
	s21 =	smov.u32 s18;
	s18 =	smov.u32 s17  }
0xbc: {  	s17 =	smov.u32 s14;
	s14 =	smov.u32 s13;
	s13 =	smov.u32 s12  }
0xbd: {  	s12 =	smov.u32 s11;
	s11 =	smov.u32 s9;
	s9 =	smov.u32 s8  }
0xbe: {  	[tilespmem:s10], [sflag:$0x1] =	stream.strided.gather [hbm4b:s1+s19], $0x2000, s2, s19, $0x38;
	[tilespmem:$0x8000] =	vst v63  }
0xbf: {  	s8 =	smov.u32 s4;
	s4 =	smov.u32 s3;
	s3 =	rddreg [dreg:$0x3]  }
0xc0: {  	[tilespmem:s16], [sflag:$0x1] =	stream.strided.gather [hbm4b:s3+s19], $0x2000, s2, s19, $0x38;
	[tilespmem:$0x8000] =	vst v63  }
0xc1: {  	s7 =	simm.s32 $0x2000;
	s1 =	rddreg [dreg:$0x4]  }
0xc2: {  	[tilespmem:s7], [sflag:$0x2] =	stream.strided.gather [hbm4b:s1+s19], $0x2000, s2, s19, $0x38;
	[tilespmem:$0x8000] =	vst v63  }
0xc3: {  	s3 =	rddreg [dreg:$0x5];
	s1 =	simm.s32 $0x6000  }
0xc4: {  	[tilespmem:s1], [sflag:$0x2] =	stream.strided.gather [hbm4b:s3+s19], $0x2000, s2, s19, $0x38;
	[tilespmem:$0x8000] =	vst v63  }
0xc5: {  	_ =	swait.ge [sflag:s20], $0x2000  }
0xc6: {  	[sflag:s20] =	ssyncset.done $0x0  }
0xc7: {  	[sflag:s20] =	ssyncadd.s32 $0xFFFFE000  }
0xc8: {  	_ =	swait.ge [sflag:s20], $0x2000  }
0xc9: {  	[sflag:s20] =	ssyncset.done $0x0  }
0xca: {  	s1 =	rddreg [dreg:$0x6];
	[sflag:s20] =	ssyncadd.s32 $0xFFFFE000  }
0xcb: {  	[hbm4b:s1+s10] =	stream.linear.scatter [tilespmem:s10], [sflag:$0x3], $0x2000, $0x38;
	[tilespmem:$0x8000] =	vst v63  }
0xcc: {  	s3 =	rddreg [dreg:$0x7]  }
0xcd: {  	[hbm4b:s3+s10] =	stream.linear.scatter [tilespmem:s16], [sflag:$0x3], $0x2000, $0x38;
	[tilespmem:$0x8000] =	vst v63  }
0xce: {  	_ =	swait.ge [sflag:s5], $0x2000  }
0xcf: {  	[sflag:s5] =	ssyncset.done $0x0  }
0xd0: {  	[sflag:s5] =	ssyncadd.s32 $0xFFFFE000  }
0xd1: {  	_ =	swait.ge [sflag:s5], $0x2000  }
0xd2: {  	[sflag:s5] =	ssyncset.done $0x0  }
0xd3: {  	s1 =	rddreg [dreg:$0x8];
	[sflag:s5] =	ssyncadd.s32 $0xFFFFE000  }
0xd4: {  	[tilespmem:s10], [sflag:$0x1] =	stream.strided.gather [hbm4b:s1+s19], $0x2000, s2, s19, $0x38;
	[tilespmem:$0x8000] =	vst v63  }
0xd5: {  	s3 =	rddreg [dreg:$0x9]  }
0xd6: {  	[tilespmem:s16], [sflag:$0x1] =	stream.strided.gather [hbm4b:s3+s19], $0x2000, s2, s19, $0x38;
	[tilespmem:$0x8000] =	vst v63  }
0xd7: {  	_ =	swait.ge [sflag:s15], $0x2000  }
0xd8: {  	[sflag:s15] =	ssyncset.done $0x0  }
0xd9: {  	[sflag:s15] =	ssyncadd.s32 $0xFFFFE000  }
0xda: {  	_ =	swait.ge [sflag:s15], $0x2000  }
0xdb: {  	[sflag:s15] =	ssyncset.done $0x0  }
0xdc: {  	s2 =	simm.s32 $0x0;
	s10 =	rddreg [dreg:$0xa];
	[sflag:s15] =	ssyncadd.s32 $0xFFFFE000  }
0xdd: {  	[hbm4b:s10+s2] =	stream.linear.scatter [tilespmem:s7], [sflag:$0x3], $0x2000, $0x38;
	[tilespmem:$0x8000] =	vst v63  }
0xde: {  	s3 =	rddreg [dreg:$0xb];
	s10 =	simm.s32 $0x6000  }
0xdf: {  	[hbm4b:s3+s2] =	stream.linear.scatter [tilespmem:s10], [sflag:$0x3], $0x2000, $0x38;
	[tilespmem:$0x8000] =	vst v63  }
0xe0: {  	_ =	swait.ge [sflag:s5], $0x2000  }
0xe1: {  	[sflag:s5] =	ssyncset.done $0x0  }
0xe2: {  	[sflag:s5] =	ssyncadd.s32 $0xFFFFE000  }
0xe3: {  	_ =	swait.ge [sflag:s5], $0x2000  }
0xe4: {  	s19 =	simm.s32 $0x800;
	[sflag:s5] =	ssyncset.done $0x0  }
0xe5: {  	s16 =	simm.s32 $0x400;
	s1 =	rddreg [dreg:$0xc];
	[sflag:s5] =	ssyncadd.s32 $0xFFFFE000  }
0xe6: {  	[tilespmem:s7], [sflag:$0x2] =	stream.strided.gather [hbm4b:s1+s16], $0x2000, s19, s16, $0x38;
	[tilespmem:$0x8000] =	vst v63  }
0xe7: {  	s3 =	rddreg [dreg:$0xd];
	s7 =	simm.s32 $0x6000  }
0xe8: {  	[tilespmem:s7], [sflag:$0x2] =	stream.strided.gather [hbm4b:s3+s16], $0x2000, s19, s16, $0x38;
	[tilespmem:$0x8000] =	vst v63  }
0xe9: {  	s3 =	smov.u32 s4  }
0xea: {  	s4 =	smov.u32 s8;
	s8 =	smov.u32 s9;
	s9 =	smov.u32 s11  }
0xeb: {  	s11 =	smov.u32 s12;
	s12 =	smov.u32 s13;
	s13 =	smov.u32 s14  }
0xec: {  	s14 =	smov.u32 s17;
	s17 =	smov.u32 s18;
	_ =	swait.ge [sflag:s20], $0x2000  }
0xed: {  	s18 =	smov.u32 s21;
	s21 =	smov.u32 s22;
	[sflag:s20] =	ssyncset.done $0x0  }
0xee: {  	s22 =	smov.u32 s23;
	s23 =	smov.u32 s24;
	[sflag:s20] =	ssyncadd.s32 $0xFFFFE000  }
0xef: {  	s24 =	smov.u32 s25;
	s25 =	smov.u32 s26;
	_ =	swait.ge [sflag:s20], $0x2000  }
0xf0: {  	s26 =	smov.u32 s28;
	s28 =	smov.u32 s29;
	[sflag:s20] =	ssyncset.done $0x0  }
0xf1: {  	s29 =	smov.u32 s30;
	s30 =	smov.u32 s31;
	[sflag:s20] =	ssyncadd.s32 $0xFFFFE000  }
0xf2: {  	[hbm4b:s30+s2] =	stream.linear.scatter [tilespmem:s2], [sflag:$0x3], $0x2000, $0x38;
	[tilespmem:$0x8000] =	vst v63  }
0xf3: {  	s10 =	simm.s32 $0x4000;
	s31 =	smov.u32 s6  }
0xf4: {  	[hbm4b:s31+s2] =	stream.linear.scatter [tilespmem:s10], [sflag:$0x3], $0x2000, $0x38;
	[tilespmem:$0x8000] =	vst v63  }
0xf5: {  	_ =	swait.ge [sflag:s5], $0x2000  }
0xf6: {  	[sflag:s5] =	ssyncset.done $0x0  }
0xf7: {  	[sflag:s5] =	ssyncadd.s32 $0xFFFFE000  }
0xf8: {  	_ =	swait.ge [sflag:s5], $0x2000  }
0xf9: {  	[sflag:s5] =	ssyncset.done $0x0  }
0xfa: {  	[sflag:s5] =	ssyncadd.s32 $0xFFFFE000  }
0xfb: {  	[tilespmem:s2], [sflag:$0x1] =	stream.strided.gather [hbm4b:s28+s16], $0x2000, s19, s16, $0x38;
	[tilespmem:$0x8000] =	vst v63  }
0xfc: {  	_ = 	snop  }
0xfd: {  	[tilespmem:s10], [sflag:$0x1] =	stream.strided.gather [hbm4b:s29+s16], $0x2000, s19, s16, $0x38;
	[tilespmem:$0x8000] =	vst v63  }
0xfe: {  	_ =	swait.ge [sflag:s15], $0x2000  }
0xff: {  	[sflag:s15] =	ssyncset.done $0x0  }
0x100: {  	[sflag:s15] =	ssyncadd.s32 $0xFFFFE000  }
0x101: {  	_ =	swait.ge [sflag:s15], $0x2000  }
0x102: {  	[sflag:s15] =	ssyncset.done $0x0  }
0x103: {  	s6 =	simm.s32 $0x2000;
	[sflag:s15] =	ssyncadd.s32 $0xFFFFE000  }
0x104: {  	[hbm4b:s25+s2] =	stream.linear.scatter [tilespmem:s6], [sflag:$0x3], $0x2000, $0x38;
	[tilespmem:$0x8000] =	vst v63  }
0x105: {  	_ = 	snop  }
0x106: {  	[hbm4b:s26+s2] =	stream.linear.scatter [tilespmem:s7], [sflag:$0x3], $0x2000, $0x38;
	[tilespmem:$0x8000] =	vst v63  }
0x107: {  	_ =	swait.ge [sflag:s5], $0x2000  }
0x108: {  	[sflag:s5] =	ssyncset.done $0x0  }
0x109: {  	[sflag:s5] =	ssyncadd.s32 $0xFFFFE000  }
0x10a: {  	_ =	swait.ge [sflag:s5], $0x2000  }
0x10b: {  	[sflag:s5] =	ssyncset.done $0x0  }
0x10c: {  	[sflag:s5] =	ssyncadd.s32 $0xFFFFE000  }
0x10d: {  	[tilespmem:s6], [sflag:$0x2] =	stream.strided.gather [hbm4b:s23+s16], $0x2000, s19, s16, $0x38;
	[tilespmem:$0x8000] =	vst v63  }
0x10e: {  	_ = 	snop  }
0x10f: {  	[tilespmem:s7], [sflag:$0x2] =	stream.strided.gather [hbm4b:s24+s16], $0x2000, s19, s16, $0x38;
	[tilespmem:$0x8000] =	vst v63  }
0x110: {  	_ =	swait.ge [sflag:s20], $0x2000  }
0x111: {  	[sflag:s20] =	ssyncset.done $0x0  }
0x112: {  	[sflag:s20] =	ssyncadd.s32 $0xFFFFE000  }
0x113: {  	_ =	swait.ge [sflag:s20], $0x2000  }
0x114: {  	[sflag:s20] =	ssyncset.done $0x0  }
0x115: {  	[sflag:s20] =	ssyncadd.s32 $0xFFFFE000  }
0x116: {  	[hbm4b:s21+s2] =	stream.linear.scatter [tilespmem:s2], [sflag:$0x3], $0x2000, $0x38;
	[tilespmem:$0x8000] =	vst v63  }
0x117: {  	_ = 	snop  }
0x118: {  	[hbm4b:s22+s2] =	stream.linear.scatter [tilespmem:s10], [sflag:$0x3], $0x2000, $0x38;
	[tilespmem:$0x8000] =	vst v63  }
0x119: {  	_ =	swait.ge [sflag:s5], $0x2000  }
0x11a: {  	[sflag:s5] =	ssyncset.done $0x0  }
0x11b: {  	[sflag:s5] =	ssyncadd.s32 $0xFFFFE000  }
0x11c: {  	_ =	swait.ge [sflag:s5], $0x2000  }
0x11d: {  	[sflag:s5] =	ssyncset.done $0x0  }
0x11e: {  	[sflag:s5] =	ssyncadd.s32 $0xFFFFE000  }
0x11f: {  	[tilespmem:s2], [sflag:$0x1] =	stream.strided.gather [hbm4b:s17+s16], $0x2000, s19, s16, $0x38;
	[tilespmem:$0x8000] =	vst v63  }
0x120: {  	_ = 	snop  }
0x121: {  	[tilespmem:s10], [sflag:$0x1] =	stream.strided.gather [hbm4b:s18+s16], $0x2000, s19, s16, $0x38;
	[tilespmem:$0x8000] =	vst v63  }
0x122: {  	_ =	swait.ge [sflag:s15], $0x2000  }
0x123: {  	[sflag:s15] =	ssyncset.done $0x0  }
0x124: {  	[sflag:s15] =	ssyncadd.s32 $0xFFFFE000  }
0x125: {  	_ =	swait.ge [sflag:s15], $0x2000  }
0x126: {  	[sflag:s15] =	ssyncset.done $0x0  }
0x127: {  	[sflag:s15] =	ssyncadd.s32 $0xFFFFE000  }
0x128: {  	[hbm4b:s13+s2] =	stream.linear.scatter [tilespmem:s6], [sflag:$0x3], $0x2000, $0x38;
	[tilespmem:$0x8000] =	vst v63  }
0x129: {  	_ = 	snop  }
0x12a: {  	[hbm4b:s14+s2] =	stream.linear.scatter [tilespmem:s7], [sflag:$0x3], $0x2000, $0x38;
	[tilespmem:$0x8000] =	vst v63  }
0x12b: {  	_ =	swait.ge [sflag:s5], $0x2000  }
0x12c: {  	[sflag:s5] =	ssyncset.done $0x0  }
0x12d: {  	[sflag:s5] =	ssyncadd.s32 $0xFFFFE000  }
0x12e: {  	_ =	swait.ge [sflag:s5], $0x2000  }
0x12f: {  	[sflag:s5] =	ssyncset.done $0x0  }
0x130: {  	[sflag:s5] =	ssyncadd.s32 $0xFFFFE000  }
0x131: {  	[tilespmem:s6], [sflag:$0x2] =	stream.strided.gather [hbm4b:s11+s16], $0x2000, s19, s16, $0x38;
	[tilespmem:$0x8000] =	vst v63  }
0x132: {  	_ = 	snop  }
0x133: {  	[tilespmem:s7], [sflag:$0x2] =	stream.strided.gather [hbm4b:s12+s16], $0x2000, s19, s16, $0x38;
	[tilespmem:$0x8000] =	vst v63  }
0x134: {  	_ =	swait.ge [sflag:s20], $0x2000  }
0x135: {  	[sflag:s20] =	ssyncset.done $0x0  }
0x136: {  	[sflag:s20] =	ssyncadd.s32 $0xFFFFE000  }
0x137: {  	_ =	swait.ge [sflag:s20], $0x2000  }
0x138: {  	[sflag:s20] =	ssyncset.done $0x0  }
0x139: {  	[sflag:s20] =	ssyncadd.s32 $0xFFFFE000  }
0x13a: {  	[hbm4b:s8+s2] =	stream.linear.scatter [tilespmem:s2], [sflag:$0x3], $0x2000, $0x38;
	[tilespmem:$0x8000] =	vst v63  }
0x13b: {  	_ = 	snop  }
0x13c: {  	[hbm4b:s9+s2] =	stream.linear.scatter [tilespmem:s10], [sflag:$0x3], $0x2000, $0x38;
	[tilespmem:$0x8000] =	vst v63  }
0x13d: {  	_ =	swait.ge [sflag:s5], $0x2000  }
0x13e: {  	[sflag:s5] =	ssyncset.done $0x0  }
0x13f: {  	[sflag:s5] =	ssyncadd.s32 $0xFFFFE000  }
0x140: {  	_ =	swait.ge [sflag:s5], $0x2000  }
0x141: {  	[sflag:s5] =	ssyncset.done $0x0  }
0x142: {  	[sflag:s5] =	ssyncadd.s32 $0xFFFFE000  }
0x143: {  	_ =	swait.ge [sflag:s15], $0x2000  }
0x144: {  	[sflag:s15] =	ssyncset.done $0x0  }
0x145: {  	[sflag:s15] =	ssyncadd.s32 $0xFFFFE000  }
0x146: {  	_ =	swait.ge [sflag:s15], $0x2000  }
0x147: {  	[sflag:s15] =	ssyncset.done $0x0  }
0x148: {  	[sflag:s15] =	ssyncadd.s32 $0xFFFFE000  }
0x149: {  	[hbm4b:s3+s2] =	stream.linear.scatter [tilespmem:s6], [sflag:$0x3], $0x2000, $0x38;
	[tilespmem:$0x8000] =	vst v63  }
0x14a: {  	p1 =	sne.s32 s0, $0x1  }
0x14b: {  	[hbm4b:s4+s2] =	stream.linear.scatter [tilespmem:s7], [sflag:$0x3], $0x2000, $0x38;
	[tilespmem:$0x8000] =	vst v63  }
.Ltmp2:
0x14c: {  	_ =	swait.ge [sflag:s5], $0x2000;
	(pc) =	sbr.rel @p1 .LBB2_2-.Ltmp2, $4  }
0x14d: {  	[sflag:s5] =	ssyncset.done $0x0  }
0x14e: {  	[sflag:s5] =	ssyncadd.s32 $0xFFFFE000  }
0x14f: {  	_ =	swait.ge [sflag:s5], $0x2000  }
0x150: {  	s0 =	sadd.s32 $0xFFFFFFFF, s0;
	s1 =	rddreg [dreg:$0x2];
	[sflag:s5] =	ssyncset.done $0x0  }
.LBB2_3:
0x151: {  	[sflag:s5] =	ssyncadd.s32 @p0 $0xFFFFE000  }
0x152: {  	[tilespmem:s2], [sflag:$0x1] =	stream.strided.gather [hbm4b:s1+s16], $0x2000, s19, s16, $0x38;
	[tilespmem:$0x8000] =	vst v63  }
0x153: {  	s0 =	rddreg [dreg:$0x3]  }
0x154: {  	[tilespmem:s10], [sflag:$0x1] =	stream.strided.gather [hbm4b:s0+s16], $0x2000, s19, s16, $0x38;
	[tilespmem:$0x8000] =	vst v63  }
0x155: {  	s1 =	rddreg [dreg:$0x4]  }
0x156: {  	[tilespmem:s6], [sflag:$0x2] =	stream.strided.gather [hbm4b:s1+s16], $0x2000, s19, s16, $0x38;
	[tilespmem:$0x8000] =	vst v63  }
0x157: {  	s0 =	rddreg [dreg:$0x5]  }
0x158: {  	[tilespmem:s7], [sflag:$0x2] =	stream.strided.gather [hbm4b:s0+s16], $0x2000, s19, s16, $0x38;
	[tilespmem:$0x8000] =	vst v63  }
0x159: {  	_ =	swait.ge [sflag:s20], $0x2000  }
0x15a: {  	[sflag:s20] =	ssyncset.done $0x0  }
0x15b: {  	[sflag:s20] =	ssyncadd.s32 $0xFFFFE000  }
0x15c: {  	_ =	swait.ge [sflag:s20], $0x2000  }
0x15d: {  	[sflag:s20] =	ssyncset.done $0x0  }
0x15e: {  	s0 =	rddreg [dreg:$0x6];
	[sflag:s20] =	ssyncadd.s32 $0xFFFFE000  }
0x15f: {  	[hbm4b:s0+s2] =	stream.linear.scatter [tilespmem:s2], [sflag:$0x3], $0x2000, $0x38;
	[tilespmem:$0x8000] =	vst v63  }
0x160: {  	s1 =	rddreg [dreg:$0x7]  }
0x161: {  	[hbm4b:s1+s2] =	stream.linear.scatter [tilespmem:s10], [sflag:$0x3], $0x2000, $0x38;
	[tilespmem:$0x8000] =	vst v63  }
0x162: {  	_ =	swait.ge [sflag:s5], $0x2000  }
0x163: {  	[sflag:s5] =	ssyncset.done $0x0  }
0x164: {  	[sflag:s5] =	ssyncadd.s32 $0xFFFFE000  }
0x165: {  	_ =	swait.ge [sflag:s5], $0x2000  }
0x166: {  	[sflag:s5] =	ssyncset.done $0x0  }
0x167: {  	s0 =	rddreg [dreg:$0x8];
	[sflag:s5] =	ssyncadd.s32 $0xFFFFE000  }
0x168: {  	[tilespmem:s2], [sflag:$0x1] =	stream.strided.gather [hbm4b:s0+s16], $0x2000, s19, s16, $0x38;
	[tilespmem:$0x8000] =	vst v63  }
0x169: {  	s1 =	rddreg [dreg:$0x9]  }
0x16a: {  	[tilespmem:s10], [sflag:$0x1] =	stream.strided.gather [hbm4b:s1+s16], $0x2000, s19, s16, $0x38;
	[tilespmem:$0x8000] =	vst v63  }
0x16b: {  	_ =	swait.ge [sflag:s15], $0x2000  }
0x16c: {  	[sflag:s15] =	ssyncset.done $0x0  }
0x16d: {  	[sflag:s15] =	ssyncadd.s32 $0xFFFFE000  }
0x16e: {  	_ =	swait.ge [sflag:s15], $0x2000  }
0x16f: {  	[sflag:s15] =	ssyncset.done $0x0  }
0x170: {  	s0 =	rddreg [dreg:$0xa];
	[sflag:s15] =	ssyncadd.s32 $0xFFFFE000  }
0x171: {  	[hbm4b:s0+s2] =	stream.linear.scatter [tilespmem:s6], [sflag:$0x3], $0x2000, $0x38;
	[tilespmem:$0x8000] =	vst v63  }
0x172: {  	s1 =	rddreg [dreg:$0xb]  }
0x173: {  	[hbm4b:s1+s2] =	stream.linear.scatter [tilespmem:s7], [sflag:$0x3], $0x2000, $0x38;
	[tilespmem:$0x8000] =	vst v63  }
0x174: {  	_ =	swait.ge [sflag:s5], $0x2000  }
0x175: {  	[sflag:s5] =	ssyncset.done $0x0  }
0x176: {  	[sflag:s5] =	ssyncadd.s32 $0xFFFFE000  }
0x177: {  	_ =	swait.ge [sflag:s5], $0x2000  }
0x178: {  	[sflag:s5] =	ssyncset.done $0x0  }
0x179: {  	s0 =	rddreg [dreg:$0xc];
	[sflag:s5] =	ssyncadd.s32 $0xFFFFE000  }
0x17a: {  	[tilespmem:s6], [sflag:$0x2] =	stream.strided.gather [hbm4b:s0+s16], $0x2000, s19, s16, $0x38;
	[tilespmem:$0x8000] =	vst v63  }
0x17b: {  	s1 =	rddreg [dreg:$0xd]  }
0x17c: {  	[tilespmem:s7], [sflag:$0x2] =	stream.strided.gather [hbm4b:s1+s16], $0x2000, s19, s16, $0x38;
	[tilespmem:$0x8000] =	vst v63  }
0x17d: {  	_ =	swait.ge [sflag:s20], $0x2000  }
0x17e: {  	[sflag:s20] =	ssyncset.done $0x0  }
0x17f: {  	[sflag:s20] =	ssyncadd.s32 $0xFFFFE000  }
0x180: {  	_ =	swait.ge [sflag:s20], $0x2000  }
0x181: {  	[sflag:s20] =	ssyncset.done $0x0  }
0x182: {  	[sflag:s20] =	ssyncadd.s32 $0xFFFFE000  }
0x183: {  	[hbm4b:s30+s2] =	stream.linear.scatter [tilespmem:s2], [sflag:$0x3], $0x2000, $0x38;
	[tilespmem:$0x8000] =	vst v63  }
0x184: {  	_ = 	snop  }
0x185: {  	[hbm4b:s31+s2] =	stream.linear.scatter [tilespmem:s10], [sflag:$0x3], $0x2000, $0x38;
	[tilespmem:$0x8000] =	vst v63  }
0x186: {  	_ =	swait.ge [sflag:s5], $0x2000  }
0x187: {  	[sflag:s5] =	ssyncset.done $0x0  }
0x188: {  	[sflag:s5] =	ssyncadd.s32 $0xFFFFE000  }
0x189: {  	_ =	swait.ge [sflag:s5], $0x2000  }
0x18a: {  	[sflag:s5] =	ssyncset.done $0x0  }
0x18b: {  	[sflag:s5] =	ssyncadd.s32 $0xFFFFE000  }
0x18c: {  	[tilespmem:s2], [sflag:$0x1] =	stream.strided.gather [hbm4b:s28+s16], $0x2000, s19, s16, $0x38;
	[tilespmem:$0x8000] =	vst v63  }
0x18d: {  	_ = 	snop  }
0x18e: {  	[tilespmem:s10], [sflag:$0x1] =	stream.strided.gather [hbm4b:s29+s16], $0x2000, s19, s16, $0x38;
	[tilespmem:$0x8000] =	vst v63  }
0x18f: {  	_ =	swait.ge [sflag:s15], $0x2000  }
0x190: {  	[sflag:s15] =	ssyncset.done $0x0  }
0x191: {  	[sflag:s15] =	ssyncadd.s32 $0xFFFFE000  }
0x192: {  	_ =	swait.ge [sflag:s15], $0x2000  }
0x193: {  	[sflag:s15] =	ssyncset.done $0x0  }
0x194: {  	[sflag:s15] =	ssyncadd.s32 $0xFFFFE000  }
0x195: {  	[hbm4b:s25+s2] =	stream.linear.scatter [tilespmem:s6], [sflag:$0x3], $0x2000, $0x38;
	[tilespmem:$0x8000] =	vst v63  }
0x196: {  	_ = 	snop  }
0x197: {  	[hbm4b:s26+s2] =	stream.linear.scatter [tilespmem:s7], [sflag:$0x3], $0x2000, $0x38;
	[tilespmem:$0x8000] =	vst v63  }
0x198: {  	_ =	swait.ge [sflag:s5], $0x2000  }
0x199: {  	[sflag:s5] =	ssyncset.done $0x0  }
0x19a: {  	[sflag:s5] =	ssyncadd.s32 $0xFFFFE000  }
0x19b: {  	_ =	swait.ge [sflag:s5], $0x2000  }
0x19c: {  	[sflag:s5] =	ssyncset.done $0x0  }
0x19d: {  	[sflag:s5] =	ssyncadd.s32 $0xFFFFE000  }
0x19e: {  	[tilespmem:s6], [sflag:$0x2] =	stream.strided.gather [hbm4b:s23+s16], $0x2000, s19, s16, $0x38;
	[tilespmem:$0x8000] =	vst v63  }
0x19f: {  	_ = 	snop  }
0x1a0: {  	[tilespmem:s7], [sflag:$0x2] =	stream.strided.gather [hbm4b:s24+s16], $0x2000, s19, s16, $0x38;
	[tilespmem:$0x8000] =	vst v63  }
0x1a1: {  	_ =	swait.ge [sflag:s20], $0x2000  }
0x1a2: {  	[sflag:s20] =	ssyncset.done $0x0  }
0x1a3: {  	[sflag:s20] =	ssyncadd.s32 $0xFFFFE000  }
0x1a4: {  	_ =	swait.ge [sflag:s20], $0x2000  }
0x1a5: {  	[sflag:s20] =	ssyncset.done $0x0  }
0x1a6: {  	[sflag:s20] =	ssyncadd.s32 $0xFFFFE000  }
0x1a7: {  	[hbm4b:s21+s2] =	stream.linear.scatter [tilespmem:s2], [sflag:$0x3], $0x2000, $0x38;
	[tilespmem:$0x8000] =	vst v63  }
0x1a8: {  	_ = 	snop  }
0x1a9: {  	[hbm4b:s22+s2] =	stream.linear.scatter [tilespmem:s10], [sflag:$0x3], $0x2000, $0x38;
	[tilespmem:$0x8000] =	vst v63  }
0x1aa: {  	_ =	swait.ge [sflag:s5], $0x2000  }
0x1ab: {  	[sflag:s5] =	ssyncset.done $0x0  }
0x1ac: {  	[sflag:s5] =	ssyncadd.s32 $0xFFFFE000  }
0x1ad: {  	_ =	swait.ge [sflag:s5], $0x2000  }
0x1ae: {  	[sflag:s5] =	ssyncset.done $0x0  }
0x1af: {  	[sflag:s5] =	ssyncadd.s32 $0xFFFFE000  }
0x1b0: {  	[tilespmem:s2], [sflag:$0x1] =	stream.strided.gather [hbm4b:s17+s16], $0x2000, s19, s16, $0x38;
	[tilespmem:$0x8000] =	vst v63  }
0x1b1: {  	_ = 	snop  }
0x1b2: {  	[tilespmem:s10], [sflag:$0x1] =	stream.strided.gather [hbm4b:s18+s16], $0x2000, s19, s16, $0x38;
	[tilespmem:$0x8000] =	vst v63  }
0x1b3: {  	_ =	swait.ge [sflag:s15], $0x2000  }
0x1b4: {  	[sflag:s15] =	ssyncset.done $0x0  }
0x1b5: {  	[sflag:s15] =	ssyncadd.s32 $0xFFFFE000  }
0x1b6: {  	_ =	swait.ge [sflag:s15], $0x2000  }
0x1b7: {  	[sflag:s15] =	ssyncset.done $0x0  }
0x1b8: {  	[sflag:s15] =	ssyncadd.s32 $0xFFFFE000  }
0x1b9: {  	[hbm4b:s13+s2] =	stream.linear.scatter [tilespmem:s6], [sflag:$0x3], $0x2000, $0x38;
	[tilespmem:$0x8000] =	vst v63  }
0x1ba: {  	_ = 	snop  }
0x1bb: {  	[hbm4b:s14+s2] =	stream.linear.scatter [tilespmem:s7], [sflag:$0x3], $0x2000, $0x38;
	[tilespmem:$0x8000] =	vst v63  }
0x1bc: {  	_ =	swait.ge [sflag:s5], $0x2000  }
0x1bd: {  	[sflag:s5] =	ssyncset.done $0x0  }
0x1be: {  	[sflag:s5] =	ssyncadd.s32 $0xFFFFE000  }
0x1bf: {  	_ =	swait.ge [sflag:s5], $0x2000  }
0x1c0: {  	[sflag:s5] =	ssyncset.done $0x0  }
0x1c1: {  	[sflag:s5] =	ssyncadd.s32 $0xFFFFE000  }
0x1c2: {  	[tilespmem:s6], [sflag:$0x2] =	stream.strided.gather [hbm4b:s11+s16], $0x2000, s19, s16, $0x38;
	[tilespmem:$0x8000] =	vst v63  }
0x1c3: {  	_ = 	snop  }
0x1c4: {  	[tilespmem:s7], [sflag:$0x2] =	stream.strided.gather [hbm4b:s12+s16], $0x2000, s19, s16, $0x38;
	[tilespmem:$0x8000] =	vst v63  }
0x1c5: {  	_ =	swait.ge [sflag:s20], $0x2000  }
0x1c6: {  	[sflag:s20] =	ssyncset.done $0x0  }
0x1c7: {  	[sflag:s20] =	ssyncadd.s32 $0xFFFFE000  }
0x1c8: {  	_ =	swait.ge [sflag:s20], $0x2000  }
0x1c9: {  	[sflag:s20] =	ssyncset.done $0x0  }
0x1ca: {  	[sflag:s20] =	ssyncadd.s32 $0xFFFFE000  }
0x1cb: {  	[hbm4b:s8+s2] =	stream.linear.scatter [tilespmem:s2], [sflag:$0x3], $0x2000, $0x38;
	[tilespmem:$0x8000] =	vst v63  }
0x1cc: {  	_ = 	snop  }
0x1cd: {  	[hbm4b:s9+s2] =	stream.linear.scatter [tilespmem:s10], [sflag:$0x3], $0x2000, $0x38;
	[tilespmem:$0x8000] =	vst v63  }
0x1ce: {  	_ =	swait.ge [sflag:s5], $0x2000  }
0x1cf: {  	[sflag:s5] =	ssyncset.done $0x0  }
0x1d0: {  	[sflag:s5] =	ssyncadd.s32 $0xFFFFE000  }
0x1d1: {  	_ =	swait.ge [sflag:s5], $0x2000  }
0x1d2: {  	[sflag:s5] =	ssyncset.done $0x0  }
0x1d3: {  	[sflag:s5] =	ssyncadd.s32 $0xFFFFE000  }
0x1d4: {  	_ =	swait.ge [sflag:s15], $0x2000  }
0x1d5: {  	[sflag:s15] =	ssyncset.done $0x0  }
0x1d6: {  	[sflag:s15] =	ssyncadd.s32 $0xFFFFE000  }
0x1d7: {  	_ =	swait.ge [sflag:s15], $0x2000  }
0x1d8: {  	[sflag:s15] =	ssyncset.done $0x0  }
0x1d9: {  	[sflag:s15] =	ssyncadd.s32 $0xFFFFE000  }
0x1da: {  	[hbm4b:s3+s2] =	stream.linear.scatter [tilespmem:s6], [sflag:$0x3], $0x2000, $0x38;
	[tilespmem:$0x8000] =	vst v63  }
0x1db: {  	_ = 	snop  }
0x1dc: {  	[hbm4b:s4+s2] =	stream.linear.scatter [tilespmem:s7], [sflag:$0x3], $0x2000, $0x38;
	[tilespmem:$0x8000] =	vst v63  }
0x1dd: {  	_ =	swait.ge [sflag:s5], $0x2000  }
0x1de: {  	[sflag:s5] =	ssyncset.done $0x0  }
0x1df: {  	[sflag:s5] =	ssyncadd.s32 $0xFFFFE000  }
0x1e0: {  	_ =	swait.ge [sflag:s5], $0x2000  }
0x1e1: {  	[sflag:s5] =	ssyncset.done $0x0  }
0x1e2: {  	[sflag:s5] =	ssyncadd.s32 $0xFFFFE000  }
0x1e3: {  	_ =	sfence.sel $0x180000  }
0x1e4: {  	[bflag:$0x0] =	sbarrier.arrive $0xFFFF  }
0x1e5: {  	_ =	strace $0x90000047  }
0x1e6: {  	s31 =	stileid.u32;
	[bflag:$0x2] =	sbarrier.arrive $0xFFFF  }
0x1e7: {  	p0 =	sne.s32 s31, $0x0;
	s0 =	rddreg [dreg:$0x1]  }
0x1e8: {  	s0 =	sadd.s32 @!p0 $0x100000, s0  }
0x1e9: {  	[sflag:s0] =	ssyncadd.tile.s32 @!p0 $0x1;
	_ =	shalt  }
.Lfunc_end2:
_tile_overlayer_lowered:
.L_overlay_start_2:
0x1ea: {  	(tag) =	ssettag $0x2  }
0x1eb: {  	s0 =	rddreg [dreg:$0x0];
	s2 =	stileid.u32  }
0x1ec: {  	s1 =	rddreg [dreg:$0x1];
	p0 =	sne.s32 s2, $0x0  }
0x1ed: {  	s3 =	rddreg [dreg:$0x2];
	[bflag:$0x3] =	sbarrier.arrive $0xFFFF;
	s2 =	simm.s32 @!p0 $0x1C04  }
0x1ee: {  	[timem:s3], [sflag:s2] =	dma.local @!p0 [hbm:s0], s1  }
0x1ef: {  	s0 =	simm.s32 @!p0 $0x4  }
0x1f0: {  	_ =	swait.ge @!p0 [sflag:s0], s1  }
0x1f1: {  	s1 =	ssub.s32 @!p0 $0x0, s1;
	[sflag:s0] =	ssyncset.done @!p0 $0x0  }
0x1f2: {  	[sflag:s0] =	ssyncadd.s32 @!p0 s1  }
0x1f3: {  	[bflag:$0x3] =	sbarrier.arrive $0xFFFF  }
0x1f4: {  	_ =	shalt  }

// kernel: kernel.7.cloned.1.call-start
scs
__scs_entry_jumppad:
0x0: {  	(pc) =	sbr.rel $0x88, $3  }
0x1: {  	(tag) =	ssettag $0x0;
	lr =	simm.s32 $0x1  }
0x2: {  	[smem:$0x3F9F] =	sst lr;
	_ =	strace $0xD0000000  }
0x3: {  	_ = 	snop  }
0x4: {  	_ = 	snop  }
0x5: {  	_ = 	snop  }
0x6: {  	_ = 	snop  }
0x7: {  	_ = 	snop  }
__scs_overlays_trampoline_lowered:
0x8: {  	[smem:$0x3FAE] =	sst s0  }
0x9: {  	[smem:$0x3FAF] =	sst s1  }
0xa: {  	[smem:$0x3FB0] =	sst s2  }
0xb: {  	[smem:$0x3FB1] =	sst s3  }
0xc: {  	[smem:$0x3FB2] =	sst s4  }
0xd: {  	[smem:$0x3FB3] =	sst s5  }
0xe: {  	[smem:$0x3FB4] =	sst s6  }
0xf: {  	[smem:$0x3FB5] =	sst s7  }
0x10: {  	[smem:$0x3FB6] =	sst s8  }
0x11: {  	[smem:$0x3FB7] =	sst s9;
	s0 =	simm.s32 @!p0 $0x0  }
0x12: {  	s1 =	sld [smem:$0x3F9D];
	s0 =	simm.s32 @p0 $0x1  }
0x13: {  	[smem:$0x3FB8] =	sst s0;
	s0 =	simm.s32 @!p1 $0x0  }
0x14: {  	s2 =	sld [smem:$0x3F9C];
	s0 =	simm.s32 @p1 $0x1  }
0x15: {  	[smem:$0x3FB9] =	sst s0;
	s0 =	simm.s32 @!p2 $0x0  }
0x16: {  	s3 =	sld [smem:$0x3FDB];
	s0 =	simm.s32 @p2 $0x1  }
0x17: {  	s4 =	simm.s32 $0x1BF5;
	[smem:$0x3FBB] =	sst s0  }
0x18: {  	s0 =	sld [smem:$0x3F9E];
	_ =	swait.ge [sflag:s4], $0x0  }
0x19: {  	s7 =	sld [smem:$0x3F9F]  }
0x1a: {  	s8 =	sadd.s32 $0xFFFFE003, lr  }
0x1b: {  	s9 =	sadd.s32 $0xFFFFFEF7, lr;
	s5 =	simm.s32 $0xFFFFFFFF;
	p2 =	slt.u32 s8, $0xFFFFF086  }
0x1c: {  	p1 =	slt.u32 s9, $0xF7A;
	s5 =	simm.s32 @!p2 $0x0  }
0x1d: {  	s5 =	simm.s32 @p1 $0x1;
	p0 =	seq.s32 s7, s2  }
0x1e: {  	s7 =	smul.u32 @!p0 $0xF7A, s2;
	p2 =	seq.s32 @!p0 s5, $0x0  }
0x1f: {  	s9 =	smul.u32 $0xF7A, s1;
	s8 =	simm.s32 @!p0 $0x1BF5;
	p2 =	por !p2, p0  }
0x20: {  	[sflag:s8] =	ssyncset.s32 @!p0 $0xFFFFF086;
	s6 =	sadd.s32 @!p0 s3, s7;
	s7 =	simm.s32 @!p0 $0x108  }
0x21: {  	s3 =	sadd.s32 s3, s9;
	s6 =	sadd.s32 @!p0 $0x88, s6;
	s7 =	simm.s32 @p2 $0x1082  }
0x22: {  	[simem:s7], [sflag:s8] =	dma.local @!p0 [hbm:s6], $0xF7A  }
0x23: {  	s9 =	sor.u32 $0xD0000000, s2;
	s6 =	simm.s32 $0x108;
	_ =	swait.ge @!p0 [sflag:s8], $0x0  }
0x24: {  	s3 =	sadd.s32 $0x88, s3;
	s6 =	simm.s32 @!p1 $0x1082;
	[sflag:s4] =	ssyncset.s32 $0xFFFFF086  }
0x25: {  	[simem:s6], [sflag:s4] =	dma.local [hbm:s3], $0xF7A  }
0x26: {  	[smem:$0x3F9F] =	sst s1;
	(tag) =	ssettag s2;
	_ =	strace s9  }
0x27: {  	s1 =	sld [smem:$0x3FAF]  }
0x28: {  	s2 =	sld [smem:$0x3FB0]  }
0x29: {  	s4 =	sld [smem:$0x3FB2]  }
0x2a: {  	p0 =	seq.s32 s5, $0x0;
	s5 =	sld [smem:$0x3FB3]  }
0x2b: {  	s6 =	sld [smem:$0x3FB4]  }
0x2c: {  	s7 =	sld [smem:$0x3FB5]  }
0x2d: {  	s3 =	simm.s32 $0x108;
	s8 =	sld [smem:$0x3FB6]  }
0x2e: {  	s3 =	simm.s32 @!p0 $0x1082;
	s9 =	sld [smem:$0x3FB7]  }
0x2f: {  	lr =	sadd.s32 s0, s3;
	s0 =	sld [smem:$0x3FAE]  }
0x30: {  	s3 =	sld [smem:$0x3FB1]  }
0x31: {  	[smem:$0x3FBA] =	sst s10  }
0x32: {  	s10 =	sld [smem:$0x3FB8];
	_ =	sdelay $0x3  }
0x33: {  	p0 =	seq.s32 s10, $0x1;
	s10 =	sld [smem:$0x3FBA];
	_ =	sdelay $0x3  }
0x34: {  	[smem:$0x3FBA] =	sst s10  }
0x35: {  	s10 =	sld [smem:$0x3FB9];
	_ =	sdelay $0x3  }
0x36: {  	p1 =	seq.s32 s10, $0x1;
	s10 =	sld [smem:$0x3FBA];
	_ =	sdelay $0x3  }
0x37: {  	[smem:$0x3FBA] =	sst s10  }
0x38: {  	s10 =	sld [smem:$0x3FBB]  }
0x39: {  	_ = 	snop;
	(pc) =	sbr.ind lr, $3  }
0x3a: {  	_ = 	snop  }
0x3b: {  	_ = 	snop  }
0x3c: {  	p2 =	seq.s32 s10, $0x1;
	s10 =	sld [smem:$0x3FBA]  }
0x3d: {  	_ =	shalt  }
0x3e: {  	_ =	shalt  }
0x3f: {  	_ =	shalt  }
0x40: {  	_ =	shalt  }
0x41: {  	_ =	shalt  }
0x42: {  	_ =	shalt  }
0x43: {  	_ =	shalt  }
0x44: {  	_ =	shalt  }
0x45: {  	_ =	shalt  }
0x46: {  	_ =	shalt  }
0x47: {  	_ =	shalt  }
0x48: {  	_ =	shalt  }
0x49: {  	_ =	shalt  }
0x4a: {  	_ =	shalt  }
0x4b: {  	_ =	shalt  }
0x4c: {  	_ =	shalt  }
0x4d: {  	_ =	shalt  }
0x4e: {  	_ =	shalt  }
0x4f: {  	_ =	shalt  }
0x50: {  	_ =	shalt  }
0x51: {  	_ =	shalt  }
0x52: {  	_ =	shalt  }
0x53: {  	_ =	shalt  }
0x54: {  	_ =	shalt  }
0x55: {  	_ =	shalt  }
0x56: {  	_ =	shalt  }
0x57: {  	_ =	shalt  }
0x58: {  	_ =	shalt  }
0x59: {  	_ =	shalt  }
0x5a: {  	_ =	shalt  }
0x5b: {  	_ =	shalt  }
0x5c: {  	_ =	shalt  }
0x5d: {  	_ =	shalt  }
0x5e: {  	_ =	shalt  }
0x5f: {  	_ =	shalt  }
0x60: {  	_ =	shalt  }
0x61: {  	_ =	shalt  }
0x62: {  	_ =	shalt  }
0x63: {  	_ =	shalt  }
0x64: {  	_ =	shalt  }
0x65: {  	_ =	shalt  }
0x66: {  	_ =	shalt  }
0x67: {  	_ =	shalt  }
0x68: {  	_ =	shalt  }
0x69: {  	_ =	shalt  }
0x6a: {  	_ =	shalt  }
0x6b: {  	_ =	shalt  }
0x6c: {  	_ =	shalt  }
0x6d: {  	_ =	shalt  }
0x6e: {  	_ =	shalt  }
0x6f: {  	_ =	shalt  }
0x70: {  	_ =	shalt  }
0x71: {  	_ =	shalt  }
0x72: {  	_ =	shalt  }
0x73: {  	_ =	shalt  }
0x74: {  	_ =	shalt  }
0x75: {  	_ =	shalt  }
0x76: {  	_ =	shalt  }
0x77: {  	_ =	shalt  }
0x78: {  	_ =	shalt  }
0x79: {  	_ =	shalt  }
0x7a: {  	_ =	shalt  }
0x7b: {  	_ =	shalt  }
0x7c: {  	_ =	shalt  }
0x7d: {  	_ =	shalt  }
0x7e: {  	_ =	shalt  }
0x7f: {  	_ =	shalt  }
0x80: {  	_ =	shalt  }
0x81: {  	_ =	shalt  }
0x82: {  	_ =	shalt  }
0x83: {  	_ =	shalt  }
0x84: {  	_ =	shalt  }
0x85: {  	_ =	shalt  }
0x86: {  	_ =	shalt  }
0x87: {  	_ =	shalt  }
.Lfunc_end0:
.L_simem_size_0:
called_computation.1_lowered:
.L_overlay_start_0:
0x88: {  	s2 =	sld [smem:$0x3FD9]  }
0x89: {  	s3 =	sld [smem:$0x3FFE];
	_ =	sdelay $0x1  }
0x8a: {  	s1 =	srdreg.scid  }
0x8b: {  	s0 =	sand.u32 $0x1, s1  }
0x8c: {  	s17 =	sshll.u32 s0, $0xA;
	s2 =	sadd.s32 s3, s2  }
0x8d: {  	s2 =	sadd.s32 s2, s17  }
0x8e: {  	[smem:$0x3FC6] =	sst s2  }
0x8f: {  	_ = 	snop  }
0x90: {  	s2 =	sld [smem:$0x3FD0];
	(tm) =	ssettm $0x1  }
0x91: {  	s18 =	sld [smem:$0x3FFB];
	_ =	sdelay $0x3  }
0x92: {  	_ =	strace s18  }
0x93: {  	s3 =	sld [smem:$0x3FFC];
	_ =	sdelay $0x3  }
0x94: {  	_ =	strace s3  }
0x95: {  	s3 =	sld [smem:$0x3FFD];
	_ =	sdelay $0x3  }
0x96: {  	_ =	strace s3  }
0x97: {  	_ =	strace $0x8FFFFFFF  }
0x98: {  	s19 =	sld [smem:$0x3FDB];
	_ =	sdelay $0x1  }
0x99: {  	s4 =	simm.s32 $_scs_section_size  }
0x9a: {  	s5 =	simm.s32 $_size__tile_overlayer_lowered;
	s6 =	simm.s32 $_tile_overlayer_lowered  }
0x9b: {  	s22 =	simm.s32 $0x1BFF;
	s21 =	sshll.u32 s6, $0x1;
	s3 =	sadd.s32 s4, s19  }
0x9c: {  	s7 =	simm.s32 $0x0;
	s20 =	sshll.u32 s5, $0x1;
	s5 =	sadd.s32 s21, s3  }
0x9d: {  	[timem:s7], [sflag:s22] =	dma.local [hbm:s5], s20  }
0x9e: {  	_ =	swait.ge [sflag:s22], s20  }
0x9f: {  	s4 =	ssub.s32 $0x0, s20;
	[sflag:s22] =	ssyncset.done $0x0  }
0xa0: {  	[sflag:s22] =	ssyncadd.s32 s4;
	_ =	sdelay $0x1  }
0xa1: {  	s23 =	simm.s32 $0x1B8B  }
0xa2: {  	_ =	swait.ge [sflag:s23], $0x1  }
0xa3: {  	[sflag:s23] =	ssyncset.done $0x0  }
0xa4: {  	s25 =	simm.s32 $0x1B8E;
	s24 =	sld [smem:$0x3FFE];
	[sflag:s23] =	ssyncadd.s32 $0xFFFFFFFF  }
0xa5: {  	s26 =	simm.s32 $execute0_lowered;
	[smem:$0x3FD2] =	sst s25  }
0xa6: {  	s5 =	sshll.u32 s26, $0x1;
	_ =	strace $0x80000049;
	[dreg:$0x1] =	wrdreg $0xFFFFFFFF  }
0xa7: {  	s28 =	simm.s32 $_size_execute0_lowered;
	s3 =	sadd.s32 s3, s5;
	[dreg:$0x0] =	wrdreg $0x0  }
0xa8: {  	s5 =	sshll.u32 s28, $0x1;
	[dreg:$0x2] =	wrdreg s3  }
0xa9: {  	[dreg:$0x3] =	wrdreg s5  }
0xaa: {  	[dreg:$0x4] =	wrdreg $0xC0  }
0xab: {  	_ =	task [dreg:s7], $0x5FFFF  }
0xac: {  	[dreg:$0x1] =	wrdreg $0xFFFFFFFF  }
0xad: {  	[dreg:$0x0] =	wrdreg $0x60  }
0xae: {  	[dreg:$0x2] =	wrdreg s24  }
0xaf: {  	[dreg:$0x3] =	wrdreg s2  }
0xb0: {  	[dreg:$0x4] =	wrdreg $0x9  }
0xb1: {  	_ =	task.clear_ibuf [dreg:s7], $0x5FFFF;
	_ =	strace $0x90000049  }
0xb2: {  	s29 =	simm.s32 $0x9;
	_ =	strace $0x8000004B  }
0xb3: {  	_ =	swait.ge [sflag:s29], $0x1  }
0xb4: {  	[sflag:s29] =	ssyncadd.s32 $0xFFFFFFFF  }
0xb5: {  	_ =	strace $0x9000004B  }
0xb6: {  	_ =	sfence  }
0xb7: {  	s30 =	sld [smem:$0x0];
	_ =	sdelay $0x2  }
0xb8: {  	s31 =	sshll.u32 s1, $0xD;
	s1 =	sshrl.u32 s1, $0x2  }
0xb9: {  	s3 =	sand.u32 $0x4000, s31;
	s1 =	sadd.s32 s1, s30  }
0xba: {  	s0 =	sor.u32 s3, s0;
	s1 =	sshll.u32 s1, $0x11  }
0xbb: {  	s0 =	sor.u32 s1, s0  }
0xbc: {  	s0 =	sadd.s32 $0x8F2B, s0  }
0xbd: {  	[sflag:s0] =	ssyncadd.remote.s32 $0x1  }
0xbe: {  	_ =	sfence.sel $0xFFFF  }
0xbf: {  	[dreg:$0x0] =	wrdreg $0xFFFFFFFF;
	(pc) =	sbr.abs _section_cstart, $3  }
0xc0: {  	[dreg:$0x1] =	wrdreg $0xFFFFFFFF  }
0xc1: {  	_ =	task.clear_ibuf [dreg:s7], $0x2FFFF;
	_ =	strace $0x9FFFFFFF  }
0xc2: {  	(tm) =	ssettm $0x7FFFFFFF  }
0xc3: {  	_ =	shalt  }
tec
execute0_lowered:
.L_overlay_start_1:
0x0: {  	(tag) =	ssettag $0x1  }
0x1: {  	s0 =	rddreg [dreg:$0x0];
	s2 =	simm.s32 $0x0;
	s1 =	srdreg.scid  }
0x2: {  	s7 =	stileid.u32;
	s10 =	simm.s32 $0x5;
	s11 =	simm.s32 $0x2000  }
0x3: {  	s12 =	simm.s32 $0x80;
	s14 =	simm.s32 $0x48;
	s17 =	simm.s32 $0x2080  }
0x4: {  	s18 =	simm.s32 $0x8900;
	s19 =	simm.s32 $0x100;
	s20 =	simm.s32 $0x6000  }
0x5: {  	s21 =	simm.s32 $0x2100;
	s22 =	simm.s32 $0x9200;
	s23 =	simm.s32 $0x7000  }
0x6: {  	s24 =	simm.s32 $0x9B00;
	s25 =	simm.s32 $0x1;
	s28 =	simm.s32 $0x3  }
0x7: {  	s29 =	simm.s32 $0x4;
	s30 =	simm.s32 $0xA420;
	s1 =	sand.u32 $0x1, s1  }
0x8: {  	[smem:$0x7FF] =	sst s2;
	s4 =	sadd.s32 $0x80C00, s0;
	s3 =	ssub.s32 $0x2, s1  }
0x9: {  	s5 =	sadd.s32 $0xC0C00, s0;
	s6 =	sadd.s32 $0x1043000, s0;
	s26 =	sshrl.u32 s3, $0x1  }
0xa: {  	s31 =	sshll.u32 s7, $0xA;
	s1 =	sshll.u32 s1, $0x9;
	s0 =	ssub.s32 s3, s26  }
0xb: {  	_ =	strace $0x8000004A;
	s7 =	sor.u32 s1, s31;
	s0 =	smax.u32 s0, $0x1  }
0xc: {  	vm0 =	vcmask $0x3F20;
	s1 =	simm.s32 $0x0;
	s26 =	simm.s32 $0x2;
	[dreg:$0x3] =	wrdreg s0  }
.LBB2_1:
0xd: {  	[dreg:$0x4] =	wrdreg s1;
	s0 =	simm.s32 $0xA400  }
0xe: {  	[tilespmem:s0], [sflag:$0x5] =	stream.linear.gather [hbm4b:s6+s2], $0x20, $0x38;
	[tilespmem:$0xAC20] =	vst v63  }
0xf: {  	_ =	swait.ge [sflag:s10], $0x20  }
0x10: {  	[sflag:s10] =	ssyncset.done $0x0  }
0x11: {  	[sflag:s10] =	ssyncadd.s32 $0xFFFFFFE0  }
0x12: {  	v0 =	vld [tilespmem:$0xA400]  }
0x13: {  	s0 =	simm.s32 $0x0;
	v1 =	vld [tilespmem:$0xA410]  }
.LBB2_2:
0x14: {  	s1 =	sshll.u32 s0, $0x6  }
0x15: {  	s3 =	sadd.s32 s7, s1  }
0x16: {  	s1 =	sshll.u32 s3, $0x4  }
0x17: {  	s9 =	simm.s32 $0x0;
	s8 =	sadd.s32 s4, s1  }
0x18: {  	[tilespmem:s9], [sflag:$0x5] =	stream.linear.gather [hbm4b:s8+s9], $0x2000, $0x38;
	[tilespmem:$0xAC20] =	vst v63  }
0x19: {  	_ =	swait.ge [sflag:s10], $0x2000  }
0x1a: {  	[sflag:s10] =	ssyncset.done $0x0  }
0x1b: {  	s1 =	sadd.s32 s5, s1;
	[sflag:s10] =	ssyncadd.s32 $0xFFFFE000  }
0x1c: {  	[tilespmem:s11], [sflag:$0x5] =	stream.linear.gather [hbm4b:s1+s9], $0x2000, $0x38;
	[tilespmem:$0xAC20] =	vst v63  }
0x1d: {  	_ =	swait.ge [sflag:s10], $0x2000  }
0x1e: {  	[sflag:s10] =	ssyncset.done $0x0  }
0x1f: {  	s15 =	simm.s32 $0x4000;
	[sflag:s10] =	ssyncadd.s32 $0xFFFFE000  }
0x20: {  	[tilespmem:s15], [sflag:$0x1] =	stream.indirect.gather [hbm4b:s6+s12], $0x20, s9, s12, $0xb8;
	[tilespmem:$0xAC20] =	vst v63  }
0x21: {  	s16 =	simm.s32 $0x8000  }
0x22: {  	[tilespmem:s16], [sflag:$0x1] =	stream.indirect.gather [hbm4b:s6+s14], $0x20, s11, s14, $0xb8;
	[tilespmem:$0xAC20] =	vst v63  }
0x23: {  	s31 =	simm.s32 $0x5000  }
0x24: {  	[tilespmem:s31], [sflag:$0x2] =	stream.indirect.gather [hbm4b:s6+s12], $0x20, s12, s12, $0xb8;
	[tilespmem:$0xAC20] =	vst v63  }
0x25: {  	_ = 	snop  }
0x26: {  	[tilespmem:s18], [sflag:$0x2] =	stream.indirect.gather [hbm4b:s6+s14], $0x20, s17, s14, $0xb8;
	[tilespmem:$0xAC20] =	vst v63  }
0x27: {  	_ = 	snop  }
0x28: {  	[tilespmem:s20], [sflag:$0x3] =	stream.indirect.gather [hbm4b:s6+s12], $0x20, s19, s12, $0xb8;
	[tilespmem:$0xAC20] =	vst v63  }
0x29: {  	_ = 	snop  }
0x2a: {  	[tilespmem:s22], [sflag:$0x3] =	stream.indirect.gather [hbm4b:s6+s14], $0x20, s21, s14, $0xb8;
	[tilespmem:$0xAC20] =	vst v63  }
.LBB2_3:
0x2b: {  	s31 =	sshll.u32 s9, $0x9  }
0x2c: {  	s8 =	sor.u32 $0x180, s31  }
0x2d: {  	[tilespmem:s23], [sflag:$0x4] =	stream.indirect.gather [hbm4b:s6+s12], $0x20, s8, s12, $0xb8;
	[tilespmem:$0xAC20] =	vst v63  }
0x2e: {  	s1 =	sadd.s32 $0x2180, s31  }
0x2f: {  	[tilespmem:s24], [sflag:$0x4] =	stream.indirect.gather [hbm4b:s6+s14], $0x20, s1, s14, $0xb8;
	[tilespmem:$0xAC20] =	vst v63  }
0x30: {  	v2 =	vld [tilespmem:s31+$0x0]  }
0x31: {  	v3 =	vld [tilespmem:s31+$0x10]  }
0x32: {  	v4 =	vld [tilespmem:s31+$0x20]  }
0x33: {  	v5 =	vld [tilespmem:s31+$0x30]  }
0x34: {  	v6 =	vld [tilespmem:s31+$0x40]  }
0x35: {  	v7 =	vld [tilespmem:s31+$0x50]  }
0x36: {  	v8 =	vld [tilespmem:s31+$0x60]  }
0x37: {  	v9 =	vld [tilespmem:s31+$0x70]  }
0x38: {  	v10 =	vld [tilespmem:s31+$0x2000]  }
0x39: {  	v11 =	vld [tilespmem:s31+$0x2010]  }
0x3a: {  	v12 =	vld [tilespmem:s31+$0x2020]  }
0x3b: {  	v13 =	vld [tilespmem:s31+$0x2030]  }
0x3c: {  	v14 =	vld [tilespmem:s31+$0x2038];
	_ =	swait.ge [sflag:s25], $0x1000  }
0x3d: {  	[sflag:s25] =	ssyncset.done $0x0  }
0x3e: {  	[sflag:s25] =	ssyncadd.s32 $0xFFFFF000  }
0x3f: {  	_ =	swait.ge [sflag:s25], $0x900  }
0x40: {  	[sflag:s25] =	ssyncset.done $0x0  }
0x41: {  	s13 =	simm.s32 $0x0;
	[sflag:s25] =	ssyncadd.s32 $0xFFFFF700  }
0x42: {  	v15 =	vld [tilespmem:s13+$0x4000]  }
0x43: {  	v16 =	vld [tilespmem:s13+$0x4010]  }
0x44: {  	v17 =	vld [tilespmem:s13+$0x4020]  }
0x45: {  	vm1 =	veq.s32 v2, $0x0;
	v18 =	vld [tilespmem:s13+$0x4030]  }
0x46: {  	vm2 =	veq.s32 v3, $0x0;
	v2 =	vmpcnt.ones.xlane vm1;
	vm1 =	veq.s32 v4, $0x0;
	v19 =	vld [tilespmem:s13+$0x4040]  }
0x47: {  	v20 =	vld [tilespmem:s13+$0x4050];
	v4 =	vmpcnt.ones.xlane vm1;
	vm1 =	veq.s32 v5, $0x0;
	v5 =	vimm.f32 $0.0e+00  }
0x48: {  	vm3 =	veq.s32 v14, $0x0;
	v21 =	vld [tilespmem:s13+$0x4060];
	v15 =	vadd.f32 v15, v5;
	v16 =	vadd.f32 v16, v5  }
0x49: {  	v3 =	vmpcnt.ones.xlane vm2;
	vm2 =	veq.s32 v6, $0x0;
	v22 =	vld [tilespmem:s13+$0x4070];
	v5 =	vmpcnt.ones.xlane vm1  }
0x4a: {  	vm1 =	veq.s32 v7, $0x0;
	v15 =	vadd.f32 v17, v15;
	v16 =	vadd.f32 v18, v16;
	v17 =	vld [tilespmem:s13+$0x4080]  }
0x4b: {  	v6 =	vmpcnt.ones.xlane vm2;
	vm2 =	veq.s32 v8, $0x0;
	v7 =	vmpcnt.ones.xlane vm1;
	v18 =	vld [tilespmem:s13+$0x4090]  }
0x4c: {  	v23 =	vld [tilespmem:s13+$0x40B0];
	vm1 =	veq.s32 v9, $0x0;
	v15 =	vadd.f32 v19, v15;
	v16 =	vadd.f32 v20, v16  }
0x4d: {  	v8 =	vmpcnt.ones.xlane vm2;
	vm2 =	veq.s32 v10, $0x0;
	v10 =	vmpcnt.ones.xlane vm1;
	v20 =	vld [tilespmem:s13+$0x40A0]  }
0x4e: {  	vm1 =	veq.s32 v11, $0x0;
	v19 =	vadd.f32 v21, v15;
	v21 =	vadd.f32 v22, v16;
	v15 =	vld [tilespmem:s13+$0x40C0]  }
0x4f: {  	v9 =	vmpcnt.ones.xlane vm2;
	vm2 =	veq.s32 v13, $0x0;
	v11 =	vmpcnt.ones.xlane vm1;
	v16 =	vld [tilespmem:s13+$0x40D0]  }
0x50: {  	vm1 =	veq.s32 v12, $0x0;
	v22 =	vadd.f32 v17, v19;
	v21 =	vadd.f32 v18, v21;
	v17 =	vld [tilespmem:s13+$0x40E0]  }
0x51: {  	s1 =	simm.s32 $0x100;
	v12 =	vmpcnt.ones.xlane vm2;
	v14 =	vmpcnt.ones.xlane vm1;
	vm1 =	vmand vm3, vm0;
	v19 =	vld [tilespmem:s13+$0x40F0]  }
0x52: {  	v13 =	vmpcnt.ones.xlane vm1;
	v18 =	vld [tilespmem:s1+$0x4000];
	s13 =	simm.s32 $0x800;
	v20 =	vadd.f32 v20, v22;
	v21 =	vadd.f32 v23, v21  }
.LBB2_4:
0x53: {  	p0 =	sne.s32 s13, $0x3C00;
	v22 =	vld [tilespmem:s1+$0x4010]  }
0x54: {  	v23 =	vld [tilespmem:s1+$0x4020];
	v15 =	vadd.f32 v15, v20;
	v16 =	vadd.f32 v16, v21  }
0x55: {  	v20 =	vld [tilespmem:s1+$0x4030]  }
0x56: {  	v21 =	vld [tilespmem:s1+$0x4040];
	v15 =	vadd.f32 v17, v15;
	v16 =	vadd.f32 v19, v16  }
0x57: {  	v17 =	vld [tilespmem:s1+$0x4050]  }
0x58: {  	v15 =	vadd.f32 v18, v15;
	v16 =	vadd.f32 v22, v16;
	v18 =	vld [tilespmem:s1+$0x4060]  }
0x59: {  	v19 =	vld [tilespmem:s1+$0x4070]  }
0x5a: {  	v15 =	vadd.f32 v23, v15;
	v16 =	vadd.f32 v20, v16;
	v20 =	vld [tilespmem:s1+$0x4080]  }
0x5b: {  	v22 =	vld [tilespmem:s1+$0x4090]  }
0x5c: {  	v15 =	vadd.f32 v21, v15;
	v16 =	vadd.f32 v17, v16;
	v21 =	vld [tilespmem:s1+$0x40A0]  }
0x5d: {  	v23 =	vld [tilespmem:s1+$0x40B0]  }
.Ltmp0:
0x5e: {  	v17 =	vadd.f32 v18, v15;
	v18 =	vadd.f32 v19, v16;
	v15 =	vld [tilespmem:s1+$0x40C0];
	(pc) =	sbr.rel @p0 .LBB2_4-.Ltmp0, $4  }
0x5f: {  	v16 =	vld [tilespmem:s1+$0x40D0]  }
0x60: {  	v20 =	vadd.f32 v20, v17;
	v22 =	vadd.f32 v22, v18;
	v17 =	vld [tilespmem:s1+$0x40E0]  }
0x61: {  	v19 =	vld [tilespmem:s1+$0x40F0];
	s1 =	sshra.s32 s13, $0x2  }
0x62: {  	s13 =	sadd.s32 $0x400, s13;
	v18 =	vld [tilespmem:s1+$0x4000];
	v20 =	vadd.f32 v21, v20;
	v21 =	vadd.f32 v23, v22  }
0x63: {  	v22 =	vld [tilespmem:s1+$0x4010]  }
0x64: {  	v23 =	vld [tilespmem:s1+$0x4020];
	v15 =	vadd.f32 v15, v20;
	v16 =	vadd.f32 v16, v21  }
0x65: {  	v20 =	vld [tilespmem:s1+$0x4030]  }
0x66: {  	v21 =	vld [tilespmem:s1+$0x4040];
	v15 =	vadd.f32 v17, v15;
	v16 =	vadd.f32 v19, v16  }
0x67: {  	v17 =	vld [tilespmem:s1+$0x4050]  }
0x68: {  	v19 =	vld [tilespmem:s1+$0x4070];
	v15 =	vadd.f32 v18, v15;
	v16 =	vadd.f32 v22, v16  }
0x69: {  	v18 =	vld [tilespmem:s1+$0x4060]  }
0x6a: {  	v22 =	vld [tilespmem:s1+$0x4090];
	v15 =	vadd.f32 v23, v15;
	v16 =	vadd.f32 v20, v16  }
0x6b: {  	v20 =	vld [tilespmem:s1+$0x4080]  }
0x6c: {  	v15 =	vadd.f32 v21, v15;
	v16 =	vadd.f32 v17, v16;
	v17 =	vld [tilespmem:s1+$0x40A0]  }
0x6d: {  	v21 =	vld [tilespmem:s1+$0x40B0]  }
0x6e: {  	v15 =	vadd.f32 v18, v15;
	v16 =	vadd.f32 v19, v16;
	v18 =	vld [tilespmem:s1+$0x40C0]  }
0x6f: {  	v19 =	vld [tilespmem:s1+$0x40D0]  }
0x70: {  	v15 =	vadd.f32 v20, v15;
	v16 =	vadd.f32 v22, v16;
	v20 =	vld [tilespmem:s1+$0x40E0]  }
0x71: {  	s13 =	simm.s32 $0x0;
	v22 =	vld [tilespmem:s1+$0x40F0]  }
0x72: {  	v15 =	vadd.f32 v17, v15;
	v16 =	vadd.f32 v21, v16;
	v17 =	vld [tilespmem:s13+$0x8000]  }
0x73: {  	v21 =	vld [tilespmem:s13+$0x8010]  }
0x74: {  	v15 =	vadd.f32 v18, v15;
	v16 =	vadd.f32 v19, v16;
	v18 =	vld [tilespmem:s13+$0x8020]  }
0x75: {  	v19 =	vld [tilespmem:s13+$0x8030]  }
0x76: {  	v15 =	vadd.f32 v20, v15;
	v16 =	vadd.f32 v22, v16;
	v20 =	vld [tilespmem:s13+$0x8040]  }
0x77: {  	v22 =	vld [tilespmem:s13+$0x8050]  }
0x78: {  	v15 =	vadd.f32 v17, v15;
	v16 =	vadd.f32 v21, v16;
	v17 =	vld [tilespmem:s13+$0x8060]  }
0x79: {  	v21 =	vld [tilespmem:s13+$0x8070]  }
0x7a: {  	v24 =	vld [tilespmem:s13+$0x8090];
	v15 =	vadd.f32 v18, v15;
	v16 =	vadd.f32 v19, v16  }
0x7b: {  	v23 =	vld [tilespmem:s13+$0x8080]  }
0x7c: {  	v15 =	vadd.f32 v20, v15;
	v16 =	vadd.f32 v22, v16;
	v20 =	vld [tilespmem:s13+$0x80A0]  }
0x7d: {  	v22 =	vld [tilespmem:s13+$0x80B0]  }
0x7e: {  	v19 =	vld [tilespmem:s13+$0x80C0];
	v15 =	vadd.f32 v17, v15;
	v16 =	vadd.f32 v21, v16  }
0x7f: {  	v18 =	vld [tilespmem:s13+$0x80D0]  }
0x80: {  	v17 =	vld [tilespmem:s13+$0x80F0];
	v21 =	vadd.f32 v23, v15;
	v23 =	vadd.f32 v24, v16  }
0x81: {  	s1 =	simm.s32 $0x100;
	v16 =	vld [tilespmem:s13+$0x80E0]  }
0x82: {  	v15 =	vld [tilespmem:s1+$0x8000];
	s13 =	simm.s32 $0x800;
	v21 =	vadd.f32 v20, v21;
	v20 =	vadd.f32 v22, v23  }
.LBB2_6:
0x83: {  	p0 =	sne.s32 s13, $0x2000;
	v22 =	vld [tilespmem:s1+$0x8010]  }
0x84: {  	v23 =	vld [tilespmem:s1+$0x8020];
	v19 =	vadd.f32 v19, v21;
	v18 =	vadd.f32 v18, v20  }
0x85: {  	v20 =	vld [tilespmem:s1+$0x8030]  }
0x86: {  	v21 =	vld [tilespmem:s1+$0x8040];
	v16 =	vadd.f32 v16, v19;
	v17 =	vadd.f32 v17, v18  }
0x87: {  	v18 =	vld [tilespmem:s1+$0x8050]  }
0x88: {  	v15 =	vadd.f32 v15, v16;
	v16 =	vadd.f32 v22, v17;
	v17 =	vld [tilespmem:s1+$0x8060]  }
0x89: {  	v19 =	vld [tilespmem:s1+$0x8070]  }
0x8a: {  	v15 =	vadd.f32 v23, v15;
	v16 =	vadd.f32 v20, v16;
	v20 =	vld [tilespmem:s1+$0x8080]  }
0x8b: {  	v22 =	vld [tilespmem:s1+$0x8090]  }
0x8c: {  	v15 =	vadd.f32 v21, v15;
	v16 =	vadd.f32 v18, v16;
	v21 =	vld [tilespmem:s1+$0x80A0]  }
0x8d: {  	v23 =	vld [tilespmem:s1+$0x80B0]  }
.Ltmp1:
0x8e: {  	v15 =	vadd.f32 v17, v15;
	v16 =	vadd.f32 v19, v16;
	v19 =	vld [tilespmem:s1+$0x80C0];
	(pc) =	sbr.rel @p0 .LBB2_6-.Ltmp1, $4  }
0x8f: {  	v18 =	vld [tilespmem:s1+$0x80D0]  }
0x90: {  	v20 =	vadd.f32 v20, v15;
	v22 =	vadd.f32 v22, v16;
	v16 =	vld [tilespmem:s1+$0x80E0]  }
0x91: {  	v17 =	vld [tilespmem:s1+$0x80F0];
	s1 =	sshra.s32 s13, $0x2  }
0x92: {  	s13 =	sadd.s32 $0x400, s13;
	v15 =	vld [tilespmem:s1+$0x8000];
	v21 =	vadd.f32 v21, v20;
	v20 =	vadd.f32 v23, v22  }
0x93: {  	v2 =	vadd.s32 v2, v3  }
0x94: {  	v2 =	vadd.s32 v4, v2  }
0x95: {  	v2 =	vadd.s32 v5, v2  }
0x96: {  	v2 =	vadd.s32 v6, v2  }
0x97: {  	v2 =	vadd.s32 v7, v2  }
0x98: {  	v3 =	vld [tilespmem:s1+$0x8010];
	v4 =	vadd.f32 v19, v21;
	v2 =	vadd.s32 v8, v2  }
0x99: {  	v5 =	vld [tilespmem:s1+$0x8020];
	v6 =	vadd.f32 v18, v20;
	v2 =	vadd.s32 v10, v2  }
0x9a: {  	v4 =	vadd.f32 v16, v4;
	v7 =	vld [tilespmem:s1+$0x8030];
	v2 =	vadd.s32 v9, v2  }
0x9b: {  	v8 =	vld [tilespmem:s1+$0x8040];
	v6 =	vadd.f32 v17, v6;
	v2 =	vadd.s32 v11, v2  }
0x9c: {  	v4 =	vadd.f32 v15, v4;
	v9 =	vld [tilespmem:s1+$0x8050];
	v2 =	vadd.s32 v14, v2  }
0x9d: {  	v3 =	vadd.f32 v3, v6;
	v6 =	vld [tilespmem:s1+$0x8060];
	v2 =	vadd.s32 v12, v2  }
0x9e: {  	v10 =	vld [tilespmem:s1+$0x8070];
	v4 =	vadd.f32 v5, v4;
	v2 =	vadd.s32 v13, v2  }
0x9f: {  	v5 =	vld [tilespmem:s1+$0x8080];
	v3 =	vadd.f32 v7, v3;
	v2 =	vcvt.s32.f32 v2  }
0xa0: {  	v7 =	vld [tilespmem:s1+$0x8090];
	v4 =	vadd.f32 v8, v4  }
0xa1: {  	v3 =	vadd.f32 v9, v3;
	v9 =	vld [tilespmem:s1+$0x80A0];
	v8 =	vsub.f32 $2.000000000e+02, v2  }
0xa2: {  	v11 =	vld [tilespmem:s1+$0x80B0];
	v4 =	vadd.f32 v6, v4  }
0xa3: {  	v6 =	vadd.f32 $9.999999930e-09, v8;
	v8 =	vld [tilespmem:s1+$0x80C0]  }
0xa4: {  	v3 =	vadd.f32 v10, v3;
	v10 =	vld [tilespmem:s1+$0x80D0];
	v4 =	vadd.f32 v5, v4  }
0xa5: {  	v5 =	vld [tilespmem:s1+$0x80E0];
	(erf) = vrcp.f32 v6  }
0xa6: {  	v3 =	vadd.f32 v7, v3;
	v4 =	vadd.f32 v9, v4  }
0xa7: {  	v6 =	vld [tilespmem:s1+$0x80F0]  }
0xa8: {  	v3 =	vadd.f32 v11, v3;
	v4 =	vadd.f32 v8, v4;
	_ =	sdelay $0x1  }
0xa9: {  	v3 =	vadd.f32 v10, v3;
	v4 =	vadd.f32 v5, v4;
	v5 =	vmul.f32 v2, v0;
	_ =	sdelay $0x1  }
0xaa: {  	v3 =	vadd.f32 v6, v3;
	v2 =	vmul.f32 v2, v1  }
0xab: {  	v4 =	vsub.f32 v4, v5  }
0xac: {  	v2 =	vsub.f32 v3, v2;
	v5 =	vpop (erf)  }
0xad: {  	v3 =	vmul.f32 v4, v5  }
0xae: {  	s15 =	sshra.s32 s31, $0x2;
	v2 =	vmul.f32 v2, v5  }
0xaf: {  	p0 =	seq.s32 s9, $0xF;
	[tilespmem:s15+$0xA420] =	vst v3  }
0xb0: {  	s13 =	simm.s32 @!p0 $0x80;
	s1 =	sadd.s32 @!p0 $0x200, s31;
	[tilespmem:s15+$0xA430] =	vst v2;
	s15 =	simm.s32 @!p0 $0x4000  }
0xb1: {  	[tilespmem:s15], [sflag:$0x1] =	stream.indirect.gather @!p0 [hbm4b:s6+s13], $0x20, s1, s13, $0xb8;
	[tilespmem:$0xAC20] =	vst v63  }
0xb2: {  	s1 =	sadd.s32 @!p0 $0x2200, s31;
	s13 =	simm.s32 @!p0 $0x48;
	s15 =	simm.s32 @!p0 $0x8000  }
0xb3: {  	[tilespmem:s15], [sflag:$0x1] =	stream.indirect.gather @!p0 [hbm4b:s6+s13], $0x20, s1, s13, $0xb8;
	[tilespmem:$0xAC20] =	vst v63  }
0xb4: {  	s1 =	sor.u32 $0x80, s31  }
0xb5: {  	s16 =	sor.u32 $0x90, s31;
	v2 =	vld [tilespmem:s1+$0x0]  }
0xb6: {  	s15 =	sor.u32 $0xA0, s31;
	v3 =	vld [tilespmem:s16+$0x0]  }
0xb7: {  	v4 =	vld [tilespmem:s15+$0x0]  }
0xb8: {  	v6 =	vld [tilespmem:s31+$0xC0]  }
0xb9: {  	v7 =	vld [tilespmem:s31+$0xD0]  }
0xba: {  	v8 =	vld [tilespmem:s31+$0xE0]  }
0xbb: {  	v9 =	vld [tilespmem:s31+$0xF0]  }
0xbc: {  	v10 =	vld [tilespmem:s31+$0x2080]  }
0xbd: {  	v11 =	vld [tilespmem:s31+$0x2090]  }
0xbe: {  	v12 =	vld [tilespmem:s31+$0x20A0]  }
0xbf: {  	v13 =	vld [tilespmem:s31+$0x20B0]  }
0xc0: {  	s16 =	sor.u32 $0xB0, s31;
	v14 =	vld [tilespmem:s31+$0x20B8]  }
0xc1: {  	v5 =	vld [tilespmem:s16+$0x0];
	_ =	swait.ge [sflag:s26], $0x1000  }
0xc2: {  	[sflag:s26] =	ssyncset.done $0x0  }
0xc3: {  	[sflag:s26] =	ssyncadd.s32 $0xFFFFF000  }
0xc4: {  	_ =	swait.ge [sflag:s26], $0x900  }
0xc5: {  	[sflag:s26] =	ssyncset.done $0x0  }
0xc6: {  	s13 =	simm.s32 $0x0;
	[sflag:s26] =	ssyncadd.s32 $0xFFFFF700  }
0xc7: {  	v15 =	vld [tilespmem:s13+$0x5000]  }
0xc8: {  	v16 =	vld [tilespmem:s13+$0x5010]  }
0xc9: {  	v17 =	vld [tilespmem:s13+$0x5020]  }
0xca: {  	vm1 =	veq.s32 v2, $0x0;
	v18 =	vld [tilespmem:s13+$0x5030]  }
0xcb: {  	vm2 =	veq.s32 v3, $0x0;
	v2 =	vmpcnt.ones.xlane vm1;
	vm1 =	veq.s32 v4, $0x0;
	v19 =	vld [tilespmem:s13+$0x5040]  }
0xcc: {  	v4 =	vmpcnt.ones.xlane vm1;
	vm1 =	veq.s32 v5, $0x0;
	v5 =	vimm.f32 $0.0e+00;
	v20 =	vld [tilespmem:s13+$0x5050]  }
0xcd: {  	vm3 =	veq.s32 v14, $0x0;
	v21 =	vld [tilespmem:s13+$0x5060];
	v15 =	vadd.f32 v15, v5;
	v16 =	vadd.f32 v16, v5  }
0xce: {  	v3 =	vmpcnt.ones.xlane vm2;
	vm2 =	veq.s32 v6, $0x0;
	v22 =	vld [tilespmem:s13+$0x5070];
	v5 =	vmpcnt.ones.xlane vm1  }
0xcf: {  	vm1 =	veq.s32 v7, $0x0;
	v15 =	vadd.f32 v17, v15;
	v16 =	vadd.f32 v18, v16;
	v17 =	vld [tilespmem:s13+$0x5080]  }
0xd0: {  	v6 =	vmpcnt.ones.xlane vm2;
	vm2 =	veq.s32 v8, $0x0;
	v7 =	vmpcnt.ones.xlane vm1;
	v18 =	vld [tilespmem:s13+$0x5090]  }
0xd1: {  	v23 =	vld [tilespmem:s13+$0x50B0];
	vm1 =	veq.s32 v9, $0x0;
	v15 =	vadd.f32 v19, v15;
	v16 =	vadd.f32 v20, v16  }
0xd2: {  	v8 =	vmpcnt.ones.xlane vm2;
	vm2 =	veq.s32 v10, $0x0;
	v10 =	vmpcnt.ones.xlane vm1;
	v20 =	vld [tilespmem:s13+$0x50A0]  }
0xd3: {  	vm1 =	veq.s32 v11, $0x0;
	v19 =	vadd.f32 v21, v15;
	v21 =	vadd.f32 v22, v16;
	v15 =	vld [tilespmem:s13+$0x50C0]  }
0xd4: {  	v9 =	vmpcnt.ones.xlane vm2;
	vm2 =	veq.s32 v13, $0x0;
	v11 =	vmpcnt.ones.xlane vm1;
	v16 =	vld [tilespmem:s13+$0x50D0]  }
0xd5: {  	vm1 =	veq.s32 v12, $0x0;
	v22 =	vadd.f32 v17, v19;
	v21 =	vadd.f32 v18, v21;
	v17 =	vld [tilespmem:s13+$0x50E0]  }
0xd6: {  	s15 =	simm.s32 $0x100;
	v12 =	vmpcnt.ones.xlane vm2;
	v14 =	vmpcnt.ones.xlane vm1;
	vm1 =	vmand vm3, vm0;
	v19 =	vld [tilespmem:s13+$0x50F0]  }
0xd7: {  	s16 =	simm.s32 $0x800;
	v13 =	vmpcnt.ones.xlane vm1;
	v18 =	vld [tilespmem:s15+$0x5000];
	v20 =	vadd.f32 v20, v22;
	v21 =	vadd.f32 v23, v21  }
.LBB2_8:
0xd8: {  	p1 =	sne.s32 s16, $0x3C00;
	v22 =	vld [tilespmem:s15+$0x5010]  }
0xd9: {  	v23 =	vld [tilespmem:s15+$0x5020];
	v15 =	vadd.f32 v15, v20;
	v16 =	vadd.f32 v16, v21  }
0xda: {  	v20 =	vld [tilespmem:s15+$0x5030]  }
0xdb: {  	v21 =	vld [tilespmem:s15+$0x5040];
	v15 =	vadd.f32 v17, v15;
	v16 =	vadd.f32 v19, v16  }
0xdc: {  	v17 =	vld [tilespmem:s15+$0x5050]  }
0xdd: {  	v15 =	vadd.f32 v18, v15;
	v16 =	vadd.f32 v22, v16;
	v18 =	vld [tilespmem:s15+$0x5060]  }
0xde: {  	v19 =	vld [tilespmem:s15+$0x5070]  }
0xdf: {  	v15 =	vadd.f32 v23, v15;
	v16 =	vadd.f32 v20, v16;
	v20 =	vld [tilespmem:s15+$0x5080]  }
0xe0: {  	v22 =	vld [tilespmem:s15+$0x5090]  }
0xe1: {  	v15 =	vadd.f32 v21, v15;
	v16 =	vadd.f32 v17, v16;
	v21 =	vld [tilespmem:s15+$0x50A0]  }
0xe2: {  	v23 =	vld [tilespmem:s15+$0x50B0]  }
.Ltmp2:
0xe3: {  	v17 =	vadd.f32 v18, v15;
	v18 =	vadd.f32 v19, v16;
	v15 =	vld [tilespmem:s15+$0x50C0];
	(pc) =	sbr.rel @p1 .LBB2_8-.Ltmp2, $4  }
0xe4: {  	v16 =	vld [tilespmem:s15+$0x50D0]  }
0xe5: {  	v20 =	vadd.f32 v20, v17;
	v22 =	vadd.f32 v22, v18;
	v17 =	vld [tilespmem:s15+$0x50E0]  }
0xe6: {  	v19 =	vld [tilespmem:s15+$0x50F0];
	s15 =	sshra.s32 s16, $0x2  }
0xe7: {  	s16 =	sadd.s32 $0x400, s16;
	v18 =	vld [tilespmem:s15+$0x5000];
	v20 =	vadd.f32 v21, v20;
	v21 =	vadd.f32 v23, v22  }
0xe8: {  	v22 =	vld [tilespmem:s15+$0x5010]  }
0xe9: {  	v23 =	vld [tilespmem:s15+$0x5020];
	v15 =	vadd.f32 v15, v20;
	v16 =	vadd.f32 v16, v21  }
0xea: {  	v20 =	vld [tilespmem:s15+$0x5030]  }
0xeb: {  	v21 =	vld [tilespmem:s15+$0x5040];
	v15 =	vadd.f32 v17, v15;
	v16 =	vadd.f32 v19, v16  }
0xec: {  	v17 =	vld [tilespmem:s15+$0x5050]  }
0xed: {  	v19 =	vld [tilespmem:s15+$0x5070];
	v15 =	vadd.f32 v18, v15;
	v16 =	vadd.f32 v22, v16  }
0xee: {  	v18 =	vld [tilespmem:s15+$0x5060]  }
0xef: {  	v22 =	vld [tilespmem:s15+$0x5090];
	v15 =	vadd.f32 v23, v15;
	v16 =	vadd.f32 v20, v16  }
0xf0: {  	v20 =	vld [tilespmem:s15+$0x5080]  }
0xf1: {  	v15 =	vadd.f32 v21, v15;
	v16 =	vadd.f32 v17, v16;
	v17 =	vld [tilespmem:s15+$0x50A0]  }
0xf2: {  	v21 =	vld [tilespmem:s15+$0x50B0]  }
0xf3: {  	v15 =	vadd.f32 v18, v15;
	v16 =	vadd.f32 v19, v16;
	v18 =	vld [tilespmem:s15+$0x50C0]  }
0xf4: {  	v19 =	vld [tilespmem:s15+$0x50D0]  }
0xf5: {  	v15 =	vadd.f32 v20, v15;
	v16 =	vadd.f32 v22, v16;
	v20 =	vld [tilespmem:s15+$0x50E0]  }
0xf6: {  	v22 =	vld [tilespmem:s15+$0x50F0]  }
0xf7: {  	v15 =	vadd.f32 v17, v15;
	v16 =	vadd.f32 v21, v16;
	v17 =	vld [tilespmem:s13+$0x8900]  }
0xf8: {  	v21 =	vld [tilespmem:s13+$0x8910]  }
0xf9: {  	v15 =	vadd.f32 v18, v15;
	v16 =	vadd.f32 v19, v16;
	v18 =	vld [tilespmem:s13+$0x8920]  }
0xfa: {  	v19 =	vld [tilespmem:s13+$0x8930]  }
0xfb: {  	v15 =	vadd.f32 v20, v15;
	v16 =	vadd.f32 v22, v16;
	v20 =	vld [tilespmem:s13+$0x8940]  }
0xfc: {  	v22 =	vld [tilespmem:s13+$0x8950]  }
0xfd: {  	v15 =	vadd.f32 v17, v15;
	v16 =	vadd.f32 v21, v16;
	v17 =	vld [tilespmem:s13+$0x8960]  }
0xfe: {  	v21 =	vld [tilespmem:s13+$0x8970]  }
0xff: {  	v24 =	vld [tilespmem:s13+$0x8990];
	v15 =	vadd.f32 v18, v15;
	v16 =	vadd.f32 v19, v16  }
0x100: {  	v23 =	vld [tilespmem:s13+$0x8980]  }
0x101: {  	v15 =	vadd.f32 v20, v15;
	v16 =	vadd.f32 v22, v16;
	v20 =	vld [tilespmem:s13+$0x89A0]  }
0x102: {  	v22 =	vld [tilespmem:s13+$0x89B0]  }
0x103: {  	v19 =	vld [tilespmem:s13+$0x89C0];
	v15 =	vadd.f32 v17, v15;
	v16 =	vadd.f32 v21, v16  }
0x104: {  	v18 =	vld [tilespmem:s13+$0x89D0]  }
0x105: {  	v17 =	vld [tilespmem:s13+$0x89F0];
	v21 =	vadd.f32 v23, v15;
	v23 =	vadd.f32 v24, v16  }
0x106: {  	s15 =	simm.s32 $0x100;
	v16 =	vld [tilespmem:s13+$0x89E0]  }
0x107: {  	v15 =	vld [tilespmem:s15+$0x8900];
	s13 =	simm.s32 $0x800;
	v21 =	vadd.f32 v20, v21;
	v20 =	vadd.f32 v22, v23  }
.LBB2_10:
0x108: {  	p1 =	sne.s32 s13, $0x2000;
	v22 =	vld [tilespmem:s15+$0x8910]  }
0x109: {  	v23 =	vld [tilespmem:s15+$0x8920];
	v19 =	vadd.f32 v19, v21;
	v18 =	vadd.f32 v18, v20  }
0x10a: {  	v20 =	vld [tilespmem:s15+$0x8930]  }
0x10b: {  	v21 =	vld [tilespmem:s15+$0x8940];
	v16 =	vadd.f32 v16, v19;
	v17 =	vadd.f32 v17, v18  }
0x10c: {  	v18 =	vld [tilespmem:s15+$0x8950]  }
0x10d: {  	v15 =	vadd.f32 v15, v16;
	v16 =	vadd.f32 v22, v17;
	v17 =	vld [tilespmem:s15+$0x8960]  }
0x10e: {  	v19 =	vld [tilespmem:s15+$0x8970]  }
0x10f: {  	v15 =	vadd.f32 v23, v15;
	v16 =	vadd.f32 v20, v16;
	v20 =	vld [tilespmem:s15+$0x8980]  }
0x110: {  	v22 =	vld [tilespmem:s15+$0x8990]  }
0x111: {  	v15 =	vadd.f32 v21, v15;
	v16 =	vadd.f32 v18, v16;
	v21 =	vld [tilespmem:s15+$0x89A0]  }
0x112: {  	v23 =	vld [tilespmem:s15+$0x89B0]  }
.Ltmp3:
0x113: {  	v15 =	vadd.f32 v17, v15;
	v16 =	vadd.f32 v19, v16;
	v19 =	vld [tilespmem:s15+$0x89C0];
	(pc) =	sbr.rel @p1 .LBB2_10-.Ltmp3, $4  }
0x114: {  	v18 =	vld [tilespmem:s15+$0x89D0]  }
0x115: {  	v20 =	vadd.f32 v20, v15;
	v22 =	vadd.f32 v22, v16;
	v16 =	vld [tilespmem:s15+$0x89E0]  }
0x116: {  	v17 =	vld [tilespmem:s15+$0x89F0];
	s15 =	sshra.s32 s13, $0x2  }
0x117: {  	s13 =	sadd.s32 $0x400, s13;
	v15 =	vld [tilespmem:s15+$0x8900];
	v21 =	vadd.f32 v21, v20;
	v20 =	vadd.f32 v23, v22  }
0x118: {  	v2 =	vadd.s32 v2, v3  }
0x119: {  	v2 =	vadd.s32 v4, v2  }
0x11a: {  	v2 =	vadd.s32 v5, v2  }
0x11b: {  	v2 =	vadd.s32 v6, v2  }
0x11c: {  	v2 =	vadd.s32 v7, v2  }
0x11d: {  	v3 =	vld [tilespmem:s15+$0x8910];
	v4 =	vadd.f32 v19, v21;
	v2 =	vadd.s32 v8, v2  }
0x11e: {  	v5 =	vld [tilespmem:s15+$0x8920];
	v6 =	vadd.f32 v18, v20;
	v2 =	vadd.s32 v10, v2  }
0x11f: {  	v4 =	vadd.f32 v16, v4;
	v7 =	vld [tilespmem:s15+$0x8930];
	v2 =	vadd.s32 v9, v2  }
0x120: {  	v8 =	vld [tilespmem:s15+$0x8940];
	v6 =	vadd.f32 v17, v6;
	v2 =	vadd.s32 v11, v2  }
0x121: {  	v4 =	vadd.f32 v15, v4;
	v9 =	vld [tilespmem:s15+$0x8950];
	v2 =	vadd.s32 v14, v2  }
0x122: {  	v3 =	vadd.f32 v3, v6;
	v6 =	vld [tilespmem:s15+$0x8960];
	v2 =	vadd.s32 v12, v2  }
0x123: {  	v10 =	vld [tilespmem:s15+$0x8970];
	v4 =	vadd.f32 v5, v4;
	v2 =	vadd.s32 v13, v2  }
0x124: {  	v5 =	vld [tilespmem:s15+$0x8980];
	v3 =	vadd.f32 v7, v3;
	v2 =	vcvt.s32.f32 v2  }
0x125: {  	v7 =	vld [tilespmem:s15+$0x8990];
	v4 =	vadd.f32 v8, v4  }
0x126: {  	v3 =	vadd.f32 v9, v3;
	v9 =	vld [tilespmem:s15+$0x89A0];
	v8 =	vsub.f32 $2.000000000e+02, v2  }
0x127: {  	v11 =	vld [tilespmem:s15+$0x89B0];
	v4 =	vadd.f32 v6, v4  }
0x128: {  	v6 =	vadd.f32 $9.999999930e-09, v8;
	v8 =	vld [tilespmem:s15+$0x89C0]  }
0x129: {  	v3 =	vadd.f32 v10, v3;
	v10 =	vld [tilespmem:s15+$0x89D0];
	v4 =	vadd.f32 v5, v4  }
0x12a: {  	v5 =	vld [tilespmem:s15+$0x89E0];
	(erf) = vrcp.f32 v6  }
0x12b: {  	v3 =	vadd.f32 v7, v3;
	v4 =	vadd.f32 v9, v4  }
0x12c: {  	v6 =	vld [tilespmem:s15+$0x89F0]  }
0x12d: {  	v3 =	vadd.f32 v11, v3;
	v4 =	vadd.f32 v8, v4;
	_ =	sdelay $0x1  }
0x12e: {  	v3 =	vadd.f32 v10, v3;
	v4 =	vadd.f32 v5, v4;
	v5 =	vmul.f32 v2, v0;
	_ =	sdelay $0x1  }
0x12f: {  	v3 =	vadd.f32 v6, v3;
	v2 =	vmul.f32 v2, v1  }
0x130: {  	v4 =	vsub.f32 v4, v5  }
0x131: {  	v2 =	vsub.f32 v3, v2;
	v5 =	vpop (erf)  }
0x132: {  	v3 =	vmul.f32 v4, v5  }
0x133: {  	s13 =	sshra.s32 s1, $0x2;
	v2 =	vmul.f32 v2, v5  }
0x134: {  	s1 =	sor.u32 $0x100, s31;
	[tilespmem:s13+$0xA420] =	vst v3  }
0x135: {  	s16 =	simm.s32 @!p0 $0x5000;
	s15 =	simm.s32 @!p0 $0x80;
	[tilespmem:s13+$0xA430] =	vst v2;
	s13 =	sadd.s32 @!p0 $0x280, s31  }
0x136: {  	[tilespmem:s16], [sflag:$0x2] =	stream.indirect.gather @!p0 [hbm4b:s6+s15], $0x20, s13, s15, $0xb8;
	[tilespmem:$0xAC20] =	vst v63  }
0x137: {  	s13 =	sadd.s32 @!p0 $0x2280, s31;
	s15 =	simm.s32 @!p0 $0x48;
	s16 =	simm.s32 @!p0 $0x8900  }
0x138: {  	[tilespmem:s16], [sflag:$0x2] =	stream.indirect.gather @!p0 [hbm4b:s6+s15], $0x20, s13, s15, $0xb8;
	[tilespmem:$0xAC20] =	vst v63  }
0x139: {  	s16 =	sor.u32 $0x110, s31;
	v2 =	vld [tilespmem:s1+$0x0]  }
0x13a: {  	s15 =	sor.u32 $0x120, s31;
	v3 =	vld [tilespmem:s16+$0x0]  }
0x13b: {  	v4 =	vld [tilespmem:s15+$0x0]  }
0x13c: {  	v6 =	vld [tilespmem:s1+$0x40]  }
0x13d: {  	v7 =	vld [tilespmem:s1+$0x50]  }
0x13e: {  	v8 =	vld [tilespmem:s1+$0x60]  }
0x13f: {  	v9 =	vld [tilespmem:s1+$0x70]  }
0x140: {  	v10 =	vld [tilespmem:s1+$0x2000]  }
0x141: {  	v11 =	vld [tilespmem:s31+$0x2110]  }
0x142: {  	v12 =	vld [tilespmem:s31+$0x2120]  }
0x143: {  	v13 =	vld [tilespmem:s31+$0x2130]  }
0x144: {  	s16 =	sor.u32 $0x130, s31;
	v14 =	vld [tilespmem:s1+$0x2038]  }
0x145: {  	v5 =	vld [tilespmem:s16+$0x0];
	_ =	swait.ge [sflag:s28], $0x1000  }
0x146: {  	[sflag:s28] =	ssyncset.done $0x0  }
0x147: {  	[sflag:s28] =	ssyncadd.s32 $0xFFFFF000  }
0x148: {  	_ =	swait.ge [sflag:s28], $0x900  }
0x149: {  	[sflag:s28] =	ssyncset.done $0x0  }
0x14a: {  	s13 =	simm.s32 $0x0;
	[sflag:s28] =	ssyncadd.s32 $0xFFFFF700  }
0x14b: {  	v15 =	vld [tilespmem:s13+$0x6000]  }
0x14c: {  	v16 =	vld [tilespmem:s13+$0x6010]  }
0x14d: {  	v17 =	vld [tilespmem:s13+$0x6020]  }
0x14e: {  	vm1 =	veq.s32 v2, $0x0;
	v18 =	vld [tilespmem:s13+$0x6030]  }
0x14f: {  	vm2 =	veq.s32 v3, $0x0;
	v2 =	vmpcnt.ones.xlane vm1;
	vm1 =	veq.s32 v4, $0x0;
	v19 =	vld [tilespmem:s13+$0x6040]  }
0x150: {  	v4 =	vmpcnt.ones.xlane vm1;
	vm1 =	veq.s32 v5, $0x0;
	v5 =	vimm.f32 $0.0e+00;
	v20 =	vld [tilespmem:s13+$0x6050]  }
0x151: {  	vm3 =	veq.s32 v14, $0x0;
	v21 =	vld [tilespmem:s13+$0x6060];
	v15 =	vadd.f32 v15, v5;
	v16 =	vadd.f32 v16, v5  }
0x152: {  	v3 =	vmpcnt.ones.xlane vm2;
	vm2 =	veq.s32 v6, $0x0;
	v22 =	vld [tilespmem:s13+$0x6070];
	v5 =	vmpcnt.ones.xlane vm1  }
0x153: {  	vm1 =	veq.s32 v7, $0x0;
	v15 =	vadd.f32 v17, v15;
	v16 =	vadd.f32 v18, v16;
	v17 =	vld [tilespmem:s13+$0x6080]  }
0x154: {  	v6 =	vmpcnt.ones.xlane vm2;
	vm2 =	veq.s32 v8, $0x0;
	v7 =	vmpcnt.ones.xlane vm1;
	v18 =	vld [tilespmem:s13+$0x6090]  }
0x155: {  	v23 =	vld [tilespmem:s13+$0x60B0];
	vm1 =	veq.s32 v9, $0x0;
	v15 =	vadd.f32 v19, v15;
	v16 =	vadd.f32 v20, v16  }
0x156: {  	v8 =	vmpcnt.ones.xlane vm2;
	vm2 =	veq.s32 v10, $0x0;
	v10 =	vmpcnt.ones.xlane vm1;
	v20 =	vld [tilespmem:s13+$0x60A0]  }
0x157: {  	vm1 =	veq.s32 v11, $0x0;
	v19 =	vadd.f32 v21, v15;
	v21 =	vadd.f32 v22, v16;
	v15 =	vld [tilespmem:s13+$0x60C0]  }
0x158: {  	v9 =	vmpcnt.ones.xlane vm2;
	vm2 =	veq.s32 v13, $0x0;
	v11 =	vmpcnt.ones.xlane vm1;
	v16 =	vld [tilespmem:s13+$0x60D0]  }
0x159: {  	vm1 =	veq.s32 v12, $0x0;
	v22 =	vadd.f32 v17, v19;
	v21 =	vadd.f32 v18, v21;
	v17 =	vld [tilespmem:s13+$0x60E0]  }
0x15a: {  	s15 =	simm.s32 $0x100;
	v12 =	vmpcnt.ones.xlane vm2;
	v14 =	vmpcnt.ones.xlane vm1;
	vm1 =	vmand vm3, vm0;
	v19 =	vld [tilespmem:s13+$0x60F0]  }
0x15b: {  	s16 =	simm.s32 $0x800;
	v13 =	vmpcnt.ones.xlane vm1;
	v18 =	vld [tilespmem:s15+$0x6000];
	v20 =	vadd.f32 v20, v22;
	v21 =	vadd.f32 v23, v21  }
.LBB2_12:
0x15c: {  	p1 =	sne.s32 s16, $0x3C00;
	v22 =	vld [tilespmem:s15+$0x6010]  }
0x15d: {  	v23 =	vld [tilespmem:s15+$0x6020];
	v15 =	vadd.f32 v15, v20;
	v16 =	vadd.f32 v16, v21  }
0x15e: {  	v20 =	vld [tilespmem:s15+$0x6030]  }
0x15f: {  	v21 =	vld [tilespmem:s15+$0x6040];
	v15 =	vadd.f32 v17, v15;
	v16 =	vadd.f32 v19, v16  }
0x160: {  	v17 =	vld [tilespmem:s15+$0x6050]  }
0x161: {  	v15 =	vadd.f32 v18, v15;
	v16 =	vadd.f32 v22, v16;
	v18 =	vld [tilespmem:s15+$0x6060]  }
0x162: {  	v19 =	vld [tilespmem:s15+$0x6070]  }
0x163: {  	v15 =	vadd.f32 v23, v15;
	v16 =	vadd.f32 v20, v16;
	v20 =	vld [tilespmem:s15+$0x6080]  }
0x164: {  	v22 =	vld [tilespmem:s15+$0x6090]  }
0x165: {  	v15 =	vadd.f32 v21, v15;
	v16 =	vadd.f32 v17, v16;
	v21 =	vld [tilespmem:s15+$0x60A0]  }
0x166: {  	v23 =	vld [tilespmem:s15+$0x60B0]  }
.Ltmp4:
0x167: {  	v17 =	vadd.f32 v18, v15;
	v18 =	vadd.f32 v19, v16;
	v15 =	vld [tilespmem:s15+$0x60C0];
	(pc) =	sbr.rel @p1 .LBB2_12-.Ltmp4, $4  }
0x168: {  	v16 =	vld [tilespmem:s15+$0x60D0]  }
0x169: {  	v20 =	vadd.f32 v20, v17;
	v22 =	vadd.f32 v22, v18;
	v17 =	vld [tilespmem:s15+$0x60E0]  }
0x16a: {  	v19 =	vld [tilespmem:s15+$0x60F0];
	s15 =	sshra.s32 s16, $0x2  }
0x16b: {  	s16 =	sadd.s32 $0x400, s16;
	v18 =	vld [tilespmem:s15+$0x6000];
	v20 =	vadd.f32 v21, v20;
	v21 =	vadd.f32 v23, v22  }
0x16c: {  	v22 =	vld [tilespmem:s15+$0x6010]  }
0x16d: {  	v23 =	vld [tilespmem:s15+$0x6020];
	v15 =	vadd.f32 v15, v20;
	v16 =	vadd.f32 v16, v21  }
0x16e: {  	v20 =	vld [tilespmem:s15+$0x6030]  }
0x16f: {  	v21 =	vld [tilespmem:s15+$0x6040];
	v15 =	vadd.f32 v17, v15;
	v16 =	vadd.f32 v19, v16  }
0x170: {  	v17 =	vld [tilespmem:s15+$0x6050]  }
0x171: {  	v19 =	vld [tilespmem:s15+$0x6070];
	v15 =	vadd.f32 v18, v15;
	v16 =	vadd.f32 v22, v16  }
0x172: {  	v18 =	vld [tilespmem:s15+$0x6060]  }
0x173: {  	v22 =	vld [tilespmem:s15+$0x6090];
	v15 =	vadd.f32 v23, v15;
	v16 =	vadd.f32 v20, v16  }
0x174: {  	v20 =	vld [tilespmem:s15+$0x6080]  }
0x175: {  	v15 =	vadd.f32 v21, v15;
	v16 =	vadd.f32 v17, v16;
	v17 =	vld [tilespmem:s15+$0x60A0]  }
0x176: {  	v21 =	vld [tilespmem:s15+$0x60B0]  }
0x177: {  	v15 =	vadd.f32 v18, v15;
	v16 =	vadd.f32 v19, v16;
	v18 =	vld [tilespmem:s15+$0x60C0]  }
0x178: {  	v19 =	vld [tilespmem:s15+$0x60D0]  }
0x179: {  	v15 =	vadd.f32 v20, v15;
	v16 =	vadd.f32 v22, v16;
	v20 =	vld [tilespmem:s15+$0x60E0]  }
0x17a: {  	v22 =	vld [tilespmem:s15+$0x60F0]  }
0x17b: {  	v15 =	vadd.f32 v17, v15;
	v16 =	vadd.f32 v21, v16;
	v17 =	vld [tilespmem:s13+$0x9200]  }
0x17c: {  	v21 =	vld [tilespmem:s13+$0x9210]  }
0x17d: {  	v15 =	vadd.f32 v18, v15;
	v16 =	vadd.f32 v19, v16;
	v18 =	vld [tilespmem:s13+$0x9220]  }
0x17e: {  	v19 =	vld [tilespmem:s13+$0x9230]  }
0x17f: {  	v15 =	vadd.f32 v20, v15;
	v16 =	vadd.f32 v22, v16;
	v20 =	vld [tilespmem:s13+$0x9240]  }
0x180: {  	v22 =	vld [tilespmem:s13+$0x9250]  }
0x181: {  	v15 =	vadd.f32 v17, v15;
	v16 =	vadd.f32 v21, v16;
	v17 =	vld [tilespmem:s13+$0x9260]  }
0x182: {  	v21 =	vld [tilespmem:s13+$0x9270]  }
0x183: {  	v24 =	vld [tilespmem:s13+$0x9290];
	v15 =	vadd.f32 v18, v15;
	v16 =	vadd.f32 v19, v16  }
0x184: {  	v23 =	vld [tilespmem:s13+$0x9280]  }
0x185: {  	v15 =	vadd.f32 v20, v15;
	v16 =	vadd.f32 v22, v16;
	v20 =	vld [tilespmem:s13+$0x92A0]  }
0x186: {  	v22 =	vld [tilespmem:s13+$0x92B0]  }
0x187: {  	v19 =	vld [tilespmem:s13+$0x92C0];
	v15 =	vadd.f32 v17, v15;
	v16 =	vadd.f32 v21, v16  }
0x188: {  	v18 =	vld [tilespmem:s13+$0x92D0]  }
0x189: {  	v17 =	vld [tilespmem:s13+$0x92F0];
	v21 =	vadd.f32 v23, v15;
	v23 =	vadd.f32 v24, v16  }
0x18a: {  	s15 =	simm.s32 $0x100;
	v16 =	vld [tilespmem:s13+$0x92E0]  }
0x18b: {  	v15 =	vld [tilespmem:s15+$0x9200];
	s13 =	simm.s32 $0x800;
	v21 =	vadd.f32 v20, v21;
	v20 =	vadd.f32 v22, v23  }
.LBB2_14:
0x18c: {  	p1 =	sne.s32 s13, $0x2000;
	v22 =	vld [tilespmem:s15+$0x9210]  }
0x18d: {  	v23 =	vld [tilespmem:s15+$0x9220];
	v19 =	vadd.f32 v19, v21;
	v18 =	vadd.f32 v18, v20  }
0x18e: {  	v20 =	vld [tilespmem:s15+$0x9230]  }
0x18f: {  	v21 =	vld [tilespmem:s15+$0x9240];
	v16 =	vadd.f32 v16, v19;
	v17 =	vadd.f32 v17, v18  }
0x190: {  	v18 =	vld [tilespmem:s15+$0x9250]  }
0x191: {  	v15 =	vadd.f32 v15, v16;
	v16 =	vadd.f32 v22, v17;
	v17 =	vld [tilespmem:s15+$0x9260]  }
0x192: {  	v19 =	vld [tilespmem:s15+$0x9270]  }
0x193: {  	v15 =	vadd.f32 v23, v15;
	v16 =	vadd.f32 v20, v16;
	v20 =	vld [tilespmem:s15+$0x9280]  }
0x194: {  	v22 =	vld [tilespmem:s15+$0x9290]  }
0x195: {  	v15 =	vadd.f32 v21, v15;
	v16 =	vadd.f32 v18, v16;
	v21 =	vld [tilespmem:s15+$0x92A0]  }
0x196: {  	v23 =	vld [tilespmem:s15+$0x92B0]  }
.Ltmp5:
0x197: {  	v15 =	vadd.f32 v17, v15;
	v16 =	vadd.f32 v19, v16;
	v19 =	vld [tilespmem:s15+$0x92C0];
	(pc) =	sbr.rel @p1 .LBB2_14-.Ltmp5, $4  }
0x198: {  	v18 =	vld [tilespmem:s15+$0x92D0]  }
0x199: {  	v20 =	vadd.f32 v20, v15;
	v22 =	vadd.f32 v22, v16;
	v16 =	vld [tilespmem:s15+$0x92E0]  }
0x19a: {  	v17 =	vld [tilespmem:s15+$0x92F0];
	s15 =	sshra.s32 s13, $0x2  }
0x19b: {  	s13 =	sadd.s32 $0x400, s13;
	v15 =	vld [tilespmem:s15+$0x9200];
	v21 =	vadd.f32 v21, v20;
	v20 =	vadd.f32 v23, v22  }
0x19c: {  	v2 =	vadd.s32 v2, v3  }
0x19d: {  	v2 =	vadd.s32 v4, v2  }
0x19e: {  	v2 =	vadd.s32 v5, v2  }
0x19f: {  	v2 =	vadd.s32 v6, v2  }
0x1a0: {  	v2 =	vadd.s32 v7, v2  }
0x1a1: {  	v3 =	vld [tilespmem:s15+$0x9210];
	v4 =	vadd.f32 v19, v21;
	v2 =	vadd.s32 v8, v2  }
0x1a2: {  	v5 =	vld [tilespmem:s15+$0x9220];
	v6 =	vadd.f32 v18, v20;
	v2 =	vadd.s32 v10, v2  }
0x1a3: {  	v4 =	vadd.f32 v16, v4;
	v7 =	vld [tilespmem:s15+$0x9230];
	v2 =	vadd.s32 v9, v2  }
0x1a4: {  	v8 =	vld [tilespmem:s15+$0x9240];
	v6 =	vadd.f32 v17, v6;
	v2 =	vadd.s32 v11, v2  }
0x1a5: {  	v4 =	vadd.f32 v15, v4;
	v9 =	vld [tilespmem:s15+$0x9250];
	v2 =	vadd.s32 v14, v2  }
0x1a6: {  	v3 =	vadd.f32 v3, v6;
	v6 =	vld [tilespmem:s15+$0x9260];
	v2 =	vadd.s32 v12, v2  }
0x1a7: {  	v10 =	vld [tilespmem:s15+$0x9270];
	v4 =	vadd.f32 v5, v4;
	v2 =	vadd.s32 v13, v2  }
0x1a8: {  	v5 =	vld [tilespmem:s15+$0x9280];
	v3 =	vadd.f32 v7, v3;
	v2 =	vcvt.s32.f32 v2  }
0x1a9: {  	v7 =	vld [tilespmem:s15+$0x9290];
	v4 =	vadd.f32 v8, v4  }
0x1aa: {  	v3 =	vadd.f32 v9, v3;
	v9 =	vld [tilespmem:s15+$0x92A0];
	v8 =	vsub.f32 $2.000000000e+02, v2  }
0x1ab: {  	v11 =	vld [tilespmem:s15+$0x92B0];
	v4 =	vadd.f32 v6, v4  }
0x1ac: {  	v6 =	vadd.f32 $9.999999930e-09, v8;
	v8 =	vld [tilespmem:s15+$0x92C0]  }
0x1ad: {  	v3 =	vadd.f32 v10, v3;
	v10 =	vld [tilespmem:s15+$0x92D0];
	v4 =	vadd.f32 v5, v4  }
0x1ae: {  	v5 =	vld [tilespmem:s15+$0x92E0];
	(erf) = vrcp.f32 v6  }
0x1af: {  	v3 =	vadd.f32 v7, v3;
	v4 =	vadd.f32 v9, v4  }
0x1b0: {  	v6 =	vld [tilespmem:s15+$0x92F0]  }
0x1b1: {  	v3 =	vadd.f32 v11, v3;
	v4 =	vadd.f32 v8, v4;
	_ =	sdelay $0x1  }
0x1b2: {  	v3 =	vadd.f32 v10, v3;
	v4 =	vadd.f32 v5, v4;
	v5 =	vmul.f32 v2, v0;
	_ =	sdelay $0x1  }
0x1b3: {  	v3 =	vadd.f32 v6, v3;
	v2 =	vmul.f32 v2, v1  }
0x1b4: {  	v4 =	vsub.f32 v4, v5  }
0x1b5: {  	v2 =	vsub.f32 v3, v2;
	v5 =	vpop (erf)  }
0x1b6: {  	v3 =	vmul.f32 v4, v5  }
0x1b7: {  	s1 =	sshra.s32 s1, $0x2;
	v2 =	vmul.f32 v2, v5  }
0x1b8: {  	[tilespmem:s1+$0xA420] =	vst v3  }
0x1b9: {  	s13 =	simm.s32 @!p0 $0x80;
	s15 =	simm.s32 @!p0 $0x6000;
	[tilespmem:s1+$0xA430] =	vst v2;
	s1 =	sadd.s32 @!p0 $0x300, s31  }
0x1ba: {  	[tilespmem:s15], [sflag:$0x3] =	stream.indirect.gather @!p0 [hbm4b:s6+s13], $0x20, s1, s13, $0xb8;
	[tilespmem:$0xAC20] =	vst v63  }
0x1bb: {  	s1 =	sadd.s32 @!p0 $0x2300, s31;
	s13 =	simm.s32 @!p0 $0x48;
	s15 =	simm.s32 @!p0 $0x9200  }
0x1bc: {  	[tilespmem:s15], [sflag:$0x3] =	stream.indirect.gather @!p0 [hbm4b:s6+s13], $0x20, s1, s13, $0xb8;
	[tilespmem:$0xAC20] =	vst v63  }
0x1bd: {  	s13 =	sor.u32 $0x190, s31;
	v2 =	vld [tilespmem:s8+$0x0]  }
0x1be: {  	s15 =	sor.u32 $0x1A0, s31;
	v3 =	vld [tilespmem:s13+$0x0]  }
0x1bf: {  	s16 =	sor.u32 $0x1B0, s31;
	v4 =	vld [tilespmem:s15+$0x0]  }
0x1c0: {  	v5 =	vld [tilespmem:s16+$0x0]  }
0x1c1: {  	v6 =	vld [tilespmem:s8+$0x40]  }
0x1c2: {  	v7 =	vld [tilespmem:s8+$0x50]  }
0x1c3: {  	v8 =	vld [tilespmem:s8+$0x60]  }
0x1c4: {  	v9 =	vld [tilespmem:s8+$0x70]  }
0x1c5: {  	v10 =	vld [tilespmem:s8+$0x2000]  }
0x1c6: {  	v11 =	vld [tilespmem:s31+$0x2190]  }
0x1c7: {  	v12 =	vld [tilespmem:s31+$0x21A0]  }
0x1c8: {  	v13 =	vld [tilespmem:s31+$0x21B0]  }
0x1c9: {  	v14 =	vld [tilespmem:s8+$0x2038];
	_ =	swait.ge [sflag:s29], $0x1000  }
0x1ca: {  	[sflag:s29] =	ssyncset.done $0x0  }
0x1cb: {  	[sflag:s29] =	ssyncadd.s32 $0xFFFFF000  }
0x1cc: {  	_ =	swait.ge [sflag:s29], $0x900  }
0x1cd: {  	[sflag:s29] =	ssyncset.done $0x0  }
0x1ce: {  	s1 =	simm.s32 $0x0;
	[sflag:s29] =	ssyncadd.s32 $0xFFFFF700  }
0x1cf: {  	v15 =	vld [tilespmem:s1+$0x7000]  }
0x1d0: {  	v16 =	vld [tilespmem:s1+$0x7010]  }
0x1d1: {  	v17 =	vld [tilespmem:s1+$0x7020]  }
0x1d2: {  	vm1 =	veq.s32 v2, $0x0;
	v18 =	vld [tilespmem:s1+$0x7030]  }
0x1d3: {  	vm2 =	veq.s32 v3, $0x0;
	v2 =	vmpcnt.ones.xlane vm1;
	vm1 =	veq.s32 v4, $0x0;
	v19 =	vld [tilespmem:s1+$0x7040]  }
0x1d4: {  	v20 =	vld [tilespmem:s1+$0x7050];
	v4 =	vmpcnt.ones.xlane vm1;
	vm1 =	veq.s32 v5, $0x0;
	v5 =	vimm.f32 $0.0e+00  }
0x1d5: {  	vm3 =	veq.s32 v14, $0x0;
	v21 =	vld [tilespmem:s1+$0x7060];
	v15 =	vadd.f32 v15, v5;
	v16 =	vadd.f32 v16, v5  }
0x1d6: {  	v3 =	vmpcnt.ones.xlane vm2;
	vm2 =	veq.s32 v6, $0x0;
	v22 =	vld [tilespmem:s1+$0x7070];
	v5 =	vmpcnt.ones.xlane vm1  }
0x1d7: {  	vm1 =	veq.s32 v7, $0x0;
	v15 =	vadd.f32 v17, v15;
	v16 =	vadd.f32 v18, v16;
	v17 =	vld [tilespmem:s1+$0x7080]  }
0x1d8: {  	v6 =	vmpcnt.ones.xlane vm2;
	vm2 =	veq.s32 v8, $0x0;
	v7 =	vmpcnt.ones.xlane vm1;
	v18 =	vld [tilespmem:s1+$0x7090]  }
0x1d9: {  	v23 =	vld [tilespmem:s1+$0x70B0];
	vm1 =	veq.s32 v9, $0x0;
	v15 =	vadd.f32 v19, v15;
	v16 =	vadd.f32 v20, v16  }
0x1da: {  	v8 =	vmpcnt.ones.xlane vm2;
	vm2 =	veq.s32 v10, $0x0;
	v10 =	vmpcnt.ones.xlane vm1;
	v20 =	vld [tilespmem:s1+$0x70A0]  }
0x1db: {  	vm1 =	veq.s32 v11, $0x0;
	v19 =	vadd.f32 v21, v15;
	v21 =	vadd.f32 v22, v16;
	v15 =	vld [tilespmem:s1+$0x70C0]  }
0x1dc: {  	v9 =	vmpcnt.ones.xlane vm2;
	vm2 =	veq.s32 v13, $0x0;
	v11 =	vmpcnt.ones.xlane vm1;
	v16 =	vld [tilespmem:s1+$0x70D0]  }
0x1dd: {  	vm1 =	veq.s32 v12, $0x0;
	v22 =	vadd.f32 v17, v19;
	v21 =	vadd.f32 v18, v21;
	v17 =	vld [tilespmem:s1+$0x70E0]  }
0x1de: {  	s13 =	simm.s32 $0x100;
	v12 =	vmpcnt.ones.xlane vm2;
	v14 =	vmpcnt.ones.xlane vm1;
	vm1 =	vmand vm3, vm0;
	v19 =	vld [tilespmem:s1+$0x70F0]  }
0x1df: {  	s15 =	simm.s32 $0x800;
	v13 =	vmpcnt.ones.xlane vm1;
	v18 =	vld [tilespmem:s13+$0x7000];
	v20 =	vadd.f32 v20, v22;
	v21 =	vadd.f32 v23, v21  }
.LBB2_16:
0x1e0: {  	p0 =	sne.s32 s15, $0x3C00;
	v22 =	vld [tilespmem:s13+$0x7010]  }
0x1e1: {  	v23 =	vld [tilespmem:s13+$0x7020];
	v15 =	vadd.f32 v15, v20;
	v16 =	vadd.f32 v16, v21  }
0x1e2: {  	v20 =	vld [tilespmem:s13+$0x7030]  }
0x1e3: {  	v21 =	vld [tilespmem:s13+$0x7040];
	v15 =	vadd.f32 v17, v15;
	v16 =	vadd.f32 v19, v16  }
0x1e4: {  	v17 =	vld [tilespmem:s13+$0x7050]  }
0x1e5: {  	v15 =	vadd.f32 v18, v15;
	v16 =	vadd.f32 v22, v16;
	v18 =	vld [tilespmem:s13+$0x7060]  }
0x1e6: {  	v19 =	vld [tilespmem:s13+$0x7070]  }
0x1e7: {  	v15 =	vadd.f32 v23, v15;
	v16 =	vadd.f32 v20, v16;
	v20 =	vld [tilespmem:s13+$0x7080]  }
0x1e8: {  	v22 =	vld [tilespmem:s13+$0x7090]  }
0x1e9: {  	v15 =	vadd.f32 v21, v15;
	v16 =	vadd.f32 v17, v16;
	v21 =	vld [tilespmem:s13+$0x70A0]  }
0x1ea: {  	v23 =	vld [tilespmem:s13+$0x70B0]  }
.Ltmp6:
0x1eb: {  	v17 =	vadd.f32 v18, v15;
	v18 =	vadd.f32 v19, v16;
	v15 =	vld [tilespmem:s13+$0x70C0];
	(pc) =	sbr.rel @p0 .LBB2_16-.Ltmp6, $4  }
0x1ec: {  	v16 =	vld [tilespmem:s13+$0x70D0]  }
0x1ed: {  	v20 =	vadd.f32 v20, v17;
	v22 =	vadd.f32 v22, v18;
	v17 =	vld [tilespmem:s13+$0x70E0]  }
0x1ee: {  	v19 =	vld [tilespmem:s13+$0x70F0];
	s13 =	sshra.s32 s15, $0x2  }
0x1ef: {  	s15 =	sadd.s32 $0x400, s15;
	v18 =	vld [tilespmem:s13+$0x7000];
	v20 =	vadd.f32 v21, v20;
	v21 =	vadd.f32 v23, v22  }
0x1f0: {  	v22 =	vld [tilespmem:s13+$0x7010]  }
0x1f1: {  	v23 =	vld [tilespmem:s13+$0x7020];
	v15 =	vadd.f32 v15, v20;
	v16 =	vadd.f32 v16, v21  }
0x1f2: {  	v20 =	vld [tilespmem:s13+$0x7030]  }
0x1f3: {  	v21 =	vld [tilespmem:s13+$0x7040];
	v15 =	vadd.f32 v17, v15;
	v16 =	vadd.f32 v19, v16  }
0x1f4: {  	v17 =	vld [tilespmem:s13+$0x7050]  }
0x1f5: {  	v19 =	vld [tilespmem:s13+$0x7070];
	v15 =	vadd.f32 v18, v15;
	v16 =	vadd.f32 v22, v16  }
0x1f6: {  	v18 =	vld [tilespmem:s13+$0x7060]  }
0x1f7: {  	v22 =	vld [tilespmem:s13+$0x7090];
	v15 =	vadd.f32 v23, v15;
	v16 =	vadd.f32 v20, v16  }
0x1f8: {  	v20 =	vld [tilespmem:s13+$0x7080]  }
0x1f9: {  	v15 =	vadd.f32 v21, v15;
	v16 =	vadd.f32 v17, v16;
	v17 =	vld [tilespmem:s13+$0x70A0]  }
0x1fa: {  	v21 =	vld [tilespmem:s13+$0x70B0]  }
0x1fb: {  	v15 =	vadd.f32 v18, v15;
	v16 =	vadd.f32 v19, v16;
	v18 =	vld [tilespmem:s13+$0x70C0]  }
0x1fc: {  	v19 =	vld [tilespmem:s13+$0x70D0]  }
0x1fd: {  	v15 =	vadd.f32 v20, v15;
	v16 =	vadd.f32 v22, v16;
	v20 =	vld [tilespmem:s13+$0x70E0]  }
0x1fe: {  	v22 =	vld [tilespmem:s13+$0x70F0]  }
0x1ff: {  	v15 =	vadd.f32 v17, v15;
	v16 =	vadd.f32 v21, v16;
	v17 =	vld [tilespmem:s1+$0x9B00]  }
0x200: {  	v21 =	vld [tilespmem:s1+$0x9B10]  }
0x201: {  	v15 =	vadd.f32 v18, v15;
	v16 =	vadd.f32 v19, v16;
	v18 =	vld [tilespmem:s1+$0x9B20]  }
0x202: {  	v19 =	vld [tilespmem:s1+$0x9B30]  }
0x203: {  	v15 =	vadd.f32 v20, v15;
	v16 =	vadd.f32 v22, v16;
	v20 =	vld [tilespmem:s1+$0x9B40]  }
0x204: {  	v22 =	vld [tilespmem:s1+$0x9B50]  }
0x205: {  	v15 =	vadd.f32 v17, v15;
	v16 =	vadd.f32 v21, v16;
	v17 =	vld [tilespmem:s1+$0x9B60]  }
0x206: {  	v21 =	vld [tilespmem:s1+$0x9B70]  }
0x207: {  	v24 =	vld [tilespmem:s1+$0x9B90];
	v15 =	vadd.f32 v18, v15;
	v16 =	vadd.f32 v19, v16  }
0x208: {  	v23 =	vld [tilespmem:s1+$0x9B80]  }
0x209: {  	v15 =	vadd.f32 v20, v15;
	v16 =	vadd.f32 v22, v16;
	v20 =	vld [tilespmem:s1+$0x9BA0]  }
0x20a: {  	v22 =	vld [tilespmem:s1+$0x9BB0]  }
0x20b: {  	v19 =	vld [tilespmem:s1+$0x9BC0];
	v15 =	vadd.f32 v17, v15;
	v16 =	vadd.f32 v21, v16  }
0x20c: {  	v18 =	vld [tilespmem:s1+$0x9BD0]  }
0x20d: {  	v17 =	vld [tilespmem:s1+$0x9BF0];
	v21 =	vadd.f32 v23, v15;
	v23 =	vadd.f32 v24, v16  }
0x20e: {  	s13 =	simm.s32 $0x100;
	v16 =	vld [tilespmem:s1+$0x9BE0]  }
0x20f: {  	v15 =	vld [tilespmem:s13+$0x9B00];
	s1 =	simm.s32 $0x800;
	v21 =	vadd.f32 v20, v21;
	v20 =	vadd.f32 v22, v23  }
.LBB2_18:
0x210: {  	p0 =	sne.s32 s1, $0x2000;
	v22 =	vld [tilespmem:s13+$0x9B10]  }
0x211: {  	v23 =	vld [tilespmem:s13+$0x9B20];
	v19 =	vadd.f32 v19, v21;
	v18 =	vadd.f32 v18, v20  }
0x212: {  	v20 =	vld [tilespmem:s13+$0x9B30]  }
0x213: {  	v21 =	vld [tilespmem:s13+$0x9B40];
	v16 =	vadd.f32 v16, v19;
	v17 =	vadd.f32 v17, v18  }
0x214: {  	v18 =	vld [tilespmem:s13+$0x9B50]  }
0x215: {  	v15 =	vadd.f32 v15, v16;
	v16 =	vadd.f32 v22, v17;
	v17 =	vld [tilespmem:s13+$0x9B60]  }
0x216: {  	v19 =	vld [tilespmem:s13+$0x9B70]  }
0x217: {  	v15 =	vadd.f32 v23, v15;
	v16 =	vadd.f32 v20, v16;
	v20 =	vld [tilespmem:s13+$0x9B80]  }
0x218: {  	v22 =	vld [tilespmem:s13+$0x9B90]  }
0x219: {  	v15 =	vadd.f32 v21, v15;
	v16 =	vadd.f32 v18, v16;
	v21 =	vld [tilespmem:s13+$0x9BA0]  }
0x21a: {  	v23 =	vld [tilespmem:s13+$0x9BB0]  }
.Ltmp7:
0x21b: {  	v15 =	vadd.f32 v17, v15;
	v16 =	vadd.f32 v19, v16;
	v19 =	vld [tilespmem:s13+$0x9BC0];
	(pc) =	sbr.rel @p0 .LBB2_18-.Ltmp7, $4  }
0x21c: {  	v18 =	vld [tilespmem:s13+$0x9BD0]  }
0x21d: {  	v20 =	vadd.f32 v20, v15;
	v22 =	vadd.f32 v22, v16;
	v16 =	vld [tilespmem:s13+$0x9BE0]  }
0x21e: {  	v17 =	vld [tilespmem:s13+$0x9BF0];
	s13 =	sshra.s32 s1, $0x2  }
0x21f: {  	s1 =	sadd.s32 $0x400, s1;
	v15 =	vld [tilespmem:s13+$0x9B00];
	v21 =	vadd.f32 v21, v20;
	v20 =	vadd.f32 v23, v22  }
0x220: {  	v2 =	vadd.s32 v2, v3  }
0x221: {  	v2 =	vadd.s32 v4, v2  }
0x222: {  	v2 =	vadd.s32 v5, v2  }
0x223: {  	v2 =	vadd.s32 v6, v2  }
0x224: {  	v2 =	vadd.s32 v7, v2  }
0x225: {  	v2 =	vadd.s32 v8, v2  }
0x226: {  	v3 =	vld [tilespmem:s13+$0x9B10];
	v44 =	vadd.f32 v19, v21;
	v2 =	vadd.s32 v10, v2  }
0x227: {  	v45 =	vld [tilespmem:s13+$0x9B20];
	v46 =	vadd.f32 v18, v20;
	v2 =	vadd.s32 v9, v2  }
0x228: {  	v47 =	vld [tilespmem:s13+$0x9B30];
	v4 =	vadd.f32 v16, v44;
	v2 =	vadd.s32 v11, v2  }
0x229: {  	v48 =	vld [tilespmem:s13+$0x9B40];
	v6 =	vadd.f32 v17, v46;
	v2 =	vadd.s32 v14, v2  }
0x22a: {  	v49 =	vld [tilespmem:s13+$0x9B50];
	v4 =	vadd.f32 v15, v4;
	v2 =	vadd.s32 v12, v2  }
0x22b: {  	v50 =	vld [tilespmem:s13+$0x9B60];
	v3 =	vadd.f32 v3, v6;
	v2 =	vadd.s32 v13, v2  }
0x22c: {  	v51 =	vld [tilespmem:s13+$0x9B70];
	v4 =	vadd.f32 v45, v4;
	v2 =	vcvt.s32.f32 v2  }
0x22d: {  	v52 =	vld [tilespmem:s13+$0x9B80];
	v3 =	vadd.f32 v47, v3  }
0x22e: {  	v53 =	vld [tilespmem:s13+$0x9B90];
	v4 =	vadd.f32 v48, v4;
	v54 =	vsub.f32 $2.000000000e+02, v2  }
0x22f: {  	v55 =	vld [tilespmem:s13+$0x9BA0];
	v3 =	vadd.f32 v49, v3  }
0x230: {  	v56 =	vld [tilespmem:s13+$0x9BB0];
	v4 =	vadd.f32 v50, v4;
	v57 =	vadd.f32 $9.999999930e-09, v54  }
0x231: {  	v58 =	vld [tilespmem:s13+$0x9BC0];
	v3 =	vadd.f32 v51, v3  }
0x232: {  	v59 =	vld [tilespmem:s13+$0x9BD0];
	v4 =	vadd.f32 v52, v4;
	(erf) = vrcp.f32 v57  }
0x233: {  	v60 =	vld [tilespmem:s13+$0x9BE0];
	v3 =	vadd.f32 v53, v3  }
0x234: {  	v61 =	vld [tilespmem:s13+$0x9BF0];
	v4 =	vadd.f32 v55, v4  }
0x235: {  	v3 =	vadd.f32 v56, v3  }
0x236: {  	v4 =	vadd.f32 v58, v4  }
0x237: {  	v3 =	vadd.f32 v59, v3  }
0x238: {  	v62 =	vmul.f32 v2, v0;
	v4 =	vadd.f32 v60, v4  }
0x239: {  	s9 =	sadd.s32 $0x1, s9;
	v2 =	vmul.f32 v2, v1;
	v3 =	vadd.f32 v61, v3  }
0x23a: {  	p0 =	sne.s32 s9, $0x10;
	v4 =	vsub.f32 v4, v62  }
.Ltmp8:
0x23b: {  	v2 =	vsub.f32 v3, v2;
	v63 =	vpop (erf);
	(pc) =	sbr.rel @p0 .LBB2_3-.Ltmp8, $4  }
0x23c: {  	v3 =	vmul.f32 v4, v63  }
0x23d: {  	s1 =	sshra.s32 s8, $0x2;
	v2 =	vmul.f32 v2, v63  }
0x23e: {  	[tilespmem:s1+$0xA420] =	vst v3  }
0x23f: {  	[tilespmem:s1+$0xA430] =	vst v2  }
0x240: {  	s0 =	sadd.s32 $0x1, s0  }
0x241: {  	s1 =	sshll.u32 s3, $0x2;
	s31 =	rddreg [dreg:$0x1];
	p0 =	sne.s32 s0, $0x8  }
.Ltmp9:
0x242: {  	s1 =	sadd.s32 s31, s1;
	(pc) =	sbr.rel @p0 .LBB2_2-.Ltmp9, $4  }
0x243: {  	[hbm4b:s1+s2] =	stream.linear.scatter [tilespmem:s30], [sflag:$0x5], $0x800, $0x38;
	[tilespmem:$0xAC20] =	vst v63  }
0x244: {  	_ =	swait.ge [sflag:s10], $0x800  }
0x245: {  	[sflag:s10] =	ssyncset.done $0x0  }
0x246: {  	[sflag:s10] =	ssyncadd.s32 $0xFFFFF800  }
0x247: {  	s1 =	rddreg [dreg:$0x4]  }
0x248: {  	s0 =	rddreg [dreg:$0x3];
	s1 =	sadd.s32 $0x1, s1  }
0x249: {  	p0 =	sne.s32 s1, s0  }
.Ltmp10:
0x24a: {  	_ = 	snop;
	(pc) =	sbr.rel @p0 .LBB2_1-.Ltmp10, $1  }
0x24b: {  	_ =	sdelay $0x3  }
0x24c: {  	_ =	sfence.sel $0x180000  }
0x24d: {  	[bflag:$0x0] =	sbarrier.arrive $0xFFFF  }
0x24e: {  	_ =	strace $0x9000004A  }
0x24f: {  	s0 =	stileid.u32;
	[bflag:$0x2] =	sbarrier.arrive $0xFFFF  }
0x250: {  	p0 =	sne.s32 s0, $0x0;
	s0 =	rddreg [dreg:$0x2]  }
0x251: {  	s0 =	sadd.s32 @!p0 $0x100000, s0  }
0x252: {  	[sflag:s0] =	ssyncadd.tile.s32 @!p0 $0x1;
	_ =	shalt  }
.Lfunc_end2:
_tile_overlayer_lowered:
.L_overlay_start_2:
0x253: {  	(tag) =	ssettag $0x2  }
0x254: {  	s0 =	rddreg [dreg:$0x0];
	s2 =	stileid.u32  }
0x255: {  	s1 =	rddreg [dreg:$0x1];
	p0 =	sne.s32 s2, $0x0  }
0x256: {  	s3 =	rddreg [dreg:$0x2];
	[bflag:$0x3] =	sbarrier.arrive $0xFFFF;
	s2 =	simm.s32 @!p0 $0x1C05  }
0x257: {  	[timem:s3], [sflag:s2] =	dma.local @!p0 [hbm:s0], s1  }
0x258: {  	s0 =	simm.s32 @!p0 $0x5  }
0x259: {  	_ =	swait.ge @!p0 [sflag:s0], s1  }
0x25a: {  	s1 =	ssub.s32 @!p0 $0x0, s1;
	[sflag:s0] =	ssyncset.done @!p0 $0x0  }
0x25b: {  	[sflag:s0] =	ssyncadd.s32 @!p0 s1  }
0x25c: {  	[bflag:$0x3] =	sbarrier.arrive $0xFFFF  }
0x25d: {  	_ =	shalt  }

</sc_bundles>
